<compile_context>
chip_gen: v7x
topology: tpu7x:2x2x1
jax: 0.10.2.dev20260603
libtpu: 0.0.44.dev20260713+nightly
codegen_flags: <defaults>
</compile_context>

<pallas_src>
import jax
import jax.numpy as jnp
from jax import lax
from jax.experimental import pallas as pl
from jax.experimental.pallas import tpu as pltpu
from jax.experimental.pallas import tpu_sc as plsc

VOCAB_SZ = 100000
EMBED = 128
NCLS = 64
BATCH_SZ = 4096
SEQ_LEN = 200
LANES = 16
NCHUNK = NCLS // LANES
NBGRP = BPW_GROUPS = 8

NC, NS = 2, 16
NW = NC * NS
BPW = BATCH_SZ // NW
NSLOT = 10
NGRP = SEQ_LEN // NSLOT

VBLK = 10000
HALF = VOCAB_SZ // 2


def _proj_body(lo_ref, hi_ref, w2_ref, out_ref):
    pair = jnp.concatenate([lo_ref[...], hi_ref[...]], axis=1)
    out_ref[...] = lax.dot_general(
        pair.astype(jnp.bfloat16), w2_ref[...].astype(jnp.bfloat16),
        dimension_numbers=(((1,), (0,)), ((), ())),
        preferred_element_type=jnp.float32)


def _pool_body(ids_hbm, proj_hbm, fcb_hbm, out_hbm, ids_v, ring_v, buf_v,
               bias_v, *sems):
    wid = lax.axis_index("s") * NC + lax.axis_index("c")
    pltpu.sync_copy(ids_hbm.at[pl.ds(wid * BPW * SEQ_LEN, BPW * SEQ_LEN)],
                    ids_v)
    pltpu.sync_copy(fcb_hbm, bias_v)

    rows = [(lax.iota(jnp.int32, LANES) + r * LANES) * SEQ_LEN
            for r in range(NBGRP)]

    def build_ring_row(k, j):
        for r in range(NBGRP):
            t = plsc.load_gather(ids_v, [rows[r] + j])
            t2 = t * 2 - jnp.where(t >= HALF, VOCAB_SZ - 1, 0).astype(jnp.int32)
            ring_v[k, pl.ds(r * LANES, LANES)] = t2

    for k in range(NSLOT):
        build_ring_row(k, jnp.int32(k))
        pltpu.async_copy(proj_hbm.at[ring_v.at[k]], buf_v.at[k], sems[k])

    def grp_body(g, carry):
        for k in range(NSLOT):
            pltpu.make_async_copy(proj_hbm.at[pl.ds(0, BPW)], buf_v.at[k],
                                  sems[k]).wait()
            build_ring_row(k, g * NSLOT + k)
            pltpu.async_copy(proj_hbm.at[ring_v.at[k]], buf_v.at[k], sems[k],
                             add=True)
        return carry

    lax.fori_loop(1, NGRP, grp_body, 0)
    for k in range(NSLOT):
        pltpu.make_async_copy(proj_hbm.at[pl.ds(0, BPW)], buf_v.at[k],
                              sems[k]).wait()

    def comb_body(b, carry):
        for c in range(NCHUNK):
            a = bias_v[pl.ds(c * LANES, LANES)] * float(SEQ_LEN)
            for k in range(NSLOT):
                a = a + buf_v[k, b, pl.ds(c * LANES, LANES)]
            buf_v[0, b, pl.ds(c * LANES, LANES)] = a
        return carry

    lax.fori_loop(0, BPW, comb_body, 0)
    pltpu.sync_copy(buf_v.at[0], out_hbm.at[pl.ds(wid * BPW, BPW)])


def kernel(input_ids, emb_table, fc_w, fc_b):
    wt = fc_w.T
    zeros = jnp.zeros((EMBED, NCLS), jnp.float32)
    w2 = jnp.concatenate(
        [jnp.concatenate([wt, zeros], axis=1),
         jnp.concatenate([zeros, wt], axis=1)], axis=0)

    proj2 = pl.pallas_call(
        _proj_body,
        grid=(HALF // VBLK,),
        in_specs=[
            pl.BlockSpec((VBLK, EMBED), lambda i: (i, 0)),
            pl.BlockSpec((VBLK, EMBED), lambda i: (i + HALF // VBLK, 0)),
            pl.BlockSpec((2 * EMBED, 2 * NCLS), lambda i: (0, 0)),
        ],
        out_specs=pl.BlockSpec((VBLK, 2 * NCLS), lambda i: (i, 0)),
        out_shape=jax.ShapeDtypeStruct((HALF, 2 * NCLS), jnp.float32),
    )(emb_table, emb_table, w2)
    proj = proj2.reshape(VOCAB_SZ, NCLS)

    pool = pl.kernel(
        _pool_body,
        out_type=jax.ShapeDtypeStruct((BATCH_SZ, NCLS), jnp.float32),
        mesh=plsc.VectorSubcoreMesh(core_axis_name="c", subcore_axis_name="s"),
        compiler_params=pltpu.CompilerParams(use_tc_tiling_on_sc=False,
                                             needs_layout_passes=False),
        scratch_types=[
            pltpu.VMEM((BPW * SEQ_LEN,), jnp.int32),
            pltpu.VMEM((NSLOT, BPW), jnp.int32),
            pltpu.VMEM((NSLOT, BPW, NCLS), jnp.float32),
            pltpu.VMEM((NCLS,), jnp.float32),
        ] + [pltpu.SemaphoreType.DMA] * NSLOT,
    )
    return pool(input_ids.reshape(-1), proj, fc_b)

# --- scband reference (transcript-rebuilt; emitter-appended) ---
"""Pipeline reference for scband-logistic-regression-23261542875832 (READ-ONLY COPY).

The authoritative reference and input builder live on the scoring server;
editing this copy changes nothing except your own understanding.
"""

import jax, jax.numpy as jnp
import numpy as np

VOCAB = 100000
EMBED_DIM = 128
N_CLASSES = 64
PAD_IDX = 0
BATCH = 4096
SEQ = 200


def setup_inputs(seed: int = 0) -> dict:
    key = jax.random.key(seed)
    k_ids, k_emb, k_w, k_b = jax.random.split(key, 4)
    input_ids = jax.random.randint(k_ids, (BATCH, SEQ), 0, VOCAB, dtype=jnp.int64 if jax.config.jax_enable_x64 else jnp.int32).astype(jnp.int32)
    emb_table = jax.random.normal(k_emb, (VOCAB, EMBED_DIM), dtype=jnp.float32)
    # padding_idx row is zero, matching nn.Embedding(padding_idx=...)
    emb_table = emb_table.at[PAD_IDX].set(0.0)
    # nn.Linear default init: U(-1/sqrt(fan_in), 1/sqrt(fan_in))
    bound = 1.0 / np.sqrt(EMBED_DIM)
    fc_w = jax.random.uniform(k_w, (N_CLASSES, EMBED_DIM), minval=-bound, maxval=bound, dtype=jnp.float32)
    fc_b = jax.random.uniform(k_b, (N_CLASSES,), minval=-bound, maxval=bound, dtype=jnp.float32)
    return {"input_ids": input_ids, "emb_table": emb_table, "fc_w": fc_w, "fc_b": fc_b}


def reference(input_ids, emb_table, fc_w, fc_b):
    # embedding lookup (gather); pad row of emb_table is zero, and we also mask
    # so semantics match nn.Embedding(padding_idx=PAD_IDX) exactly
    embed = jnp.take(emb_table, input_ids, axis=0)  # [B, L, D]
    mask = (input_ids != PAD_IDX).astype(embed.dtype)[..., None]
    embed = embed * mask
    # fc: Linear(embed_dim, n_classes)
    output = jnp.einsum('bld,cd->blc', embed, fc_w) + fc_b  # [B, L, C]
    output = output.sum(axis=1)  # [B, C]
    return output


if False:  # reference __main__ guard neutralized (emitter)
    inp = setup_inputs()
    out = reference(**inp)
    print(out.shape, out.dtype)

if __name__ == "__main__":
    import jax
    _d = setup_inputs()
    print(jax.jit(kernel)(*tuple(_d.values())))

</pallas_src>

<mosaic_0001>
#map = affine_map<(d0, d1) -> (0)>
#map1 = affine_map<(d0, d1) -> (0, 0)>
module attributes {stable_mosaic.version = 14 : i64} {
  func.func @_pool_body(%arg0: i32, %arg1: i32, %arg2: memref<819200xi32, #tpu.memory_space<hbm>>, %arg3: memref<100000x64xf32, #tpu.memory_space<hbm>>, %arg4: memref<64xf32, #tpu.memory_space<hbm>>, %arg5: memref<4096x64xf32, #tpu.memory_space<hbm>>, %arg6: memref<25600xi32, #tpu.memory_space<vmem>>, %arg7: memref<10x128xi32, #tpu.memory_space<vmem>>, %arg8: memref<10x128x64xf32, #tpu.memory_space<vmem>>, %arg9: memref<64xf32, #tpu.memory_space<vmem>>, %arg10: memref<!tpu.dma_semaphore, #tpu.memory_space<semaphore_mem>>, %arg11: memref<!tpu.dma_semaphore, #tpu.memory_space<semaphore_mem>>, %arg12: memref<!tpu.dma_semaphore, #tpu.memory_space<semaphore_mem>>, %arg13: memref<!tpu.dma_semaphore, #tpu.memory_space<semaphore_mem>>, %arg14: memref<!tpu.dma_semaphore, #tpu.memory_space<semaphore_mem>>, %arg15: memref<!tpu.dma_semaphore, #tpu.memory_space<semaphore_mem>>, %arg16: memref<!tpu.dma_semaphore, #tpu.memory_space<semaphore_mem>>, %arg17: memref<!tpu.dma_semaphore, #tpu.memory_space<semaphore_mem>>, %arg18: memref<!tpu.dma_semaphore, #tpu.memory_space<semaphore_mem>>, %arg19: memref<!tpu.dma_semaphore, #tpu.memory_space<semaphore_mem>>) attributes {dimension_semantics = [#tpu.dimension_semantics<core_parallel>, #tpu.dimension_semantics<subcore_parallel>], iteration_bounds = array<i64: 2, 16>, scalar_prefetch = 0 : i64, scratch_operands = 14 : i64, tpu.core_type = #tpu.core_type<sc_vector_subcore>, window_params = [{transform_indices = #map}, {transform_indices = #map1}, {transform_indices = #map}, {transform_indices = #map1}]} {
    %mul3A = arith.constant 2 : i32
    %mul3A_0 = arith.muli %arg1, %mul3A : i32
    %add3A = arith.addi %mul3A_0, %arg0 : i32
    %mul3A_1 = arith.constant 128 : i32
    %mul3A_2 = arith.muli %add3A, %mul3A_1 : i32
    %mul3A_3 = arith.constant 200 : i32
    %mul3A_4 = arith.muli %mul3A_2, %mul3A_3 : i32
    "tpu.region"() ({
      %run_scoped3A_1934 = tpu.sem_alloc : memref<!tpu.dma_semaphore, #tpu.memory_space<semaphore_mem>>
      %dma_start3A_1935 = tpu.memref_slice %arg2[%mul3A_4] : memref<819200xi32, #tpu.memory_space<hbm>> -> memref<25600xi32, #tpu.memory_space<hbm>>
      %dma_start3A_1936 = tpu.memref_slice %arg2[%mul3A_4] : memref<819200xi32, #tpu.memory_space<hbm>> -> memref<25600xi32, #tpu.memory_space<hbm>>
      tpu.enqueue_dma source(%dma_start3A_1936 : memref<25600xi32, #tpu.memory_space<hbm>>) target(%arg6 : memref<25600xi32, #tpu.memory_space<vmem>>) target_semaphore(%run_scoped3A_1934 : memref<!tpu.dma_semaphore, #tpu.memory_space<semaphore_mem>>)
      %dma_wait3A_1937 = tpu.memref_slice %arg2[%mul3A_4] : memref<819200xi32, #tpu.memory_space<hbm>> -> memref<25600xi32, #tpu.memory_space<hbm>>
      %dma_wait3A_1938 = tpu.memref_slice %arg2[%mul3A_4] : memref<819200xi32, #tpu.memory_space<hbm>> -> memref<25600xi32, #tpu.memory_space<hbm>>
      tpu.wait_dma2 semaphore(%run_scoped3A_1934 : memref<!tpu.dma_semaphore, #tpu.memory_space<semaphore_mem>>) src(%dma_wait3A_1938 : memref<25600xi32, #tpu.memory_space<hbm>>) dst(%arg6 : memref<25600xi32, #tpu.memory_space<vmem>>)
      tpu.yield
    }) : () -> ()
    "tpu.region"() ({
      %run_scoped3A_1934 = tpu.sem_alloc : memref<!tpu.dma_semaphore, #tpu.memory_space<semaphore_mem>>
      tpu.enqueue_dma source(%arg4 : memref<64xf32, #tpu.memory_space<hbm>>) target(%arg9 : memref<64xf32, #tpu.memory_space<vmem>>) target_semaphore(%run_scoped3A_1934 : memref<!tpu.dma_semaphore, #tpu.memory_space<semaphore_mem>>)
      tpu.wait_dma2 semaphore(%run_scoped3A_1934 : memref<!tpu.dma_semaphore, #tpu.memory_space<semaphore_mem>>) src(%arg4 : memref<64xf32, #tpu.memory_space<hbm>>) dst(%arg9 : memref<64xf32, #tpu.memory_space<vmem>>)
      tpu.yield
    }) : () -> ()
    %iota3A = tpu.iota {dimensions = array<i32: 0>} : vector<16xi32>
    %add3A_5 = arith.constant 0 : i32
    %add3A_6 = vector.broadcast %add3A_5 : i32 to vector<16xi32>
    %add3A_7 = arith.addi %iota3A, %add3A_6 : vector<16xi32>
    %mul3A_8 = arith.constant 200 : i32
    %mul3A_9 = vector.broadcast %mul3A_8 : i32 to vector<16xi32>
    %mul3A_10 = arith.muli %add3A_7, %mul3A_9 : vector<16xi32>
    %iota3A_11 = tpu.iota {dimensions = array<i32: 0>} : vector<16xi32>
    %add3A_12 = arith.constant 16 : i32
    %add3A_13 = vector.broadcast %add3A_12 : i32 to vector<16xi32>
    %add3A_14 = arith.addi %iota3A_11, %add3A_13 : vector<16xi32>
    %mul3A_15 = arith.constant 200 : i32
    %mul3A_16 = vector.broadcast %mul3A_15 : i32 to vector<16xi32>
    %mul3A_17 = arith.muli %add3A_14, %mul3A_16 : vector<16xi32>
    %iota3A_18 = tpu.iota {dimensions = array<i32: 0>} : vector<16xi32>
    %add3A_19 = arith.constant 32 : i32
    %add3A_20 = vector.broadcast %add3A_19 : i32 to vector<16xi32>
    %add3A_21 = arith.addi %iota3A_18, %add3A_20 : vector<16xi32>
    %mul3A_22 = arith.constant 200 : i32
    %mul3A_23 = vector.broadcast %mul3A_22 : i32 to vector<16xi32>
    %mul3A_24 = arith.muli %add3A_21, %mul3A_23 : vector<16xi32>
    %iota3A_25 = tpu.iota {dimensions = array<i32: 0>} : vector<16xi32>
    %add3A_26 = arith.constant 48 : i32
    %add3A_27 = vector.broadcast %add3A_26 : i32 to vector<16xi32>
    %add3A_28 = arith.addi %iota3A_25, %add3A_27 : vector<16xi32>
    %mul3A_29 = arith.constant 200 : i32
    %mul3A_30 = vector.broadcast %mul3A_29 : i32 to vector<16xi32>
    %mul3A_31 = arith.muli %add3A_28, %mul3A_30 : vector<16xi32>
    %iota3A_32 = tpu.iota {dimensions = array<i32: 0>} : vector<16xi32>
    %add3A_33 = arith.constant 64 : i32
    %add3A_34 = vector.broadcast %add3A_33 : i32 to vector<16xi32>
    %add3A_35 = arith.addi %iota3A_32, %add3A_34 : vector<16xi32>
    %mul3A_36 = arith.constant 200 : i32
    %mul3A_37 = vector.broadcast %mul3A_36 : i32 to vector<16xi32>
    %mul3A_38 = arith.muli %add3A_35, %mul3A_37 : vector<16xi32>
    %iota3A_39 = tpu.iota {dimensions = array<i32: 0>} : vector<16xi32>
    %add3A_40 = arith.constant 80 : i32
    %add3A_41 = vector.broadcast %add3A_40 : i32 to vector<16xi32>
    %add3A_42 = arith.addi %iota3A_39, %add3A_41 : vector<16xi32>
    %mul3A_43 = arith.constant 200 : i32
    %mul3A_44 = vector.broadcast %mul3A_43 : i32 to vector<16xi32>
    %mul3A_45 = arith.muli %add3A_42, %mul3A_44 : vector<16xi32>
    %iota3A_46 = tpu.iota {dimensions = array<i32: 0>} : vector<16xi32>
    %add3A_47 = arith.constant 96 : i32
    %add3A_48 = vector.broadcast %add3A_47 : i32 to vector<16xi32>
    %add3A_49 = arith.addi %iota3A_46, %add3A_48 : vector<16xi32>
    %mul3A_50 = arith.constant 200 : i32
    %mul3A_51 = vector.broadcast %mul3A_50 : i32 to vector<16xi32>
    %mul3A_52 = arith.muli %add3A_49, %mul3A_51 : vector<16xi32>
    %iota3A_53 = tpu.iota {dimensions = array<i32: 0>} : vector<16xi32>
    %add3A_54 = arith.constant 112 : i32
    %add3A_55 = vector.broadcast %add3A_54 : i32 to vector<16xi32>
    %add3A_56 = arith.addi %iota3A_53, %add3A_55 : vector<16xi32>
    %mul3A_57 = arith.constant 200 : i32
    %mul3A_58 = vector.broadcast %mul3A_57 : i32 to vector<16xi32>
    %mul3A_59 = arith.muli %add3A_56, %mul3A_58 : vector<16xi32>
    %add3A_60 = arith.constant 0 : i32
    %add3A_61 = vector.broadcast %add3A_60 : i32 to vector<16xi32>
    %add3A_62 = arith.addi %mul3A_10, %add3A_61 : vector<16xi32>
    %gather3A = tpu.vector_load_idx %arg6[%add3A_62] : memref<25600xi32, #tpu.memory_space<vmem>>[vector<16xi32>], vector<16xi32>,
    %mul3A_63 = arith.constant 2 : i32
    %mul3A_64 = vector.broadcast %mul3A_63 : i32 to vector<16xi32>
    %mul3A_65 = arith.muli %gather3A, %mul3A_64 : vector<16xi32>
    %ge3A = arith.constant 50000 : i32
    %ge3A_66 = vector.broadcast %ge3A : i32 to vector<16xi32>
    %ge3A_67 = arith.cmpi sge, %gather3A, %ge3A_66 : vector<16xi32>
    %jit3A = arith.constant 99999 : i32
    %jit3A_68 = arith.constant 0 : i32
    %broadcast_in_dim3A = vector.broadcast %jit3A : i32 to vector<16xi32>
    %broadcast_in_dim3A_69 = vector.broadcast %jit3A_68 : i32 to vector<16xi32>
    %select_n3A = arith.select %ge3A_67, %broadcast_in_dim3A, %broadcast_in_dim3A_69 : vector<16xi1>, vector<16xi32>
    %sub3A = arith.subi %mul3A_65, %select_n3A : vector<16xi32>
    %swap3A = arith.constant 0 : i32
    %swap3A_70 = arith.index_cast %swap3A : i32 to index
    %swap3A_71 = arith.constant 0 : index
    %swap3A_72 = tpu.vector_load %arg7[%swap3A_70, %swap3A_71] {strides = array<i32>} : memref<10x128xi32, #tpu.memory_space<vmem>>, vector<16xi32>,
    tpu.vector_store %arg7[%swap3A_70, %swap3A_71], %sub3A {strides = array<i32>} : memref<10x128xi32, #tpu.memory_space<vmem>>, vector<16xi32>,
    %add3A_73 = arith.constant 0 : i32
    %add3A_74 = vector.broadcast %add3A_73 : i32 to vector<16xi32>
    %add3A_75 = arith.addi %mul3A_17, %add3A_74 : vector<16xi32>
    %gather3A_76 = tpu.vector_load_idx %arg6[%add3A_75] : memref<25600xi32, #tpu.memory_space<vmem>>[vector<16xi32>], vector<16xi32>,
    %mul3A_77 = arith.constant 2 : i32
    %mul3A_78 = vector.broadcast %mul3A_77 : i32 to vector<16xi32>
    %mul3A_79 = arith.muli %gather3A_76, %mul3A_78 : vector<16xi32>
    %ge3A_80 = arith.constant 50000 : i32
    %ge3A_81 = vector.broadcast %ge3A_80 : i32 to vector<16xi32>
    %ge3A_82 = arith.cmpi sge, %gather3A_76, %ge3A_81 : vector<16xi32>
    %jit3A_83 = arith.constant 99999 : i32
    %jit3A_84 = arith.constant 0 : i32
    %broadcast_in_dim3A_85 = vector.broadcast %jit3A_83 : i32 to vector<16xi32>
    %broadcast_in_dim3A_86 = vector.broadcast %jit3A_84 : i32 to vector<16xi32>
    %select_n3A_87 = arith.select %ge3A_82, %broadcast_in_dim3A_85, %broadcast_in_dim3A_86 : vector<16xi1>, vector<16xi32>
    %sub3A_88 = arith.subi %mul3A_79, %select_n3A_87 : vector<16xi32>
    %swap3A_89 = arith.constant 0 : i32
    %swap3A_90 = arith.index_cast %swap3A_89 : i32 to index
    %swap3A_91 = arith.constant 16 : index
    %swap3A_92 = tpu.vector_load %arg7[%swap3A_90, %swap3A_91] {strides = array<i32>} : memref<10x128xi32, #tpu.memory_space<vmem>>, vector<16xi32>,
    tpu.vector_store %arg7[%swap3A_90, %swap3A_91], %sub3A_88 {strides = array<i32>} : memref<10x128xi32, #tpu.memory_space<vmem>>, vector<16xi32>,
    %add3A_93 = arith.constant 0 : i32
    %add3A_94 = vector.broadcast %add3A_93 : i32 to vector<16xi32>
    %add3A_95 = arith.addi %mul3A_24, %add3A_94 : vector<16xi32>
    %gather3A_96 = tpu.vector_load_idx %arg6[%add3A_95] : memref<25600xi32, #tpu.memory_space<vmem>>[vector<16xi32>], vector<16xi32>,
    %mul3A_97 = arith.constant 2 : i32
    %mul3A_98 = vector.broadcast %mul3A_97 : i32 to vector<16xi32>
    %mul3A_99 = arith.muli %gather3A_96, %mul3A_98 : vector<16xi32>
    %ge3A_100 = arith.constant 50000 : i32
    %ge3A_101 = vector.broadcast %ge3A_100 : i32 to vector<16xi32>
    %ge3A_102 = arith.cmpi sge, %gather3A_96, %ge3A_101 : vector<16xi32>
    %jit3A_103 = arith.constant 99999 : i32
    %jit3A_104 = arith.constant 0 : i32
    %broadcast_in_dim3A_105 = vector.broadcast %jit3A_103 : i32 to vector<16xi32>
    %broadcast_in_dim3A_106 = vector.broadcast %jit3A_104 : i32 to vector<16xi32>
    %select_n3A_107 = arith.select %ge3A_102, %broadcast_in_dim3A_105, %broadcast_in_dim3A_106 : vector<16xi1>, vector<16xi32>
    %sub3A_108 = arith.subi %mul3A_99, %select_n3A_107 : vector<16xi32>
    %swap3A_109 = arith.constant 0 : i32
    %swap3A_110 = arith.index_cast %swap3A_109 : i32 to index
    %swap3A_111 = arith.constant 32 : index
    %swap3A_112 = tpu.vector_load %arg7[%swap3A_110, %swap3A_111] {strides = array<i32>} : memref<10x128xi32, #tpu.memory_space<vmem>>, vector<16xi32>,
    tpu.vector_store %arg7[%swap3A_110, %swap3A_111], %sub3A_108 {strides = array<i32>} : memref<10x128xi32, #tpu.memory_space<vmem>>, vector<16xi32>,
    %add3A_113 = arith.constant 0 : i32
    %add3A_114 = vector.broadcast %add3A_113 : i32 to vector<16xi32>
    %add3A_115 = arith.addi %mul3A_31, %add3A_114 : vector<16xi32>
    %gather3A_116 = tpu.vector_load_idx %arg6[%add3A_115] : memref<25600xi32, #tpu.memory_space<vmem>>[vector<16xi32>], vector<16xi32>,
    %mul3A_117 = arith.constant 2 : i32
    %mul3A_118 = vector.broadcast %mul3A_117 : i32 to vector<16xi32>
    %mul3A_119 = arith.muli %gather3A_116, %mul3A_118 : vector<16xi32>
    %ge3A_120 = arith.constant 50000 : i32
    %ge3A_121 = vector.broadcast %ge3A_120 : i32 to vector<16xi32>
    %ge3A_122 = arith.cmpi sge, %gather3A_116, %ge3A_121 : vector<16xi32>
    %jit3A_123 = arith.constant 99999 : i32
    %jit3A_124 = arith.constant 0 : i32
    %broadcast_in_dim3A_125 = vector.broadcast %jit3A_123 : i32 to vector<16xi32>
    %broadcast_in_dim3A_126 = vector.broadcast %jit3A_124 : i32 to vector<16xi32>
    %select_n3A_127 = arith.select %ge3A_122, %broadcast_in_dim3A_125, %broadcast_in_dim3A_126 : vector<16xi1>, vector<16xi32>
    %sub3A_128 = arith.subi %mul3A_119, %select_n3A_127 : vector<16xi32>
    %swap3A_129 = arith.constant 0 : i32
    %swap3A_130 = arith.index_cast %swap3A_129 : i32 to index
    %swap3A_131 = arith.constant 48 : index
    %swap3A_132 = tpu.vector_load %arg7[%swap3A_130, %swap3A_131] {strides = array<i32>} : memref<10x128xi32, #tpu.memory_space<vmem>>, vector<16xi32>,
    tpu.vector_store %arg7[%swap3A_130, %swap3A_131], %sub3A_128 {strides = array<i32>} : memref<10x128xi32, #tpu.memory_space<vmem>>, vector<16xi32>,
    %add3A_133 = arith.constant 0 : i32
    %add3A_134 = vector.broadcast %add3A_133 : i32 to vector<16xi32>
    %add3A_135 = arith.addi %mul3A_38, %add3A_134 : vector<16xi32>
    %gather3A_136 = tpu.vector_load_idx %arg6[%add3A_135] : memref<25600xi32, #tpu.memory_space<vmem>>[vector<16xi32>], vector<16xi32>,
    %mul3A_137 = arith.constant 2 : i32
    %mul3A_138 = vector.broadcast %mul3A_137 : i32 to vector<16xi32>
    %mul3A_139 = arith.muli %gather3A_136, %mul3A_138 : vector<16xi32>
    %ge3A_140 = arith.constant 50000 : i32
    %ge3A_141 = vector.broadcast %ge3A_140 : i32 to vector<16xi32>
    %ge3A_142 = arith.cmpi sge, %gather3A_136, %ge3A_141 : vector<16xi32>
    %jit3A_143 = arith.constant 99999 : i32
    %jit3A_144 = arith.constant 0 : i32
    %broadcast_in_dim3A_145 = vector.broadcast %jit3A_143 : i32 to vector<16xi32>
    %broadcast_in_dim3A_146 = vector.broadcast %jit3A_144 : i32 to vector<16xi32>
    %select_n3A_147 = arith.select %ge3A_142, %broadcast_in_dim3A_145, %broadcast_in_dim3A_146 : vector<16xi1>, vector<16xi32>
    %sub3A_148 = arith.subi %mul3A_139, %select_n3A_147 : vector<16xi32>
    %swap3A_149 = arith.constant 0 : i32
    %swap3A_150 = arith.index_cast %swap3A_149 : i32 to index
    %swap3A_151 = arith.constant 64 : index
    %swap3A_152 = tpu.vector_load %arg7[%swap3A_150, %swap3A_151] {strides = array<i32>} : memref<10x128xi32, #tpu.memory_space<vmem>>, vector<16xi32>,
    tpu.vector_store %arg7[%swap3A_150, %swap3A_151], %sub3A_148 {strides = array<i32>} : memref<10x128xi32, #tpu.memory_space<vmem>>, vector<16xi32>,
    %add3A_153 = arith.constant 0 : i32
    %add3A_154 = vector.broadcast %add3A_153 : i32 to vector<16xi32>
    %add3A_155 = arith.addi %mul3A_45, %add3A_154 : vector<16xi32>
    %gather3A_156 = tpu.vector_load_idx %arg6[%add3A_155] : memref<25600xi32, #tpu.memory_space<vmem>>[vector<16xi32>], vector<16xi32>,
    %mul3A_157 = arith.constant 2 : i32
    %mul3A_158 = vector.broadcast %mul3A_157 : i32 to vector<16xi32>
    %mul3A_159 = arith.muli %gather3A_156, %mul3A_158 : vector<16xi32>
    %ge3A_160 = arith.constant 50000 : i32
    %ge3A_161 = vector.broadcast %ge3A_160 : i32 to vector<16xi32>
    %ge3A_162 = arith.cmpi sge, %gather3A_156, %ge3A_161 : vector<16xi32>
    %jit3A_163 = arith.constant 99999 : i32
    %jit3A_164 = arith.constant 0 : i32
    %broadcast_in_dim3A_165 = vector.broadcast %jit3A_163 : i32 to vector<16xi32>
    %broadcast_in_dim3A_166 = vector.broadcast %jit3A_164 : i32 to vector<16xi32>
    %select_n3A_167 = arith.select %ge3A_162, %broadcast_in_dim3A_165, %broadcast_in_dim3A_166 : vector<16xi1>, vector<16xi32>
    %sub3A_168 = arith.subi %mul3A_159, %select_n3A_167 : vector<16xi32>
    %swap3A_169 = arith.constant 0 : i32
    %swap3A_170 = arith.index_cast %swap3A_169 : i32 to index
    %swap3A_171 = arith.constant 80 : index
    %swap3A_172 = tpu.vector_load %arg7[%swap3A_170, %swap3A_171] {strides = array<i32>} : memref<10x128xi32, #tpu.memory_space<vmem>>, vector<16xi32>,
    tpu.vector_store %arg7[%swap3A_170, %swap3A_171], %sub3A_168 {strides = array<i32>} : memref<10x128xi32, #tpu.memory_space<vmem>>, vector<16xi32>,
    %add3A_173 = arith.constant 0 : i32
    %add3A_174 = vector.broadcast %add3A_173 : i32 to vector<16xi32>
    %add3A_175 = arith.addi %mul3A_52, %add3A_174 : vector<16xi32>
    %gather3A_176 = tpu.vector_load_idx %arg6[%add3A_175] : memref<25600xi32, #tpu.memory_space<vmem>>[vector<16xi32>], vector<16xi32>,
    %mul3A_177 = arith.constant 2 : i32
    %mul3A_178 = vector.broadcast %mul3A_177 : i32 to vector<16xi32>
    %mul3A_179 = arith.muli %gather3A_176, %mul3A_178 : vector<16xi32>
    %ge3A_180 = arith.constant 50000 : i32
    %ge3A_181 = vector.broadcast %ge3A_180 : i32 to vector<16xi32>
    %ge3A_182 = arith.cmpi sge, %gather3A_176, %ge3A_181 : vector<16xi32>
    %jit3A_183 = arith.constant 99999 : i32
    %jit3A_184 = arith.constant 0 : i32
    %broadcast_in_dim3A_185 = vector.broadcast %jit3A_183 : i32 to vector<16xi32>
    %broadcast_in_dim3A_186 = vector.broadcast %jit3A_184 : i32 to vector<16xi32>
    %select_n3A_187 = arith.select %ge3A_182, %broadcast_in_dim3A_185, %broadcast_in_dim3A_186 : vector<16xi1>, vector<16xi32>
    %sub3A_188 = arith.subi %mul3A_179, %select_n3A_187 : vector<16xi32>
    %swap3A_189 = arith.constant 0 : i32
    %swap3A_190 = arith.index_cast %swap3A_189 : i32 to index
    %swap3A_191 = arith.constant 96 : index
    %swap3A_192 = tpu.vector_load %arg7[%swap3A_190, %swap3A_191] {strides = array<i32>} : memref<10x128xi32, #tpu.memory_space<vmem>>, vector<16xi32>,
    tpu.vector_store %arg7[%swap3A_190, %swap3A_191], %sub3A_188 {strides = array<i32>} : memref<10x128xi32, #tpu.memory_space<vmem>>, vector<16xi32>,
    %add3A_193 = arith.constant 0 : i32
    %add3A_194 = vector.broadcast %add3A_193 : i32 to vector<16xi32>
    %add3A_195 = arith.addi %mul3A_59, %add3A_194 : vector<16xi32>
    %gather3A_196 = tpu.vector_load_idx %arg6[%add3A_195] : memref<25600xi32, #tpu.memory_space<vmem>>[vector<16xi32>], vector<16xi32>,
    %mul3A_197 = arith.constant 2 : i32
    %mul3A_198 = vector.broadcast %mul3A_197 : i32 to vector<16xi32>
    %mul3A_199 = arith.muli %gather3A_196, %mul3A_198 : vector<16xi32>
    %ge3A_200 = arith.constant 50000 : i32
    %ge3A_201 = vector.broadcast %ge3A_200 : i32 to vector<16xi32>
    %ge3A_202 = arith.cmpi sge, %gather3A_196, %ge3A_201 : vector<16xi32>
    %jit3A_203 = arith.constant 99999 : i32
    %jit3A_204 = arith.constant 0 : i32
    %broadcast_in_dim3A_205 = vector.broadcast %jit3A_203 : i32 to vector<16xi32>
    %broadcast_in_dim3A_206 = vector.broadcast %jit3A_204 : i32 to vector<16xi32>
    %select_n3A_207 = arith.select %ge3A_202, %broadcast_in_dim3A_205, %broadcast_in_dim3A_206 : vector<16xi1>, vector<16xi32>
    %sub3A_208 = arith.subi %mul3A_199, %select_n3A_207 : vector<16xi32>
    %swap3A_209 = arith.constant 0 : i32
    %swap3A_210 = arith.index_cast %swap3A_209 : i32 to index
    %swap3A_211 = arith.constant 112 : index
    %swap3A_212 = tpu.vector_load %arg7[%swap3A_210, %swap3A_211] {strides = array<i32>} : memref<10x128xi32, #tpu.memory_space<vmem>>, vector<16xi32>,
    tpu.vector_store %arg7[%swap3A_210, %swap3A_211], %sub3A_208 {strides = array<i32>} : memref<10x128xi32, #tpu.memory_space<vmem>>, vector<16xi32>,
    %dma_start3A = arith.constant 0 : i32
    %dma_start3A_213 = arith.constant 0 : i32
    %dma_start3A_214 = arith.constant 0 : i32
    %dma_start3A_215 = arith.constant 0 : i32
    %dma_start3A_216 = tpu.memref_slice %arg8[%dma_start3A_213, %dma_start3A_214, %dma_start3A_215] : memref<10x128x64xf32, #tpu.memory_space<vmem>> -> memref<1x128x64xf32, #tpu.memory_space<vmem>>
    %dma_start3A_217 = tpu.memref_squeeze %dma_start3A_216 : memref<1x128x64xf32, #tpu.memory_space<vmem>> -> memref<128x64xf32, #tpu.memory_space<vmem>>
    %dma_start3A_218 = arith.constant 0 : i32
    %dma_start3A_219 = tpu.memref_slice %arg7[%dma_start3A, %dma_start3A_218] : memref<10x128xi32, #tpu.memory_space<vmem>> -> memref<1x128xi32, #tpu.memory_space<vmem>>
    %dma_start3A_220 = tpu.memref_squeeze %dma_start3A_219 : memref<1x128xi32, #tpu.memory_space<vmem>> -> memref<128xi32, #tpu.memory_space<vmem>>
    %dma_start3A_221 = arith.constant 0 : i32
    %dma_start3A_222 = arith.constant 0 : i32
    %dma_start3A_223 = tpu.memref_slice %arg3[%dma_start3A_221, %dma_start3A_222] : memref<100000x64xf32, #tpu.memory_space<hbm>> -> memref<100000x64xf32, #tpu.memory_space<hbm>>
    tpu.enqueue_indirect_dma source(%dma_start3A_223 : memref<100000x64xf32, #tpu.memory_space<hbm>>) target(%dma_start3A_217 : memref<128x64xf32, #tpu.memory_space<vmem>>) offsets(%dma_start3A_220 : memref<128xi32, #tpu.memory_space<vmem>>) semaphore(%arg10 : memref<!tpu.dma_semaphore, #tpu.memory_space<semaphore_mem>>)
    %add3A_224 = arith.constant 1 : i32
    %add3A_225 = vector.broadcast %add3A_224 : i32 to vector<16xi32>
    %add3A_226 = arith.addi %mul3A_10, %add3A_225 : vector<16xi32>
    %gather3A_227 = tpu.vector_load_idx %arg6[%add3A_226] : memref<25600xi32, #tpu.memory_space<vmem>>[vector<16xi32>], vector<16xi32>,
    %mul3A_228 = arith.constant 2 : i32
    %mul3A_229 = vector.broadcast %mul3A_228 : i32 to vector<16xi32>
    %mul3A_230 = arith.muli %gather3A_227, %mul3A_229 : vector<16xi32>
    %ge3A_231 = arith.constant 50000 : i32
    %ge3A_232 = vector.broadcast %ge3A_231 : i32 to vector<16xi32>
    %ge3A_233 = arith.cmpi sge, %gather3A_227, %ge3A_232 : vector<16xi32>
    %jit3A_234 = arith.constant 99999 : i32
    %jit3A_235 = arith.constant 0 : i32
    %broadcast_in_dim3A_236 = vector.broadcast %jit3A_234 : i32 to vector<16xi32>
    %broadcast_in_dim3A_237 = vector.broadcast %jit3A_235 : i32 to vector<16xi32>
    %select_n3A_238 = arith.select %ge3A_233, %broadcast_in_dim3A_236, %broadcast_in_dim3A_237 : vector<16xi1>, vector<16xi32>
    %sub3A_239 = arith.subi %mul3A_230, %select_n3A_238 : vector<16xi32>
    %swap3A_240 = arith.constant 1 : i32
    %swap3A_241 = arith.index_cast %swap3A_240 : i32 to index
    %swap3A_242 = arith.constant 0 : index
    %swap3A_243 = tpu.vector_load %arg7[%swap3A_241, %swap3A_242] {strides = array<i32>} : memref<10x128xi32, #tpu.memory_space<vmem>>, vector<16xi32>,
    tpu.vector_store %arg7[%swap3A_241, %swap3A_242], %sub3A_239 {strides = array<i32>} : memref<10x128xi32, #tpu.memory_space<vmem>>, vector<16xi32>,
    %add3A_244 = arith.constant 1 : i32
    %add3A_245 = vector.broadcast %add3A_244 : i32 to vector<16xi32>
    %add3A_246 = arith.addi %mul3A_17, %add3A_245 : vector<16xi32>
    %gather3A_247 = tpu.vector_load_idx %arg6[%add3A_246] : memref<25600xi32, #tpu.memory_space<vmem>>[vector<16xi32>], vector<16xi32>,
    %mul3A_248 = arith.constant 2 : i32
    %mul3A_249 = vector.broadcast %mul3A_248 : i32 to vector<16xi32>
    %mul3A_250 = arith.muli %gather3A_247, %mul3A_249 : vector<16xi32>
    %ge3A_251 = arith.constant 50000 : i32
    %ge3A_252 = vector.broadcast %ge3A_251 : i32 to vector<16xi32>
    %ge3A_253 = arith.cmpi sge, %gather3A_247, %ge3A_252 : vector<16xi32>
    %jit3A_254 = arith.constant 99999 : i32
    %jit3A_255 = arith.constant 0 : i32
    %broadcast_in_dim3A_256 = vector.broadcast %jit3A_254 : i32 to vector<16xi32>
    %broadcast_in_dim3A_257 = vector.broadcast %jit3A_255 : i32 to vector<16xi32>
    %select_n3A_258 = arith.select %ge3A_253, %broadcast_in_dim3A_256, %broadcast_in_dim3A_257 : vector<16xi1>, vector<16xi32>
    %sub3A_259 = arith.subi %mul3A_250, %select_n3A_258 : vector<16xi32>
    %swap3A_260 = arith.constant 1 : i32
    %swap3A_261 = arith.index_cast %swap3A_260 : i32 to index
    %swap3A_262 = arith.constant 16 : index
    %swap3A_263 = tpu.vector_load %arg7[%swap3A_261, %swap3A_262] {strides = array<i32>} : memref<10x128xi32, #tpu.memory_space<vmem>>, vector<16xi32>,
    tpu.vector_store %arg7[%swap3A_261, %swap3A_262], %sub3A_259 {strides = array<i32>} : memref<10x128xi32, #tpu.memory_space<vmem>>, vector<16xi32>,
    %add3A_264 = arith.constant 1 : i32
    %add3A_265 = vector.broadcast %add3A_264 : i32 to vector<16xi32>
    %add3A_266 = arith.addi %mul3A_24, %add3A_265 : vector<16xi32>
    %gather3A_267 = tpu.vector_load_idx %arg6[%add3A_266] : memref<25600xi32, #tpu.memory_space<vmem>>[vector<16xi32>], vector<16xi32>,
    %mul3A_268 = arith.constant 2 : i32
    %mul3A_269 = vector.broadcast %mul3A_268 : i32 to vector<16xi32>
    %mul3A_270 = arith.muli %gather3A_267, %mul3A_269 : vector<16xi32>
    %ge3A_271 = arith.constant 50000 : i32
    %ge3A_272 = vector.broadcast %ge3A_271 : i32 to vector<16xi32>
    %ge3A_273 = arith.cmpi sge, %gather3A_267, %ge3A_272 : vector<16xi32>
    %jit3A_274 = arith.constant 99999 : i32
    %jit3A_275 = arith.constant 0 : i32
    %broadcast_in_dim3A_276 = vector.broadcast %jit3A_274 : i32 to vector<16xi32>
    %broadcast_in_dim3A_277 = vector.broadcast %jit3A_275 : i32 to vector<16xi32>
    %select_n3A_278 = arith.select %ge3A_273, %broadcast_in_dim3A_276, %broadcast_in_dim3A_277 : vector<16xi1>, vector<16xi32>
    %sub3A_279 = arith.subi %mul3A_270, %select_n3A_278 : vector<16xi32>
    %swap3A_280 = arith.constant 1 : i32
    %swap3A_281 = arith.index_cast %swap3A_280 : i32 to index
    %swap3A_282 = arith.constant 32 : index
    %swap3A_283 = tpu.vector_load %arg7[%swap3A_281, %swap3A_282] {strides = array<i32>} : memref<10x128xi32, #tpu.memory_space<vmem>>, vector<16xi32>,
    tpu.vector_store %arg7[%swap3A_281, %swap3A_282], %sub3A_279 {strides = array<i32>} : memref<10x128xi32, #tpu.memory_space<vmem>>, vector<16xi32>,
    %add3A_284 = arith.constant 1 : i32
    %add3A_285 = vector.broadcast %add3A_284 : i32 to vector<16xi32>
    %add3A_286 = arith.addi %mul3A_31, %add3A_285 : vector<16xi32>
    %gather3A_287 = tpu.vector_load_idx %arg6[%add3A_286] : memref<25600xi32, #tpu.memory_space<vmem>>[vector<16xi32>], vector<16xi32>,
    %mul3A_288 = arith.constant 2 : i32
    %mul3A_289 = vector.broadcast %mul3A_288 : i32 to vector<16xi32>
    %mul3A_290 = arith.muli %gather3A_287, %mul3A_289 : vector<16xi32>
    %ge3A_291 = arith.constant 50000 : i32
    %ge3A_292 = vector.broadcast %ge3A_291 : i32 to vector<16xi32>
    %ge3A_293 = arith.cmpi sge, %gather3A_287, %ge3A_292 : vector<16xi32>
    %jit3A_294 = arith.constant 99999 : i32
    %jit3A_295 = arith.constant 0 : i32
    %broadcast_in_dim3A_296 = vector.broadcast %jit3A_294 : i32 to vector<16xi32>
    %broadcast_in_dim3A_297 = vector.broadcast %jit3A_295 : i32 to vector<16xi32>
    %select_n3A_298 = arith.select %ge3A_293, %broadcast_in_dim3A_296, %broadcast_in_dim3A_297 : vector<16xi1>, vector<16xi32>
    %sub3A_299 = arith.subi %mul3A_290, %select_n3A_298 : vector<16xi32>
    %swap3A_300 = arith.constant 1 : i32
    %swap3A_301 = arith.index_cast %swap3A_300 : i32 to index
    %swap3A_302 = arith.constant 48 : index
    %swap3A_303 = tpu.vector_load %arg7[%swap3A_301, %swap3A_302] {strides = array<i32>} : memref<10x128xi32, #tpu.memory_space<vmem>>, vector<16xi32>,
    tpu.vector_store %arg7[%swap3A_301, %swap3A_302], %sub3A_299 {strides = array<i32>} : memref<10x128xi32, #tpu.memory_space<vmem>>, vector<16xi32>,
    %add3A_304 = arith.constant 1 : i32
    %add3A_305 = vector.broadcast %add3A_304 : i32 to vector<16xi32>
    %add3A_306 = arith.addi %mul3A_38, %add3A_305 : vector<16xi32>
    %gather3A_307 = tpu.vector_load_idx %arg6[%add3A_306] : memref<25600xi32, #tpu.memory_space<vmem>>[vector<16xi32>], vector<16xi32>,
    %mul3A_308 = arith.constant 2 : i32
    %mul3A_309 = vector.broadcast %mul3A_308 : i32 to vector<16xi32>
    %mul3A_310 = arith.muli %gather3A_307, %mul3A_309 : vector<16xi32>
    %ge3A_311 = arith.constant 50000 : i32
    %ge3A_312 = vector.broadcast %ge3A_311 : i32 to vector<16xi32>
    %ge3A_313 = arith.cmpi sge, %gather3A_307, %ge3A_312 : vector<16xi32>
    %jit3A_314 = arith.constant 99999 : i32
    %jit3A_315 = arith.constant 0 : i32
    %broadcast_in_dim3A_316 = vector.broadcast %jit3A_314 : i32 to vector<16xi32>
    %broadcast_in_dim3A_317 = vector.broadcast %jit3A_315 : i32 to vector<16xi32>
    %select_n3A_318 = arith.select %ge3A_313, %broadcast_in_dim3A_316, %broadcast_in_dim3A_317 : vector<16xi1>, vector<16xi32>
    %sub3A_319 = arith.subi %mul3A_310, %select_n3A_318 : vector<16xi32>
    %swap3A_320 = arith.constant 1 : i32
    %swap3A_321 = arith.index_cast %swap3A_320 : i32 to index
    %swap3A_322 = arith.constant 64 : index
    %swap3A_323 = tpu.vector_load %arg7[%swap3A_321, %swap3A_322] {strides = array<i32>} : memref<10x128xi32, #tpu.memory_space<vmem>>, vector<16xi32>,
    tpu.vector_store %arg7[%swap3A_321, %swap3A_322], %sub3A_319 {strides = array<i32>} : memref<10x128xi32, #tpu.memory_space<vmem>>, vector<16xi32>,
    %add3A_324 = arith.constant 1 : i32
    %add3A_325 = vector.broadcast %add3A_324 : i32 to vector<16xi32>
    %add3A_326 = arith.addi %mul3A_45, %add3A_325 : vector<16xi32>
    %gather3A_327 = tpu.vector_load_idx %arg6[%add3A_326] : memref<25600xi32, #tpu.memory_space<vmem>>[vector<16xi32>], vector<16xi32>,
    %mul3A_328 = arith.constant 2 : i32
    %mul3A_329 = vector.broadcast %mul3A_328 : i32 to vector<16xi32>
    %mul3A_330 = arith.muli %gather3A_327, %mul3A_329 : vector<16xi32>
    %ge3A_331 = arith.constant 50000 : i32
    %ge3A_332 = vector.broadcast %ge3A_331 : i32 to vector<16xi32>
    %ge3A_333 = arith.cmpi sge, %gather3A_327, %ge3A_332 : vector<16xi32>
    %jit3A_334 = arith.constant 99999 : i32
    %jit3A_335 = arith.constant 0 : i32
    %broadcast_in_dim3A_336 = vector.broadcast %jit3A_334 : i32 to vector<16xi32>
    %broadcast_in_dim3A_337 = vector.broadcast %jit3A_335 : i32 to vector<16xi32>
    %select_n3A_338 = arith.select %ge3A_333, %broadcast_in_dim3A_336, %broadcast_in_dim3A_337 : vector<16xi1>, vector<16xi32>
    %sub3A_339 = arith.subi %mul3A_330, %select_n3A_338 : vector<16xi32>
    %swap3A_340 = arith.constant 1 : i32
    %swap3A_341 = arith.index_cast %swap3A_340 : i32 to index
    %swap3A_342 = arith.constant 80 : index
    %swap3A_343 = tpu.vector_load %arg7[%swap3A_341, %swap3A_342] {strides = array<i32>} : memref<10x128xi32, #tpu.memory_space<vmem>>, vector<16xi32>,
    tpu.vector_store %arg7[%swap3A_341, %swap3A_342], %sub3A_339 {strides = array<i32>} : memref<10x128xi32, #tpu.memory_space<vmem>>, vector<16xi32>,
    %add3A_344 = arith.constant 1 : i32
    %add3A_345 = vector.broadcast %add3A_344 : i32 to vector<16xi32>
    %add3A_346 = arith.addi %mul3A_52, %add3A_345 : vector<16xi32>
    %gather3A_347 = tpu.vector_load_idx %arg6[%add3A_346] : memref<25600xi32, #tpu.memory_space<vmem>>[vector<16xi32>], vector<16xi32>,
    %mul3A_348 = arith.constant 2 : i32
    %mul3A_349 = vector.broadcast %mul3A_348 : i32 to vector<16xi32>
    %mul3A_350 = arith.muli %gather3A_347, %mul3A_349 : vector<16xi32>
    %ge3A_351 = arith.constant 50000 : i32
    %ge3A_352 = vector.broadcast %ge3A_351 : i32 to vector<16xi32>
    %ge3A_353 = arith.cmpi sge, %gather3A_347, %ge3A_352 : vector<16xi32>
    %jit3A_354 = arith.constant 99999 : i32
    %jit3A_355 = arith.constant 0 : i32
    %broadcast_in_dim3A_356 = vector.broadcast %jit3A_354 : i32 to vector<16xi32>
    %broadcast_in_dim3A_357 = vector.broadcast %jit3A_355 : i32 to vector<16xi32>
    %select_n3A_358 = arith.select %ge3A_353, %broadcast_in_dim3A_356, %broadcast_in_dim3A_357 : vector<16xi1>, vector<16xi32>
    %sub3A_359 = arith.subi %mul3A_350, %select_n3A_358 : vector<16xi32>
    %swap3A_360 = arith.constant 1 : i32
    %swap3A_361 = arith.index_cast %swap3A_360 : i32 to index
    %swap3A_362 = arith.constant 96 : index
    %swap3A_363 = tpu.vector_load %arg7[%swap3A_361, %swap3A_362] {strides = array<i32>} : memref<10x128xi32, #tpu.memory_space<vmem>>, vector<16xi32>,
    tpu.vector_store %arg7[%swap3A_361, %swap3A_362], %sub3A_359 {strides = array<i32>} : memref<10x128xi32, #tpu.memory_space<vmem>>, vector<16xi32>,
    %add3A_364 = arith.constant 1 : i32
    %add3A_365 = vector.broadcast %add3A_364 : i32 to vector<16xi32>
    %add3A_366 = arith.addi %mul3A_59, %add3A_365 : vector<16xi32>
    %gather3A_367 = tpu.vector_load_idx %arg6[%add3A_366] : memref<25600xi32, #tpu.memory_space<vmem>>[vector<16xi32>], vector<16xi32>,
    %mul3A_368 = arith.constant 2 : i32
    %mul3A_369 = vector.broadcast %mul3A_368 : i32 to vector<16xi32>
    %mul3A_370 = arith.muli %gather3A_367, %mul3A_369 : vector<16xi32>
    %ge3A_371 = arith.constant 50000 : i32
    %ge3A_372 = vector.broadcast %ge3A_371 : i32 to vector<16xi32>
    %ge3A_373 = arith.cmpi sge, %gather3A_367, %ge3A_372 : vector<16xi32>
    %jit3A_374 = arith.constant 99999 : i32
    %jit3A_375 = arith.constant 0 : i32
    %broadcast_in_dim3A_376 = vector.broadcast %jit3A_374 : i32 to vector<16xi32>
    %broadcast_in_dim3A_377 = vector.broadcast %jit3A_375 : i32 to vector<16xi32>
    %select_n3A_378 = arith.select %ge3A_373, %broadcast_in_dim3A_376, %broadcast_in_dim3A_377 : vector<16xi1>, vector<16xi32>
    %sub3A_379 = arith.subi %mul3A_370, %select_n3A_378 : vector<16xi32>
    %swap3A_380 = arith.constant 1 : i32
    %swap3A_381 = arith.index_cast %swap3A_380 : i32 to index
    %swap3A_382 = arith.constant 112 : index
    %swap3A_383 = tpu.vector_load %arg7[%swap3A_381, %swap3A_382] {strides = array<i32>} : memref<10x128xi32, #tpu.memory_space<vmem>>, vector<16xi32>,
    tpu.vector_store %arg7[%swap3A_381, %swap3A_382], %sub3A_379 {strides = array<i32>} : memref<10x128xi32, #tpu.memory_space<vmem>>, vector<16xi32>,
    %dma_start3A_384 = arith.constant 1 : i32
    %dma_start3A_385 = arith.constant 1 : i32
    %dma_start3A_386 = arith.constant 0 : i32
    %dma_start3A_387 = arith.constant 0 : i32
    %dma_start3A_388 = tpu.memref_slice %arg8[%dma_start3A_385, %dma_start3A_386, %dma_start3A_387] : memref<10x128x64xf32, #tpu.memory_space<vmem>> -> memref<1x128x64xf32, #tpu.memory_space<vmem>>
    %dma_start3A_389 = tpu.memref_squeeze %dma_start3A_388 : memref<1x128x64xf32, #tpu.memory_space<vmem>> -> memref<128x64xf32, #tpu.memory_space<vmem>>
    %dma_start3A_390 = arith.constant 0 : i32
    %dma_start3A_391 = tpu.memref_slice %arg7[%dma_start3A_384, %dma_start3A_390] : memref<10x128xi32, #tpu.memory_space<vmem>> -> memref<1x128xi32, #tpu.memory_space<vmem>>
    %dma_start3A_392 = tpu.memref_squeeze %dma_start3A_391 : memref<1x128xi32, #tpu.memory_space<vmem>> -> memref<128xi32, #tpu.memory_space<vmem>>
    %dma_start3A_393 = arith.constant 0 : i32
    %dma_start3A_394 = arith.constant 0 : i32
    %dma_start3A_395 = tpu.memref_slice %arg3[%dma_start3A_393, %dma_start3A_394] : memref<100000x64xf32, #tpu.memory_space<hbm>> -> memref<100000x64xf32, #tpu.memory_space<hbm>>
    tpu.enqueue_indirect_dma source(%dma_start3A_395 : memref<100000x64xf32, #tpu.memory_space<hbm>>) target(%dma_start3A_389 : memref<128x64xf32, #tpu.memory_space<vmem>>) offsets(%dma_start3A_392 : memref<128xi32, #tpu.memory_space<vmem>>) semaphore(%arg11 : memref<!tpu.dma_semaphore, #tpu.memory_space<semaphore_mem>>)
    %add3A_396 = arith.constant 2 : i32
    %add3A_397 = vector.broadcast %add3A_396 : i32 to vector<16xi32>
    %add3A_398 = arith.addi %mul3A_10, %add3A_397 : vector<16xi32>
    %gather3A_399 = tpu.vector_load_idx %arg6[%add3A_398] : memref<25600xi32, #tpu.memory_space<vmem>>[vector<16xi32>], vector<16xi32>,
    %mul3A_400 = arith.constant 2 : i32
    %mul3A_401 = vector.broadcast %mul3A_400 : i32 to vector<16xi32>
    %mul3A_402 = arith.muli %gather3A_399, %mul3A_401 : vector<16xi32>
    %ge3A_403 = arith.constant 50000 : i32
    %ge3A_404 = vector.broadcast %ge3A_403 : i32 to vector<16xi32>
    %ge3A_405 = arith.cmpi sge, %gather3A_399, %ge3A_404 : vector<16xi32>
    %jit3A_406 = arith.constant 99999 : i32
    %jit3A_407 = arith.constant 0 : i32
    %broadcast_in_dim3A_408 = vector.broadcast %jit3A_406 : i32 to vector<16xi32>
    %broadcast_in_dim3A_409 = vector.broadcast %jit3A_407 : i32 to vector<16xi32>
    %select_n3A_410 = arith.select %ge3A_405, %broadcast_in_dim3A_408, %broadcast_in_dim3A_409 : vector<16xi1>, vector<16xi32>
    %sub3A_411 = arith.subi %mul3A_402, %select_n3A_410 : vector<16xi32>
    %swap3A_412 = arith.constant 2 : i32
    %swap3A_413 = arith.index_cast %swap3A_412 : i32 to index
    %swap3A_414 = arith.constant 0 : index
    %swap3A_415 = tpu.vector_load %arg7[%swap3A_413, %swap3A_414] {strides = array<i32>} : memref<10x128xi32, #tpu.memory_space<vmem>>, vector<16xi32>,
    tpu.vector_store %arg7[%swap3A_413, %swap3A_414], %sub3A_411 {strides = array<i32>} : memref<10x128xi32, #tpu.memory_space<vmem>>, vector<16xi32>,
    %add3A_416 = arith.constant 2 : i32
    %add3A_417 = vector.broadcast %add3A_416 : i32 to vector<16xi32>
    %add3A_418 = arith.addi %mul3A_17, %add3A_417 : vector<16xi32>
    %gather3A_419 = tpu.vector_load_idx %arg6[%add3A_418] : memref<25600xi32, #tpu.memory_space<vmem>>[vector<16xi32>], vector<16xi32>,
    %mul3A_420 = arith.constant 2 : i32
    %mul3A_421 = vector.broadcast %mul3A_420 : i32 to vector<16xi32>
    %mul3A_422 = arith.muli %gather3A_419, %mul3A_421 : vector<16xi32>
    %ge3A_423 = arith.constant 50000 : i32
    %ge3A_424 = vector.broadcast %ge3A_423 : i32 to vector<16xi32>
    %ge3A_425 = arith.cmpi sge, %gather3A_419, %ge3A_424 : vector<16xi32>
    %jit3A_426 = arith.constant 99999 : i32
    %jit3A_427 = arith.constant 0 : i32
    %broadcast_in_dim3A_428 = vector.broadcast %jit3A_426 : i32 to vector<16xi32>
    %broadcast_in_dim3A_429 = vector.broadcast %jit3A_427 : i32 to vector<16xi32>
    %select_n3A_430 = arith.select %ge3A_425, %broadcast_in_dim3A_428, %broadcast_in_dim3A_429 : vector<16xi1>, vector<16xi32>
    %sub3A_431 = arith.subi %mul3A_422, %select_n3A_430 : vector<16xi32>
    %swap3A_432 = arith.constant 2 : i32
    %swap3A_433 = arith.index_cast %swap3A_432 : i32 to index
    %swap3A_434 = arith.constant 16 : index
    %swap3A_435 = tpu.vector_load %arg7[%swap3A_433, %swap3A_434] {strides = array<i32>} : memref<10x128xi32, #tpu.memory_space<vmem>>, vector<16xi32>,
    tpu.vector_store %arg7[%swap3A_433, %swap3A_434], %sub3A_431 {strides = array<i32>} : memref<10x128xi32, #tpu.memory_space<vmem>>, vector<16xi32>,
    %add3A_436 = arith.constant 2 : i32
    %add3A_437 = vector.broadcast %add3A_436 : i32 to vector<16xi32>
    %add3A_438 = arith.addi %mul3A_24, %add3A_437 : vector<16xi32>
    %gather3A_439 = tpu.vector_load_idx %arg6[%add3A_438] : memref<25600xi32, #tpu.memory_space<vmem>>[vector<16xi32>], vector<16xi32>,
    %mul3A_440 = arith.constant 2 : i32
    %mul3A_441 = vector.broadcast %mul3A_440 : i32 to vector<16xi32>
    %mul3A_442 = arith.muli %gather3A_439, %mul3A_441 : vector<16xi32>
    %ge3A_443 = arith.constant 50000 : i32
    %ge3A_444 = vector.broadcast %ge3A_443 : i32 to vector<16xi32>
    %ge3A_445 = arith.cmpi sge, %gather3A_439, %ge3A_444 : vector<16xi32>
    %jit3A_446 = arith.constant 99999 : i32
    %jit3A_447 = arith.constant 0 : i32
    %broadcast_in_dim3A_448 = vector.broadcast %jit3A_446 : i32 to vector<16xi32>
    %broadcast_in_dim3A_449 = vector.broadcast %jit3A_447 : i32 to vector<16xi32>
    %select_n3A_450 = arith.select %ge3A_445, %broadcast_in_dim3A_448, %broadcast_in_dim3A_449 : vector<16xi1>, vector<16xi32>
    %sub3A_451 = arith.subi %mul3A_442, %select_n3A_450 : vector<16xi32>
    %swap3A_452 = arith.constant 2 : i32
    %swap3A_453 = arith.index_cast %swap3A_452 : i32 to index
    %swap3A_454 = arith.constant 32 : index
    %swap3A_455 = tpu.vector_load %arg7[%swap3A_453, %swap3A_454] {strides = array<i32>} : memref<10x128xi32, #tpu.memory_space<vmem>>, vector<16xi32>,
    tpu.vector_store %arg7[%swap3A_453, %swap3A_454], %sub3A_451 {strides = array<i32>} : memref<10x128xi32, #tpu.memory_space<vmem>>, vector<16xi32>,
    %add3A_456 = arith.constant 2 : i32
    %add3A_457 = vector.broadcast %add3A_456 : i32 to vector<16xi32>
    %add3A_458 = arith.addi %mul3A_31, %add3A_457 : vector<16xi32>
    %gather3A_459 = tpu.vector_load_idx %arg6[%add3A_458] : memref<25600xi32, #tpu.memory_space<vmem>>[vector<16xi32>], vector<16xi32>,
    %mul3A_460 = arith.constant 2 : i32
    %mul3A_461 = vector.broadcast %mul3A_460 : i32 to vector<16xi32>
    %mul3A_462 = arith.muli %gather3A_459, %mul3A_461 : vector<16xi32>
    %ge3A_463 = arith.constant 50000 : i32
    %ge3A_464 = vector.broadcast %ge3A_463 : i32 to vector<16xi32>
    %ge3A_465 = arith.cmpi sge, %gather3A_459, %ge3A_464 : vector<16xi32>
    %jit3A_466 = arith.constant 99999 : i32
    %jit3A_467 = arith.constant 0 : i32
    %broadcast_in_dim3A_468 = vector.broadcast %jit3A_466 : i32 to vector<16xi32>
    %broadcast_in_dim3A_469 = vector.broadcast %jit3A_467 : i32 to vector<16xi32>
    %select_n3A_470 = arith.select %ge3A_465, %broadcast_in_dim3A_468, %broadcast_in_dim3A_469 : vector<16xi1>, vector<16xi32>
    %sub3A_471 = arith.subi %mul3A_462, %select_n3A_470 : vector<16xi32>
    %swap3A_472 = arith.constant 2 : i32
    %swap3A_473 = arith.index_cast %swap3A_472 : i32 to index
    %swap3A_474 = arith.constant 48 : index
    %swap3A_475 = tpu.vector_load %arg7[%swap3A_473, %swap3A_474] {strides = array<i32>} : memref<10x128xi32, #tpu.memory_space<vmem>>, vector<16xi32>,
    tpu.vector_store %arg7[%swap3A_473, %swap3A_474], %sub3A_471 {strides = array<i32>} : memref<10x128xi32, #tpu.memory_space<vmem>>, vector<16xi32>,
    %add3A_476 = arith.constant 2 : i32
    %add3A_477 = vector.broadcast %add3A_476 : i32 to vector<16xi32>
    %add3A_478 = arith.addi %mul3A_38, %add3A_477 : vector<16xi32>
    %gather3A_479 = tpu.vector_load_idx %arg6[%add3A_478] : memref<25600xi32, #tpu.memory_space<vmem>>[vector<16xi32>], vector<16xi32>,
    %mul3A_480 = arith.constant 2 : i32
    %mul3A_481 = vector.broadcast %mul3A_480 : i32 to vector<16xi32>
    %mul3A_482 = arith.muli %gather3A_479, %mul3A_481 : vector<16xi32>
    %ge3A_483 = arith.constant 50000 : i32
    %ge3A_484 = vector.broadcast %ge3A_483 : i32 to vector<16xi32>
    %ge3A_485 = arith.cmpi sge, %gather3A_479, %ge3A_484 : vector<16xi32>
    %jit3A_486 = arith.constant 99999 : i32
    %jit3A_487 = arith.constant 0 : i32
    %broadcast_in_dim3A_488 = vector.broadcast %jit3A_486 : i32 to vector<16xi32>
    %broadcast_in_dim3A_489 = vector.broadcast %jit3A_487 : i32 to vector<16xi32>
    %select_n3A_490 = arith.select %ge3A_485, %broadcast_in_dim3A_488, %broadcast_in_dim3A_489 : vector<16xi1>, vector<16xi32>
    %sub3A_491 = arith.subi %mul3A_482, %select_n3A_490 : vector<16xi32>
    %swap3A_492 = arith.constant 2 : i32
    %swap3A_493 = arith.index_cast %swap3A_492 : i32 to index
    %swap3A_494 = arith.constant 64 : index
    %swap3A_495 = tpu.vector_load %arg7[%swap3A_493, %swap3A_494] {strides = array<i32>} : memref<10x128xi32, #tpu.memory_space<vmem>>, vector<16xi32>,
    tpu.vector_store %arg7[%swap3A_493, %swap3A_494], %sub3A_491 {strides = array<i32>} : memref<10x128xi32, #tpu.memory_space<vmem>>, vector<16xi32>,
    %add3A_496 = arith.constant 2 : i32
    %add3A_497 = vector.broadcast %add3A_496 : i32 to vector<16xi32>
    %add3A_498 = arith.addi %mul3A_45, %add3A_497 : vector<16xi32>
    %gather3A_499 = tpu.vector_load_idx %arg6[%add3A_498] : memref<25600xi32, #tpu.memory_space<vmem>>[vector<16xi32>], vector<16xi32>,
    %mul3A_500 = arith.constant 2 : i32
    %mul3A_501 = vector.broadcast %mul3A_500 : i32 to vector<16xi32>
    %mul3A_502 = arith.muli %gather3A_499, %mul3A_501 : vector<16xi32>
    %ge3A_503 = arith.constant 50000 : i32
    %ge3A_504 = vector.broadcast %ge3A_503 : i32 to vector<16xi32>
    %ge3A_505 = arith.cmpi sge, %gather3A_499, %ge3A_504 : vector<16xi32>
    %jit3A_506 = arith.constant 99999 : i32
    %jit3A_507 = arith.constant 0 : i32
    %broadcast_in_dim3A_508 = vector.broadcast %jit3A_506 : i32 to vector<16xi32>
    %broadcast_in_dim3A_509 = vector.broadcast %jit3A_507 : i32 to vector<16xi32>
    %select_n3A_510 = arith.select %ge3A_505, %broadcast_in_dim3A_508, %broadcast_in_dim3A_509 : vector<16xi1>, vector<16xi32>
    %sub3A_511 = arith.subi %mul3A_502, %select_n3A_510 : vector<16xi32>
    %swap3A_512 = arith.constant 2 : i32
    %swap3A_513 = arith.index_cast %swap3A_512 : i32 to index
    %swap3A_514 = arith.constant 80 : index
    %swap3A_515 = tpu.vector_load %arg7[%swap3A_513, %swap3A_514] {strides = array<i32>} : memref<10x128xi32, #tpu.memory_space<vmem>>, vector<16xi32>,
    tpu.vector_store %arg7[%swap3A_513, %swap3A_514], %sub3A_511 {strides = array<i32>} : memref<10x128xi32, #tpu.memory_space<vmem>>, vector<16xi32>,
    %add3A_516 = arith.constant 2 : i32
    %add3A_517 = vector.broadcast %add3A_516 : i32 to vector<16xi32>
    %add3A_518 = arith.addi %mul3A_52, %add3A_517 : vector<16xi32>
    %gather3A_519 = tpu.vector_load_idx %arg6[%add3A_518] : memref<25600xi32, #tpu.memory_space<vmem>>[vector<16xi32>], vector<16xi32>,
    %mul3A_520 = arith.constant 2 : i32
    %mul3A_521 = vector.broadcast %mul3A_520 : i32 to vector<16xi32>
    %mul3A_522 = arith.muli %gather3A_519, %mul3A_521 : vector<16xi32>
    %ge3A_523 = arith.constant 50000 : i32
    %ge3A_524 = vector.broadcast %ge3A_523 : i32 to vector<16xi32>
    %ge3A_525 = arith.cmpi sge, %gather3A_519, %ge3A_524 : vector<16xi32>
    %jit3A_526 = arith.constant 99999 : i32
    %jit3A_527 = arith.constant 0 : i32
    %broadcast_in_dim3A_528 = vector.broadcast %jit3A_526 : i32 to vector<16xi32>
    %broadcast_in_dim3A_529 = vector.broadcast %jit3A_527 : i32 to vector<16xi32>
    %select_n3A_530 = arith.select %ge3A_525, %broadcast_in_dim3A_528, %broadcast_in_dim3A_529 : vector<16xi1>, vector<16xi32>
    %sub3A_531 = arith.subi %mul3A_522, %select_n3A_530 : vector<16xi32>
    %swap3A_532 = arith.constant 2 : i32
    %swap3A_533 = arith.index_cast %swap3A_532 : i32 to index
    %swap3A_534 = arith.constant 96 : index
    %swap3A_535 = tpu.vector_load %arg7[%swap3A_533, %swap3A_534] {strides = array<i32>} : memref<10x128xi32, #tpu.memory_space<vmem>>, vector<16xi32>,
    tpu.vector_store %arg7[%swap3A_533, %swap3A_534], %sub3A_531 {strides = array<i32>} : memref<10x128xi32, #tpu.memory_space<vmem>>, vector<16xi32>,
    %add3A_536 = arith.constant 2 : i32
    %add3A_537 = vector.broadcast %add3A_536 : i32 to vector<16xi32>
    %add3A_538 = arith.addi %mul3A_59, %add3A_537 : vector<16xi32>
    %gather3A_539 = tpu.vector_load_idx %arg6[%add3A_538] : memref<25600xi32, #tpu.memory_space<vmem>>[vector<16xi32>], vector<16xi32>,
    %mul3A_540 = arith.constant 2 : i32
    %mul3A_541 = vector.broadcast %mul3A_540 : i32 to vector<16xi32>
    %mul3A_542 = arith.muli %gather3A_539, %mul3A_541 : vector<16xi32>
    %ge3A_543 = arith.constant 50000 : i32
    %ge3A_544 = vector.broadcast %ge3A_543 : i32 to vector<16xi32>
    %ge3A_545 = arith.cmpi sge, %gather3A_539, %ge3A_544 : vector<16xi32>
    %jit3A_546 = arith.constant 99999 : i32
    %jit3A_547 = arith.constant 0 : i32
    %broadcast_in_dim3A_548 = vector.broadcast %jit3A_546 : i32 to vector<16xi32>
    %broadcast_in_dim3A_549 = vector.broadcast %jit3A_547 : i32 to vector<16xi32>
    %select_n3A_550 = arith.select %ge3A_545, %broadcast_in_dim3A_548, %broadcast_in_dim3A_549 : vector<16xi1>, vector<16xi32>
    %sub3A_551 = arith.subi %mul3A_542, %select_n3A_550 : vector<16xi32>
    %swap3A_552 = arith.constant 2 : i32
    %swap3A_553 = arith.index_cast %swap3A_552 : i32 to index
    %swap3A_554 = arith.constant 112 : index
    %swap3A_555 = tpu.vector_load %arg7[%swap3A_553, %swap3A_554] {strides = array<i32>} : memref<10x128xi32, #tpu.memory_space<vmem>>, vector<16xi32>,
    tpu.vector_store %arg7[%swap3A_553, %swap3A_554], %sub3A_551 {strides = array<i32>} : memref<10x128xi32, #tpu.memory_space<vmem>>, vector<16xi32>,
    %dma_start3A_556 = arith.constant 2 : i32
    %dma_start3A_557 = arith.constant 2 : i32
    %dma_start3A_558 = arith.constant 0 : i32
    %dma_start3A_559 = arith.constant 0 : i32
    %dma_start3A_560 = tpu.memref_slice %arg8[%dma_start3A_557, %dma_start3A_558, %dma_start3A_559] : memref<10x128x64xf32, #tpu.memory_space<vmem>> -> memref<1x128x64xf32, #tpu.memory_space<vmem>>
    %dma_start3A_561 = tpu.memref_squeeze %dma_start3A_560 : memref<1x128x64xf32, #tpu.memory_space<vmem>> -> memref<128x64xf32, #tpu.memory_space<vmem>>
    %dma_start3A_562 = arith.constant 0 : i32
    %dma_start3A_563 = tpu.memref_slice %arg7[%dma_start3A_556, %dma_start3A_562] : memref<10x128xi32, #tpu.memory_space<vmem>> -> memref<1x128xi32, #tpu.memory_space<vmem>>
    %dma_start3A_564 = tpu.memref_squeeze %dma_start3A_563 : memref<1x128xi32, #tpu.memory_space<vmem>> -> memref<128xi32, #tpu.memory_space<vmem>>
    %dma_start3A_565 = arith.constant 0 : i32
    %dma_start3A_566 = arith.constant 0 : i32
    %dma_start3A_567 = tpu.memref_slice %arg3[%dma_start3A_565, %dma_start3A_566] : memref<100000x64xf32, #tpu.memory_space<hbm>> -> memref<100000x64xf32, #tpu.memory_space<hbm>>
    tpu.enqueue_indirect_dma source(%dma_start3A_567 : memref<100000x64xf32, #tpu.memory_space<hbm>>) target(%dma_start3A_561 : memref<128x64xf32, #tpu.memory_space<vmem>>) offsets(%dma_start3A_564 : memref<128xi32, #tpu.memory_space<vmem>>) semaphore(%arg12 : memref<!tpu.dma_semaphore, #tpu.memory_space<semaphore_mem>>)
    %add3A_568 = arith.constant 3 : i32
    %add3A_569 = vector.broadcast %add3A_568 : i32 to vector<16xi32>
    %add3A_570 = arith.addi %mul3A_10, %add3A_569 : vector<16xi32>
    %gather3A_571 = tpu.vector_load_idx %arg6[%add3A_570] : memref<25600xi32, #tpu.memory_space<vmem>>[vector<16xi32>], vector<16xi32>,
    %mul3A_572 = arith.constant 2 : i32
    %mul3A_573 = vector.broadcast %mul3A_572 : i32 to vector<16xi32>
    %mul3A_574 = arith.muli %gather3A_571, %mul3A_573 : vector<16xi32>
    %ge3A_575 = arith.constant 50000 : i32
    %ge3A_576 = vector.broadcast %ge3A_575 : i32 to vector<16xi32>
    %ge3A_577 = arith.cmpi sge, %gather3A_571, %ge3A_576 : vector<16xi32>
    %jit3A_578 = arith.constant 99999 : i32
    %jit3A_579 = arith.constant 0 : i32
    %broadcast_in_dim3A_580 = vector.broadcast %jit3A_578 : i32 to vector<16xi32>
    %broadcast_in_dim3A_581 = vector.broadcast %jit3A_579 : i32 to vector<16xi32>
    %select_n3A_582 = arith.select %ge3A_577, %broadcast_in_dim3A_580, %broadcast_in_dim3A_581 : vector<16xi1>, vector<16xi32>
    %sub3A_583 = arith.subi %mul3A_574, %select_n3A_582 : vector<16xi32>
    %swap3A_584 = arith.constant 3 : i32
    %swap3A_585 = arith.index_cast %swap3A_584 : i32 to index
    %swap3A_586 = arith.constant 0 : index
    %swap3A_587 = tpu.vector_load %arg7[%swap3A_585, %swap3A_586] {strides = array<i32>} : memref<10x128xi32, #tpu.memory_space<vmem>>, vector<16xi32>,
    tpu.vector_store %arg7[%swap3A_585, %swap3A_586], %sub3A_583 {strides = array<i32>} : memref<10x128xi32, #tpu.memory_space<vmem>>, vector<16xi32>,
    %add3A_588 = arith.constant 3 : i32
    %add3A_589 = vector.broadcast %add3A_588 : i32 to vector<16xi32>
    %add3A_590 = arith.addi %mul3A_17, %add3A_589 : vector<16xi32>
    %gather3A_591 = tpu.vector_load_idx %arg6[%add3A_590] : memref<25600xi32, #tpu.memory_space<vmem>>[vector<16xi32>], vector<16xi32>,
    %mul3A_592 = arith.constant 2 : i32
    %mul3A_593 = vector.broadcast %mul3A_592 : i32 to vector<16xi32>
    %mul3A_594 = arith.muli %gather3A_591, %mul3A_593 : vector<16xi32>
    %ge3A_595 = arith.constant 50000 : i32
    %ge3A_596 = vector.broadcast %ge3A_595 : i32 to vector<16xi32>
    %ge3A_597 = arith.cmpi sge, %gather3A_591, %ge3A_596 : vector<16xi32>
    %jit3A_598 = arith.constant 99999 : i32
    %jit3A_599 = arith.constant 0 : i32
    %broadcast_in_dim3A_600 = vector.broadcast %jit3A_598 : i32 to vector<16xi32>
    %broadcast_in_dim3A_601 = vector.broadcast %jit3A_599 : i32 to vector<16xi32>
    %select_n3A_602 = arith.select %ge3A_597, %broadcast_in_dim3A_600, %broadcast_in_dim3A_601 : vector<16xi1>, vector<16xi32>
    %sub3A_603 = arith.subi %mul3A_594, %select_n3A_602 : vector<16xi32>
    %swap3A_604 = arith.constant 3 : i32
    %swap3A_605 = arith.index_cast %swap3A_604 : i32 to index
    %swap3A_606 = arith.constant 16 : index
    %swap3A_607 = tpu.vector_load %arg7[%swap3A_605, %swap3A_606] {strides = array<i32>} : memref<10x128xi32, #tpu.memory_space<vmem>>, vector<16xi32>,
    tpu.vector_store %arg7[%swap3A_605, %swap3A_606], %sub3A_603 {strides = array<i32>} : memref<10x128xi32, #tpu.memory_space<vmem>>, vector<16xi32>,
    %add3A_608 = arith.constant 3 : i32
    %add3A_609 = vector.broadcast %add3A_608 : i32 to vector<16xi32>
    %add3A_610 = arith.addi %mul3A_24, %add3A_609 : vector<16xi32>
    %gather3A_611 = tpu.vector_load_idx %arg6[%add3A_610] : memref<25600xi32, #tpu.memory_space<vmem>>[vector<16xi32>], vector<16xi32>,
    %mul3A_612 = arith.constant 2 : i32
    %mul3A_613 = vector.broadcast %mul3A_612 : i32 to vector<16xi32>
    %mul3A_614 = arith.muli %gather3A_611, %mul3A_613 : vector<16xi32>
    %ge3A_615 = arith.constant 50000 : i32
    %ge3A_616 = vector.broadcast %ge3A_615 : i32 to vector<16xi32>
    %ge3A_617 = arith.cmpi sge, %gather3A_611, %ge3A_616 : vector<16xi32>
    %jit3A_618 = arith.constant 99999 : i32
    %jit3A_619 = arith.constant 0 : i32
    %broadcast_in_dim3A_620 = vector.broadcast %jit3A_618 : i32 to vector<16xi32>
    %broadcast_in_dim3A_621 = vector.broadcast %jit3A_619 : i32 to vector<16xi32>
    %select_n3A_622 = arith.select %ge3A_617, %broadcast_in_dim3A_620, %broadcast_in_dim3A_621 : vector<16xi1>, vector<16xi32>
    %sub3A_623 = arith.subi %mul3A_614, %select_n3A_622 : vector<16xi32>
    %swap3A_624 = arith.constant 3 : i32
    %swap3A_625 = arith.index_cast %swap3A_624 : i32 to index
    %swap3A_626 = arith.constant 32 : index
    %swap3A_627 = tpu.vector_load %arg7[%swap3A_625, %swap3A_626] {strides = array<i32>} : memref<10x128xi32, #tpu.memory_space<vmem>>, vector<16xi32>,
    tpu.vector_store %arg7[%swap3A_625, %swap3A_626], %sub3A_623 {strides = array<i32>} : memref<10x128xi32, #tpu.memory_space<vmem>>, vector<16xi32>,
    %add3A_628 = arith.constant 3 : i32
    %add3A_629 = vector.broadcast %add3A_628 : i32 to vector<16xi32>
    %add3A_630 = arith.addi %mul3A_31, %add3A_629 : vector<16xi32>
    %gather3A_631 = tpu.vector_load_idx %arg6[%add3A_630] : memref<25600xi32, #tpu.memory_space<vmem>>[vector<16xi32>], vector<16xi32>,
    %mul3A_632 = arith.constant 2 : i32
    %mul3A_633 = vector.broadcast %mul3A_632 : i32 to vector<16xi32>
    %mul3A_634 = arith.muli %gather3A_631, %mul3A_633 : vector<16xi32>
    %ge3A_635 = arith.constant 50000 : i32
    %ge3A_636 = vector.broadcast %ge3A_635 : i32 to vector<16xi32>
    %ge3A_637 = arith.cmpi sge, %gather3A_631, %ge3A_636 : vector<16xi32>
    %jit3A_638 = arith.constant 99999 : i32
    %jit3A_639 = arith.constant 0 : i32
    %broadcast_in_dim3A_640 = vector.broadcast %jit3A_638 : i32 to vector<16xi32>
    %broadcast_in_dim3A_641 = vector.broadcast %jit3A_639 : i32 to vector<16xi32>
    %select_n3A_642 = arith.select %ge3A_637, %broadcast_in_dim3A_640, %broadcast_in_dim3A_641 : vector<16xi1>, vector<16xi32>
    %sub3A_643 = arith.subi %mul3A_634, %select_n3A_642 : vector<16xi32>
    %swap3A_644 = arith.constant 3 : i32
    %swap3A_645 = arith.index_cast %swap3A_644 : i32 to index
    %swap3A_646 = arith.constant 48 : index
    %swap3A_647 = tpu.vector_load %arg7[%swap3A_645, %swap3A_646] {strides = array<i32>} : memref<10x128xi32, #tpu.memory_space<vmem>>, vector<16xi32>,
    tpu.vector_store %arg7[%swap3A_645, %swap3A_646], %sub3A_643 {strides = array<i32>} : memref<10x128xi32, #tpu.memory_space<vmem>>, vector<16xi32>,
    %add3A_648 = arith.constant 3 : i32
    %add3A_649 = vector.broadcast %add3A_648 : i32 to vector<16xi32>
    %add3A_650 = arith.addi %mul3A_38, %add3A_649 : vector<16xi32>
    %gather3A_651 = tpu.vector_load_idx %arg6[%add3A_650] : memref<25600xi32, #tpu.memory_space<vmem>>[vector<16xi32>], vector<16xi32>,
    %mul3A_652 = arith.constant 2 : i32
    %mul3A_653 = vector.broadcast %mul3A_652 : i32 to vector<16xi32>
    %mul3A_654 = arith.muli %gather3A_651, %mul3A_653 : vector<16xi32>
    %ge3A_655 = arith.constant 50000 : i32
    %ge3A_656 = vector.broadcast %ge3A_655 : i32 to vector<16xi32>
    %ge3A_657 = arith.cmpi sge, %gather3A_651, %ge3A_656 : vector<16xi32>
    %jit3A_658 = arith.constant 99999 : i32
    %jit3A_659 = arith.constant 0 : i32
    %broadcast_in_dim3A_660 = vector.broadcast %jit3A_658 : i32 to vector<16xi32>
    %broadcast_in_dim3A_661 = vector.broadcast %jit3A_659 : i32 to vector<16xi32>
    %select_n3A_662 = arith.select %ge3A_657, %broadcast_in_dim3A_660, %broadcast_in_dim3A_661 : vector<16xi1>, vector<16xi32>
    %sub3A_663 = arith.subi %mul3A_654, %select_n3A_662 : vector<16xi32>
    %swap3A_664 = arith.constant 3 : i32
    %swap3A_665 = arith.index_cast %swap3A_664 : i32 to index
    %swap3A_666 = arith.constant 64 : index
    %swap3A_667 = tpu.vector_load %arg7[%swap3A_665, %swap3A_666] {strides = array<i32>} : memref<10x128xi32, #tpu.memory_space<vmem>>, vector<16xi32>,
    tpu.vector_store %arg7[%swap3A_665, %swap3A_666], %sub3A_663 {strides = array<i32>} : memref<10x128xi32, #tpu.memory_space<vmem>>, vector<16xi32>,
    %add3A_668 = arith.constant 3 : i32
    %add3A_669 = vector.broadcast %add3A_668 : i32 to vector<16xi32>
    %add3A_670 = arith.addi %mul3A_45, %add3A_669 : vector<16xi32>
    %gather3A_671 = tpu.vector_load_idx %arg6[%add3A_670] : memref<25600xi32, #tpu.memory_space<vmem>>[vector<16xi32>], vector<16xi32>,
    %mul3A_672 = arith.constant 2 : i32
    %mul3A_673 = vector.broadcast %mul3A_672 : i32 to vector<16xi32>
    %mul3A_674 = arith.muli %gather3A_671, %mul3A_673 : vector<16xi32>
    %ge3A_675 = arith.constant 50000 : i32
    %ge3A_676 = vector.broadcast %ge3A_675 : i32 to vector<16xi32>
    %ge3A_677 = arith.cmpi sge, %gather3A_671, %ge3A_676 : vector<16xi32>
    %jit3A_678 = arith.constant 99999 : i32
    %jit3A_679 = arith.constant 0 : i32
    %broadcast_in_dim3A_680 = vector.broadcast %jit3A_678 : i32 to vector<16xi32>
    %broadcast_in_dim3A_681 = vector.broadcast %jit3A_679 : i32 to vector<16xi32>
    %select_n3A_682 = arith.select %ge3A_677, %broadcast_in_dim3A_680, %broadcast_in_dim3A_681 : vector<16xi1>, vector<16xi32>
    %sub3A_683 = arith.subi %mul3A_674, %select_n3A_682 : vector<16xi32>
    %swap3A_684 = arith.constant 3 : i32
    %swap3A_685 = arith.index_cast %swap3A_684 : i32 to index
    %swap3A_686 = arith.constant 80 : index
    %swap3A_687 = tpu.vector_load %arg7[%swap3A_685, %swap3A_686] {strides = array<i32>} : memref<10x128xi32, #tpu.memory_space<vmem>>, vector<16xi32>,
    tpu.vector_store %arg7[%swap3A_685, %swap3A_686], %sub3A_683 {strides = array<i32>} : memref<10x128xi32, #tpu.memory_space<vmem>>, vector<16xi32>,
    %add3A_688 = arith.constant 3 : i32
    %add3A_689 = vector.broadcast %add3A_688 : i32 to vector<16xi32>
    %add3A_690 = arith.addi %mul3A_52, %add3A_689 : vector<16xi32>
    %gather3A_691 = tpu.vector_load_idx %arg6[%add3A_690] : memref<25600xi32, #tpu.memory_space<vmem>>[vector<16xi32>], vector<16xi32>,
    %mul3A_692 = arith.constant 2 : i32
    %mul3A_693 = vector.broadcast %mul3A_692 : i32 to vector<16xi32>
    %mul3A_694 = arith.muli %gather3A_691, %mul3A_693 : vector<16xi32>
    %ge3A_695 = arith.constant 50000 : i32
    %ge3A_696 = vector.broadcast %ge3A_695 : i32 to vector<16xi32>
    %ge3A_697 = arith.cmpi sge, %gather3A_691, %ge3A_696 : vector<16xi32>
    %jit3A_698 = arith.constant 99999 : i32
    %jit3A_699 = arith.constant 0 : i32
    %broadcast_in_dim3A_700 = vector.broadcast %jit3A_698 : i32 to vector<16xi32>
    %broadcast_in_dim3A_701 = vector.broadcast %jit3A_699 : i32 to vector<16xi32>
    %select_n3A_702 = arith.select %ge3A_697, %broadcast_in_dim3A_700, %broadcast_in_dim3A_701 : vector<16xi1>, vector<16xi32>
    %sub3A_703 = arith.subi %mul3A_694, %select_n3A_702 : vector<16xi32>
    %swap3A_704 = arith.constant 3 : i32
    %swap3A_705 = arith.index_cast %swap3A_704 : i32 to index
    %swap3A_706 = arith.constant 96 : index
    %swap3A_707 = tpu.vector_load %arg7[%swap3A_705, %swap3A_706] {strides = array<i32>} : memref<10x128xi32, #tpu.memory_space<vmem>>, vector<16xi32>,
    tpu.vector_store %arg7[%swap3A_705, %swap3A_706], %sub3A_703 {strides = array<i32>} : memref<10x128xi32, #tpu.memory_space<vmem>>, vector<16xi32>,
    %add3A_708 = arith.constant 3 : i32
    %add3A_709 = vector.broadcast %add3A_708 : i32 to vector<16xi32>
    %add3A_710 = arith.addi %mul3A_59, %add3A_709 : vector<16xi32>
    %gather3A_711 = tpu.vector_load_idx %arg6[%add3A_710] : memref<25600xi32, #tpu.memory_space<vmem>>[vector<16xi32>], vector<16xi32>,
    %mul3A_712 = arith.constant 2 : i32
    %mul3A_713 = vector.broadcast %mul3A_712 : i32 to vector<16xi32>
    %mul3A_714 = arith.muli %gather3A_711, %mul3A_713 : vector<16xi32>
    %ge3A_715 = arith.constant 50000 : i32
    %ge3A_716 = vector.broadcast %ge3A_715 : i32 to vector<16xi32>
    %ge3A_717 = arith.cmpi sge, %gather3A_711, %ge3A_716 : vector<16xi32>
    %jit3A_718 = arith.constant 99999 : i32
    %jit3A_719 = arith.constant 0 : i32
    %broadcast_in_dim3A_720 = vector.broadcast %jit3A_718 : i32 to vector<16xi32>
    %broadcast_in_dim3A_721 = vector.broadcast %jit3A_719 : i32 to vector<16xi32>
    %select_n3A_722 = arith.select %ge3A_717, %broadcast_in_dim3A_720, %broadcast_in_dim3A_721 : vector<16xi1>, vector<16xi32>
    %sub3A_723 = arith.subi %mul3A_714, %select_n3A_722 : vector<16xi32>
    %swap3A_724 = arith.constant 3 : i32
    %swap3A_725 = arith.index_cast %swap3A_724 : i32 to index
    %swap3A_726 = arith.constant 112 : index
    %swap3A_727 = tpu.vector_load %arg7[%swap3A_725, %swap3A_726] {strides = array<i32>} : memref<10x128xi32, #tpu.memory_space<vmem>>, vector<16xi32>,
    tpu.vector_store %arg7[%swap3A_725, %swap3A_726], %sub3A_723 {strides = array<i32>} : memref<10x128xi32, #tpu.memory_space<vmem>>, vector<16xi32>,
    %dma_start3A_728 = arith.constant 3 : i32
    %dma_start3A_729 = arith.constant 3 : i32
    %dma_start3A_730 = arith.constant 0 : i32
    %dma_start3A_731 = arith.constant 0 : i32
    %dma_start3A_732 = tpu.memref_slice %arg8[%dma_start3A_729, %dma_start3A_730, %dma_start3A_731] : memref<10x128x64xf32, #tpu.memory_space<vmem>> -> memref<1x128x64xf32, #tpu.memory_space<vmem>>
    %dma_start3A_733 = tpu.memref_squeeze %dma_start3A_732 : memref<1x128x64xf32, #tpu.memory_space<vmem>> -> memref<128x64xf32, #tpu.memory_space<vmem>>
    %dma_start3A_734 = arith.constant 0 : i32
    %dma_start3A_735 = tpu.memref_slice %arg7[%dma_start3A_728, %dma_start3A_734] : memref<10x128xi32, #tpu.memory_space<vmem>> -> memref<1x128xi32, #tpu.memory_space<vmem>>
    %dma_start3A_736 = tpu.memref_squeeze %dma_start3A_735 : memref<1x128xi32, #tpu.memory_space<vmem>> -> memref<128xi32, #tpu.memory_space<vmem>>
    %dma_start3A_737 = arith.constant 0 : i32
    %dma_start3A_738 = arith.constant 0 : i32
    %dma_start3A_739 = tpu.memref_slice %arg3[%dma_start3A_737, %dma_start3A_738] : memref<100000x64xf32, #tpu.memory_space<hbm>> -> memref<100000x64xf32, #tpu.memory_space<hbm>>
    tpu.enqueue_indirect_dma source(%dma_start3A_739 : memref<100000x64xf32, #tpu.memory_space<hbm>>) target(%dma_start3A_733 : memref<128x64xf32, #tpu.memory_space<vmem>>) offsets(%dma_start3A_736 : memref<128xi32, #tpu.memory_space<vmem>>) semaphore(%arg13 : memref<!tpu.dma_semaphore, #tpu.memory_space<semaphore_mem>>)
    %add3A_740 = arith.constant 4 : i32
    %add3A_741 = vector.broadcast %add3A_740 : i32 to vector<16xi32>
    %add3A_742 = arith.addi %mul3A_10, %add3A_741 : vector<16xi32>
    %gather3A_743 = tpu.vector_load_idx %arg6[%add3A_742] : memref<25600xi32, #tpu.memory_space<vmem>>[vector<16xi32>], vector<16xi32>,
    %mul3A_744 = arith.constant 2 : i32
    %mul3A_745 = vector.broadcast %mul3A_744 : i32 to vector<16xi32>
    %mul3A_746 = arith.muli %gather3A_743, %mul3A_745 : vector<16xi32>
    %ge3A_747 = arith.constant 50000 : i32
    %ge3A_748 = vector.broadcast %ge3A_747 : i32 to vector<16xi32>
    %ge3A_749 = arith.cmpi sge, %gather3A_743, %ge3A_748 : vector<16xi32>
    %jit3A_750 = arith.constant 99999 : i32
    %jit3A_751 = arith.constant 0 : i32
    %broadcast_in_dim3A_752 = vector.broadcast %jit3A_750 : i32 to vector<16xi32>
    %broadcast_in_dim3A_753 = vector.broadcast %jit3A_751 : i32 to vector<16xi32>
    %select_n3A_754 = arith.select %ge3A_749, %broadcast_in_dim3A_752, %broadcast_in_dim3A_753 : vector<16xi1>, vector<16xi32>
    %sub3A_755 = arith.subi %mul3A_746, %select_n3A_754 : vector<16xi32>
    %swap3A_756 = arith.constant 4 : i32
    %swap3A_757 = arith.index_cast %swap3A_756 : i32 to index
    %swap3A_758 = arith.constant 0 : index
    %swap3A_759 = tpu.vector_load %arg7[%swap3A_757, %swap3A_758] {strides = array<i32>} : memref<10x128xi32, #tpu.memory_space<vmem>>, vector<16xi32>,
    tpu.vector_store %arg7[%swap3A_757, %swap3A_758], %sub3A_755 {strides = array<i32>} : memref<10x128xi32, #tpu.memory_space<vmem>>, vector<16xi32>,
    %add3A_760 = arith.constant 4 : i32
    %add3A_761 = vector.broadcast %add3A_760 : i32 to vector<16xi32>
    %add3A_762 = arith.addi %mul3A_17, %add3A_761 : vector<16xi32>
    %gather3A_763 = tpu.vector_load_idx %arg6[%add3A_762] : memref<25600xi32, #tpu.memory_space<vmem>>[vector<16xi32>], vector<16xi32>,
    %mul3A_764 = arith.constant 2 : i32
    %mul3A_765 = vector.broadcast %mul3A_764 : i32 to vector<16xi32>
    %mul3A_766 = arith.muli %gather3A_763, %mul3A_765 : vector<16xi32>
    %ge3A_767 = arith.constant 50000 : i32
    %ge3A_768 = vector.broadcast %ge3A_767 : i32 to vector<16xi32>
    %ge3A_769 = arith.cmpi sge, %gather3A_763, %ge3A_768 : vector<16xi32>
    %jit3A_770 = arith.constant 99999 : i32
    %jit3A_771 = arith.constant 0 : i32
    %broadcast_in_dim3A_772 = vector.broadcast %jit3A_770 : i32 to vector<16xi32>
    %broadcast_in_dim3A_773 = vector.broadcast %jit3A_771 : i32 to vector<16xi32>
    %select_n3A_774 = arith.select %ge3A_769, %broadcast_in_dim3A_772, %broadcast_in_dim3A_773 : vector<16xi1>, vector<16xi32>
    %sub3A_775 = arith.subi %mul3A_766, %select_n3A_774 : vector<16xi32>
    %swap3A_776 = arith.constant 4 : i32
    %swap3A_777 = arith.index_cast %swap3A_776 : i32 to index
    %swap3A_778 = arith.constant 16 : index
    %swap3A_779 = tpu.vector_load %arg7[%swap3A_777, %swap3A_778] {strides = array<i32>} : memref<10x128xi32, #tpu.memory_space<vmem>>, vector<16xi32>,
    tpu.vector_store %arg7[%swap3A_777, %swap3A_778], %sub3A_775 {strides = array<i32>} : memref<10x128xi32, #tpu.memory_space<vmem>>, vector<16xi32>,
    %add3A_780 = arith.constant 4 : i32
    %add3A_781 = vector.broadcast %add3A_780 : i32 to vector<16xi32>
    %add3A_782 = arith.addi %mul3A_24, %add3A_781 : vector<16xi32>
    %gather3A_783 = tpu.vector_load_idx %arg6[%add3A_782] : memref<25600xi32, #tpu.memory_space<vmem>>[vector<16xi32>], vector<16xi32>,
    %mul3A_784 = arith.constant 2 : i32
    %mul3A_785 = vector.broadcast %mul3A_784 : i32 to vector<16xi32>
    %mul3A_786 = arith.muli %gather3A_783, %mul3A_785 : vector<16xi32>
    %ge3A_787 = arith.constant 50000 : i32
    %ge3A_788 = vector.broadcast %ge3A_787 : i32 to vector<16xi32>
    %ge3A_789 = arith.cmpi sge, %gather3A_783, %ge3A_788 : vector<16xi32>
    %jit3A_790 = arith.constant 99999 : i32
    %jit3A_791 = arith.constant 0 : i32
    %broadcast_in_dim3A_792 = vector.broadcast %jit3A_790 : i32 to vector<16xi32>
    %broadcast_in_dim3A_793 = vector.broadcast %jit3A_791 : i32 to vector<16xi32>
    %select_n3A_794 = arith.select %ge3A_789, %broadcast_in_dim3A_792, %broadcast_in_dim3A_793 : vector<16xi1>, vector<16xi32>
    %sub3A_795 = arith.subi %mul3A_786, %select_n3A_794 : vector<16xi32>
    %swap3A_796 = arith.constant 4 : i32
    %swap3A_797 = arith.index_cast %swap3A_796 : i32 to index
    %swap3A_798 = arith.constant 32 : index
    %swap3A_799 = tpu.vector_load %arg7[%swap3A_797, %swap3A_798] {strides = array<i32>} : memref<10x128xi32, #tpu.memory_space<vmem>>, vector<16xi32>,
    tpu.vector_store %arg7[%swap3A_797, %swap3A_798], %sub3A_795 {strides = array<i32>} : memref<10x128xi32, #tpu.memory_space<vmem>>, vector<16xi32>,
    %add3A_800 = arith.constant 4 : i32
    %add3A_801 = vector.broadcast %add3A_800 : i32 to vector<16xi32>
    %add3A_802 = arith.addi %mul3A_31, %add3A_801 : vector<16xi32>
    %gather3A_803 = tpu.vector_load_idx %arg6[%add3A_802] : memref<25600xi32, #tpu.memory_space<vmem>>[vector<16xi32>], vector<16xi32>,
    %mul3A_804 = arith.constant 2 : i32
    %mul3A_805 = vector.broadcast %mul3A_804 : i32 to vector<16xi32>
    %mul3A_806 = arith.muli %gather3A_803, %mul3A_805 : vector<16xi32>
    %ge3A_807 = arith.constant 50000 : i32
    %ge3A_808 = vector.broadcast %ge3A_807 : i32 to vector<16xi32>
    %ge3A_809 = arith.cmpi sge, %gather3A_803, %ge3A_808 : vector<16xi32>
    %jit3A_810 = arith.constant 99999 : i32
    %jit3A_811 = arith.constant 0 : i32
    %broadcast_in_dim3A_812 = vector.broadcast %jit3A_810 : i32 to vector<16xi32>
    %broadcast_in_dim3A_813 = vector.broadcast %jit3A_811 : i32 to vector<16xi32>
    %select_n3A_814 = arith.select %ge3A_809, %broadcast_in_dim3A_812, %broadcast_in_dim3A_813 : vector<16xi1>, vector<16xi32>
    %sub3A_815 = arith.subi %mul3A_806, %select_n3A_814 : vector<16xi32>
    %swap3A_816 = arith.constant 4 : i32
    %swap3A_817 = arith.index_cast %swap3A_816 : i32 to index
    %swap3A_818 = arith.constant 48 : index
    %swap3A_819 = tpu.vector_load %arg7[%swap3A_817, %swap3A_818] {strides = array<i32>} : memref<10x128xi32, #tpu.memory_space<vmem>>, vector<16xi32>,
    tpu.vector_store %arg7[%swap3A_817, %swap3A_818], %sub3A_815 {strides = array<i32>} : memref<10x128xi32, #tpu.memory_space<vmem>>, vector<16xi32>,
    %add3A_820 = arith.constant 4 : i32
    %add3A_821 = vector.broadcast %add3A_820 : i32 to vector<16xi32>
    %add3A_822 = arith.addi %mul3A_38, %add3A_821 : vector<16xi32>
    %gather3A_823 = tpu.vector_load_idx %arg6[%add3A_822] : memref<25600xi32, #tpu.memory_space<vmem>>[vector<16xi32>], vector<16xi32>,
    %mul3A_824 = arith.constant 2 : i32
    %mul3A_825 = vector.broadcast %mul3A_824 : i32 to vector<16xi32>
    %mul3A_826 = arith.muli %gather3A_823, %mul3A_825 : vector<16xi32>
    %ge3A_827 = arith.constant 50000 : i32
    %ge3A_828 = vector.broadcast %ge3A_827 : i32 to vector<16xi32>
    %ge3A_829 = arith.cmpi sge, %gather3A_823, %ge3A_828 : vector<16xi32>
    %jit3A_830 = arith.constant 99999 : i32
    %jit3A_831 = arith.constant 0 : i32
    %broadcast_in_dim3A_832 = vector.broadcast %jit3A_830 : i32 to vector<16xi32>
    %broadcast_in_dim3A_833 = vector.broadcast %jit3A_831 : i32 to vector<16xi32>
    %select_n3A_834 = arith.select %ge3A_829, %broadcast_in_dim3A_832, %broadcast_in_dim3A_833 : vector<16xi1>, vector<16xi32>
    %sub3A_835 = arith.subi %mul3A_826, %select_n3A_834 : vector<16xi32>
    %swap3A_836 = arith.constant 4 : i32
    %swap3A_837 = arith.index_cast %swap3A_836 : i32 to index
    %swap3A_838 = arith.constant 64 : index
    %swap3A_839 = tpu.vector_load %arg7[%swap3A_837, %swap3A_838] {strides = array<i32>} : memref<10x128xi32, #tpu.memory_space<vmem>>, vector<16xi32>,
    tpu.vector_store %arg7[%swap3A_837, %swap3A_838], %sub3A_835 {strides = array<i32>} : memref<10x128xi32, #tpu.memory_space<vmem>>, vector<16xi32>,
    %add3A_840 = arith.constant 4 : i32
    %add3A_841 = vector.broadcast %add3A_840 : i32 to vector<16xi32>
    %add3A_842 = arith.addi %mul3A_45, %add3A_841 : vector<16xi32>
    %gather3A_843 = tpu.vector_load_idx %arg6[%add3A_842] : memref<25600xi32, #tpu.memory_space<vmem>>[vector<16xi32>], vector<16xi32>,
    %mul3A_844 = arith.constant 2 : i32
    %mul3A_845 = vector.broadcast %mul3A_844 : i32 to vector<16xi32>
    %mul3A_846 = arith.muli %gather3A_843, %mul3A_845 : vector<16xi32>
    %ge3A_847 = arith.constant 50000 : i32
    %ge3A_848 = vector.broadcast %ge3A_847 : i32 to vector<16xi32>
    %ge3A_849 = arith.cmpi sge, %gather3A_843, %ge3A_848 : vector<16xi32>
    %jit3A_850 = arith.constant 99999 : i32
    %jit3A_851 = arith.constant 0 : i32
    %broadcast_in_dim3A_852 = vector.broadcast %jit3A_850 : i32 to vector<16xi32>
    %broadcast_in_dim3A_853 = vector.broadcast %jit3A_851 : i32 to vector<16xi32>
    %select_n3A_854 = arith.select %ge3A_849, %broadcast_in_dim3A_852, %broadcast_in_dim3A_853 : vector<16xi1>, vector<16xi32>
    %sub3A_855 = arith.subi %mul3A_846, %select_n3A_854 : vector<16xi32>
    %swap3A_856 = arith.constant 4 : i32
    %swap3A_857 = arith.index_cast %swap3A_856 : i32 to index
    %swap3A_858 = arith.constant 80 : index
    %swap3A_859 = tpu.vector_load %arg7[%swap3A_857, %swap3A_858] {strides = array<i32>} : memref<10x128xi32, #tpu.memory_space<vmem>>, vector<16xi32>,
    tpu.vector_store %arg7[%swap3A_857, %swap3A_858], %sub3A_855 {strides = array<i32>} : memref<10x128xi32, #tpu.memory_space<vmem>>, vector<16xi32>,
    %add3A_860 = arith.constant 4 : i32
    %add3A_861 = vector.broadcast %add3A_860 : i32 to vector<16xi32>
    %add3A_862 = arith.addi %mul3A_52, %add3A_861 : vector<16xi32>
    %gather3A_863 = tpu.vector_load_idx %arg6[%add3A_862] : memref<25600xi32, #tpu.memory_space<vmem>>[vector<16xi32>], vector<16xi32>,
    %mul3A_864 = arith.constant 2 : i32
    %mul3A_865 = vector.broadcast %mul3A_864 : i32 to vector<16xi32>
    %mul3A_866 = arith.muli %gather3A_863, %mul3A_865 : vector<16xi32>
    %ge3A_867 = arith.constant 50000 : i32
    %ge3A_868 = vector.broadcast %ge3A_867 : i32 to vector<16xi32>
    %ge3A_869 = arith.cmpi sge, %gather3A_863, %ge3A_868 : vector<16xi32>
    %jit3A_870 = arith.constant 99999 : i32
    %jit3A_871 = arith.constant 0 : i32
    %broadcast_in_dim3A_872 = vector.broadcast %jit3A_870 : i32 to vector<16xi32>
    %broadcast_in_dim3A_873 = vector.broadcast %jit3A_871 : i32 to vector<16xi32>
    %select_n3A_874 = arith.select %ge3A_869, %broadcast_in_dim3A_872, %broadcast_in_dim3A_873 : vector<16xi1>, vector<16xi32>
    %sub3A_875 = arith.subi %mul3A_866, %select_n3A_874 : vector<16xi32>
    %swap3A_876 = arith.constant 4 : i32
    %swap3A_877 = arith.index_cast %swap3A_876 : i32 to index
    %swap3A_878 = arith.constant 96 : index
    %swap3A_879 = tpu.vector_load %arg7[%swap3A_877, %swap3A_878] {strides = array<i32>} : memref<10x128xi32, #tpu.memory_space<vmem>>, vector<16xi32>,
    tpu.vector_store %arg7[%swap3A_877, %swap3A_878], %sub3A_875 {strides = array<i32>} : memref<10x128xi32, #tpu.memory_space<vmem>>, vector<16xi32>,
    %add3A_880 = arith.constant 4 : i32
    %add3A_881 = vector.broadcast %add3A_880 : i32 to vector<16xi32>
    %add3A_882 = arith.addi %mul3A_59, %add3A_881 : vector<16xi32>
    %gather3A_883 = tpu.vector_load_idx %arg6[%add3A_882] : memref<25600xi32, #tpu.memory_space<vmem>>[vector<16xi32>], vector<16xi32>,
    %mul3A_884 = arith.constant 2 : i32
    %mul3A_885 = vector.broadcast %mul3A_884 : i32 to vector<16xi32>
    %mul3A_886 = arith.muli %gather3A_883, %mul3A_885 : vector<16xi32>
    %ge3A_887 = arith.constant 50000 : i32
    %ge3A_888 = vector.broadcast %ge3A_887 : i32 to vector<16xi32>
    %ge3A_889 = arith.cmpi sge, %gather3A_883, %ge3A_888 : vector<16xi32>
    %jit3A_890 = arith.constant 99999 : i32
    %jit3A_891 = arith.constant 0 : i32
    %broadcast_in_dim3A_892 = vector.broadcast %jit3A_890 : i32 to vector<16xi32>
    %broadcast_in_dim3A_893 = vector.broadcast %jit3A_891 : i32 to vector<16xi32>
    %select_n3A_894 = arith.select %ge3A_889, %broadcast_in_dim3A_892, %broadcast_in_dim3A_893 : vector<16xi1>, vector<16xi32>
    %sub3A_895 = arith.subi %mul3A_886, %select_n3A_894 : vector<16xi32>
    %swap3A_896 = arith.constant 4 : i32
    %swap3A_897 = arith.index_cast %swap3A_896 : i32 to index
    %swap3A_898 = arith.constant 112 : index
    %swap3A_899 = tpu.vector_load %arg7[%swap3A_897, %swap3A_898] {strides = array<i32>} : memref<10x128xi32, #tpu.memory_space<vmem>>, vector<16xi32>,
    tpu.vector_store %arg7[%swap3A_897, %swap3A_898], %sub3A_895 {strides = array<i32>} : memref<10x128xi32, #tpu.memory_space<vmem>>, vector<16xi32>,
    %dma_start3A_900 = arith.constant 4 : i32
    %dma_start3A_901 = arith.constant 4 : i32
    %dma_start3A_902 = arith.constant 0 : i32
    %dma_start3A_903 = arith.constant 0 : i32
    %dma_start3A_904 = tpu.memref_slice %arg8[%dma_start3A_901, %dma_start3A_902, %dma_start3A_903] : memref<10x128x64xf32, #tpu.memory_space<vmem>> -> memref<1x128x64xf32, #tpu.memory_space<vmem>>
    %dma_start3A_905 = tpu.memref_squeeze %dma_start3A_904 : memref<1x128x64xf32, #tpu.memory_space<vmem>> -> memref<128x64xf32, #tpu.memory_space<vmem>>
    %dma_start3A_906 = arith.constant 0 : i32
    %dma_start3A_907 = tpu.memref_slice %arg7[%dma_start3A_900, %dma_start3A_906] : memref<10x128xi32, #tpu.memory_space<vmem>> -> memref<1x128xi32, #tpu.memory_space<vmem>>
    %dma_start3A_908 = tpu.memref_squeeze %dma_start3A_907 : memref<1x128xi32, #tpu.memory_space<vmem>> -> memref<128xi32, #tpu.memory_space<vmem>>
    %dma_start3A_909 = arith.constant 0 : i32
    %dma_start3A_910 = arith.constant 0 : i32
    %dma_start3A_911 = tpu.memref_slice %arg3[%dma_start3A_909, %dma_start3A_910] : memref<100000x64xf32, #tpu.memory_space<hbm>> -> memref<100000x64xf32, #tpu.memory_space<hbm>>
    tpu.enqueue_indirect_dma source(%dma_start3A_911 : memref<100000x64xf32, #tpu.memory_space<hbm>>) target(%dma_start3A_905 : memref<128x64xf32, #tpu.memory_space<vmem>>) offsets(%dma_start3A_908 : memref<128xi32, #tpu.memory_space<vmem>>) semaphore(%arg14 : memref<!tpu.dma_semaphore, #tpu.memory_space<semaphore_mem>>)
    %add3A_912 = arith.constant 5 : i32
    %add3A_913 = vector.broadcast %add3A_912 : i32 to vector<16xi32>
    %add3A_914 = arith.addi %mul3A_10, %add3A_913 : vector<16xi32>
    %gather3A_915 = tpu.vector_load_idx %arg6[%add3A_914] : memref<25600xi32, #tpu.memory_space<vmem>>[vector<16xi32>], vector<16xi32>,
    %mul3A_916 = arith.constant 2 : i32
    %mul3A_917 = vector.broadcast %mul3A_916 : i32 to vector<16xi32>
    %mul3A_918 = arith.muli %gather3A_915, %mul3A_917 : vector<16xi32>
    %ge3A_919 = arith.constant 50000 : i32
    %ge3A_920 = vector.broadcast %ge3A_919 : i32 to vector<16xi32>
    %ge3A_921 = arith.cmpi sge, %gather3A_915, %ge3A_920 : vector<16xi32>
    %jit3A_922 = arith.constant 99999 : i32
    %jit3A_923 = arith.constant 0 : i32
    %broadcast_in_dim3A_924 = vector.broadcast %jit3A_922 : i32 to vector<16xi32>
    %broadcast_in_dim3A_925 = vector.broadcast %jit3A_923 : i32 to vector<16xi32>
    %select_n3A_926 = arith.select %ge3A_921, %broadcast_in_dim3A_924, %broadcast_in_dim3A_925 : vector<16xi1>, vector<16xi32>
    %sub3A_927 = arith.subi %mul3A_918, %select_n3A_926 : vector<16xi32>
    %swap3A_928 = arith.constant 5 : i32
    %swap3A_929 = arith.index_cast %swap3A_928 : i32 to index
    %swap3A_930 = arith.constant 0 : index
    %swap3A_931 = tpu.vector_load %arg7[%swap3A_929, %swap3A_930] {strides = array<i32>} : memref<10x128xi32, #tpu.memory_space<vmem>>, vector<16xi32>,
    tpu.vector_store %arg7[%swap3A_929, %swap3A_930], %sub3A_927 {strides = array<i32>} : memref<10x128xi32, #tpu.memory_space<vmem>>, vector<16xi32>,
    %add3A_932 = arith.constant 5 : i32
    %add3A_933 = vector.broadcast %add3A_932 : i32 to vector<16xi32>
    %add3A_934 = arith.addi %mul3A_17, %add3A_933 : vector<16xi32>
    %gather3A_935 = tpu.vector_load_idx %arg6[%add3A_934] : memref<25600xi32, #tpu.memory_space<vmem>>[vector<16xi32>], vector<16xi32>,
    %mul3A_936 = arith.constant 2 : i32
    %mul3A_937 = vector.broadcast %mul3A_936 : i32 to vector<16xi32>
    %mul3A_938 = arith.muli %gather3A_935, %mul3A_937 : vector<16xi32>
    %ge3A_939 = arith.constant 50000 : i32
    %ge3A_940 = vector.broadcast %ge3A_939 : i32 to vector<16xi32>
    %ge3A_941 = arith.cmpi sge, %gather3A_935, %ge3A_940 : vector<16xi32>
    %jit3A_942 = arith.constant 99999 : i32
    %jit3A_943 = arith.constant 0 : i32
    %broadcast_in_dim3A_944 = vector.broadcast %jit3A_942 : i32 to vector<16xi32>
    %broadcast_in_dim3A_945 = vector.broadcast %jit3A_943 : i32 to vector<16xi32>
    %select_n3A_946 = arith.select %ge3A_941, %broadcast_in_dim3A_944, %broadcast_in_dim3A_945 : vector<16xi1>, vector<16xi32>
    %sub3A_947 = arith.subi %mul3A_938, %select_n3A_946 : vector<16xi32>
    %swap3A_948 = arith.constant 5 : i32
    %swap3A_949 = arith.index_cast %swap3A_948 : i32 to index
    %swap3A_950 = arith.constant 16 : index
    %swap3A_951 = tpu.vector_load %arg7[%swap3A_949, %swap3A_950] {strides = array<i32>} : memref<10x128xi32, #tpu.memory_space<vmem>>, vector<16xi32>,
    tpu.vector_store %arg7[%swap3A_949, %swap3A_950], %sub3A_947 {strides = array<i32>} : memref<10x128xi32, #tpu.memory_space<vmem>>, vector<16xi32>,
    %add3A_952 = arith.constant 5 : i32
    %add3A_953 = vector.broadcast %add3A_952 : i32 to vector<16xi32>
    %add3A_954 = arith.addi %mul3A_24, %add3A_953 : vector<16xi32>
    %gather3A_955 = tpu.vector_load_idx %arg6[%add3A_954] : memref<25600xi32, #tpu.memory_space<vmem>>[vector<16xi32>], vector<16xi32>,
    %mul3A_956 = arith.constant 2 : i32
    %mul3A_957 = vector.broadcast %mul3A_956 : i32 to vector<16xi32>
    %mul3A_958 = arith.muli %gather3A_955, %mul3A_957 : vector<16xi32>
    %ge3A_959 = arith.constant 50000 : i32
    %ge3A_960 = vector.broadcast %ge3A_959 : i32 to vector<16xi32>
    %ge3A_961 = arith.cmpi sge, %gather3A_955, %ge3A_960 : vector<16xi32>
    %jit3A_962 = arith.constant 99999 : i32
    %jit3A_963 = arith.constant 0 : i32
    %broadcast_in_dim3A_964 = vector.broadcast %jit3A_962 : i32 to vector<16xi32>
    %broadcast_in_dim3A_965 = vector.broadcast %jit3A_963 : i32 to vector<16xi32>
    %select_n3A_966 = arith.select %ge3A_961, %broadcast_in_dim3A_964, %broadcast_in_dim3A_965 : vector<16xi1>, vector<16xi32>
    %sub3A_967 = arith.subi %mul3A_958, %select_n3A_966 : vector<16xi32>
    %swap3A_968 = arith.constant 5 : i32
    %swap3A_969 = arith.index_cast %swap3A_968 : i32 to index
    %swap3A_970 = arith.constant 32 : index
    %swap3A_971 = tpu.vector_load %arg7[%swap3A_969, %swap3A_970] {strides = array<i32>} : memref<10x128xi32, #tpu.memory_space<vmem>>, vector<16xi32>,
    tpu.vector_store %arg7[%swap3A_969, %swap3A_970], %sub3A_967 {strides = array<i32>} : memref<10x128xi32, #tpu.memory_space<vmem>>, vector<16xi32>,
    %add3A_972 = arith.constant 5 : i32
    %add3A_973 = vector.broadcast %add3A_972 : i32 to vector<16xi32>
    %add3A_974 = arith.addi %mul3A_31, %add3A_973 : vector<16xi32>
    %gather3A_975 = tpu.vector_load_idx %arg6[%add3A_974] : memref<25600xi32, #tpu.memory_space<vmem>>[vector<16xi32>], vector<16xi32>,
    %mul3A_976 = arith.constant 2 : i32
    %mul3A_977 = vector.broadcast %mul3A_976 : i32 to vector<16xi32>
    %mul3A_978 = arith.muli %gather3A_975, %mul3A_977 : vector<16xi32>
    %ge3A_979 = arith.constant 50000 : i32
    %ge3A_980 = vector.broadcast %ge3A_979 : i32 to vector<16xi32>
    %ge3A_981 = arith.cmpi sge, %gather3A_975, %ge3A_980 : vector<16xi32>
    %jit3A_982 = arith.constant 99999 : i32
    %jit3A_983 = arith.constant 0 : i32
    %broadcast_in_dim3A_984 = vector.broadcast %jit3A_982 : i32 to vector<16xi32>
    %broadcast_in_dim3A_985 = vector.broadcast %jit3A_983 : i32 to vector<16xi32>
    %select_n3A_986 = arith.select %ge3A_981, %broadcast_in_dim3A_984, %broadcast_in_dim3A_985 : vector<16xi1>, vector<16xi32>
    %sub3A_987 = arith.subi %mul3A_978, %select_n3A_986 : vector<16xi32>
    %swap3A_988 = arith.constant 5 : i32
    %swap3A_989 = arith.index_cast %swap3A_988 : i32 to index
    %swap3A_990 = arith.constant 48 : index
    %swap3A_991 = tpu.vector_load %arg7[%swap3A_989, %swap3A_990] {strides = array<i32>} : memref<10x128xi32, #tpu.memory_space<vmem>>, vector<16xi32>,
    tpu.vector_store %arg7[%swap3A_989, %swap3A_990], %sub3A_987 {strides = array<i32>} : memref<10x128xi32, #tpu.memory_space<vmem>>, vector<16xi32>,
    %add3A_992 = arith.constant 5 : i32
    %add3A_993 = vector.broadcast %add3A_992 : i32 to vector<16xi32>
    %add3A_994 = arith.addi %mul3A_38, %add3A_993 : vector<16xi32>
    %gather3A_995 = tpu.vector_load_idx %arg6[%add3A_994] : memref<25600xi32, #tpu.memory_space<vmem>>[vector<16xi32>], vector<16xi32>,
    %mul3A_996 = arith.constant 2 : i32
    %mul3A_997 = vector.broadcast %mul3A_996 : i32 to vector<16xi32>
    %mul3A_998 = arith.muli %gather3A_995, %mul3A_997 : vector<16xi32>
    %ge3A_999 = arith.constant 50000 : i32
    %ge3A_1000 = vector.broadcast %ge3A_999 : i32 to vector<16xi32>
    %ge3A_1001 = arith.cmpi sge, %gather3A_995, %ge3A_1000 : vector<16xi32>
    %jit3A_1002 = arith.constant 99999 : i32
    %jit3A_1003 = arith.constant 0 : i32
    %broadcast_in_dim3A_1004 = vector.broadcast %jit3A_1002 : i32 to vector<16xi32>
    %broadcast_in_dim3A_1005 = vector.broadcast %jit3A_1003 : i32 to vector<16xi32>
    %select_n3A_1006 = arith.select %ge3A_1001, %broadcast_in_dim3A_1004, %broadcast_in_dim3A_1005 : vector<16xi1>, vector<16xi32>
    %sub3A_1007 = arith.subi %mul3A_998, %select_n3A_1006 : vector<16xi32>
    %swap3A_1008 = arith.constant 5 : i32
    %swap3A_1009 = arith.index_cast %swap3A_1008 : i32 to index
    %swap3A_1010 = arith.constant 64 : index
    %swap3A_1011 = tpu.vector_load %arg7[%swap3A_1009, %swap3A_1010] {strides = array<i32>} : memref<10x128xi32, #tpu.memory_space<vmem>>, vector<16xi32>,
    tpu.vector_store %arg7[%swap3A_1009, %swap3A_1010], %sub3A_1007 {strides = array<i32>} : memref<10x128xi32, #tpu.memory_space<vmem>>, vector<16xi32>,
    %add3A_1012 = arith.constant 5 : i32
    %add3A_1013 = vector.broadcast %add3A_1012 : i32 to vector<16xi32>
    %add3A_1014 = arith.addi %mul3A_45, %add3A_1013 : vector<16xi32>
    %gather3A_1015 = tpu.vector_load_idx %arg6[%add3A_1014] : memref<25600xi32, #tpu.memory_space<vmem>>[vector<16xi32>], vector<16xi32>,
    %mul3A_1016 = arith.constant 2 : i32
    %mul3A_1017 = vector.broadcast %mul3A_1016 : i32 to vector<16xi32>
    %mul3A_1018 = arith.muli %gather3A_1015, %mul3A_1017 : vector<16xi32>
    %ge3A_1019 = arith.constant 50000 : i32
    %ge3A_1020 = vector.broadcast %ge3A_1019 : i32 to vector<16xi32>
    %ge3A_1021 = arith.cmpi sge, %gather3A_1015, %ge3A_1020 : vector<16xi32>
    %jit3A_1022 = arith.constant 99999 : i32
    %jit3A_1023 = arith.constant 0 : i32
    %broadcast_in_dim3A_1024 = vector.broadcast %jit3A_1022 : i32 to vector<16xi32>
    %broadcast_in_dim3A_1025 = vector.broadcast %jit3A_1023 : i32 to vector<16xi32>
    %select_n3A_1026 = arith.select %ge3A_1021, %broadcast_in_dim3A_1024, %broadcast_in_dim3A_1025 : vector<16xi1>, vector<16xi32>
    %sub3A_1027 = arith.subi %mul3A_1018, %select_n3A_1026 : vector<16xi32>
    %swap3A_1028 = arith.constant 5 : i32
    %swap3A_1029 = arith.index_cast %swap3A_1028 : i32 to index
    %swap3A_1030 = arith.constant 80 : index
    %swap3A_1031 = tpu.vector_load %arg7[%swap3A_1029, %swap3A_1030] {strides = array<i32>} : memref<10x128xi32, #tpu.memory_space<vmem>>, vector<16xi32>,
    tpu.vector_store %arg7[%swap3A_1029, %swap3A_1030], %sub3A_1027 {strides = array<i32>} : memref<10x128xi32, #tpu.memory_space<vmem>>, vector<16xi32>,
    %add3A_1032 = arith.constant 5 : i32
    %add3A_1033 = vector.broadcast %add3A_1032 : i32 to vector<16xi32>
    %add3A_1034 = arith.addi %mul3A_52, %add3A_1033 : vector<16xi32>
    %gather3A_1035 = tpu.vector_load_idx %arg6[%add3A_1034] : memref<25600xi32, #tpu.memory_space<vmem>>[vector<16xi32>], vector<16xi32>,
    %mul3A_1036 = arith.constant 2 : i32
    %mul3A_1037 = vector.broadcast %mul3A_1036 : i32 to vector<16xi32>
    %mul3A_1038 = arith.muli %gather3A_1035, %mul3A_1037 : vector<16xi32>
    %ge3A_1039 = arith.constant 50000 : i32
    %ge3A_1040 = vector.broadcast %ge3A_1039 : i32 to vector<16xi32>
    %ge3A_1041 = arith.cmpi sge, %gather3A_1035, %ge3A_1040 : vector<16xi32>
    %jit3A_1042 = arith.constant 99999 : i32
    %jit3A_1043 = arith.constant 0 : i32
    %broadcast_in_dim3A_1044 = vector.broadcast %jit3A_1042 : i32 to vector<16xi32>
    %broadcast_in_dim3A_1045 = vector.broadcast %jit3A_1043 : i32 to vector<16xi32>
    %select_n3A_1046 = arith.select %ge3A_1041, %broadcast_in_dim3A_1044, %broadcast_in_dim3A_1045 : vector<16xi1>, vector<16xi32>
    %sub3A_1047 = arith.subi %mul3A_1038, %select_n3A_1046 : vector<16xi32>
    %swap3A_1048 = arith.constant 5 : i32
    %swap3A_1049 = arith.index_cast %swap3A_1048 : i32 to index
    %swap3A_1050 = arith.constant 96 : index
    %swap3A_1051 = tpu.vector_load %arg7[%swap3A_1049, %swap3A_1050] {strides = array<i32>} : memref<10x128xi32, #tpu.memory_space<vmem>>, vector<16xi32>,
    tpu.vector_store %arg7[%swap3A_1049, %swap3A_1050], %sub3A_1047 {strides = array<i32>} : memref<10x128xi32, #tpu.memory_space<vmem>>, vector<16xi32>,
    %add3A_1052 = arith.constant 5 : i32
    %add3A_1053 = vector.broadcast %add3A_1052 : i32 to vector<16xi32>
    %add3A_1054 = arith.addi %mul3A_59, %add3A_1053 : vector<16xi32>
    %gather3A_1055 = tpu.vector_load_idx %arg6[%add3A_1054] : memref<25600xi32, #tpu.memory_space<vmem>>[vector<16xi32>], vector<16xi32>,
    %mul3A_1056 = arith.constant 2 : i32
    %mul3A_1057 = vector.broadcast %mul3A_1056 : i32 to vector<16xi32>
    %mul3A_1058 = arith.muli %gather3A_1055, %mul3A_1057 : vector<16xi32>
    %ge3A_1059 = arith.constant 50000 : i32
    %ge3A_1060 = vector.broadcast %ge3A_1059 : i32 to vector<16xi32>
    %ge3A_1061 = arith.cmpi sge, %gather3A_1055, %ge3A_1060 : vector<16xi32>
    %jit3A_1062 = arith.constant 99999 : i32
    %jit3A_1063 = arith.constant 0 : i32
    %broadcast_in_dim3A_1064 = vector.broadcast %jit3A_1062 : i32 to vector<16xi32>
    %broadcast_in_dim3A_1065 = vector.broadcast %jit3A_1063 : i32 to vector<16xi32>
    %select_n3A_1066 = arith.select %ge3A_1061, %broadcast_in_dim3A_1064, %broadcast_in_dim3A_1065 : vector<16xi1>, vector<16xi32>
    %sub3A_1067 = arith.subi %mul3A_1058, %select_n3A_1066 : vector<16xi32>
    %swap3A_1068 = arith.constant 5 : i32
    %swap3A_1069 = arith.index_cast %swap3A_1068 : i32 to index
    %swap3A_1070 = arith.constant 112 : index
    %swap3A_1071 = tpu.vector_load %arg7[%swap3A_1069, %swap3A_1070] {strides = array<i32>} : memref<10x128xi32, #tpu.memory_space<vmem>>, vector<16xi32>,
    tpu.vector_store %arg7[%swap3A_1069, %swap3A_1070], %sub3A_1067 {strides = array<i32>} : memref<10x128xi32, #tpu.memory_space<vmem>>, vector<16xi32>,
    %dma_start3A_1072 = arith.constant 5 : i32
    %dma_start3A_1073 = arith.constant 5 : i32
    %dma_start3A_1074 = arith.constant 0 : i32
    %dma_start3A_1075 = arith.constant 0 : i32
    %dma_start3A_1076 = tpu.memref_slice %arg8[%dma_start3A_1073, %dma_start3A_1074, %dma_start3A_1075] : memref<10x128x64xf32, #tpu.memory_space<vmem>> -> memref<1x128x64xf32, #tpu.memory_space<vmem>>
    %dma_start3A_1077 = tpu.memref_squeeze %dma_start3A_1076 : memref<1x128x64xf32, #tpu.memory_space<vmem>> -> memref<128x64xf32, #tpu.memory_space<vmem>>
    %dma_start3A_1078 = arith.constant 0 : i32
    %dma_start3A_1079 = tpu.memref_slice %arg7[%dma_start3A_1072, %dma_start3A_1078] : memref<10x128xi32, #tpu.memory_space<vmem>> -> memref<1x128xi32, #tpu.memory_space<vmem>>
    %dma_start3A_1080 = tpu.memref_squeeze %dma_start3A_1079 : memref<1x128xi32, #tpu.memory_space<vmem>> -> memref<128xi32, #tpu.memory_space<vmem>>
    %dma_start3A_1081 = arith.constant 0 : i32
    %dma_start3A_1082 = arith.constant 0 : i32
    %dma_start3A_1083 = tpu.memref_slice %arg3[%dma_start3A_1081, %dma_start3A_1082] : memref<100000x64xf32, #tpu.memory_space<hbm>> -> memref<100000x64xf32, #tpu.memory_space<hbm>>
    tpu.enqueue_indirect_dma source(%dma_start3A_1083 : memref<100000x64xf32, #tpu.memory_space<hbm>>) target(%dma_start3A_1077 : memref<128x64xf32, #tpu.memory_space<vmem>>) offsets(%dma_start3A_1080 : memref<128xi32, #tpu.memory_space<vmem>>) semaphore(%arg15 : memref<!tpu.dma_semaphore, #tpu.memory_space<semaphore_mem>>)
    %add3A_1084 = arith.constant 6 : i32
    %add3A_1085 = vector.broadcast %add3A_1084 : i32 to vector<16xi32>
    %add3A_1086 = arith.addi %mul3A_10, %add3A_1085 : vector<16xi32>
    %gather3A_1087 = tpu.vector_load_idx %arg6[%add3A_1086] : memref<25600xi32, #tpu.memory_space<vmem>>[vector<16xi32>], vector<16xi32>,
    %mul3A_1088 = arith.constant 2 : i32
    %mul3A_1089 = vector.broadcast %mul3A_1088 : i32 to vector<16xi32>
    %mul3A_1090 = arith.muli %gather3A_1087, %mul3A_1089 : vector<16xi32>
    %ge3A_1091 = arith.constant 50000 : i32
    %ge3A_1092 = vector.broadcast %ge3A_1091 : i32 to vector<16xi32>
    %ge3A_1093 = arith.cmpi sge, %gather3A_1087, %ge3A_1092 : vector<16xi32>
    %jit3A_1094 = arith.constant 99999 : i32
    %jit3A_1095 = arith.constant 0 : i32
    %broadcast_in_dim3A_1096 = vector.broadcast %jit3A_1094 : i32 to vector<16xi32>
    %broadcast_in_dim3A_1097 = vector.broadcast %jit3A_1095 : i32 to vector<16xi32>
    %select_n3A_1098 = arith.select %ge3A_1093, %broadcast_in_dim3A_1096, %broadcast_in_dim3A_1097 : vector<16xi1>, vector<16xi32>
    %sub3A_1099 = arith.subi %mul3A_1090, %select_n3A_1098 : vector<16xi32>
    %swap3A_1100 = arith.constant 6 : i32
    %swap3A_1101 = arith.index_cast %swap3A_1100 : i32 to index
    %swap3A_1102 = arith.constant 0 : index
    %swap3A_1103 = tpu.vector_load %arg7[%swap3A_1101, %swap3A_1102] {strides = array<i32>} : memref<10x128xi32, #tpu.memory_space<vmem>>, vector<16xi32>,
    tpu.vector_store %arg7[%swap3A_1101, %swap3A_1102], %sub3A_1099 {strides = array<i32>} : memref<10x128xi32, #tpu.memory_space<vmem>>, vector<16xi32>,
    %add3A_1104 = arith.constant 6 : i32
    %add3A_1105 = vector.broadcast %add3A_1104 : i32 to vector<16xi32>
    %add3A_1106 = arith.addi %mul3A_17, %add3A_1105 : vector<16xi32>
    %gather3A_1107 = tpu.vector_load_idx %arg6[%add3A_1106] : memref<25600xi32, #tpu.memory_space<vmem>>[vector<16xi32>], vector<16xi32>,
    %mul3A_1108 = arith.constant 2 : i32
    %mul3A_1109 = vector.broadcast %mul3A_1108 : i32 to vector<16xi32>
    %mul3A_1110 = arith.muli %gather3A_1107, %mul3A_1109 : vector<16xi32>
    %ge3A_1111 = arith.constant 50000 : i32
    %ge3A_1112 = vector.broadcast %ge3A_1111 : i32 to vector<16xi32>
    %ge3A_1113 = arith.cmpi sge, %gather3A_1107, %ge3A_1112 : vector<16xi32>
    %jit3A_1114 = arith.constant 99999 : i32
    %jit3A_1115 = arith.constant 0 : i32
    %broadcast_in_dim3A_1116 = vector.broadcast %jit3A_1114 : i32 to vector<16xi32>
    %broadcast_in_dim3A_1117 = vector.broadcast %jit3A_1115 : i32 to vector<16xi32>
    %select_n3A_1118 = arith.select %ge3A_1113, %broadcast_in_dim3A_1116, %broadcast_in_dim3A_1117 : vector<16xi1>, vector<16xi32>
    %sub3A_1119 = arith.subi %mul3A_1110, %select_n3A_1118 : vector<16xi32>
    %swap3A_1120 = arith.constant 6 : i32
    %swap3A_1121 = arith.index_cast %swap3A_1120 : i32 to index
    %swap3A_1122 = arith.constant 16 : index
    %swap3A_1123 = tpu.vector_load %arg7[%swap3A_1121, %swap3A_1122] {strides = array<i32>} : memref<10x128xi32, #tpu.memory_space<vmem>>, vector<16xi32>,
    tpu.vector_store %arg7[%swap3A_1121, %swap3A_1122], %sub3A_1119 {strides = array<i32>} : memref<10x128xi32, #tpu.memory_space<vmem>>, vector<16xi32>,
    %add3A_1124 = arith.constant 6 : i32
    %add3A_1125 = vector.broadcast %add3A_1124 : i32 to vector<16xi32>
    %add3A_1126 = arith.addi %mul3A_24, %add3A_1125 : vector<16xi32>
    %gather3A_1127 = tpu.vector_load_idx %arg6[%add3A_1126] : memref<25600xi32, #tpu.memory_space<vmem>>[vector<16xi32>], vector<16xi32>,
    %mul3A_1128 = arith.constant 2 : i32
    %mul3A_1129 = vector.broadcast %mul3A_1128 : i32 to vector<16xi32>
    %mul3A_1130 = arith.muli %gather3A_1127, %mul3A_1129 : vector<16xi32>
    %ge3A_1131 = arith.constant 50000 : i32
    %ge3A_1132 = vector.broadcast %ge3A_1131 : i32 to vector<16xi32>
    %ge3A_1133 = arith.cmpi sge, %gather3A_1127, %ge3A_1132 : vector<16xi32>
    %jit3A_1134 = arith.constant 99999 : i32
    %jit3A_1135 = arith.constant 0 : i32
    %broadcast_in_dim3A_1136 = vector.broadcast %jit3A_1134 : i32 to vector<16xi32>
    %broadcast_in_dim3A_1137 = vector.broadcast %jit3A_1135 : i32 to vector<16xi32>
    %select_n3A_1138 = arith.select %ge3A_1133, %broadcast_in_dim3A_1136, %broadcast_in_dim3A_1137 : vector<16xi1>, vector<16xi32>
    %sub3A_1139 = arith.subi %mul3A_1130, %select_n3A_1138 : vector<16xi32>
    %swap3A_1140 = arith.constant 6 : i32
    %swap3A_1141 = arith.index_cast %swap3A_1140 : i32 to index
    %swap3A_1142 = arith.constant 32 : index
    %swap3A_1143 = tpu.vector_load %arg7[%swap3A_1141, %swap3A_1142] {strides = array<i32>} : memref<10x128xi32, #tpu.memory_space<vmem>>, vector<16xi32>,
    tpu.vector_store %arg7[%swap3A_1141, %swap3A_1142], %sub3A_1139 {strides = array<i32>} : memref<10x128xi32, #tpu.memory_space<vmem>>, vector<16xi32>,
    %add3A_1144 = arith.constant 6 : i32
    %add3A_1145 = vector.broadcast %add3A_1144 : i32 to vector<16xi32>
    %add3A_1146 = arith.addi %mul3A_31, %add3A_1145 : vector<16xi32>
    %gather3A_1147 = tpu.vector_load_idx %arg6[%add3A_1146] : memref<25600xi32, #tpu.memory_space<vmem>>[vector<16xi32>], vector<16xi32>,
    %mul3A_1148 = arith.constant 2 : i32
    %mul3A_1149 = vector.broadcast %mul3A_1148 : i32 to vector<16xi32>
    %mul3A_1150 = arith.muli %gather3A_1147, %mul3A_1149 : vector<16xi32>
    %ge3A_1151 = arith.constant 50000 : i32
    %ge3A_1152 = vector.broadcast %ge3A_1151 : i32 to vector<16xi32>
    %ge3A_1153 = arith.cmpi sge, %gather3A_1147, %ge3A_1152 : vector<16xi32>
    %jit3A_1154 = arith.constant 99999 : i32
    %jit3A_1155 = arith.constant 0 : i32
    %broadcast_in_dim3A_1156 = vector.broadcast %jit3A_1154 : i32 to vector<16xi32>
    %broadcast_in_dim3A_1157 = vector.broadcast %jit3A_1155 : i32 to vector<16xi32>
    %select_n3A_1158 = arith.select %ge3A_1153, %broadcast_in_dim3A_1156, %broadcast_in_dim3A_1157 : vector<16xi1>, vector<16xi32>
    %sub3A_1159 = arith.subi %mul3A_1150, %select_n3A_1158 : vector<16xi32>
    %swap3A_1160 = arith.constant 6 : i32
    %swap3A_1161 = arith.index_cast %swap3A_1160 : i32 to index
    %swap3A_1162 = arith.constant 48 : index
    %swap3A_1163 = tpu.vector_load %arg7[%swap3A_1161, %swap3A_1162] {strides = array<i32>} : memref<10x128xi32, #tpu.memory_space<vmem>>, vector<16xi32>,
    tpu.vector_store %arg7[%swap3A_1161, %swap3A_1162], %sub3A_1159 {strides = array<i32>} : memref<10x128xi32, #tpu.memory_space<vmem>>, vector<16xi32>,
    %add3A_1164 = arith.constant 6 : i32
    %add3A_1165 = vector.broadcast %add3A_1164 : i32 to vector<16xi32>
    %add3A_1166 = arith.addi %mul3A_38, %add3A_1165 : vector<16xi32>
    %gather3A_1167 = tpu.vector_load_idx %arg6[%add3A_1166] : memref<25600xi32, #tpu.memory_space<vmem>>[vector<16xi32>], vector<16xi32>,
    %mul3A_1168 = arith.constant 2 : i32
    %mul3A_1169 = vector.broadcast %mul3A_1168 : i32 to vector<16xi32>
    %mul3A_1170 = arith.muli %gather3A_1167, %mul3A_1169 : vector<16xi32>
    %ge3A_1171 = arith.constant 50000 : i32
    %ge3A_1172 = vector.broadcast %ge3A_1171 : i32 to vector<16xi32>
    %ge3A_1173 = arith.cmpi sge, %gather3A_1167, %ge3A_1172 : vector<16xi32>
    %jit3A_1174 = arith.constant 99999 : i32
    %jit3A_1175 = arith.constant 0 : i32
    %broadcast_in_dim3A_1176 = vector.broadcast %jit3A_1174 : i32 to vector<16xi32>
    %broadcast_in_dim3A_1177 = vector.broadcast %jit3A_1175 : i32 to vector<16xi32>
    %select_n3A_1178 = arith.select %ge3A_1173, %broadcast_in_dim3A_1176, %broadcast_in_dim3A_1177 : vector<16xi1>, vector<16xi32>
    %sub3A_1179 = arith.subi %mul3A_1170, %select_n3A_1178 : vector<16xi32>
    %swap3A_1180 = arith.constant 6 : i32
    %swap3A_1181 = arith.index_cast %swap3A_1180 : i32 to index
    %swap3A_1182 = arith.constant 64 : index
    %swap3A_1183 = tpu.vector_load %arg7[%swap3A_1181, %swap3A_1182] {strides = array<i32>} : memref<10x128xi32, #tpu.memory_space<vmem>>, vector<16xi32>,
    tpu.vector_store %arg7[%swap3A_1181, %swap3A_1182], %sub3A_1179 {strides = array<i32>} : memref<10x128xi32, #tpu.memory_space<vmem>>, vector<16xi32>,
    %add3A_1184 = arith.constant 6 : i32
    %add3A_1185 = vector.broadcast %add3A_1184 : i32 to vector<16xi32>
    %add3A_1186 = arith.addi %mul3A_45, %add3A_1185 : vector<16xi32>
    %gather3A_1187 = tpu.vector_load_idx %arg6[%add3A_1186] : memref<25600xi32, #tpu.memory_space<vmem>>[vector<16xi32>], vector<16xi32>,
    %mul3A_1188 = arith.constant 2 : i32
    %mul3A_1189 = vector.broadcast %mul3A_1188 : i32 to vector<16xi32>
    %mul3A_1190 = arith.muli %gather3A_1187, %mul3A_1189 : vector<16xi32>
    %ge3A_1191 = arith.constant 50000 : i32
    %ge3A_1192 = vector.broadcast %ge3A_1191 : i32 to vector<16xi32>
    %ge3A_1193 = arith.cmpi sge, %gather3A_1187, %ge3A_1192 : vector<16xi32>
    %jit3A_1194 = arith.constant 99999 : i32
    %jit3A_1195 = arith.constant 0 : i32
    %broadcast_in_dim3A_1196 = vector.broadcast %jit3A_1194 : i32 to vector<16xi32>
    %broadcast_in_dim3A_1197 = vector.broadcast %jit3A_1195 : i32 to vector<16xi32>
    %select_n3A_1198 = arith.select %ge3A_1193, %broadcast_in_dim3A_1196, %broadcast_in_dim3A_1197 : vector<16xi1>, vector<16xi32>
    %sub3A_1199 = arith.subi %mul3A_1190, %select_n3A_1198 : vector<16xi32>
    %swap3A_1200 = arith.constant 6 : i32
    %swap3A_1201 = arith.index_cast %swap3A_1200 : i32 to index
    %swap3A_1202 = arith.constant 80 : index
    %swap3A_1203 = tpu.vector_load %arg7[%swap3A_1201, %swap3A_1202] {strides = array<i32>} : memref<10x128xi32, #tpu.memory_space<vmem>>, vector<16xi32>,
    tpu.vector_store %arg7[%swap3A_1201, %swap3A_1202], %sub3A_1199 {strides = array<i32>} : memref<10x128xi32, #tpu.memory_space<vmem>>, vector<16xi32>,
    %add3A_1204 = arith.constant 6 : i32
    %add3A_1205 = vector.broadcast %add3A_1204 : i32 to vector<16xi32>
    %add3A_1206 = arith.addi %mul3A_52, %add3A_1205 : vector<16xi32>
    %gather3A_1207 = tpu.vector_load_idx %arg6[%add3A_1206] : memref<25600xi32, #tpu.memory_space<vmem>>[vector<16xi32>], vector<16xi32>,
    %mul3A_1208 = arith.constant 2 : i32
    %mul3A_1209 = vector.broadcast %mul3A_1208 : i32 to vector<16xi32>
    %mul3A_1210 = arith.muli %gather3A_1207, %mul3A_1209 : vector<16xi32>
    %ge3A_1211 = arith.constant 50000 : i32
    %ge3A_1212 = vector.broadcast %ge3A_1211 : i32 to vector<16xi32>
    %ge3A_1213 = arith.cmpi sge, %gather3A_1207, %ge3A_1212 : vector<16xi32>
    %jit3A_1214 = arith.constant 99999 : i32
    %jit3A_1215 = arith.constant 0 : i32
    %broadcast_in_dim3A_1216 = vector.broadcast %jit3A_1214 : i32 to vector<16xi32>
    %broadcast_in_dim3A_1217 = vector.broadcast %jit3A_1215 : i32 to vector<16xi32>
    %select_n3A_1218 = arith.select %ge3A_1213, %broadcast_in_dim3A_1216, %broadcast_in_dim3A_1217 : vector<16xi1>, vector<16xi32>
    %sub3A_1219 = arith.subi %mul3A_1210, %select_n3A_1218 : vector<16xi32>
    %swap3A_1220 = arith.constant 6 : i32
    %swap3A_1221 = arith.index_cast %swap3A_1220 : i32 to index
    %swap3A_1222 = arith.constant 96 : index
    %swap3A_1223 = tpu.vector_load %arg7[%swap3A_1221, %swap3A_1222] {strides = array<i32>} : memref<10x128xi32, #tpu.memory_space<vmem>>, vector<16xi32>,
    tpu.vector_store %arg7[%swap3A_1221, %swap3A_1222], %sub3A_1219 {strides = array<i32>} : memref<10x128xi32, #tpu.memory_space<vmem>>, vector<16xi32>,
    %add3A_1224 = arith.constant 6 : i32
    %add3A_1225 = vector.broadcast %add3A_1224 : i32 to vector<16xi32>
    %add3A_1226 = arith.addi %mul3A_59, %add3A_1225 : vector<16xi32>
    %gather3A_1227 = tpu.vector_load_idx %arg6[%add3A_1226] : memref<25600xi32, #tpu.memory_space<vmem>>[vector<16xi32>], vector<16xi32>,
    %mul3A_1228 = arith.constant 2 : i32
    %mul3A_1229 = vector.broadcast %mul3A_1228 : i32 to vector<16xi32>
    %mul3A_1230 = arith.muli %gather3A_1227, %mul3A_1229 : vector<16xi32>
    %ge3A_1231 = arith.constant 50000 : i32
    %ge3A_1232 = vector.broadcast %ge3A_1231 : i32 to vector<16xi32>
    %ge3A_1233 = arith.cmpi sge, %gather3A_1227, %ge3A_1232 : vector<16xi32>
    %jit3A_1234 = arith.constant 99999 : i32
    %jit3A_1235 = arith.constant 0 : i32
    %broadcast_in_dim3A_1236 = vector.broadcast %jit3A_1234 : i32 to vector<16xi32>
    %broadcast_in_dim3A_1237 = vector.broadcast %jit3A_1235 : i32 to vector<16xi32>
    %select_n3A_1238 = arith.select %ge3A_1233, %broadcast_in_dim3A_1236, %broadcast_in_dim3A_1237 : vector<16xi1>, vector<16xi32>
    %sub3A_1239 = arith.subi %mul3A_1230, %select_n3A_1238 : vector<16xi32>
    %swap3A_1240 = arith.constant 6 : i32
    %swap3A_1241 = arith.index_cast %swap3A_1240 : i32 to index
    %swap3A_1242 = arith.constant 112 : index
    %swap3A_1243 = tpu.vector_load %arg7[%swap3A_1241, %swap3A_1242] {strides = array<i32>} : memref<10x128xi32, #tpu.memory_space<vmem>>, vector<16xi32>,
    tpu.vector_store %arg7[%swap3A_1241, %swap3A_1242], %sub3A_1239 {strides = array<i32>} : memref<10x128xi32, #tpu.memory_space<vmem>>, vector<16xi32>,
    %dma_start3A_1244 = arith.constant 6 : i32
    %dma_start3A_1245 = arith.constant 6 : i32
    %dma_start3A_1246 = arith.constant 0 : i32
    %dma_start3A_1247 = arith.constant 0 : i32
    %dma_start3A_1248 = tpu.memref_slice %arg8[%dma_start3A_1245, %dma_start3A_1246, %dma_start3A_1247] : memref<10x128x64xf32, #tpu.memory_space<vmem>> -> memref<1x128x64xf32, #tpu.memory_space<vmem>>
    %dma_start3A_1249 = tpu.memref_squeeze %dma_start3A_1248 : memref<1x128x64xf32, #tpu.memory_space<vmem>> -> memref<128x64xf32, #tpu.memory_space<vmem>>
    %dma_start3A_1250 = arith.constant 0 : i32
    %dma_start3A_1251 = tpu.memref_slice %arg7[%dma_start3A_1244, %dma_start3A_1250] : memref<10x128xi32, #tpu.memory_space<vmem>> -> memref<1x128xi32, #tpu.memory_space<vmem>>
    %dma_start3A_1252 = tpu.memref_squeeze %dma_start3A_1251 : memref<1x128xi32, #tpu.memory_space<vmem>> -> memref<128xi32, #tpu.memory_space<vmem>>
    %dma_start3A_1253 = arith.constant 0 : i32
    %dma_start3A_1254 = arith.constant 0 : i32
    %dma_start3A_1255 = tpu.memref_slice %arg3[%dma_start3A_1253, %dma_start3A_1254] : memref<100000x64xf32, #tpu.memory_space<hbm>> -> memref<100000x64xf32, #tpu.memory_space<hbm>>
    tpu.enqueue_indirect_dma source(%dma_start3A_1255 : memref<100000x64xf32, #tpu.memory_space<hbm>>) target(%dma_start3A_1249 : memref<128x64xf32, #tpu.memory_space<vmem>>) offsets(%dma_start3A_1252 : memref<128xi32, #tpu.memory_space<vmem>>) semaphore(%arg16 : memref<!tpu.dma_semaphore, #tpu.memory_space<semaphore_mem>>)
    %add3A_1256 = arith.constant 7 : i32
    %add3A_1257 = vector.broadcast %add3A_1256 : i32 to vector<16xi32>
    %add3A_1258 = arith.addi %mul3A_10, %add3A_1257 : vector<16xi32>
    %gather3A_1259 = tpu.vector_load_idx %arg6[%add3A_1258] : memref<25600xi32, #tpu.memory_space<vmem>>[vector<16xi32>], vector<16xi32>,
    %mul3A_1260 = arith.constant 2 : i32
    %mul3A_1261 = vector.broadcast %mul3A_1260 : i32 to vector<16xi32>
    %mul3A_1262 = arith.muli %gather3A_1259, %mul3A_1261 : vector<16xi32>
    %ge3A_1263 = arith.constant 50000 : i32
    %ge3A_1264 = vector.broadcast %ge3A_1263 : i32 to vector<16xi32>
    %ge3A_1265 = arith.cmpi sge, %gather3A_1259, %ge3A_1264 : vector<16xi32>
    %jit3A_1266 = arith.constant 99999 : i32
    %jit3A_1267 = arith.constant 0 : i32
    %broadcast_in_dim3A_1268 = vector.broadcast %jit3A_1266 : i32 to vector<16xi32>
    %broadcast_in_dim3A_1269 = vector.broadcast %jit3A_1267 : i32 to vector<16xi32>
    %select_n3A_1270 = arith.select %ge3A_1265, %broadcast_in_dim3A_1268, %broadcast_in_dim3A_1269 : vector<16xi1>, vector<16xi32>
    %sub3A_1271 = arith.subi %mul3A_1262, %select_n3A_1270 : vector<16xi32>
    %swap3A_1272 = arith.constant 7 : i32
    %swap3A_1273 = arith.index_cast %swap3A_1272 : i32 to index
    %swap3A_1274 = arith.constant 0 : index
    %swap3A_1275 = tpu.vector_load %arg7[%swap3A_1273, %swap3A_1274] {strides = array<i32>} : memref<10x128xi32, #tpu.memory_space<vmem>>, vector<16xi32>,
    tpu.vector_store %arg7[%swap3A_1273, %swap3A_1274], %sub3A_1271 {strides = array<i32>} : memref<10x128xi32, #tpu.memory_space<vmem>>, vector<16xi32>,
    %add3A_1276 = arith.constant 7 : i32
    %add3A_1277 = vector.broadcast %add3A_1276 : i32 to vector<16xi32>
    %add3A_1278 = arith.addi %mul3A_17, %add3A_1277 : vector<16xi32>
    %gather3A_1279 = tpu.vector_load_idx %arg6[%add3A_1278] : memref<25600xi32, #tpu.memory_space<vmem>>[vector<16xi32>], vector<16xi32>,
    %mul3A_1280 = arith.constant 2 : i32
    %mul3A_1281 = vector.broadcast %mul3A_1280 : i32 to vector<16xi32>
    %mul3A_1282 = arith.muli %gather3A_1279, %mul3A_1281 : vector<16xi32>
    %ge3A_1283 = arith.constant 50000 : i32
    %ge3A_1284 = vector.broadcast %ge3A_1283 : i32 to vector<16xi32>
    %ge3A_1285 = arith.cmpi sge, %gather3A_1279, %ge3A_1284 : vector<16xi32>
    %jit3A_1286 = arith.constant 99999 : i32
    %jit3A_1287 = arith.constant 0 : i32
    %broadcast_in_dim3A_1288 = vector.broadcast %jit3A_1286 : i32 to vector<16xi32>
    %broadcast_in_dim3A_1289 = vector.broadcast %jit3A_1287 : i32 to vector<16xi32>
    %select_n3A_1290 = arith.select %ge3A_1285, %broadcast_in_dim3A_1288, %broadcast_in_dim3A_1289 : vector<16xi1>, vector<16xi32>
    %sub3A_1291 = arith.subi %mul3A_1282, %select_n3A_1290 : vector<16xi32>
    %swap3A_1292 = arith.constant 7 : i32
    %swap3A_1293 = arith.index_cast %swap3A_1292 : i32 to index
    %swap3A_1294 = arith.constant 16 : index
    %swap3A_1295 = tpu.vector_load %arg7[%swap3A_1293, %swap3A_1294] {strides = array<i32>} : memref<10x128xi32, #tpu.memory_space<vmem>>, vector<16xi32>,
    tpu.vector_store %arg7[%swap3A_1293, %swap3A_1294], %sub3A_1291 {strides = array<i32>} : memref<10x128xi32, #tpu.memory_space<vmem>>, vector<16xi32>,
    %add3A_1296 = arith.constant 7 : i32
    %add3A_1297 = vector.broadcast %add3A_1296 : i32 to vector<16xi32>
    %add3A_1298 = arith.addi %mul3A_24, %add3A_1297 : vector<16xi32>
    %gather3A_1299 = tpu.vector_load_idx %arg6[%add3A_1298] : memref<25600xi32, #tpu.memory_space<vmem>>[vector<16xi32>], vector<16xi32>,
    %mul3A_1300 = arith.constant 2 : i32
    %mul3A_1301 = vector.broadcast %mul3A_1300 : i32 to vector<16xi32>
    %mul3A_1302 = arith.muli %gather3A_1299, %mul3A_1301 : vector<16xi32>
    %ge3A_1303 = arith.constant 50000 : i32
    %ge3A_1304 = vector.broadcast %ge3A_1303 : i32 to vector<16xi32>
    %ge3A_1305 = arith.cmpi sge, %gather3A_1299, %ge3A_1304 : vector<16xi32>
    %jit3A_1306 = arith.constant 99999 : i32
    %jit3A_1307 = arith.constant 0 : i32
    %broadcast_in_dim3A_1308 = vector.broadcast %jit3A_1306 : i32 to vector<16xi32>
    %broadcast_in_dim3A_1309 = vector.broadcast %jit3A_1307 : i32 to vector<16xi32>
    %select_n3A_1310 = arith.select %ge3A_1305, %broadcast_in_dim3A_1308, %broadcast_in_dim3A_1309 : vector<16xi1>, vector<16xi32>
    %sub3A_1311 = arith.subi %mul3A_1302, %select_n3A_1310 : vector<16xi32>
    %swap3A_1312 = arith.constant 7 : i32
    %swap3A_1313 = arith.index_cast %swap3A_1312 : i32 to index
    %swap3A_1314 = arith.constant 32 : index
    %swap3A_1315 = tpu.vector_load %arg7[%swap3A_1313, %swap3A_1314] {strides = array<i32>} : memref<10x128xi32, #tpu.memory_space<vmem>>, vector<16xi32>,
    tpu.vector_store %arg7[%swap3A_1313, %swap3A_1314], %sub3A_1311 {strides = array<i32>} : memref<10x128xi32, #tpu.memory_space<vmem>>, vector<16xi32>,
    %add3A_1316 = arith.constant 7 : i32
    %add3A_1317 = vector.broadcast %add3A_1316 : i32 to vector<16xi32>
    %add3A_1318 = arith.addi %mul3A_31, %add3A_1317 : vector<16xi32>
    %gather3A_1319 = tpu.vector_load_idx %arg6[%add3A_1318] : memref<25600xi32, #tpu.memory_space<vmem>>[vector<16xi32>], vector<16xi32>,
    %mul3A_1320 = arith.constant 2 : i32
    %mul3A_1321 = vector.broadcast %mul3A_1320 : i32 to vector<16xi32>
    %mul3A_1322 = arith.muli %gather3A_1319, %mul3A_1321 : vector<16xi32>
    %ge3A_1323 = arith.constant 50000 : i32
    %ge3A_1324 = vector.broadcast %ge3A_1323 : i32 to vector<16xi32>
    %ge3A_1325 = arith.cmpi sge, %gather3A_1319, %ge3A_1324 : vector<16xi32>
    %jit3A_1326 = arith.constant 99999 : i32
    %jit3A_1327 = arith.constant 0 : i32
    %broadcast_in_dim3A_1328 = vector.broadcast %jit3A_1326 : i32 to vector<16xi32>
    %broadcast_in_dim3A_1329 = vector.broadcast %jit3A_1327 : i32 to vector<16xi32>
    %select_n3A_1330 = arith.select %ge3A_1325, %broadcast_in_dim3A_1328, %broadcast_in_dim3A_1329 : vector<16xi1>, vector<16xi32>
    %sub3A_1331 = arith.subi %mul3A_1322, %select_n3A_1330 : vector<16xi32>
    %swap3A_1332 = arith.constant 7 : i32
    %swap3A_1333 = arith.index_cast %swap3A_1332 : i32 to index
    %swap3A_1334 = arith.constant 48 : index
    %swap3A_1335 = tpu.vector_load %arg7[%swap3A_1333, %swap3A_1334] {strides = array<i32>} : memref<10x128xi32, #tpu.memory_space<vmem>>, vector<16xi32>,
    tpu.vector_store %arg7[%swap3A_1333, %swap3A_1334], %sub3A_1331 {strides = array<i32>} : memref<10x128xi32, #tpu.memory_space<vmem>>, vector<16xi32>,
    %add3A_1336 = arith.constant 7 : i32
    %add3A_1337 = vector.broadcast %add3A_1336 : i32 to vector<16xi32>
    %add3A_1338 = arith.addi %mul3A_38, %add3A_1337 : vector<16xi32>
    %gather3A_1339 = tpu.vector_load_idx %arg6[%add3A_1338] : memref<25600xi32, #tpu.memory_space<vmem>>[vector<16xi32>], vector<16xi32>,
    %mul3A_1340 = arith.constant 2 : i32
    %mul3A_1341 = vector.broadcast %mul3A_1340 : i32 to vector<16xi32>
    %mul3A_1342 = arith.muli %gather3A_1339, %mul3A_1341 : vector<16xi32>
    %ge3A_1343 = arith.constant 50000 : i32
    %ge3A_1344 = vector.broadcast %ge3A_1343 : i32 to vector<16xi32>
    %ge3A_1345 = arith.cmpi sge, %gather3A_1339, %ge3A_1344 : vector<16xi32>
    %jit3A_1346 = arith.constant 99999 : i32
    %jit3A_1347 = arith.constant 0 : i32
    %broadcast_in_dim3A_1348 = vector.broadcast %jit3A_1346 : i32 to vector<16xi32>
    %broadcast_in_dim3A_1349 = vector.broadcast %jit3A_1347 : i32 to vector<16xi32>
    %select_n3A_1350 = arith.select %ge3A_1345, %broadcast_in_dim3A_1348, %broadcast_in_dim3A_1349 : vector<16xi1>, vector<16xi32>
    %sub3A_1351 = arith.subi %mul3A_1342, %select_n3A_1350 : vector<16xi32>
    %swap3A_1352 = arith.constant 7 : i32
    %swap3A_1353 = arith.index_cast %swap3A_1352 : i32 to index
    %swap3A_1354 = arith.constant 64 : index
    %swap3A_1355 = tpu.vector_load %arg7[%swap3A_1353, %swap3A_1354] {strides = array<i32>} : memref<10x128xi32, #tpu.memory_space<vmem>>, vector<16xi32>,
    tpu.vector_store %arg7[%swap3A_1353, %swap3A_1354], %sub3A_1351 {strides = array<i32>} : memref<10x128xi32, #tpu.memory_space<vmem>>, vector<16xi32>,
    %add3A_1356 = arith.constant 7 : i32
    %add3A_1357 = vector.broadcast %add3A_1356 : i32 to vector<16xi32>
    %add3A_1358 = arith.addi %mul3A_45, %add3A_1357 : vector<16xi32>
    %gather3A_1359 = tpu.vector_load_idx %arg6[%add3A_1358] : memref<25600xi32, #tpu.memory_space<vmem>>[vector<16xi32>], vector<16xi32>,
    %mul3A_1360 = arith.constant 2 : i32
    %mul3A_1361 = vector.broadcast %mul3A_1360 : i32 to vector<16xi32>
    %mul3A_1362 = arith.muli %gather3A_1359, %mul3A_1361 : vector<16xi32>
    %ge3A_1363 = arith.constant 50000 : i32
    %ge3A_1364 = vector.broadcast %ge3A_1363 : i32 to vector<16xi32>
    %ge3A_1365 = arith.cmpi sge, %gather3A_1359, %ge3A_1364 : vector<16xi32>
    %jit3A_1366 = arith.constant 99999 : i32
    %jit3A_1367 = arith.constant 0 : i32
    %broadcast_in_dim3A_1368 = vector.broadcast %jit3A_1366 : i32 to vector<16xi32>
    %broadcast_in_dim3A_1369 = vector.broadcast %jit3A_1367 : i32 to vector<16xi32>
    %select_n3A_1370 = arith.select %ge3A_1365, %broadcast_in_dim3A_1368, %broadcast_in_dim3A_1369 : vector<16xi1>, vector<16xi32>
    %sub3A_1371 = arith.subi %mul3A_1362, %select_n3A_1370 : vector<16xi32>
    %swap3A_1372 = arith.constant 7 : i32
    %swap3A_1373 = arith.index_cast %swap3A_1372 : i32 to index
    %swap3A_1374 = arith.constant 80 : index
    %swap3A_1375 = tpu.vector_load %arg7[%swap3A_1373, %swap3A_1374] {strides = array<i32>} : memref<10x128xi32, #tpu.memory_space<vmem>>, vector<16xi32>,
    tpu.vector_store %arg7[%swap3A_1373, %swap3A_1374], %sub3A_1371 {strides = array<i32>} : memref<10x128xi32, #tpu.memory_space<vmem>>, vector<16xi32>,
    %add3A_1376 = arith.constant 7 : i32
    %add3A_1377 = vector.broadcast %add3A_1376 : i32 to vector<16xi32>
    %add3A_1378 = arith.addi %mul3A_52, %add3A_1377 : vector<16xi32>
    %gather3A_1379 = tpu.vector_load_idx %arg6[%add3A_1378] : memref<25600xi32, #tpu.memory_space<vmem>>[vector<16xi32>], vector<16xi32>,
    %mul3A_1380 = arith.constant 2 : i32
    %mul3A_1381 = vector.broadcast %mul3A_1380 : i32 to vector<16xi32>
    %mul3A_1382 = arith.muli %gather3A_1379, %mul3A_1381 : vector<16xi32>
    %ge3A_1383 = arith.constant 50000 : i32
    %ge3A_1384 = vector.broadcast %ge3A_1383 : i32 to vector<16xi32>
    %ge3A_1385 = arith.cmpi sge, %gather3A_1379, %ge3A_1384 : vector<16xi32>
    %jit3A_1386 = arith.constant 99999 : i32
    %jit3A_1387 = arith.constant 0 : i32
    %broadcast_in_dim3A_1388 = vector.broadcast %jit3A_1386 : i32 to vector<16xi32>
    %broadcast_in_dim3A_1389 = vector.broadcast %jit3A_1387 : i32 to vector<16xi32>
    %select_n3A_1390 = arith.select %ge3A_1385, %broadcast_in_dim3A_1388, %broadcast_in_dim3A_1389 : vector<16xi1>, vector<16xi32>
    %sub3A_1391 = arith.subi %mul3A_1382, %select_n3A_1390 : vector<16xi32>
    %swap3A_1392 = arith.constant 7 : i32
    %swap3A_1393 = arith.index_cast %swap3A_1392 : i32 to index
    %swap3A_1394 = arith.constant 96 : index
    %swap3A_1395 = tpu.vector_load %arg7[%swap3A_1393, %swap3A_1394] {strides = array<i32>} : memref<10x128xi32, #tpu.memory_space<vmem>>, vector<16xi32>,
    tpu.vector_store %arg7[%swap3A_1393, %swap3A_1394], %sub3A_1391 {strides = array<i32>} : memref<10x128xi32, #tpu.memory_space<vmem>>, vector<16xi32>,
    %add3A_1396 = arith.constant 7 : i32
    %add3A_1397 = vector.broadcast %add3A_1396 : i32 to vector<16xi32>
    %add3A_1398 = arith.addi %mul3A_59, %add3A_1397 : vector<16xi32>
    %gather3A_1399 = tpu.vector_load_idx %arg6[%add3A_1398] : memref<25600xi32, #tpu.memory_space<vmem>>[vector<16xi32>], vector<16xi32>,
    %mul3A_1400 = arith.constant 2 : i32
    %mul3A_1401 = vector.broadcast %mul3A_1400 : i32 to vector<16xi32>
    %mul3A_1402 = arith.muli %gather3A_1399, %mul3A_1401 : vector<16xi32>
    %ge3A_1403 = arith.constant 50000 : i32
    %ge3A_1404 = vector.broadcast %ge3A_1403 : i32 to vector<16xi32>
    %ge3A_1405 = arith.cmpi sge, %gather3A_1399, %ge3A_1404 : vector<16xi32>
    %jit3A_1406 = arith.constant 99999 : i32
    %jit3A_1407 = arith.constant 0 : i32
    %broadcast_in_dim3A_1408 = vector.broadcast %jit3A_1406 : i32 to vector<16xi32>
    %broadcast_in_dim3A_1409 = vector.broadcast %jit3A_1407 : i32 to vector<16xi32>
    %select_n3A_1410 = arith.select %ge3A_1405, %broadcast_in_dim3A_1408, %broadcast_in_dim3A_1409 : vector<16xi1>, vector<16xi32>
    %sub3A_1411 = arith.subi %mul3A_1402, %select_n3A_1410 : vector<16xi32>
    %swap3A_1412 = arith.constant 7 : i32
    %swap3A_1413 = arith.index_cast %swap3A_1412 : i32 to index
    %swap3A_1414 = arith.constant 112 : index
    %swap3A_1415 = tpu.vector_load %arg7[%swap3A_1413, %swap3A_1414] {strides = array<i32>} : memref<10x128xi32, #tpu.memory_space<vmem>>, vector<16xi32>,
    tpu.vector_store %arg7[%swap3A_1413, %swap3A_1414], %sub3A_1411 {strides = array<i32>} : memref<10x128xi32, #tpu.memory_space<vmem>>, vector<16xi32>,
    %dma_start3A_1416 = arith.constant 7 : i32
    %dma_start3A_1417 = arith.constant 7 : i32
    %dma_start3A_1418 = arith.constant 0 : i32
    %dma_start3A_1419 = arith.constant 0 : i32
    %dma_start3A_1420 = tpu.memref_slice %arg8[%dma_start3A_1417, %dma_start3A_1418, %dma_start3A_1419] : memref<10x128x64xf32, #tpu.memory_space<vmem>> -> memref<1x128x64xf32, #tpu.memory_space<vmem>>
    %dma_start3A_1421 = tpu.memref_squeeze %dma_start3A_1420 : memref<1x128x64xf32, #tpu.memory_space<vmem>> -> memref<128x64xf32, #tpu.memory_space<vmem>>
    %dma_start3A_1422 = arith.constant 0 : i32
    %dma_start3A_1423 = tpu.memref_slice %arg7[%dma_start3A_1416, %dma_start3A_1422] : memref<10x128xi32, #tpu.memory_space<vmem>> -> memref<1x128xi32, #tpu.memory_space<vmem>>
    %dma_start3A_1424 = tpu.memref_squeeze %dma_start3A_1423 : memref<1x128xi32, #tpu.memory_space<vmem>> -> memref<128xi32, #tpu.memory_space<vmem>>
    %dma_start3A_1425 = arith.constant 0 : i32
    %dma_start3A_1426 = arith.constant 0 : i32
    %dma_start3A_1427 = tpu.memref_slice %arg3[%dma_start3A_1425, %dma_start3A_1426] : memref<100000x64xf32, #tpu.memory_space<hbm>> -> memref<100000x64xf32, #tpu.memory_space<hbm>>
    tpu.enqueue_indirect_dma source(%dma_start3A_1427 : memref<100000x64xf32, #tpu.memory_space<hbm>>) target(%dma_start3A_1421 : memref<128x64xf32, #tpu.memory_space<vmem>>) offsets(%dma_start3A_1424 : memref<128xi32, #tpu.memory_space<vmem>>) semaphore(%arg17 : memref<!tpu.dma_semaphore, #tpu.memory_space<semaphore_mem>>)
    %add3A_1428 = arith.constant 8 : i32
    %add3A_1429 = vector.broadcast %add3A_1428 : i32 to vector<16xi32>
    %add3A_1430 = arith.addi %mul3A_10, %add3A_1429 : vector<16xi32>
    %gather3A_1431 = tpu.vector_load_idx %arg6[%add3A_1430] : memref<25600xi32, #tpu.memory_space<vmem>>[vector<16xi32>], vector<16xi32>,
    %mul3A_1432 = arith.constant 2 : i32
    %mul3A_1433 = vector.broadcast %mul3A_1432 : i32 to vector<16xi32>
    %mul3A_1434 = arith.muli %gather3A_1431, %mul3A_1433 : vector<16xi32>
    %ge3A_1435 = arith.constant 50000 : i32
    %ge3A_1436 = vector.broadcast %ge3A_1435 : i32 to vector<16xi32>
    %ge3A_1437 = arith.cmpi sge, %gather3A_1431, %ge3A_1436 : vector<16xi32>
    %jit3A_1438 = arith.constant 99999 : i32
    %jit3A_1439 = arith.constant 0 : i32
    %broadcast_in_dim3A_1440 = vector.broadcast %jit3A_1438 : i32 to vector<16xi32>
    %broadcast_in_dim3A_1441 = vector.broadcast %jit3A_1439 : i32 to vector<16xi32>
    %select_n3A_1442 = arith.select %ge3A_1437, %broadcast_in_dim3A_1440, %broadcast_in_dim3A_1441 : vector<16xi1>, vector<16xi32>
    %sub3A_1443 = arith.subi %mul3A_1434, %select_n3A_1442 : vector<16xi32>
    %swap3A_1444 = arith.constant 8 : i32
    %swap3A_1445 = arith.index_cast %swap3A_1444 : i32 to index
    %swap3A_1446 = arith.constant 0 : index
    %swap3A_1447 = tpu.vector_load %arg7[%swap3A_1445, %swap3A_1446] {strides = array<i32>} : memref<10x128xi32, #tpu.memory_space<vmem>>, vector<16xi32>,
    tpu.vector_store %arg7[%swap3A_1445, %swap3A_1446], %sub3A_1443 {strides = array<i32>} : memref<10x128xi32, #tpu.memory_space<vmem>>, vector<16xi32>,
    %add3A_1448 = arith.constant 8 : i32
    %add3A_1449 = vector.broadcast %add3A_1448 : i32 to vector<16xi32>
    %add3A_1450 = arith.addi %mul3A_17, %add3A_1449 : vector<16xi32>
    %gather3A_1451 = tpu.vector_load_idx %arg6[%add3A_1450] : memref<25600xi32, #tpu.memory_space<vmem>>[vector<16xi32>], vector<16xi32>,
    %mul3A_1452 = arith.constant 2 : i32
    %mul3A_1453 = vector.broadcast %mul3A_1452 : i32 to vector<16xi32>
    %mul3A_1454 = arith.muli %gather3A_1451, %mul3A_1453 : vector<16xi32>
    %ge3A_1455 = arith.constant 50000 : i32
    %ge3A_1456 = vector.broadcast %ge3A_1455 : i32 to vector<16xi32>
    %ge3A_1457 = arith.cmpi sge, %gather3A_1451, %ge3A_1456 : vector<16xi32>
    %jit3A_1458 = arith.constant 99999 : i32
    %jit3A_1459 = arith.constant 0 : i32
    %broadcast_in_dim3A_1460 = vector.broadcast %jit3A_1458 : i32 to vector<16xi32>
    %broadcast_in_dim3A_1461 = vector.broadcast %jit3A_1459 : i32 to vector<16xi32>
    %select_n3A_1462 = arith.select %ge3A_1457, %broadcast_in_dim3A_1460, %broadcast_in_dim3A_1461 : vector<16xi1>, vector<16xi32>
    %sub3A_1463 = arith.subi %mul3A_1454, %select_n3A_1462 : vector<16xi32>
    %swap3A_1464 = arith.constant 8 : i32
    %swap3A_1465 = arith.index_cast %swap3A_1464 : i32 to index
    %swap3A_1466 = arith.constant 16 : index
    %swap3A_1467 = tpu.vector_load %arg7[%swap3A_1465, %swap3A_1466] {strides = array<i32>} : memref<10x128xi32, #tpu.memory_space<vmem>>, vector<16xi32>,
    tpu.vector_store %arg7[%swap3A_1465, %swap3A_1466], %sub3A_1463 {strides = array<i32>} : memref<10x128xi32, #tpu.memory_space<vmem>>, vector<16xi32>,
    %add3A_1468 = arith.constant 8 : i32
    %add3A_1469 = vector.broadcast %add3A_1468 : i32 to vector<16xi32>
    %add3A_1470 = arith.addi %mul3A_24, %add3A_1469 : vector<16xi32>
    %gather3A_1471 = tpu.vector_load_idx %arg6[%add3A_1470] : memref<25600xi32, #tpu.memory_space<vmem>>[vector<16xi32>], vector<16xi32>,
    %mul3A_1472 = arith.constant 2 : i32
    %mul3A_1473 = vector.broadcast %mul3A_1472 : i32 to vector<16xi32>
    %mul3A_1474 = arith.muli %gather3A_1471, %mul3A_1473 : vector<16xi32>
    %ge3A_1475 = arith.constant 50000 : i32
    %ge3A_1476 = vector.broadcast %ge3A_1475 : i32 to vector<16xi32>
    %ge3A_1477 = arith.cmpi sge, %gather3A_1471, %ge3A_1476 : vector<16xi32>
    %jit3A_1478 = arith.constant 99999 : i32
    %jit3A_1479 = arith.constant 0 : i32
    %broadcast_in_dim3A_1480 = vector.broadcast %jit3A_1478 : i32 to vector<16xi32>
    %broadcast_in_dim3A_1481 = vector.broadcast %jit3A_1479 : i32 to vector<16xi32>
    %select_n3A_1482 = arith.select %ge3A_1477, %broadcast_in_dim3A_1480, %broadcast_in_dim3A_1481 : vector<16xi1>, vector<16xi32>
    %sub3A_1483 = arith.subi %mul3A_1474, %select_n3A_1482 : vector<16xi32>
    %swap3A_1484 = arith.constant 8 : i32
    %swap3A_1485 = arith.index_cast %swap3A_1484 : i32 to index
    %swap3A_1486 = arith.constant 32 : index
    %swap3A_1487 = tpu.vector_load %arg7[%swap3A_1485, %swap3A_1486] {strides = array<i32>} : memref<10x128xi32, #tpu.memory_space<vmem>>, vector<16xi32>,
    tpu.vector_store %arg7[%swap3A_1485, %swap3A_1486], %sub3A_1483 {strides = array<i32>} : memref<10x128xi32, #tpu.memory_space<vmem>>, vector<16xi32>,
    %add3A_1488 = arith.constant 8 : i32
    %add3A_1489 = vector.broadcast %add3A_1488 : i32 to vector<16xi32>
    %add3A_1490 = arith.addi %mul3A_31, %add3A_1489 : vector<16xi32>
    %gather3A_1491 = tpu.vector_load_idx %arg6[%add3A_1490] : memref<25600xi32, #tpu.memory_space<vmem>>[vector<16xi32>], vector<16xi32>,
    %mul3A_1492 = arith.constant 2 : i32
    %mul3A_1493 = vector.broadcast %mul3A_1492 : i32 to vector<16xi32>
    %mul3A_1494 = arith.muli %gather3A_1491, %mul3A_1493 : vector<16xi32>
    %ge3A_1495 = arith.constant 50000 : i32
    %ge3A_1496 = vector.broadcast %ge3A_1495 : i32 to vector<16xi32>
    %ge3A_1497 = arith.cmpi sge, %gather3A_1491, %ge3A_1496 : vector<16xi32>
    %jit3A_1498 = arith.constant 99999 : i32
    %jit3A_1499 = arith.constant 0 : i32
    %broadcast_in_dim3A_1500 = vector.broadcast %jit3A_1498 : i32 to vector<16xi32>
    %broadcast_in_dim3A_1501 = vector.broadcast %jit3A_1499 : i32 to vector<16xi32>
    %select_n3A_1502 = arith.select %ge3A_1497, %broadcast_in_dim3A_1500, %broadcast_in_dim3A_1501 : vector<16xi1>, vector<16xi32>
    %sub3A_1503 = arith.subi %mul3A_1494, %select_n3A_1502 : vector<16xi32>
    %swap3A_1504 = arith.constant 8 : i32
    %swap3A_1505 = arith.index_cast %swap3A_1504 : i32 to index
    %swap3A_1506 = arith.constant 48 : index
    %swap3A_1507 = tpu.vector_load %arg7[%swap3A_1505, %swap3A_1506] {strides = array<i32>} : memref<10x128xi32, #tpu.memory_space<vmem>>, vector<16xi32>,
    tpu.vector_store %arg7[%swap3A_1505, %swap3A_1506], %sub3A_1503 {strides = array<i32>} : memref<10x128xi32, #tpu.memory_space<vmem>>, vector<16xi32>,
    %add3A_1508 = arith.constant 8 : i32
    %add3A_1509 = vector.broadcast %add3A_1508 : i32 to vector<16xi32>
    %add3A_1510 = arith.addi %mul3A_38, %add3A_1509 : vector<16xi32>
    %gather3A_1511 = tpu.vector_load_idx %arg6[%add3A_1510] : memref<25600xi32, #tpu.memory_space<vmem>>[vector<16xi32>], vector<16xi32>,
    %mul3A_1512 = arith.constant 2 : i32
    %mul3A_1513 = vector.broadcast %mul3A_1512 : i32 to vector<16xi32>
    %mul3A_1514 = arith.muli %gather3A_1511, %mul3A_1513 : vector<16xi32>
    %ge3A_1515 = arith.constant 50000 : i32
    %ge3A_1516 = vector.broadcast %ge3A_1515 : i32 to vector<16xi32>
    %ge3A_1517 = arith.cmpi sge, %gather3A_1511, %ge3A_1516 : vector<16xi32>
    %jit3A_1518 = arith.constant 99999 : i32
    %jit3A_1519 = arith.constant 0 : i32
    %broadcast_in_dim3A_1520 = vector.broadcast %jit3A_1518 : i32 to vector<16xi32>
    %broadcast_in_dim3A_1521 = vector.broadcast %jit3A_1519 : i32 to vector<16xi32>
    %select_n3A_1522 = arith.select %ge3A_1517, %broadcast_in_dim3A_1520, %broadcast_in_dim3A_1521 : vector<16xi1>, vector<16xi32>
    %sub3A_1523 = arith.subi %mul3A_1514, %select_n3A_1522 : vector<16xi32>
    %swap3A_1524 = arith.constant 8 : i32
    %swap3A_1525 = arith.index_cast %swap3A_1524 : i32 to index
    %swap3A_1526 = arith.constant 64 : index
    %swap3A_1527 = tpu.vector_load %arg7[%swap3A_1525, %swap3A_1526] {strides = array<i32>} : memref<10x128xi32, #tpu.memory_space<vmem>>, vector<16xi32>,
    tpu.vector_store %arg7[%swap3A_1525, %swap3A_1526], %sub3A_1523 {strides = array<i32>} : memref<10x128xi32, #tpu.memory_space<vmem>>, vector<16xi32>,
    %add3A_1528 = arith.constant 8 : i32
    %add3A_1529 = vector.broadcast %add3A_1528 : i32 to vector<16xi32>
    %add3A_1530 = arith.addi %mul3A_45, %add3A_1529 : vector<16xi32>
    %gather3A_1531 = tpu.vector_load_idx %arg6[%add3A_1530] : memref<25600xi32, #tpu.memory_space<vmem>>[vector<16xi32>], vector<16xi32>,
    %mul3A_1532 = arith.constant 2 : i32
    %mul3A_1533 = vector.broadcast %mul3A_1532 : i32 to vector<16xi32>
    %mul3A_1534 = arith.muli %gather3A_1531, %mul3A_1533 : vector<16xi32>
    %ge3A_1535 = arith.constant 50000 : i32
    %ge3A_1536 = vector.broadcast %ge3A_1535 : i32 to vector<16xi32>
    %ge3A_1537 = arith.cmpi sge, %gather3A_1531, %ge3A_1536 : vector<16xi32>
    %jit3A_1538 = arith.constant 99999 : i32
    %jit3A_1539 = arith.constant 0 : i32
    %broadcast_in_dim3A_1540 = vector.broadcast %jit3A_1538 : i32 to vector<16xi32>
    %broadcast_in_dim3A_1541 = vector.broadcast %jit3A_1539 : i32 to vector<16xi32>
    %select_n3A_1542 = arith.select %ge3A_1537, %broadcast_in_dim3A_1540, %broadcast_in_dim3A_1541 : vector<16xi1>, vector<16xi32>
    %sub3A_1543 = arith.subi %mul3A_1534, %select_n3A_1542 : vector<16xi32>
    %swap3A_1544 = arith.constant 8 : i32
    %swap3A_1545 = arith.index_cast %swap3A_1544 : i32 to index
    %swap3A_1546 = arith.constant 80 : index
    %swap3A_1547 = tpu.vector_load %arg7[%swap3A_1545, %swap3A_1546] {strides = array<i32>} : memref<10x128xi32, #tpu.memory_space<vmem>>, vector<16xi32>,
    tpu.vector_store %arg7[%swap3A_1545, %swap3A_1546], %sub3A_1543 {strides = array<i32>} : memref<10x128xi32, #tpu.memory_space<vmem>>, vector<16xi32>,
    %add3A_1548 = arith.constant 8 : i32
    %add3A_1549 = vector.broadcast %add3A_1548 : i32 to vector<16xi32>
    %add3A_1550 = arith.addi %mul3A_52, %add3A_1549 : vector<16xi32>
    %gather3A_1551 = tpu.vector_load_idx %arg6[%add3A_1550] : memref<25600xi32, #tpu.memory_space<vmem>>[vector<16xi32>], vector<16xi32>,
    %mul3A_1552 = arith.constant 2 : i32
    %mul3A_1553 = vector.broadcast %mul3A_1552 : i32 to vector<16xi32>
    %mul3A_1554 = arith.muli %gather3A_1551, %mul3A_1553 : vector<16xi32>
    %ge3A_1555 = arith.constant 50000 : i32
    %ge3A_1556 = vector.broadcast %ge3A_1555 : i32 to vector<16xi32>
    %ge3A_1557 = arith.cmpi sge, %gather3A_1551, %ge3A_1556 : vector<16xi32>
    %jit3A_1558 = arith.constant 99999 : i32
    %jit3A_1559 = arith.constant 0 : i32
    %broadcast_in_dim3A_1560 = vector.broadcast %jit3A_1558 : i32 to vector<16xi32>
    %broadcast_in_dim3A_1561 = vector.broadcast %jit3A_1559 : i32 to vector<16xi32>
    %select_n3A_1562 = arith.select %ge3A_1557, %broadcast_in_dim3A_1560, %broadcast_in_dim3A_1561 : vector<16xi1>, vector<16xi32>
    %sub3A_1563 = arith.subi %mul3A_1554, %select_n3A_1562 : vector<16xi32>
    %swap3A_1564 = arith.constant 8 : i32
    %swap3A_1565 = arith.index_cast %swap3A_1564 : i32 to index
    %swap3A_1566 = arith.constant 96 : index
    %swap3A_1567 = tpu.vector_load %arg7[%swap3A_1565, %swap3A_1566] {strides = array<i32>} : memref<10x128xi32, #tpu.memory_space<vmem>>, vector<16xi32>,
    tpu.vector_store %arg7[%swap3A_1565, %swap3A_1566], %sub3A_1563 {strides = array<i32>} : memref<10x128xi32, #tpu.memory_space<vmem>>, vector<16xi32>,
    %add3A_1568 = arith.constant 8 : i32
    %add3A_1569 = vector.broadcast %add3A_1568 : i32 to vector<16xi32>
    %add3A_1570 = arith.addi %mul3A_59, %add3A_1569 : vector<16xi32>
    %gather3A_1571 = tpu.vector_load_idx %arg6[%add3A_1570] : memref<25600xi32, #tpu.memory_space<vmem>>[vector<16xi32>], vector<16xi32>,
    %mul3A_1572 = arith.constant 2 : i32
    %mul3A_1573 = vector.broadcast %mul3A_1572 : i32 to vector<16xi32>
    %mul3A_1574 = arith.muli %gather3A_1571, %mul3A_1573 : vector<16xi32>
    %ge3A_1575 = arith.constant 50000 : i32
    %ge3A_1576 = vector.broadcast %ge3A_1575 : i32 to vector<16xi32>
    %ge3A_1577 = arith.cmpi sge, %gather3A_1571, %ge3A_1576 : vector<16xi32>
    %jit3A_1578 = arith.constant 99999 : i32
    %jit3A_1579 = arith.constant 0 : i32
    %broadcast_in_dim3A_1580 = vector.broadcast %jit3A_1578 : i32 to vector<16xi32>
    %broadcast_in_dim3A_1581 = vector.broadcast %jit3A_1579 : i32 to vector<16xi32>
    %select_n3A_1582 = arith.select %ge3A_1577, %broadcast_in_dim3A_1580, %broadcast_in_dim3A_1581 : vector<16xi1>, vector<16xi32>
    %sub3A_1583 = arith.subi %mul3A_1574, %select_n3A_1582 : vector<16xi32>
    %swap3A_1584 = arith.constant 8 : i32
    %swap3A_1585 = arith.index_cast %swap3A_1584 : i32 to index
    %swap3A_1586 = arith.constant 112 : index
    %swap3A_1587 = tpu.vector_load %arg7[%swap3A_1585, %swap3A_1586] {strides = array<i32>} : memref<10x128xi32, #tpu.memory_space<vmem>>, vector<16xi32>,
    tpu.vector_store %arg7[%swap3A_1585, %swap3A_1586], %sub3A_1583 {strides = array<i32>} : memref<10x128xi32, #tpu.memory_space<vmem>>, vector<16xi32>,
    %dma_start3A_1588 = arith.constant 8 : i32
    %dma_start3A_1589 = arith.constant 8 : i32
    %dma_start3A_1590 = arith.constant 0 : i32
    %dma_start3A_1591 = arith.constant 0 : i32
    %dma_start3A_1592 = tpu.memref_slice %arg8[%dma_start3A_1589, %dma_start3A_1590, %dma_start3A_1591] : memref<10x128x64xf32, #tpu.memory_space<vmem>> -> memref<1x128x64xf32, #tpu.memory_space<vmem>>
    %dma_start3A_1593 = tpu.memref_squeeze %dma_start3A_1592 : memref<1x128x64xf32, #tpu.memory_space<vmem>> -> memref<128x64xf32, #tpu.memory_space<vmem>>
    %dma_start3A_1594 = arith.constant 0 : i32
    %dma_start3A_1595 = tpu.memref_slice %arg7[%dma_start3A_1588, %dma_start3A_1594] : memref<10x128xi32, #tpu.memory_space<vmem>> -> memref<1x128xi32, #tpu.memory_space<vmem>>
    %dma_start3A_1596 = tpu.memref_squeeze %dma_start3A_1595 : memref<1x128xi32, #tpu.memory_space<vmem>> -> memref<128xi32, #tpu.memory_space<vmem>>
    %dma_start3A_1597 = arith.constant 0 : i32
    %dma_start3A_1598 = arith.constant 0 : i32
    %dma_start3A_1599 = tpu.memref_slice %arg3[%dma_start3A_1597, %dma_start3A_1598] : memref<100000x64xf32, #tpu.memory_space<hbm>> -> memref<100000x64xf32, #tpu.memory_space<hbm>>
    tpu.enqueue_indirect_dma source(%dma_start3A_1599 : memref<100000x64xf32, #tpu.memory_space<hbm>>) target(%dma_start3A_1593 : memref<128x64xf32, #tpu.memory_space<vmem>>) offsets(%dma_start3A_1596 : memref<128xi32, #tpu.memory_space<vmem>>) semaphore(%arg18 : memref<!tpu.dma_semaphore, #tpu.memory_space<semaphore_mem>>)
    %add3A_1600 = arith.constant 9 : i32
    %add3A_1601 = vector.broadcast %add3A_1600 : i32 to vector<16xi32>
    %add3A_1602 = arith.addi %mul3A_10, %add3A_1601 : vector<16xi32>
    %gather3A_1603 = tpu.vector_load_idx %arg6[%add3A_1602] : memref<25600xi32, #tpu.memory_space<vmem>>[vector<16xi32>], vector<16xi32>,
    %mul3A_1604 = arith.constant 2 : i32
    %mul3A_1605 = vector.broadcast %mul3A_1604 : i32 to vector<16xi32>
    %mul3A_1606 = arith.muli %gather3A_1603, %mul3A_1605 : vector<16xi32>
    %ge3A_1607 = arith.constant 50000 : i32
    %ge3A_1608 = vector.broadcast %ge3A_1607 : i32 to vector<16xi32>
    %ge3A_1609 = arith.cmpi sge, %gather3A_1603, %ge3A_1608 : vector<16xi32>
    %jit3A_1610 = arith.constant 99999 : i32
    %jit3A_1611 = arith.constant 0 : i32
    %broadcast_in_dim3A_1612 = vector.broadcast %jit3A_1610 : i32 to vector<16xi32>
    %broadcast_in_dim3A_1613 = vector.broadcast %jit3A_1611 : i32 to vector<16xi32>
    %select_n3A_1614 = arith.select %ge3A_1609, %broadcast_in_dim3A_1612, %broadcast_in_dim3A_1613 : vector<16xi1>, vector<16xi32>
    %sub3A_1615 = arith.subi %mul3A_1606, %select_n3A_1614 : vector<16xi32>
    %swap3A_1616 = arith.constant 9 : i32
    %swap3A_1617 = arith.index_cast %swap3A_1616 : i32 to index
    %swap3A_1618 = arith.constant 0 : index
    %swap3A_1619 = tpu.vector_load %arg7[%swap3A_1617, %swap3A_1618] {strides = array<i32>} : memref<10x128xi32, #tpu.memory_space<vmem>>, vector<16xi32>,
    tpu.vector_store %arg7[%swap3A_1617, %swap3A_1618], %sub3A_1615 {strides = array<i32>} : memref<10x128xi32, #tpu.memory_space<vmem>>, vector<16xi32>,
    %add3A_1620 = arith.constant 9 : i32
    %add3A_1621 = vector.broadcast %add3A_1620 : i32 to vector<16xi32>
    %add3A_1622 = arith.addi %mul3A_17, %add3A_1621 : vector<16xi32>
    %gather3A_1623 = tpu.vector_load_idx %arg6[%add3A_1622] : memref<25600xi32, #tpu.memory_space<vmem>>[vector<16xi32>], vector<16xi32>,
    %mul3A_1624 = arith.constant 2 : i32
    %mul3A_1625 = vector.broadcast %mul3A_1624 : i32 to vector<16xi32>
    %mul3A_1626 = arith.muli %gather3A_1623, %mul3A_1625 : vector<16xi32>
    %ge3A_1627 = arith.constant 50000 : i32
    %ge3A_1628 = vector.broadcast %ge3A_1627 : i32 to vector<16xi32>
    %ge3A_1629 = arith.cmpi sge, %gather3A_1623, %ge3A_1628 : vector<16xi32>
    %jit3A_1630 = arith.constant 99999 : i32
    %jit3A_1631 = arith.constant 0 : i32
    %broadcast_in_dim3A_1632 = vector.broadcast %jit3A_1630 : i32 to vector<16xi32>
    %broadcast_in_dim3A_1633 = vector.broadcast %jit3A_1631 : i32 to vector<16xi32>
    %select_n3A_1634 = arith.select %ge3A_1629, %broadcast_in_dim3A_1632, %broadcast_in_dim3A_1633 : vector<16xi1>, vector<16xi32>
    %sub3A_1635 = arith.subi %mul3A_1626, %select_n3A_1634 : vector<16xi32>
    %swap3A_1636 = arith.constant 9 : i32
    %swap3A_1637 = arith.index_cast %swap3A_1636 : i32 to index
    %swap3A_1638 = arith.constant 16 : index
    %swap3A_1639 = tpu.vector_load %arg7[%swap3A_1637, %swap3A_1638] {strides = array<i32>} : memref<10x128xi32, #tpu.memory_space<vmem>>, vector<16xi32>,
    tpu.vector_store %arg7[%swap3A_1637, %swap3A_1638], %sub3A_1635 {strides = array<i32>} : memref<10x128xi32, #tpu.memory_space<vmem>>, vector<16xi32>,
    %add3A_1640 = arith.constant 9 : i32
    %add3A_1641 = vector.broadcast %add3A_1640 : i32 to vector<16xi32>
    %add3A_1642 = arith.addi %mul3A_24, %add3A_1641 : vector<16xi32>
    %gather3A_1643 = tpu.vector_load_idx %arg6[%add3A_1642] : memref<25600xi32, #tpu.memory_space<vmem>>[vector<16xi32>], vector<16xi32>,
    %mul3A_1644 = arith.constant 2 : i32
    %mul3A_1645 = vector.broadcast %mul3A_1644 : i32 to vector<16xi32>
    %mul3A_1646 = arith.muli %gather3A_1643, %mul3A_1645 : vector<16xi32>
    %ge3A_1647 = arith.constant 50000 : i32
    %ge3A_1648 = vector.broadcast %ge3A_1647 : i32 to vector<16xi32>
    %ge3A_1649 = arith.cmpi sge, %gather3A_1643, %ge3A_1648 : vector<16xi32>
    %jit3A_1650 = arith.constant 99999 : i32
    %jit3A_1651 = arith.constant 0 : i32
    %broadcast_in_dim3A_1652 = vector.broadcast %jit3A_1650 : i32 to vector<16xi32>
    %broadcast_in_dim3A_1653 = vector.broadcast %jit3A_1651 : i32 to vector<16xi32>
    %select_n3A_1654 = arith.select %ge3A_1649, %broadcast_in_dim3A_1652, %broadcast_in_dim3A_1653 : vector<16xi1>, vector<16xi32>
    %sub3A_1655 = arith.subi %mul3A_1646, %select_n3A_1654 : vector<16xi32>
    %swap3A_1656 = arith.constant 9 : i32
    %swap3A_1657 = arith.index_cast %swap3A_1656 : i32 to index
    %swap3A_1658 = arith.constant 32 : index
    %swap3A_1659 = tpu.vector_load %arg7[%swap3A_1657, %swap3A_1658] {strides = array<i32>} : memref<10x128xi32, #tpu.memory_space<vmem>>, vector<16xi32>,
    tpu.vector_store %arg7[%swap3A_1657, %swap3A_1658], %sub3A_1655 {strides = array<i32>} : memref<10x128xi32, #tpu.memory_space<vmem>>, vector<16xi32>,
    %add3A_1660 = arith.constant 9 : i32
    %add3A_1661 = vector.broadcast %add3A_1660 : i32 to vector<16xi32>
    %add3A_1662 = arith.addi %mul3A_31, %add3A_1661 : vector<16xi32>
    %gather3A_1663 = tpu.vector_load_idx %arg6[%add3A_1662] : memref<25600xi32, #tpu.memory_space<vmem>>[vector<16xi32>], vector<16xi32>,
    %mul3A_1664 = arith.constant 2 : i32
    %mul3A_1665 = vector.broadcast %mul3A_1664 : i32 to vector<16xi32>
    %mul3A_1666 = arith.muli %gather3A_1663, %mul3A_1665 : vector<16xi32>
    %ge3A_1667 = arith.constant 50000 : i32
    %ge3A_1668 = vector.broadcast %ge3A_1667 : i32 to vector<16xi32>
    %ge3A_1669 = arith.cmpi sge, %gather3A_1663, %ge3A_1668 : vector<16xi32>
    %jit3A_1670 = arith.constant 99999 : i32
    %jit3A_1671 = arith.constant 0 : i32
    %broadcast_in_dim3A_1672 = vector.broadcast %jit3A_1670 : i32 to vector<16xi32>
    %broadcast_in_dim3A_1673 = vector.broadcast %jit3A_1671 : i32 to vector<16xi32>
    %select_n3A_1674 = arith.select %ge3A_1669, %broadcast_in_dim3A_1672, %broadcast_in_dim3A_1673 : vector<16xi1>, vector<16xi32>
    %sub3A_1675 = arith.subi %mul3A_1666, %select_n3A_1674 : vector<16xi32>
    %swap3A_1676 = arith.constant 9 : i32
    %swap3A_1677 = arith.index_cast %swap3A_1676 : i32 to index
    %swap3A_1678 = arith.constant 48 : index
    %swap3A_1679 = tpu.vector_load %arg7[%swap3A_1677, %swap3A_1678] {strides = array<i32>} : memref<10x128xi32, #tpu.memory_space<vmem>>, vector<16xi32>,
    tpu.vector_store %arg7[%swap3A_1677, %swap3A_1678], %sub3A_1675 {strides = array<i32>} : memref<10x128xi32, #tpu.memory_space<vmem>>, vector<16xi32>,
    %add3A_1680 = arith.constant 9 : i32
    %add3A_1681 = vector.broadcast %add3A_1680 : i32 to vector<16xi32>
    %add3A_1682 = arith.addi %mul3A_38, %add3A_1681 : vector<16xi32>
    %gather3A_1683 = tpu.vector_load_idx %arg6[%add3A_1682] : memref<25600xi32, #tpu.memory_space<vmem>>[vector<16xi32>], vector<16xi32>,
    %mul3A_1684 = arith.constant 2 : i32
    %mul3A_1685 = vector.broadcast %mul3A_1684 : i32 to vector<16xi32>
    %mul3A_1686 = arith.muli %gather3A_1683, %mul3A_1685 : vector<16xi32>
    %ge3A_1687 = arith.constant 50000 : i32
    %ge3A_1688 = vector.broadcast %ge3A_1687 : i32 to vector<16xi32>
    %ge3A_1689 = arith.cmpi sge, %gather3A_1683, %ge3A_1688 : vector<16xi32>
    %jit3A_1690 = arith.constant 99999 : i32
    %jit3A_1691 = arith.constant 0 : i32
    %broadcast_in_dim3A_1692 = vector.broadcast %jit3A_1690 : i32 to vector<16xi32>
    %broadcast_in_dim3A_1693 = vector.broadcast %jit3A_1691 : i32 to vector<16xi32>
    %select_n3A_1694 = arith.select %ge3A_1689, %broadcast_in_dim3A_1692, %broadcast_in_dim3A_1693 : vector<16xi1>, vector<16xi32>
    %sub3A_1695 = arith.subi %mul3A_1686, %select_n3A_1694 : vector<16xi32>
    %swap3A_1696 = arith.constant 9 : i32
    %swap3A_1697 = arith.index_cast %swap3A_1696 : i32 to index
    %swap3A_1698 = arith.constant 64 : index
    %swap3A_1699 = tpu.vector_load %arg7[%swap3A_1697, %swap3A_1698] {strides = array<i32>} : memref<10x128xi32, #tpu.memory_space<vmem>>, vector<16xi32>,
    tpu.vector_store %arg7[%swap3A_1697, %swap3A_1698], %sub3A_1695 {strides = array<i32>} : memref<10x128xi32, #tpu.memory_space<vmem>>, vector<16xi32>,
    %add3A_1700 = arith.constant 9 : i32
    %add3A_1701 = vector.broadcast %add3A_1700 : i32 to vector<16xi32>
    %add3A_1702 = arith.addi %mul3A_45, %add3A_1701 : vector<16xi32>
    %gather3A_1703 = tpu.vector_load_idx %arg6[%add3A_1702] : memref<25600xi32, #tpu.memory_space<vmem>>[vector<16xi32>], vector<16xi32>,
    %mul3A_1704 = arith.constant 2 : i32
    %mul3A_1705 = vector.broadcast %mul3A_1704 : i32 to vector<16xi32>
    %mul3A_1706 = arith.muli %gather3A_1703, %mul3A_1705 : vector<16xi32>
    %ge3A_1707 = arith.constant 50000 : i32
    %ge3A_1708 = vector.broadcast %ge3A_1707 : i32 to vector<16xi32>
    %ge3A_1709 = arith.cmpi sge, %gather3A_1703, %ge3A_1708 : vector<16xi32>
    %jit3A_1710 = arith.constant 99999 : i32
    %jit3A_1711 = arith.constant 0 : i32
    %broadcast_in_dim3A_1712 = vector.broadcast %jit3A_1710 : i32 to vector<16xi32>
    %broadcast_in_dim3A_1713 = vector.broadcast %jit3A_1711 : i32 to vector<16xi32>
    %select_n3A_1714 = arith.select %ge3A_1709, %broadcast_in_dim3A_1712, %broadcast_in_dim3A_1713 : vector<16xi1>, vector<16xi32>
    %sub3A_1715 = arith.subi %mul3A_1706, %select_n3A_1714 : vector<16xi32>
    %swap3A_1716 = arith.constant 9 : i32
    %swap3A_1717 = arith.index_cast %swap3A_1716 : i32 to index
    %swap3A_1718 = arith.constant 80 : index
    %swap3A_1719 = tpu.vector_load %arg7[%swap3A_1717, %swap3A_1718] {strides = array<i32>} : memref<10x128xi32, #tpu.memory_space<vmem>>, vector<16xi32>,
    tpu.vector_store %arg7[%swap3A_1717, %swap3A_1718], %sub3A_1715 {strides = array<i32>} : memref<10x128xi32, #tpu.memory_space<vmem>>, vector<16xi32>,
    %add3A_1720 = arith.constant 9 : i32
    %add3A_1721 = vector.broadcast %add3A_1720 : i32 to vector<16xi32>
    %add3A_1722 = arith.addi %mul3A_52, %add3A_1721 : vector<16xi32>
    %gather3A_1723 = tpu.vector_load_idx %arg6[%add3A_1722] : memref<25600xi32, #tpu.memory_space<vmem>>[vector<16xi32>], vector<16xi32>,
    %mul3A_1724 = arith.constant 2 : i32
    %mul3A_1725 = vector.broadcast %mul3A_1724 : i32 to vector<16xi32>
    %mul3A_1726 = arith.muli %gather3A_1723, %mul3A_1725 : vector<16xi32>
    %ge3A_1727 = arith.constant 50000 : i32
    %ge3A_1728 = vector.broadcast %ge3A_1727 : i32 to vector<16xi32>
    %ge3A_1729 = arith.cmpi sge, %gather3A_1723, %ge3A_1728 : vector<16xi32>
    %jit3A_1730 = arith.constant 99999 : i32
    %jit3A_1731 = arith.constant 0 : i32
    %broadcast_in_dim3A_1732 = vector.broadcast %jit3A_1730 : i32 to vector<16xi32>
    %broadcast_in_dim3A_1733 = vector.broadcast %jit3A_1731 : i32 to vector<16xi32>
    %select_n3A_1734 = arith.select %ge3A_1729, %broadcast_in_dim3A_1732, %broadcast_in_dim3A_1733 : vector<16xi1>, vector<16xi32>
    %sub3A_1735 = arith.subi %mul3A_1726, %select_n3A_1734 : vector<16xi32>
    %swap3A_1736 = arith.constant 9 : i32
    %swap3A_1737 = arith.index_cast %swap3A_1736 : i32 to index
    %swap3A_1738 = arith.constant 96 : index
    %swap3A_1739 = tpu.vector_load %arg7[%swap3A_1737, %swap3A_1738] {strides = array<i32>} : memref<10x128xi32, #tpu.memory_space<vmem>>, vector<16xi32>,
    tpu.vector_store %arg7[%swap3A_1737, %swap3A_1738], %sub3A_1735 {strides = array<i32>} : memref<10x128xi32, #tpu.memory_space<vmem>>, vector<16xi32>,
    %add3A_1740 = arith.constant 9 : i32
    %add3A_1741 = vector.broadcast %add3A_1740 : i32 to vector<16xi32>
    %add3A_1742 = arith.addi %mul3A_59, %add3A_1741 : vector<16xi32>
    %gather3A_1743 = tpu.vector_load_idx %arg6[%add3A_1742] : memref<25600xi32, #tpu.memory_space<vmem>>[vector<16xi32>], vector<16xi32>,
    %mul3A_1744 = arith.constant 2 : i32
    %mul3A_1745 = vector.broadcast %mul3A_1744 : i32 to vector<16xi32>
    %mul3A_1746 = arith.muli %gather3A_1743, %mul3A_1745 : vector<16xi32>
    %ge3A_1747 = arith.constant 50000 : i32
    %ge3A_1748 = vector.broadcast %ge3A_1747 : i32 to vector<16xi32>
    %ge3A_1749 = arith.cmpi sge, %gather3A_1743, %ge3A_1748 : vector<16xi32>
    %jit3A_1750 = arith.constant 99999 : i32
    %jit3A_1751 = arith.constant 0 : i32
    %broadcast_in_dim3A_1752 = vector.broadcast %jit3A_1750 : i32 to vector<16xi32>
    %broadcast_in_dim3A_1753 = vector.broadcast %jit3A_1751 : i32 to vector<16xi32>
    %select_n3A_1754 = arith.select %ge3A_1749, %broadcast_in_dim3A_1752, %broadcast_in_dim3A_1753 : vector<16xi1>, vector<16xi32>
    %sub3A_1755 = arith.subi %mul3A_1746, %select_n3A_1754 : vector<16xi32>
    %swap3A_1756 = arith.constant 9 : i32
    %swap3A_1757 = arith.index_cast %swap3A_1756 : i32 to index
    %swap3A_1758 = arith.constant 112 : index
    %swap3A_1759 = tpu.vector_load %arg7[%swap3A_1757, %swap3A_1758] {strides = array<i32>} : memref<10x128xi32, #tpu.memory_space<vmem>>, vector<16xi32>,
    tpu.vector_store %arg7[%swap3A_1757, %swap3A_1758], %sub3A_1755 {strides = array<i32>} : memref<10x128xi32, #tpu.memory_space<vmem>>, vector<16xi32>,
    %dma_start3A_1760 = arith.constant 9 : i32
    %dma_start3A_1761 = arith.constant 9 : i32
    %dma_start3A_1762 = arith.constant 0 : i32
    %dma_start3A_1763 = arith.constant 0 : i32
    %dma_start3A_1764 = tpu.memref_slice %arg8[%dma_start3A_1761, %dma_start3A_1762, %dma_start3A_1763] : memref<10x128x64xf32, #tpu.memory_space<vmem>> -> memref<1x128x64xf32, #tpu.memory_space<vmem>>
    %dma_start3A_1765 = tpu.memref_squeeze %dma_start3A_1764 : memref<1x128x64xf32, #tpu.memory_space<vmem>> -> memref<128x64xf32, #tpu.memory_space<vmem>>
    %dma_start3A_1766 = arith.constant 0 : i32
    %dma_start3A_1767 = tpu.memref_slice %arg7[%dma_start3A_1760, %dma_start3A_1766] : memref<10x128xi32, #tpu.memory_space<vmem>> -> memref<1x128xi32, #tpu.memory_space<vmem>>
    %dma_start3A_1768 = tpu.memref_squeeze %dma_start3A_1767 : memref<1x128xi32, #tpu.memory_space<vmem>> -> memref<128xi32, #tpu.memory_space<vmem>>
    %dma_start3A_1769 = arith.constant 0 : i32
    %dma_start3A_1770 = arith.constant 0 : i32
    %dma_start3A_1771 = tpu.memref_slice %arg3[%dma_start3A_1769, %dma_start3A_1770] : memref<100000x64xf32, #tpu.memory_space<hbm>> -> memref<100000x64xf32, #tpu.memory_space<hbm>>
    tpu.enqueue_indirect_dma source(%dma_start3A_1771 : memref<100000x64xf32, #tpu.memory_space<hbm>>) target(%dma_start3A_1765 : memref<128x64xf32, #tpu.memory_space<vmem>>) offsets(%dma_start3A_1768 : memref<128xi32, #tpu.memory_space<vmem>>) semaphore(%arg19 : memref<!tpu.dma_semaphore, #tpu.memory_space<semaphore_mem>>)
    %scan3A = arith.constant 0 : i32
    %scan3A_1772 = arith.constant 1 : i32
    %scan3A_1773 = arith.constant 19 : i32
    %scan3A_1774 = arith.addi %scan3A_1772, %scan3A_1773 : i32
    %scan3A_1775 = arith.constant 1 : i32
    scf.for %scan3A_1934 = %scan3A_1772 to %scan3A_1774 step %scan3A_1775  : i32 {
      %dma_wait3A_1935 = arith.constant 0 : i32
      %dma_wait3A_1936 = arith.constant 0 : i32
      %dma_wait3A_1937 = arith.constant 0 : i32
      %dma_wait3A_1938 = tpu.memref_slice %arg8[%dma_wait3A_1935, %dma_wait3A_1936, %dma_wait3A_1937] : memref<10x128x64xf32, #tpu.memory_space<vmem>> -> memref<1x128x64xf32, #tpu.memory_space<vmem>>
      %dma_wait3A_1939 = tpu.memref_squeeze %dma_wait3A_1938 : memref<1x128x64xf32, #tpu.memory_space<vmem>> -> memref<128x64xf32, #tpu.memory_space<vmem>>
      %dma_wait3A_1940 = arith.constant 0 : i32
      %dma_wait3A_1941 = arith.constant 0 : i32
      %dma_wait3A_1942 = tpu.memref_slice %arg3[%dma_wait3A_1940, %dma_wait3A_1941] : memref<100000x64xf32, #tpu.memory_space<hbm>> -> memref<128x64xf32, #tpu.memory_space<hbm>>
      %dma_wait3A_1943 = arith.constant 0 : i32
      %dma_wait3A_1944 = arith.constant 0 : i32
      %dma_wait3A_1945 = tpu.memref_slice %arg8[%dma_wait3A_1935, %dma_wait3A_1943, %dma_wait3A_1944] : memref<10x128x64xf32, #tpu.memory_space<vmem>> -> memref<1x128x64xf32, #tpu.memory_space<vmem>>
      %dma_wait3A_1946 = tpu.memref_squeeze %dma_wait3A_1945 : memref<1x128x64xf32, #tpu.memory_space<vmem>> -> memref<128x64xf32, #tpu.memory_space<vmem>>
      %dma_wait3A_1947 = arith.constant 0 : i32
      %dma_wait3A_1948 = arith.constant 0 : i32
      %dma_wait3A_1949 = tpu.memref_slice %arg3[%dma_wait3A_1947, %dma_wait3A_1948] : memref<100000x64xf32, #tpu.memory_space<hbm>> -> memref<128x64xf32, #tpu.memory_space<hbm>>
      tpu.wait_dma2 semaphore(%arg10 : memref<!tpu.dma_semaphore, #tpu.memory_space<semaphore_mem>>) src(%dma_wait3A_1949 : memref<128x64xf32, #tpu.memory_space<hbm>>) dst(%dma_wait3A_1946 : memref<128x64xf32, #tpu.memory_space<vmem>>)
      %mul3A_1950 = arith.constant 10 : i32
      %mul3A_1951 = arith.muli %scan3A_1934, %mul3A_1950 : i32
      %add3A_1952 = arith.constant 0 : i32
      %add3A_1953 = arith.addi %mul3A_1951, %add3A_1952 : i32
      %add3A_1954 = vector.broadcast %add3A_1953 : i32 to vector<16xi32>
      %add3A_1955 = arith.addi %mul3A_10, %add3A_1954 : vector<16xi32>
      %gather3A_1956 = tpu.vector_load_idx %arg6[%add3A_1955] : memref<25600xi32, #tpu.memory_space<vmem>>[vector<16xi32>], vector<16xi32>,
      %mul3A_1957 = arith.constant 2 : i32
      %mul3A_1958 = vector.broadcast %mul3A_1957 : i32 to vector<16xi32>
      %mul3A_1959 = arith.muli %gather3A_1956, %mul3A_1958 : vector<16xi32>
      %ge3A_1960 = arith.constant 50000 : i32
      %ge3A_1961 = vector.broadcast %ge3A_1960 : i32 to vector<16xi32>
      %ge3A_1962 = arith.cmpi sge, %gather3A_1956, %ge3A_1961 : vector<16xi32>
      %jit3A_1963 = arith.constant 99999 : i32
      %jit3A_1964 = arith.constant 0 : i32
      %broadcast_in_dim3A_1965 = vector.broadcast %jit3A_1963 : i32 to vector<16xi32>
      %broadcast_in_dim3A_1966 = vector.broadcast %jit3A_1964 : i32 to vector<16xi32>
      %select_n3A_1967 = arith.select %ge3A_1962, %broadcast_in_dim3A_1965, %broadcast_in_dim3A_1966 : vector<16xi1>, vector<16xi32>
      %sub3A_1968 = arith.subi %mul3A_1959, %select_n3A_1967 : vector<16xi32>
      %swap3A_1969 = arith.constant 0 : i32
      %swap3A_1970 = arith.index_cast %swap3A_1969 : i32 to index
      %swap3A_1971 = arith.constant 0 : index
      %swap3A_1972 = tpu.vector_load %arg7[%swap3A_1970, %swap3A_1971] {strides = array<i32>} : memref<10x128xi32, #tpu.memory_space<vmem>>, vector<16xi32>,
      tpu.vector_store %arg7[%swap3A_1970, %swap3A_1971], %sub3A_1968 {strides = array<i32>} : memref<10x128xi32, #tpu.memory_space<vmem>>, vector<16xi32>,
      %add3A_1973 = vector.broadcast %add3A_1953 : i32 to vector<16xi32>
      %add3A_1974 = arith.addi %mul3A_17, %add3A_1973 : vector<16xi32>
      %gather3A_1975 = tpu.vector_load_idx %arg6[%add3A_1974] : memref<25600xi32, #tpu.memory_space<vmem>>[vector<16xi32>], vector<16xi32>,
      %mul3A_1976 = arith.constant 2 : i32
      %mul3A_1977 = vector.broadcast %mul3A_1976 : i32 to vector<16xi32>
      %mul3A_1978 = arith.muli %gather3A_1975, %mul3A_1977 : vector<16xi32>
      %ge3A_1979 = arith.constant 50000 : i32
      %ge3A_1980 = vector.broadcast %ge3A_1979 : i32 to vector<16xi32>
      %ge3A_1981 = arith.cmpi sge, %gather3A_1975, %ge3A_1980 : vector<16xi32>
      %jit3A_1982 = arith.constant 99999 : i32
      %jit3A_1983 = arith.constant 0 : i32
      %broadcast_in_dim3A_1984 = vector.broadcast %jit3A_1982 : i32 to vector<16xi32>
      %broadcast_in_dim3A_1985 = vector.broadcast %jit3A_1983 : i32 to vector<16xi32>
      %select_n3A_1986 = arith.select %ge3A_1981, %broadcast_in_dim3A_1984, %broadcast_in_dim3A_1985 : vector<16xi1>, vector<16xi32>
      %sub3A_1987 = arith.subi %mul3A_1978, %select_n3A_1986 : vector<16xi32>
      %swap3A_1988 = arith.constant 0 : i32
      %swap3A_1989 = arith.index_cast %swap3A_1988 : i32 to index
      %swap3A_1990 = arith.constant 16 : index
      %swap3A_1991 = tpu.vector_load %arg7[%swap3A_1989, %swap3A_1990] {strides = array<i32>} : memref<10x128xi32, #tpu.memory_space<vmem>>, vector<16xi32>,
      tpu.vector_store %arg7[%swap3A_1989, %swap3A_1990], %sub3A_1987 {strides = array<i32>} : memref<10x128xi32, #tpu.memory_space<vmem>>, vector<16xi32>,
      %add3A_1992 = vector.broadcast %add3A_1953 : i32 to vector<16xi32>
      %add3A_1993 = arith.addi %mul3A_24, %add3A_1992 : vector<16xi32>
      %gather3A_1994 = tpu.vector_load_idx %arg6[%add3A_1993] : memref<25600xi32, #tpu.memory_space<vmem>>[vector<16xi32>], vector<16xi32>,
      %mul3A_1995 = arith.constant 2 : i32
      %mul3A_1996 = vector.broadcast %mul3A_1995 : i32 to vector<16xi32>
      %mul3A_1997 = arith.muli %gather3A_1994, %mul3A_1996 : vector<16xi32>
      %ge3A_1998 = arith.constant 50000 : i32
      %ge3A_1999 = vector.broadcast %ge3A_1998 : i32 to vector<16xi32>
      %ge3A_2000 = arith.cmpi sge, %gather3A_1994, %ge3A_1999 : vector<16xi32>
      %jit3A_2001 = arith.constant 99999 : i32
      %jit3A_2002 = arith.constant 0 : i32
      %broadcast_in_dim3A_2003 = vector.broadcast %jit3A_2001 : i32 to vector<16xi32>
      %broadcast_in_dim3A_2004 = vector.broadcast %jit3A_2002 : i32 to vector<16xi32>
      %select_n3A_2005 = arith.select %ge3A_2000, %broadcast_in_dim3A_2003, %broadcast_in_dim3A_2004 : vector<16xi1>, vector<16xi32>
      %sub3A_2006 = arith.subi %mul3A_1997, %select_n3A_2005 : vector<16xi32>
      %swap3A_2007 = arith.constant 0 : i32
      %swap3A_2008 = arith.index_cast %swap3A_2007 : i32 to index
      %swap3A_2009 = arith.constant 32 : index
      %swap3A_2010 = tpu.vector_load %arg7[%swap3A_2008, %swap3A_2009] {strides = array<i32>} : memref<10x128xi32, #tpu.memory_space<vmem>>, vector<16xi32>,
      tpu.vector_store %arg7[%swap3A_2008, %swap3A_2009], %sub3A_2006 {strides = array<i32>} : memref<10x128xi32, #tpu.memory_space<vmem>>, vector<16xi32>,
      %add3A_2011 = vector.broadcast %add3A_1953 : i32 to vector<16xi32>
      %add3A_2012 = arith.addi %mul3A_31, %add3A_2011 : vector<16xi32>
      %gather3A_2013 = tpu.vector_load_idx %arg6[%add3A_2012] : memref<25600xi32, #tpu.memory_space<vmem>>[vector<16xi32>], vector<16xi32>,
      %mul3A_2014 = arith.constant 2 : i32
      %mul3A_2015 = vector.broadcast %mul3A_2014 : i32 to vector<16xi32>
      %mul3A_2016 = arith.muli %gather3A_2013, %mul3A_2015 : vector<16xi32>
      %ge3A_2017 = arith.constant 50000 : i32
      %ge3A_2018 = vector.broadcast %ge3A_2017 : i32 to vector<16xi32>
      %ge3A_2019 = arith.cmpi sge, %gather3A_2013, %ge3A_2018 : vector<16xi32>
      %jit3A_2020 = arith.constant 99999 : i32
      %jit3A_2021 = arith.constant 0 : i32
      %broadcast_in_dim3A_2022 = vector.broadcast %jit3A_2020 : i32 to vector<16xi32>
      %broadcast_in_dim3A_2023 = vector.broadcast %jit3A_2021 : i32 to vector<16xi32>
      %select_n3A_2024 = arith.select %ge3A_2019, %broadcast_in_dim3A_2022, %broadcast_in_dim3A_2023 : vector<16xi1>, vector<16xi32>
      %sub3A_2025 = arith.subi %mul3A_2016, %select_n3A_2024 : vector<16xi32>
      %swap3A_2026 = arith.constant 0 : i32
      %swap3A_2027 = arith.index_cast %swap3A_2026 : i32 to index
      %swap3A_2028 = arith.constant 48 : index
      %swap3A_2029 = tpu.vector_load %arg7[%swap3A_2027, %swap3A_2028] {strides = array<i32>} : memref<10x128xi32, #tpu.memory_space<vmem>>, vector<16xi32>,
      tpu.vector_store %arg7[%swap3A_2027, %swap3A_2028], %sub3A_2025 {strides = array<i32>} : memref<10x128xi32, #tpu.memory_space<vmem>>, vector<16xi32>,
      %add3A_2030 = vector.broadcast %add3A_1953 : i32 to vector<16xi32>
      %add3A_2031 = arith.addi %mul3A_38, %add3A_2030 : vector<16xi32>
      %gather3A_2032 = tpu.vector_load_idx %arg6[%add3A_2031] : memref<25600xi32, #tpu.memory_space<vmem>>[vector<16xi32>], vector<16xi32>,
      %mul3A_2033 = arith.constant 2 : i32
      %mul3A_2034 = vector.broadcast %mul3A_2033 : i32 to vector<16xi32>
      %mul3A_2035 = arith.muli %gather3A_2032, %mul3A_2034 : vector<16xi32>
      %ge3A_2036 = arith.constant 50000 : i32
      %ge3A_2037 = vector.broadcast %ge3A_2036 : i32 to vector<16xi32>
      %ge3A_2038 = arith.cmpi sge, %gather3A_2032, %ge3A_2037 : vector<16xi32>
      %jit3A_2039 = arith.constant 99999 : i32
      %jit3A_2040 = arith.constant 0 : i32
      %broadcast_in_dim3A_2041 = vector.broadcast %jit3A_2039 : i32 to vector<16xi32>
      %broadcast_in_dim3A_2042 = vector.broadcast %jit3A_2040 : i32 to vector<16xi32>
      %select_n3A_2043 = arith.select %ge3A_2038, %broadcast_in_dim3A_2041, %broadcast_in_dim3A_2042 : vector<16xi1>, vector<16xi32>
      %sub3A_2044 = arith.subi %mul3A_2035, %select_n3A_2043 : vector<16xi32>
      %swap3A_2045 = arith.constant 0 : i32
      %swap3A_2046 = arith.index_cast %swap3A_2045 : i32 to index
      %swap3A_2047 = arith.constant 64 : index
      %swap3A_2048 = tpu.vector_load %arg7[%swap3A_2046, %swap3A_2047] {strides = array<i32>} : memref<10x128xi32, #tpu.memory_space<vmem>>, vector<16xi32>,
      tpu.vector_store %arg7[%swap3A_2046, %swap3A_2047], %sub3A_2044 {strides = array<i32>} : memref<10x128xi32, #tpu.memory_space<vmem>>, vector<16xi32>,
      %add3A_2049 = vector.broadcast %add3A_1953 : i32 to vector<16xi32>
      %add3A_2050 = arith.addi %mul3A_45, %add3A_2049 : vector<16xi32>
      %gather3A_2051 = tpu.vector_load_idx %arg6[%add3A_2050] : memref<25600xi32, #tpu.memory_space<vmem>>[vector<16xi32>], vector<16xi32>,
      %mul3A_2052 = arith.constant 2 : i32
      %mul3A_2053 = vector.broadcast %mul3A_2052 : i32 to vector<16xi32>
      %mul3A_2054 = arith.muli %gather3A_2051, %mul3A_2053 : vector<16xi32>
      %ge3A_2055 = arith.constant 50000 : i32
      %ge3A_2056 = vector.broadcast %ge3A_2055 : i32 to vector<16xi32>
      %ge3A_2057 = arith.cmpi sge, %gather3A_2051, %ge3A_2056 : vector<16xi32>
      %jit3A_2058 = arith.constant 99999 : i32
      %jit3A_2059 = arith.constant 0 : i32
      %broadcast_in_dim3A_2060 = vector.broadcast %jit3A_2058 : i32 to vector<16xi32>
      %broadcast_in_dim3A_2061 = vector.broadcast %jit3A_2059 : i32 to vector<16xi32>
      %select_n3A_2062 = arith.select %ge3A_2057, %broadcast_in_dim3A_2060, %broadcast_in_dim3A_2061 : vector<16xi1>, vector<16xi32>
      %sub3A_2063 = arith.subi %mul3A_2054, %select_n3A_2062 : vector<16xi32>
      %swap3A_2064 = arith.constant 0 : i32
      %swap3A_2065 = arith.index_cast %swap3A_2064 : i32 to index
      %swap3A_2066 = arith.constant 80 : index
      %swap3A_2067 = tpu.vector_load %arg7[%swap3A_2065, %swap3A_2066] {strides = array<i32>} : memref<10x128xi32, #tpu.memory_space<vmem>>, vector<16xi32>,
      tpu.vector_store %arg7[%swap3A_2065, %swap3A_2066], %sub3A_2063 {strides = array<i32>} : memref<10x128xi32, #tpu.memory_space<vmem>>, vector<16xi32>,
      %add3A_2068 = vector.broadcast %add3A_1953 : i32 to vector<16xi32>
      %add3A_2069 = arith.addi %mul3A_52, %add3A_2068 : vector<16xi32>
      %gather3A_2070 = tpu.vector_load_idx %arg6[%add3A_2069] : memref<25600xi32, #tpu.memory_space<vmem>>[vector<16xi32>], vector<16xi32>,
      %mul3A_2071 = arith.constant 2 : i32
      %mul3A_2072 = vector.broadcast %mul3A_2071 : i32 to vector<16xi32>
      %mul3A_2073 = arith.muli %gather3A_2070, %mul3A_2072 : vector<16xi32>
      %ge3A_2074 = arith.constant 50000 : i32
      %ge3A_2075 = vector.broadcast %ge3A_2074 : i32 to vector<16xi32>
      %ge3A_2076 = arith.cmpi sge, %gather3A_2070, %ge3A_2075 : vector<16xi32>
      %jit3A_2077 = arith.constant 99999 : i32
      %jit3A_2078 = arith.constant 0 : i32
      %broadcast_in_dim3A_2079 = vector.broadcast %jit3A_2077 : i32 to vector<16xi32>
      %broadcast_in_dim3A_2080 = vector.broadcast %jit3A_2078 : i32 to vector<16xi32>
      %select_n3A_2081 = arith.select %ge3A_2076, %broadcast_in_dim3A_2079, %broadcast_in_dim3A_2080 : vector<16xi1>, vector<16xi32>
      %sub3A_2082 = arith.subi %mul3A_2073, %select_n3A_2081 : vector<16xi32>
      %swap3A_2083 = arith.constant 0 : i32
      %swap3A_2084 = arith.index_cast %swap3A_2083 : i32 to index
      %swap3A_2085 = arith.constant 96 : index
      %swap3A_2086 = tpu.vector_load %arg7[%swap3A_2084, %swap3A_2085] {strides = array<i32>} : memref<10x128xi32, #tpu.memory_space<vmem>>, vector<16xi32>,
      tpu.vector_store %arg7[%swap3A_2084, %swap3A_2085], %sub3A_2082 {strides = array<i32>} : memref<10x128xi32, #tpu.memory_space<vmem>>, vector<16xi32>,
      %add3A_2087 = vector.broadcast %add3A_1953 : i32 to vector<16xi32>
      %add3A_2088 = arith.addi %mul3A_59, %add3A_2087 : vector<16xi32>
      %gather3A_2089 = tpu.vector_load_idx %arg6[%add3A_2088] : memref<25600xi32, #tpu.memory_space<vmem>>[vector<16xi32>], vector<16xi32>,
      %mul3A_2090 = arith.constant 2 : i32
      %mul3A_2091 = vector.broadcast %mul3A_2090 : i32 to vector<16xi32>
      %mul3A_2092 = arith.muli %gather3A_2089, %mul3A_2091 : vector<16xi32>
      %ge3A_2093 = arith.constant 50000 : i32
      %ge3A_2094 = vector.broadcast %ge3A_2093 : i32 to vector<16xi32>
      %ge3A_2095 = arith.cmpi sge, %gather3A_2089, %ge3A_2094 : vector<16xi32>
      %jit3A_2096 = arith.constant 99999 : i32
      %jit3A_2097 = arith.constant 0 : i32
      %broadcast_in_dim3A_2098 = vector.broadcast %jit3A_2096 : i32 to vector<16xi32>
      %broadcast_in_dim3A_2099 = vector.broadcast %jit3A_2097 : i32 to vector<16xi32>
      %select_n3A_2100 = arith.select %ge3A_2095, %broadcast_in_dim3A_2098, %broadcast_in_dim3A_2099 : vector<16xi1>, vector<16xi32>
      %sub3A_2101 = arith.subi %mul3A_2092, %select_n3A_2100 : vector<16xi32>
      %swap3A_2102 = arith.constant 0 : i32
      %swap3A_2103 = arith.index_cast %swap3A_2102 : i32 to index
      %swap3A_2104 = arith.constant 112 : index
      %swap3A_2105 = tpu.vector_load %arg7[%swap3A_2103, %swap3A_2104] {strides = array<i32>} : memref<10x128xi32, #tpu.memory_space<vmem>>, vector<16xi32>,
      tpu.vector_store %arg7[%swap3A_2103, %swap3A_2104], %sub3A_2101 {strides = array<i32>} : memref<10x128xi32, #tpu.memory_space<vmem>>, vector<16xi32>,
      %dma_start3A_2106 = arith.constant 0 : i32
      %dma_start3A_2107 = arith.constant 0 : i32
      %dma_start3A_2108 = arith.constant 0 : i32
      %dma_start3A_2109 = arith.constant 0 : i32
      %dma_start3A_2110 = tpu.memref_slice %arg8[%dma_start3A_2107, %dma_start3A_2108, %dma_start3A_2109] : memref<10x128x64xf32, #tpu.memory_space<vmem>> -> memref<1x128x64xf32, #tpu.memory_space<vmem>>
      %dma_start3A_2111 = tpu.memref_squeeze %dma_start3A_2110 : memref<1x128x64xf32, #tpu.memory_space<vmem>> -> memref<128x64xf32, #tpu.memory_space<vmem>>
      %dma_start3A_2112 = arith.constant 0 : i32
      %dma_start3A_2113 = tpu.memref_slice %arg7[%dma_start3A_2106, %dma_start3A_2112] : memref<10x128xi32, #tpu.memory_space<vmem>> -> memref<1x128xi32, #tpu.memory_space<vmem>>
      %dma_start3A_2114 = tpu.memref_squeeze %dma_start3A_2113 : memref<1x128xi32, #tpu.memory_space<vmem>> -> memref<128xi32, #tpu.memory_space<vmem>>
      %dma_start3A_2115 = arith.constant 0 : i32
      %dma_start3A_2116 = arith.constant 0 : i32
      %dma_start3A_2117 = tpu.memref_slice %arg3[%dma_start3A_2115, %dma_start3A_2116] : memref<100000x64xf32, #tpu.memory_space<hbm>> -> memref<100000x64xf32, #tpu.memory_space<hbm>>
      tpu.enqueue_indirect_dma source(%dma_start3A_2117 : memref<100000x64xf32, #tpu.memory_space<hbm>>) target(%dma_start3A_2111 : memref<128x64xf32, #tpu.memory_space<vmem>>) offsets(%dma_start3A_2114 : memref<128xi32, #tpu.memory_space<vmem>>) semaphore(%arg10 : memref<!tpu.dma_semaphore, #tpu.memory_space<semaphore_mem>>) {add = true}
      %dma_wait3A_2118 = arith.constant 1 : i32
      %dma_wait3A_2119 = arith.constant 0 : i32
      %dma_wait3A_2120 = arith.constant 0 : i32
      %dma_wait3A_2121 = tpu.memref_slice %arg8[%dma_wait3A_2118, %dma_wait3A_2119, %dma_wait3A_2120] : memref<10x128x64xf32, #tpu.memory_space<vmem>> -> memref<1x128x64xf32, #tpu.memory_space<vmem>>
      %dma_wait3A_2122 = tpu.memref_squeeze %dma_wait3A_2121 : memref<1x128x64xf32, #tpu.memory_space<vmem>> -> memref<128x64xf32, #tpu.memory_space<vmem>>
      %dma_wait3A_2123 = arith.constant 0 : i32
      %dma_wait3A_2124 = arith.constant 0 : i32
      %dma_wait3A_2125 = tpu.memref_slice %arg3[%dma_wait3A_2123, %dma_wait3A_2124] : memref<100000x64xf32, #tpu.memory_space<hbm>> -> memref<128x64xf32, #tpu.memory_space<hbm>>
      %dma_wait3A_2126 = arith.constant 0 : i32
      %dma_wait3A_2127 = arith.constant 0 : i32
      %dma_wait3A_2128 = tpu.memref_slice %arg8[%dma_wait3A_2118, %dma_wait3A_2126, %dma_wait3A_2127] : memref<10x128x64xf32, #tpu.memory_space<vmem>> -> memref<1x128x64xf32, #tpu.memory_space<vmem>>
      %dma_wait3A_2129 = tpu.memref_squeeze %dma_wait3A_2128 : memref<1x128x64xf32, #tpu.memory_space<vmem>> -> memref<128x64xf32, #tpu.memory_space<vmem>>
      %dma_wait3A_2130 = arith.constant 0 : i32
      %dma_wait3A_2131 = arith.constant 0 : i32
      %dma_wait3A_2132 = tpu.memref_slice %arg3[%dma_wait3A_2130, %dma_wait3A_2131] : memref<100000x64xf32, #tpu.memory_space<hbm>> -> memref<128x64xf32, #tpu.memory_space<hbm>>
      tpu.wait_dma2 semaphore(%arg11 : memref<!tpu.dma_semaphore, #tpu.memory_space<semaphore_mem>>) src(%dma_wait3A_2132 : memref<128x64xf32, #tpu.memory_space<hbm>>) dst(%dma_wait3A_2129 : memref<128x64xf32, #tpu.memory_space<vmem>>)
      %mul3A_2133 = arith.constant 10 : i32
      %mul3A_2134 = arith.muli %scan3A_1934, %mul3A_2133 : i32
      %add3A_2135 = arith.constant 1 : i32
      %add3A_2136 = arith.addi %mul3A_2134, %add3A_2135 : i32
      %add3A_2137 = vector.broadcast %add3A_2136 : i32 to vector<16xi32>
      %add3A_2138 = arith.addi %mul3A_10, %add3A_2137 : vector<16xi32>
      %gather3A_2139 = tpu.vector_load_idx %arg6[%add3A_2138] : memref<25600xi32, #tpu.memory_space<vmem>>[vector<16xi32>], vector<16xi32>,
      %mul3A_2140 = arith.constant 2 : i32
      %mul3A_2141 = vector.broadcast %mul3A_2140 : i32 to vector<16xi32>
      %mul3A_2142 = arith.muli %gather3A_2139, %mul3A_2141 : vector<16xi32>
      %ge3A_2143 = arith.constant 50000 : i32
      %ge3A_2144 = vector.broadcast %ge3A_2143 : i32 to vector<16xi32>
      %ge3A_2145 = arith.cmpi sge, %gather3A_2139, %ge3A_2144 : vector<16xi32>
      %jit3A_2146 = arith.constant 99999 : i32
      %jit3A_2147 = arith.constant 0 : i32
      %broadcast_in_dim3A_2148 = vector.broadcast %jit3A_2146 : i32 to vector<16xi32>
      %broadcast_in_dim3A_2149 = vector.broadcast %jit3A_2147 : i32 to vector<16xi32>
      %select_n3A_2150 = arith.select %ge3A_2145, %broadcast_in_dim3A_2148, %broadcast_in_dim3A_2149 : vector<16xi1>, vector<16xi32>
      %sub3A_2151 = arith.subi %mul3A_2142, %select_n3A_2150 : vector<16xi32>
      %swap3A_2152 = arith.constant 1 : i32
      %swap3A_2153 = arith.index_cast %swap3A_2152 : i32 to index
      %swap3A_2154 = arith.constant 0 : index
      %swap3A_2155 = tpu.vector_load %arg7[%swap3A_2153, %swap3A_2154] {strides = array<i32>} : memref<10x128xi32, #tpu.memory_space<vmem>>, vector<16xi32>,
      tpu.vector_store %arg7[%swap3A_2153, %swap3A_2154], %sub3A_2151 {strides = array<i32>} : memref<10x128xi32, #tpu.memory_space<vmem>>, vector<16xi32>,
      %add3A_2156 = vector.broadcast %add3A_2136 : i32 to vector<16xi32>
      %add3A_2157 = arith.addi %mul3A_17, %add3A_2156 : vector<16xi32>
      %gather3A_2158 = tpu.vector_load_idx %arg6[%add3A_2157] : memref<25600xi32, #tpu.memory_space<vmem>>[vector<16xi32>], vector<16xi32>,
      %mul3A_2159 = arith.constant 2 : i32
      %mul3A_2160 = vector.broadcast %mul3A_2159 : i32 to vector<16xi32>
      %mul3A_2161 = arith.muli %gather3A_2158, %mul3A_2160 : vector<16xi32>
      %ge3A_2162 = arith.constant 50000 : i32
      %ge3A_2163 = vector.broadcast %ge3A_2162 : i32 to vector<16xi32>
      %ge3A_2164 = arith.cmpi sge, %gather3A_2158, %ge3A_2163 : vector<16xi32>
      %jit3A_2165 = arith.constant 99999 : i32
      %jit3A_2166 = arith.constant 0 : i32
      %broadcast_in_dim3A_2167 = vector.broadcast %jit3A_2165 : i32 to vector<16xi32>
      %broadcast_in_dim3A_2168 = vector.broadcast %jit3A_2166 : i32 to vector<16xi32>
      %select_n3A_2169 = arith.select %ge3A_2164, %broadcast_in_dim3A_2167, %broadcast_in_dim3A_2168 : vector<16xi1>, vector<16xi32>
      %sub3A_2170 = arith.subi %mul3A_2161, %select_n3A_2169 : vector<16xi32>
      %swap3A_2171 = arith.constant 1 : i32
      %swap3A_2172 = arith.index_cast %swap3A_2171 : i32 to index
      %swap3A_2173 = arith.constant 16 : index
      %swap3A_2174 = tpu.vector_load %arg7[%swap3A_2172, %swap3A_2173] {strides = array<i32>} : memref<10x128xi32, #tpu.memory_space<vmem>>, vector<16xi32>,
      tpu.vector_store %arg7[%swap3A_2172, %swap3A_2173], %sub3A_2170 {strides = array<i32>} : memref<10x128xi32, #tpu.memory_space<vmem>>, vector<16xi32>,
      %add3A_2175 = vector.broadcast %add3A_2136 : i32 to vector<16xi32>
      %add3A_2176 = arith.addi %mul3A_24, %add3A_2175 : vector<16xi32>
      %gather3A_2177 = tpu.vector_load_idx %arg6[%add3A_2176] : memref<25600xi32, #tpu.memory_space<vmem>>[vector<16xi32>], vector<16xi32>,
      %mul3A_2178 = arith.constant 2 : i32
      %mul3A_2179 = vector.broadcast %mul3A_2178 : i32 to vector<16xi32>
      %mul3A_2180 = arith.muli %gather3A_2177, %mul3A_2179 : vector<16xi32>
      %ge3A_2181 = arith.constant 50000 : i32
      %ge3A_2182 = vector.broadcast %ge3A_2181 : i32 to vector<16xi32>
      %ge3A_2183 = arith.cmpi sge, %gather3A_2177, %ge3A_2182 : vector<16xi32>
      %jit3A_2184 = arith.constant 99999 : i32
      %jit3A_2185 = arith.constant 0 : i32
      %broadcast_in_dim3A_2186 = vector.broadcast %jit3A_2184 : i32 to vector<16xi32>
      %broadcast_in_dim3A_2187 = vector.broadcast %jit3A_2185 : i32 to vector<16xi32>
      %select_n3A_2188 = arith.select %ge3A_2183, %broadcast_in_dim3A_2186, %broadcast_in_dim3A_2187 : vector<16xi1>, vector<16xi32>
      %sub3A_2189 = arith.subi %mul3A_2180, %select_n3A_2188 : vector<16xi32>
      %swap3A_2190 = arith.constant 1 : i32
      %swap3A_2191 = arith.index_cast %swap3A_2190 : i32 to index
      %swap3A_2192 = arith.constant 32 : index
      %swap3A_2193 = tpu.vector_load %arg7[%swap3A_2191, %swap3A_2192] {strides = array<i32>} : memref<10x128xi32, #tpu.memory_space<vmem>>, vector<16xi32>,
      tpu.vector_store %arg7[%swap3A_2191, %swap3A_2192], %sub3A_2189 {strides = array<i32>} : memref<10x128xi32, #tpu.memory_space<vmem>>, vector<16xi32>,
      %add3A_2194 = vector.broadcast %add3A_2136 : i32 to vector<16xi32>
      %add3A_2195 = arith.addi %mul3A_31, %add3A_2194 : vector<16xi32>
      %gather3A_2196 = tpu.vector_load_idx %arg6[%add3A_2195] : memref<25600xi32, #tpu.memory_space<vmem>>[vector<16xi32>], vector<16xi32>,
      %mul3A_2197 = arith.constant 2 : i32
      %mul3A_2198 = vector.broadcast %mul3A_2197 : i32 to vector<16xi32>
      %mul3A_2199 = arith.muli %gather3A_2196, %mul3A_2198 : vector<16xi32>
      %ge3A_2200 = arith.constant 50000 : i32
      %ge3A_2201 = vector.broadcast %ge3A_2200 : i32 to vector<16xi32>
      %ge3A_2202 = arith.cmpi sge, %gather3A_2196, %ge3A_2201 : vector<16xi32>
      %jit3A_2203 = arith.constant 99999 : i32
      %jit3A_2204 = arith.constant 0 : i32
      %broadcast_in_dim3A_2205 = vector.broadcast %jit3A_2203 : i32 to vector<16xi32>
      %broadcast_in_dim3A_2206 = vector.broadcast %jit3A_2204 : i32 to vector<16xi32>
      %select_n3A_2207 = arith.select %ge3A_2202, %broadcast_in_dim3A_2205, %broadcast_in_dim3A_2206 : vector<16xi1>, vector<16xi32>
      %sub3A_2208 = arith.subi %mul3A_2199, %select_n3A_2207 : vector<16xi32>
      %swap3A_2209 = arith.constant 1 : i32
      %swap3A_2210 = arith.index_cast %swap3A_2209 : i32 to index
      %swap3A_2211 = arith.constant 48 : index
      %swap3A_2212 = tpu.vector_load %arg7[%swap3A_2210, %swap3A_2211] {strides = array<i32>} : memref<10x128xi32, #tpu.memory_space<vmem>>, vector<16xi32>,
      tpu.vector_store %arg7[%swap3A_2210, %swap3A_2211], %sub3A_2208 {strides = array<i32>} : memref<10x128xi32, #tpu.memory_space<vmem>>, vector<16xi32>,
      %add3A_2213 = vector.broadcast %add3A_2136 : i32 to vector<16xi32>
      %add3A_2214 = arith.addi %mul3A_38, %add3A_2213 : vector<16xi32>
      %gather3A_2215 = tpu.vector_load_idx %arg6[%add3A_2214] : memref<25600xi32, #tpu.memory_space<vmem>>[vector<16xi32>], vector<16xi32>,
      %mul3A_2216 = arith.constant 2 : i32
      %mul3A_2217 = vector.broadcast %mul3A_2216 : i32 to vector<16xi32>
      %mul3A_2218 = arith.muli %gather3A_2215, %mul3A_2217 : vector<16xi32>
      %ge3A_2219 = arith.constant 50000 : i32
      %ge3A_2220 = vector.broadcast %ge3A_2219 : i32 to vector<16xi32>
      %ge3A_2221 = arith.cmpi sge, %gather3A_2215, %ge3A_2220 : vector<16xi32>
      %jit3A_2222 = arith.constant 99999 : i32
      %jit3A_2223 = arith.constant 0 : i32
      %broadcast_in_dim3A_2224 = vector.broadcast %jit3A_2222 : i32 to vector<16xi32>
      %broadcast_in_dim3A_2225 = vector.broadcast %jit3A_2223 : i32 to vector<16xi32>
      %select_n3A_2226 = arith.select %ge3A_2221, %broadcast_in_dim3A_2224, %broadcast_in_dim3A_2225 : vector<16xi1>, vector<16xi32>
      %sub3A_2227 = arith.subi %mul3A_2218, %select_n3A_2226 : vector<16xi32>
      %swap3A_2228 = arith.constant 1 : i32
      %swap3A_2229 = arith.index_cast %swap3A_2228 : i32 to index
      %swap3A_2230 = arith.constant 64 : index
      %swap3A_2231 = tpu.vector_load %arg7[%swap3A_2229, %swap3A_2230] {strides = array<i32>} : memref<10x128xi32, #tpu.memory_space<vmem>>, vector<16xi32>,
      tpu.vector_store %arg7[%swap3A_2229, %swap3A_2230], %sub3A_2227 {strides = array<i32>} : memref<10x128xi32, #tpu.memory_space<vmem>>, vector<16xi32>,
      %add3A_2232 = vector.broadcast %add3A_2136 : i32 to vector<16xi32>
      %add3A_2233 = arith.addi %mul3A_45, %add3A_2232 : vector<16xi32>
      %gather3A_2234 = tpu.vector_load_idx %arg6[%add3A_2233] : memref<25600xi32, #tpu.memory_space<vmem>>[vector<16xi32>], vector<16xi32>,
      %mul3A_2235 = arith.constant 2 : i32
      %mul3A_2236 = vector.broadcast %mul3A_2235 : i32 to vector<16xi32>
      %mul3A_2237 = arith.muli %gather3A_2234, %mul3A_2236 : vector<16xi32>
      %ge3A_2238 = arith.constant 50000 : i32
      %ge3A_2239 = vector.broadcast %ge3A_2238 : i32 to vector<16xi32>
      %ge3A_2240 = arith.cmpi sge, %gather3A_2234, %ge3A_2239 : vector<16xi32>
      %jit3A_2241 = arith.constant 99999 : i32
      %jit3A_2242 = arith.constant 0 : i32
      %broadcast_in_dim3A_2243 = vector.broadcast %jit3A_2241 : i32 to vector<16xi32>
      %broadcast_in_dim3A_2244 = vector.broadcast %jit3A_2242 : i32 to vector<16xi32>
      %select_n3A_2245 = arith.select %ge3A_2240, %broadcast_in_dim3A_2243, %broadcast_in_dim3A_2244 : vector<16xi1>, vector<16xi32>
      %sub3A_2246 = arith.subi %mul3A_2237, %select_n3A_2245 : vector<16xi32>
      %swap3A_2247 = arith.constant 1 : i32
      %swap3A_2248 = arith.index_cast %swap3A_2247 : i32 to index
      %swap3A_2249 = arith.constant 80 : index
      %swap3A_2250 = tpu.vector_load %arg7[%swap3A_2248, %swap3A_2249] {strides = array<i32>} : memref<10x128xi32, #tpu.memory_space<vmem>>, vector<16xi32>,
      tpu.vector_store %arg7[%swap3A_2248, %swap3A_2249], %sub3A_2246 {strides = array<i32>} : memref<10x128xi32, #tpu.memory_space<vmem>>, vector<16xi32>,
      %add3A_2251 = vector.broadcast %add3A_2136 : i32 to vector<16xi32>
      %add3A_2252 = arith.addi %mul3A_52, %add3A_2251 : vector<16xi32>
      %gather3A_2253 = tpu.vector_load_idx %arg6[%add3A_2252] : memref<25600xi32, #tpu.memory_space<vmem>>[vector<16xi32>], vector<16xi32>,
      %mul3A_2254 = arith.constant 2 : i32
      %mul3A_2255 = vector.broadcast %mul3A_2254 : i32 to vector<16xi32>
      %mul3A_2256 = arith.muli %gather3A_2253, %mul3A_2255 : vector<16xi32>
      %ge3A_2257 = arith.constant 50000 : i32
      %ge3A_2258 = vector.broadcast %ge3A_2257 : i32 to vector<16xi32>
      %ge3A_2259 = arith.cmpi sge, %gather3A_2253, %ge3A_2258 : vector<16xi32>
      %jit3A_2260 = arith.constant 99999 : i32
      %jit3A_2261 = arith.constant 0 : i32
      %broadcast_in_dim3A_2262 = vector.broadcast %jit3A_2260 : i32 to vector<16xi32>
      %broadcast_in_dim3A_2263 = vector.broadcast %jit3A_2261 : i32 to vector<16xi32>
      %select_n3A_2264 = arith.select %ge3A_2259, %broadcast_in_dim3A_2262, %broadcast_in_dim3A_2263 : vector<16xi1>, vector<16xi32>
      %sub3A_2265 = arith.subi %mul3A_2256, %select_n3A_2264 : vector<16xi32>
      %swap3A_2266 = arith.constant 1 : i32
      %swap3A_2267 = arith.index_cast %swap3A_2266 : i32 to index
      %swap3A_2268 = arith.constant 96 : index
      %swap3A_2269 = tpu.vector_load %arg7[%swap3A_2267, %swap3A_2268] {strides = array<i32>} : memref<10x128xi32, #tpu.memory_space<vmem>>, vector<16xi32>,
      tpu.vector_store %arg7[%swap3A_2267, %swap3A_2268], %sub3A_2265 {strides = array<i32>} : memref<10x128xi32, #tpu.memory_space<vmem>>, vector<16xi32>,
      %add3A_2270 = vector.broadcast %add3A_2136 : i32 to vector<16xi32>
      %add3A_2271 = arith.addi %mul3A_59, %add3A_2270 : vector<16xi32>
      %gather3A_2272 = tpu.vector_load_idx %arg6[%add3A_2271] : memref<25600xi32, #tpu.memory_space<vmem>>[vector<16xi32>], vector<16xi32>,
      %mul3A_2273 = arith.constant 2 : i32
      %mul3A_2274 = vector.broadcast %mul3A_2273 : i32 to vector<16xi32>
      %mul3A_2275 = arith.muli %gather3A_2272, %mul3A_2274 : vector<16xi32>
      %ge3A_2276 = arith.constant 50000 : i32
      %ge3A_2277 = vector.broadcast %ge3A_2276 : i32 to vector<16xi32>
      %ge3A_2278 = arith.cmpi sge, %gather3A_2272, %ge3A_2277 : vector<16xi32>
      %jit3A_2279 = arith.constant 99999 : i32
      %jit3A_2280 = arith.constant 0 : i32
      %broadcast_in_dim3A_2281 = vector.broadcast %jit3A_2279 : i32 to vector<16xi32>
      %broadcast_in_dim3A_2282 = vector.broadcast %jit3A_2280 : i32 to vector<16xi32>
      %select_n3A_2283 = arith.select %ge3A_2278, %broadcast_in_dim3A_2281, %broadcast_in_dim3A_2282 : vector<16xi1>, vector<16xi32>
      %sub3A_2284 = arith.subi %mul3A_2275, %select_n3A_2283 : vector<16xi32>
      %swap3A_2285 = arith.constant 1 : i32
      %swap3A_2286 = arith.index_cast %swap3A_2285 : i32 to index
      %swap3A_2287 = arith.constant 112 : index
      %swap3A_2288 = tpu.vector_load %arg7[%swap3A_2286, %swap3A_2287] {strides = array<i32>} : memref<10x128xi32, #tpu.memory_space<vmem>>, vector<16xi32>,
      tpu.vector_store %arg7[%swap3A_2286, %swap3A_2287], %sub3A_2284 {strides = array<i32>} : memref<10x128xi32, #tpu.memory_space<vmem>>, vector<16xi32>,
      %dma_start3A_2289 = arith.constant 1 : i32
      %dma_start3A_2290 = arith.constant 1 : i32
      %dma_start3A_2291 = arith.constant 0 : i32
      %dma_start3A_2292 = arith.constant 0 : i32
      %dma_start3A_2293 = tpu.memref_slice %arg8[%dma_start3A_2290, %dma_start3A_2291, %dma_start3A_2292] : memref<10x128x64xf32, #tpu.memory_space<vmem>> -> memref<1x128x64xf32, #tpu.memory_space<vmem>>
      %dma_start3A_2294 = tpu.memref_squeeze %dma_start3A_2293 : memref<1x128x64xf32, #tpu.memory_space<vmem>> -> memref<128x64xf32, #tpu.memory_space<vmem>>
      %dma_start3A_2295 = arith.constant 0 : i32
      %dma_start3A_2296 = tpu.memref_slice %arg7[%dma_start3A_2289, %dma_start3A_2295] : memref<10x128xi32, #tpu.memory_space<vmem>> -> memref<1x128xi32, #tpu.memory_space<vmem>>
      %dma_start3A_2297 = tpu.memref_squeeze %dma_start3A_2296 : memref<1x128xi32, #tpu.memory_space<vmem>> -> memref<128xi32, #tpu.memory_space<vmem>>
      %dma_start3A_2298 = arith.constant 0 : i32
      %dma_start3A_2299 = arith.constant 0 : i32
      %dma_start3A_2300 = tpu.memref_slice %arg3[%dma_start3A_2298, %dma_start3A_2299] : memref<100000x64xf32, #tpu.memory_space<hbm>> -> memref<100000x64xf32, #tpu.memory_space<hbm>>
      tpu.enqueue_indirect_dma source(%dma_start3A_2300 : memref<100000x64xf32, #tpu.memory_space<hbm>>) target(%dma_start3A_2294 : memref<128x64xf32, #tpu.memory_space<vmem>>) offsets(%dma_start3A_2297 : memref<128xi32, #tpu.memory_space<vmem>>) semaphore(%arg11 : memref<!tpu.dma_semaphore, #tpu.memory_space<semaphore_mem>>) {add = true}
      %dma_wait3A_2301 = arith.constant 2 : i32
      %dma_wait3A_2302 = arith.constant 0 : i32
      %dma_wait3A_2303 = arith.constant 0 : i32
      %dma_wait3A_2304 = tpu.memref_slice %arg8[%dma_wait3A_2301, %dma_wait3A_2302, %dma_wait3A_2303] : memref<10x128x64xf32, #tpu.memory_space<vmem>> -> memref<1x128x64xf32, #tpu.memory_space<vmem>>
      %dma_wait3A_2305 = tpu.memref_squeeze %dma_wait3A_2304 : memref<1x128x64xf32, #tpu.memory_space<vmem>> -> memref<128x64xf32, #tpu.memory_space<vmem>>
      %dma_wait3A_2306 = arith.constant 0 : i32
      %dma_wait3A_2307 = arith.constant 0 : i32
      %dma_wait3A_2308 = tpu.memref_slice %arg3[%dma_wait3A_2306, %dma_wait3A_2307] : memref<100000x64xf32, #tpu.memory_space<hbm>> -> memref<128x64xf32, #tpu.memory_space<hbm>>
      %dma_wait3A_2309 = arith.constant 0 : i32
      %dma_wait3A_2310 = arith.constant 0 : i32
      %dma_wait3A_2311 = tpu.memref_slice %arg8[%dma_wait3A_2301, %dma_wait3A_2309, %dma_wait3A_2310] : memref<10x128x64xf32, #tpu.memory_space<vmem>> -> memref<1x128x64xf32, #tpu.memory_space<vmem>>
      %dma_wait3A_2312 = tpu.memref_squeeze %dma_wait3A_2311 : memref<1x128x64xf32, #tpu.memory_space<vmem>> -> memref<128x64xf32, #tpu.memory_space<vmem>>
      %dma_wait3A_2313 = arith.constant 0 : i32
      %dma_wait3A_2314 = arith.constant 0 : i32
      %dma_wait3A_2315 = tpu.memref_slice %arg3[%dma_wait3A_2313, %dma_wait3A_2314] : memref<100000x64xf32, #tpu.memory_space<hbm>> -> memref<128x64xf32, #tpu.memory_space<hbm>>
      tpu.wait_dma2 semaphore(%arg12 : memref<!tpu.dma_semaphore, #tpu.memory_space<semaphore_mem>>) src(%dma_wait3A_2315 : memref<128x64xf32, #tpu.memory_space<hbm>>) dst(%dma_wait3A_2312 : memref<128x64xf32, #tpu.memory_space<vmem>>)
      %mul3A_2316 = arith.constant 10 : i32
      %mul3A_2317 = arith.muli %scan3A_1934, %mul3A_2316 : i32
      %add3A_2318 = arith.constant 2 : i32
      %add3A_2319 = arith.addi %mul3A_2317, %add3A_2318 : i32
      %add3A_2320 = vector.broadcast %add3A_2319 : i32 to vector<16xi32>
      %add3A_2321 = arith.addi %mul3A_10, %add3A_2320 : vector<16xi32>
      %gather3A_2322 = tpu.vector_load_idx %arg6[%add3A_2321] : memref<25600xi32, #tpu.memory_space<vmem>>[vector<16xi32>], vector<16xi32>,
      %mul3A_2323 = arith.constant 2 : i32
      %mul3A_2324 = vector.broadcast %mul3A_2323 : i32 to vector<16xi32>
      %mul3A_2325 = arith.muli %gather3A_2322, %mul3A_2324 : vector<16xi32>
      %ge3A_2326 = arith.constant 50000 : i32
      %ge3A_2327 = vector.broadcast %ge3A_2326 : i32 to vector<16xi32>
      %ge3A_2328 = arith.cmpi sge, %gather3A_2322, %ge3A_2327 : vector<16xi32>
      %jit3A_2329 = arith.constant 99999 : i32
      %jit3A_2330 = arith.constant 0 : i32
      %broadcast_in_dim3A_2331 = vector.broadcast %jit3A_2329 : i32 to vector<16xi32>
      %broadcast_in_dim3A_2332 = vector.broadcast %jit3A_2330 : i32 to vector<16xi32>
      %select_n3A_2333 = arith.select %ge3A_2328, %broadcast_in_dim3A_2331, %broadcast_in_dim3A_2332 : vector<16xi1>, vector<16xi32>
      %sub3A_2334 = arith.subi %mul3A_2325, %select_n3A_2333 : vector<16xi32>
      %swap3A_2335 = arith.constant 2 : i32
      %swap3A_2336 = arith.index_cast %swap3A_2335 : i32 to index
      %swap3A_2337 = arith.constant 0 : index
      %swap3A_2338 = tpu.vector_load %arg7[%swap3A_2336, %swap3A_2337] {strides = array<i32>} : memref<10x128xi32, #tpu.memory_space<vmem>>, vector<16xi32>,
      tpu.vector_store %arg7[%swap3A_2336, %swap3A_2337], %sub3A_2334 {strides = array<i32>} : memref<10x128xi32, #tpu.memory_space<vmem>>, vector<16xi32>,
      %add3A_2339 = vector.broadcast %add3A_2319 : i32 to vector<16xi32>
      %add3A_2340 = arith.addi %mul3A_17, %add3A_2339 : vector<16xi32>
      %gather3A_2341 = tpu.vector_load_idx %arg6[%add3A_2340] : memref<25600xi32, #tpu.memory_space<vmem>>[vector<16xi32>], vector<16xi32>,
      %mul3A_2342 = arith.constant 2 : i32
      %mul3A_2343 = vector.broadcast %mul3A_2342 : i32 to vector<16xi32>
      %mul3A_2344 = arith.muli %gather3A_2341, %mul3A_2343 : vector<16xi32>
      %ge3A_2345 = arith.constant 50000 : i32
      %ge3A_2346 = vector.broadcast %ge3A_2345 : i32 to vector<16xi32>
      %ge3A_2347 = arith.cmpi sge, %gather3A_2341, %ge3A_2346 : vector<16xi32>
      %jit3A_2348 = arith.constant 99999 : i32
      %jit3A_2349 = arith.constant 0 : i32
      %broadcast_in_dim3A_2350 = vector.broadcast %jit3A_2348 : i32 to vector<16xi32>
      %broadcast_in_dim3A_2351 = vector.broadcast %jit3A_2349 : i32 to vector<16xi32>
      %select_n3A_2352 = arith.select %ge3A_2347, %broadcast_in_dim3A_2350, %broadcast_in_dim3A_2351 : vector<16xi1>, vector<16xi32>
      %sub3A_2353 = arith.subi %mul3A_2344, %select_n3A_2352 : vector<16xi32>
      %swap3A_2354 = arith.constant 2 : i32
      %swap3A_2355 = arith.index_cast %swap3A_2354 : i32 to index
      %swap3A_2356 = arith.constant 16 : index
      %swap3A_2357 = tpu.vector_load %arg7[%swap3A_2355, %swap3A_2356] {strides = array<i32>} : memref<10x128xi32, #tpu.memory_space<vmem>>, vector<16xi32>,
      tpu.vector_store %arg7[%swap3A_2355, %swap3A_2356], %sub3A_2353 {strides = array<i32>} : memref<10x128xi32, #tpu.memory_space<vmem>>, vector<16xi32>,
      %add3A_2358 = vector.broadcast %add3A_2319 : i32 to vector<16xi32>
      %add3A_2359 = arith.addi %mul3A_24, %add3A_2358 : vector<16xi32>
      %gather3A_2360 = tpu.vector_load_idx %arg6[%add3A_2359] : memref<25600xi32, #tpu.memory_space<vmem>>[vector<16xi32>], vector<16xi32>,
      %mul3A_2361 = arith.constant 2 : i32
      %mul3A_2362 = vector.broadcast %mul3A_2361 : i32 to vector<16xi32>
      %mul3A_2363 = arith.muli %gather3A_2360, %mul3A_2362 : vector<16xi32>
      %ge3A_2364 = arith.constant 50000 : i32
      %ge3A_2365 = vector.broadcast %ge3A_2364 : i32 to vector<16xi32>
      %ge3A_2366 = arith.cmpi sge, %gather3A_2360, %ge3A_2365 : vector<16xi32>
      %jit3A_2367 = arith.constant 99999 : i32
      %jit3A_2368 = arith.constant 0 : i32
      %broadcast_in_dim3A_2369 = vector.broadcast %jit3A_2367 : i32 to vector<16xi32>
      %broadcast_in_dim3A_2370 = vector.broadcast %jit3A_2368 : i32 to vector<16xi32>
      %select_n3A_2371 = arith.select %ge3A_2366, %broadcast_in_dim3A_2369, %broadcast_in_dim3A_2370 : vector<16xi1>, vector<16xi32>
      %sub3A_2372 = arith.subi %mul3A_2363, %select_n3A_2371 : vector<16xi32>
      %swap3A_2373 = arith.constant 2 : i32
      %swap3A_2374 = arith.index_cast %swap3A_2373 : i32 to index
      %swap3A_2375 = arith.constant 32 : index
      %swap3A_2376 = tpu.vector_load %arg7[%swap3A_2374, %swap3A_2375] {strides = array<i32>} : memref<10x128xi32, #tpu.memory_space<vmem>>, vector<16xi32>,
      tpu.vector_store %arg7[%swap3A_2374, %swap3A_2375], %sub3A_2372 {strides = array<i32>} : memref<10x128xi32, #tpu.memory_space<vmem>>, vector<16xi32>,
      %add3A_2377 = vector.broadcast %add3A_2319 : i32 to vector<16xi32>
      %add3A_2378 = arith.addi %mul3A_31, %add3A_2377 : vector<16xi32>
      %gather3A_2379 = tpu.vector_load_idx %arg6[%add3A_2378] : memref<25600xi32, #tpu.memory_space<vmem>>[vector<16xi32>], vector<16xi32>,
      %mul3A_2380 = arith.constant 2 : i32
      %mul3A_2381 = vector.broadcast %mul3A_2380 : i32 to vector<16xi32>
      %mul3A_2382 = arith.muli %gather3A_2379, %mul3A_2381 : vector<16xi32>
      %ge3A_2383 = arith.constant 50000 : i32
      %ge3A_2384 = vector.broadcast %ge3A_2383 : i32 to vector<16xi32>
      %ge3A_2385 = arith.cmpi sge, %gather3A_2379, %ge3A_2384 : vector<16xi32>
      %jit3A_2386 = arith.constant 99999 : i32
      %jit3A_2387 = arith.constant 0 : i32
      %broadcast_in_dim3A_2388 = vector.broadcast %jit3A_2386 : i32 to vector<16xi32>
      %broadcast_in_dim3A_2389 = vector.broadcast %jit3A_2387 : i32 to vector<16xi32>
      %select_n3A_2390 = arith.select %ge3A_2385, %broadcast_in_dim3A_2388, %broadcast_in_dim3A_2389 : vector<16xi1>, vector<16xi32>
      %sub3A_2391 = arith.subi %mul3A_2382, %select_n3A_2390 : vector<16xi32>
      %swap3A_2392 = arith.constant 2 : i32
      %swap3A_2393 = arith.index_cast %swap3A_2392 : i32 to index
      %swap3A_2394 = arith.constant 48 : index
      %swap3A_2395 = tpu.vector_load %arg7[%swap3A_2393, %swap3A_2394] {strides = array<i32>} : memref<10x128xi32, #tpu.memory_space<vmem>>, vector<16xi32>,
      tpu.vector_store %arg7[%swap3A_2393, %swap3A_2394], %sub3A_2391 {strides = array<i32>} : memref<10x128xi32, #tpu.memory_space<vmem>>, vector<16xi32>,
      %add3A_2396 = vector.broadcast %add3A_2319 : i32 to vector<16xi32>
      %add3A_2397 = arith.addi %mul3A_38, %add3A_2396 : vector<16xi32>
      %gather3A_2398 = tpu.vector_load_idx %arg6[%add3A_2397] : memref<25600xi32, #tpu.memory_space<vmem>>[vector<16xi32>], vector<16xi32>,
      %mul3A_2399 = arith.constant 2 : i32
      %mul3A_2400 = vector.broadcast %mul3A_2399 : i32 to vector<16xi32>
      %mul3A_2401 = arith.muli %gather3A_2398, %mul3A_2400 : vector<16xi32>
      %ge3A_2402 = arith.constant 50000 : i32
      %ge3A_2403 = vector.broadcast %ge3A_2402 : i32 to vector<16xi32>
      %ge3A_2404 = arith.cmpi sge, %gather3A_2398, %ge3A_2403 : vector<16xi32>
      %jit3A_2405 = arith.constant 99999 : i32
      %jit3A_2406 = arith.constant 0 : i32
      %broadcast_in_dim3A_2407 = vector.broadcast %jit3A_2405 : i32 to vector<16xi32>
      %broadcast_in_dim3A_2408 = vector.broadcast %jit3A_2406 : i32 to vector<16xi32>
      %select_n3A_2409 = arith.select %ge3A_2404, %broadcast_in_dim3A_2407, %broadcast_in_dim3A_2408 : vector<16xi1>, vector<16xi32>
      %sub3A_2410 = arith.subi %mul3A_2401, %select_n3A_2409 : vector<16xi32>
      %swap3A_2411 = arith.constant 2 : i32
      %swap3A_2412 = arith.index_cast %swap3A_2411 : i32 to index
      %swap3A_2413 = arith.constant 64 : index
      %swap3A_2414 = tpu.vector_load %arg7[%swap3A_2412, %swap3A_2413] {strides = array<i32>} : memref<10x128xi32, #tpu.memory_space<vmem>>, vector<16xi32>,
      tpu.vector_store %arg7[%swap3A_2412, %swap3A_2413], %sub3A_2410 {strides = array<i32>} : memref<10x128xi32, #tpu.memory_space<vmem>>, vector<16xi32>,
      %add3A_2415 = vector.broadcast %add3A_2319 : i32 to vector<16xi32>
      %add3A_2416 = arith.addi %mul3A_45, %add3A_2415 : vector<16xi32>
      %gather3A_2417 = tpu.vector_load_idx %arg6[%add3A_2416] : memref<25600xi32, #tpu.memory_space<vmem>>[vector<16xi32>], vector<16xi32>,
      %mul3A_2418 = arith.constant 2 : i32
      %mul3A_2419 = vector.broadcast %mul3A_2418 : i32 to vector<16xi32>
      %mul3A_2420 = arith.muli %gather3A_2417, %mul3A_2419 : vector<16xi32>
      %ge3A_2421 = arith.constant 50000 : i32
      %ge3A_2422 = vector.broadcast %ge3A_2421 : i32 to vector<16xi32>
      %ge3A_2423 = arith.cmpi sge, %gather3A_2417, %ge3A_2422 : vector<16xi32>
      %jit3A_2424 = arith.constant 99999 : i32
      %jit3A_2425 = arith.constant 0 : i32
      %broadcast_in_dim3A_2426 = vector.broadcast %jit3A_2424 : i32 to vector<16xi32>
      %broadcast_in_dim3A_2427 = vector.broadcast %jit3A_2425 : i32 to vector<16xi32>
      %select_n3A_2428 = arith.select %ge3A_2423, %broadcast_in_dim3A_2426, %broadcast_in_dim3A_2427 : vector<16xi1>, vector<16xi32>
      %sub3A_2429 = arith.subi %mul3A_2420, %select_n3A_2428 : vector<16xi32>
      %swap3A_2430 = arith.constant 2 : i32
      %swap3A_2431 = arith.index_cast %swap3A_2430 : i32 to index
      %swap3A_2432 = arith.constant 80 : index
      %swap3A_2433 = tpu.vector_load %arg7[%swap3A_2431, %swap3A_2432] {strides = array<i32>} : memref<10x128xi32, #tpu.memory_space<vmem>>, vector<16xi32>,
      tpu.vector_store %arg7[%swap3A_2431, %swap3A_2432], %sub3A_2429 {strides = array<i32>} : memref<10x128xi32, #tpu.memory_space<vmem>>, vector<16xi32>,
      %add3A_2434 = vector.broadcast %add3A_2319 : i32 to vector<16xi32>
      %add3A_2435 = arith.addi %mul3A_52, %add3A_2434 : vector<16xi32>
      %gather3A_2436 = tpu.vector_load_idx %arg6[%add3A_2435] : memref<25600xi32, #tpu.memory_space<vmem>>[vector<16xi32>], vector<16xi32>,
      %mul3A_2437 = arith.constant 2 : i32
      %mul3A_2438 = vector.broadcast %mul3A_2437 : i32 to vector<16xi32>
      %mul3A_2439 = arith.muli %gather3A_2436, %mul3A_2438 : vector<16xi32>
      %ge3A_2440 = arith.constant 50000 : i32
      %ge3A_2441 = vector.broadcast %ge3A_2440 : i32 to vector<16xi32>
      %ge3A_2442 = arith.cmpi sge, %gather3A_2436, %ge3A_2441 : vector<16xi32>
      %jit3A_2443 = arith.constant 99999 : i32
      %jit3A_2444 = arith.constant 0 : i32
      %broadcast_in_dim3A_2445 = vector.broadcast %jit3A_2443 : i32 to vector<16xi32>
      %broadcast_in_dim3A_2446 = vector.broadcast %jit3A_2444 : i32 to vector<16xi32>
      %select_n3A_2447 = arith.select %ge3A_2442, %broadcast_in_dim3A_2445, %broadcast_in_dim3A_2446 : vector<16xi1>, vector<16xi32>
      %sub3A_2448 = arith.subi %mul3A_2439, %select_n3A_2447 : vector<16xi32>
      %swap3A_2449 = arith.constant 2 : i32
      %swap3A_2450 = arith.index_cast %swap3A_2449 : i32 to index
      %swap3A_2451 = arith.constant 96 : index
      %swap3A_2452 = tpu.vector_load %arg7[%swap3A_2450, %swap3A_2451] {strides = array<i32>} : memref<10x128xi32, #tpu.memory_space<vmem>>, vector<16xi32>,
      tpu.vector_store %arg7[%swap3A_2450, %swap3A_2451], %sub3A_2448 {strides = array<i32>} : memref<10x128xi32, #tpu.memory_space<vmem>>, vector<16xi32>,
      %add3A_2453 = vector.broadcast %add3A_2319 : i32 to vector<16xi32>
      %add3A_2454 = arith.addi %mul3A_59, %add3A_2453 : vector<16xi32>
      %gather3A_2455 = tpu.vector_load_idx %arg6[%add3A_2454] : memref<25600xi32, #tpu.memory_space<vmem>>[vector<16xi32>], vector<16xi32>,
      %mul3A_2456 = arith.constant 2 : i32
      %mul3A_2457 = vector.broadcast %mul3A_2456 : i32 to vector<16xi32>
      %mul3A_2458 = arith.muli %gather3A_2455, %mul3A_2457 : vector<16xi32>
      %ge3A_2459 = arith.constant 50000 : i32
      %ge3A_2460 = vector.broadcast %ge3A_2459 : i32 to vector<16xi32>
      %ge3A_2461 = arith.cmpi sge, %gather3A_2455, %ge3A_2460 : vector<16xi32>
      %jit3A_2462 = arith.constant 99999 : i32
      %jit3A_2463 = arith.constant 0 : i32
      %broadcast_in_dim3A_2464 = vector.broadcast %jit3A_2462 : i32 to vector<16xi32>
      %broadcast_in_dim3A_2465 = vector.broadcast %jit3A_2463 : i32 to vector<16xi32>
      %select_n3A_2466 = arith.select %ge3A_2461, %broadcast_in_dim3A_2464, %broadcast_in_dim3A_2465 : vector<16xi1>, vector<16xi32>
      %sub3A_2467 = arith.subi %mul3A_2458, %select_n3A_2466 : vector<16xi32>
      %swap3A_2468 = arith.constant 2 : i32
      %swap3A_2469 = arith.index_cast %swap3A_2468 : i32 to index
      %swap3A_2470 = arith.constant 112 : index
      %swap3A_2471 = tpu.vector_load %arg7[%swap3A_2469, %swap3A_2470] {strides = array<i32>} : memref<10x128xi32, #tpu.memory_space<vmem>>, vector<16xi32>,
      tpu.vector_store %arg7[%swap3A_2469, %swap3A_2470], %sub3A_2467 {strides = array<i32>} : memref<10x128xi32, #tpu.memory_space<vmem>>, vector<16xi32>,
      %dma_start3A_2472 = arith.constant 2 : i32
      %dma_start3A_2473 = arith.constant 2 : i32
      %dma_start3A_2474 = arith.constant 0 : i32
      %dma_start3A_2475 = arith.constant 0 : i32
      %dma_start3A_2476 = tpu.memref_slice %arg8[%dma_start3A_2473, %dma_start3A_2474, %dma_start3A_2475] : memref<10x128x64xf32, #tpu.memory_space<vmem>> -> memref<1x128x64xf32, #tpu.memory_space<vmem>>
      %dma_start3A_2477 = tpu.memref_squeeze %dma_start3A_2476 : memref<1x128x64xf32, #tpu.memory_space<vmem>> -> memref<128x64xf32, #tpu.memory_space<vmem>>
      %dma_start3A_2478 = arith.constant 0 : i32
      %dma_start3A_2479 = tpu.memref_slice %arg7[%dma_start3A_2472, %dma_start3A_2478] : memref<10x128xi32, #tpu.memory_space<vmem>> -> memref<1x128xi32, #tpu.memory_space<vmem>>
      %dma_start3A_2480 = tpu.memref_squeeze %dma_start3A_2479 : memref<1x128xi32, #tpu.memory_space<vmem>> -> memref<128xi32, #tpu.memory_space<vmem>>
      %dma_start3A_2481 = arith.constant 0 : i32
      %dma_start3A_2482 = arith.constant 0 : i32
      %dma_start3A_2483 = tpu.memref_slice %arg3[%dma_start3A_2481, %dma_start3A_2482] : memref<100000x64xf32, #tpu.memory_space<hbm>> -> memref<100000x64xf32, #tpu.memory_space<hbm>>
      tpu.enqueue_indirect_dma source(%dma_start3A_2483 : memref<100000x64xf32, #tpu.memory_space<hbm>>) target(%dma_start3A_2477 : memref<128x64xf32, #tpu.memory_space<vmem>>) offsets(%dma_start3A_2480 : memref<128xi32, #tpu.memory_space<vmem>>) semaphore(%arg12 : memref<!tpu.dma_semaphore, #tpu.memory_space<semaphore_mem>>) {add = true}
      %dma_wait3A_2484 = arith.constant 3 : i32
      %dma_wait3A_2485 = arith.constant 0 : i32
      %dma_wait3A_2486 = arith.constant 0 : i32
      %dma_wait3A_2487 = tpu.memref_slice %arg8[%dma_wait3A_2484, %dma_wait3A_2485, %dma_wait3A_2486] : memref<10x128x64xf32, #tpu.memory_space<vmem>> -> memref<1x128x64xf32, #tpu.memory_space<vmem>>
      %dma_wait3A_2488 = tpu.memref_squeeze %dma_wait3A_2487 : memref<1x128x64xf32, #tpu.memory_space<vmem>> -> memref<128x64xf32, #tpu.memory_space<vmem>>
      %dma_wait3A_2489 = arith.constant 0 : i32
      %dma_wait3A_2490 = arith.constant 0 : i32
      %dma_wait3A_2491 = tpu.memref_slice %arg3[%dma_wait3A_2489, %dma_wait3A_2490] : memref<100000x64xf32, #tpu.memory_space<hbm>> -> memref<128x64xf32, #tpu.memory_space<hbm>>
      %dma_wait3A_2492 = arith.constant 0 : i32
      %dma_wait3A_2493 = arith.constant 0 : i32
      %dma_wait3A_2494 = tpu.memref_slice %arg8[%dma_wait3A_2484, %dma_wait3A_2492, %dma_wait3A_2493] : memref<10x128x64xf32, #tpu.memory_space<vmem>> -> memref<1x128x64xf32, #tpu.memory_space<vmem>>
      %dma_wait3A_2495 = tpu.memref_squeeze %dma_wait3A_2494 : memref<1x128x64xf32, #tpu.memory_space<vmem>> -> memref<128x64xf32, #tpu.memory_space<vmem>>
      %dma_wait3A_2496 = arith.constant 0 : i32
      %dma_wait3A_2497 = arith.constant 0 : i32
      %dma_wait3A_2498 = tpu.memref_slice %arg3[%dma_wait3A_2496, %dma_wait3A_2497] : memref<100000x64xf32, #tpu.memory_space<hbm>> -> memref<128x64xf32, #tpu.memory_space<hbm>>
      tpu.wait_dma2 semaphore(%arg13 : memref<!tpu.dma_semaphore, #tpu.memory_space<semaphore_mem>>) src(%dma_wait3A_2498 : memref<128x64xf32, #tpu.memory_space<hbm>>) dst(%dma_wait3A_2495 : memref<128x64xf32, #tpu.memory_space<vmem>>)
      %mul3A_2499 = arith.constant 10 : i32
      %mul3A_2500 = arith.muli %scan3A_1934, %mul3A_2499 : i32
      %add3A_2501 = arith.constant 3 : i32
      %add3A_2502 = arith.addi %mul3A_2500, %add3A_2501 : i32
      %add3A_2503 = vector.broadcast %add3A_2502 : i32 to vector<16xi32>
      %add3A_2504 = arith.addi %mul3A_10, %add3A_2503 : vector<16xi32>
      %gather3A_2505 = tpu.vector_load_idx %arg6[%add3A_2504] : memref<25600xi32, #tpu.memory_space<vmem>>[vector<16xi32>], vector<16xi32>,
      %mul3A_2506 = arith.constant 2 : i32
      %mul3A_2507 = vector.broadcast %mul3A_2506 : i32 to vector<16xi32>
      %mul3A_2508 = arith.muli %gather3A_2505, %mul3A_2507 : vector<16xi32>
      %ge3A_2509 = arith.constant 50000 : i32
      %ge3A_2510 = vector.broadcast %ge3A_2509 : i32 to vector<16xi32>
      %ge3A_2511 = arith.cmpi sge, %gather3A_2505, %ge3A_2510 : vector<16xi32>
      %jit3A_2512 = arith.constant 99999 : i32
      %jit3A_2513 = arith.constant 0 : i32
      %broadcast_in_dim3A_2514 = vector.broadcast %jit3A_2512 : i32 to vector<16xi32>
      %broadcast_in_dim3A_2515 = vector.broadcast %jit3A_2513 : i32 to vector<16xi32>
      %select_n3A_2516 = arith.select %ge3A_2511, %broadcast_in_dim3A_2514, %broadcast_in_dim3A_2515 : vector<16xi1>, vector<16xi32>
      %sub3A_2517 = arith.subi %mul3A_2508, %select_n3A_2516 : vector<16xi32>
      %swap3A_2518 = arith.constant 3 : i32
      %swap3A_2519 = arith.index_cast %swap3A_2518 : i32 to index
      %swap3A_2520 = arith.constant 0 : index
      %swap3A_2521 = tpu.vector_load %arg7[%swap3A_2519, %swap3A_2520] {strides = array<i32>} : memref<10x128xi32, #tpu.memory_space<vmem>>, vector<16xi32>,
      tpu.vector_store %arg7[%swap3A_2519, %swap3A_2520], %sub3A_2517 {strides = array<i32>} : memref<10x128xi32, #tpu.memory_space<vmem>>, vector<16xi32>,
      %add3A_2522 = vector.broadcast %add3A_2502 : i32 to vector<16xi32>
      %add3A_2523 = arith.addi %mul3A_17, %add3A_2522 : vector<16xi32>
      %gather3A_2524 = tpu.vector_load_idx %arg6[%add3A_2523] : memref<25600xi32, #tpu.memory_space<vmem>>[vector<16xi32>], vector<16xi32>,
      %mul3A_2525 = arith.constant 2 : i32
      %mul3A_2526 = vector.broadcast %mul3A_2525 : i32 to vector<16xi32>
      %mul3A_2527 = arith.muli %gather3A_2524, %mul3A_2526 : vector<16xi32>
      %ge3A_2528 = arith.constant 50000 : i32
      %ge3A_2529 = vector.broadcast %ge3A_2528 : i32 to vector<16xi32>
      %ge3A_2530 = arith.cmpi sge, %gather3A_2524, %ge3A_2529 : vector<16xi32>
      %jit3A_2531 = arith.constant 99999 : i32
      %jit3A_2532 = arith.constant 0 : i32
      %broadcast_in_dim3A_2533 = vector.broadcast %jit3A_2531 : i32 to vector<16xi32>
      %broadcast_in_dim3A_2534 = vector.broadcast %jit3A_2532 : i32 to vector<16xi32>
      %select_n3A_2535 = arith.select %ge3A_2530, %broadcast_in_dim3A_2533, %broadcast_in_dim3A_2534 : vector<16xi1>, vector<16xi32>
      %sub3A_2536 = arith.subi %mul3A_2527, %select_n3A_2535 : vector<16xi32>
      %swap3A_2537 = arith.constant 3 : i32
      %swap3A_2538 = arith.index_cast %swap3A_2537 : i32 to index
      %swap3A_2539 = arith.constant 16 : index
      %swap3A_2540 = tpu.vector_load %arg7[%swap3A_2538, %swap3A_2539] {strides = array<i32>} : memref<10x128xi32, #tpu.memory_space<vmem>>, vector<16xi32>,
      tpu.vector_store %arg7[%swap3A_2538, %swap3A_2539], %sub3A_2536 {strides = array<i32>} : memref<10x128xi32, #tpu.memory_space<vmem>>, vector<16xi32>,
      %add3A_2541 = vector.broadcast %add3A_2502 : i32 to vector<16xi32>
      %add3A_2542 = arith.addi %mul3A_24, %add3A_2541 : vector<16xi32>
      %gather3A_2543 = tpu.vector_load_idx %arg6[%add3A_2542] : memref<25600xi32, #tpu.memory_space<vmem>>[vector<16xi32>], vector<16xi32>,
      %mul3A_2544 = arith.constant 2 : i32
      %mul3A_2545 = vector.broadcast %mul3A_2544 : i32 to vector<16xi32>
      %mul3A_2546 = arith.muli %gather3A_2543, %mul3A_2545 : vector<16xi32>
      %ge3A_2547 = arith.constant 50000 : i32
      %ge3A_2548 = vector.broadcast %ge3A_2547 : i32 to vector<16xi32>
      %ge3A_2549 = arith.cmpi sge, %gather3A_2543, %ge3A_2548 : vector<16xi32>
      %jit3A_2550 = arith.constant 99999 : i32
      %jit3A_2551 = arith.constant 0 : i32
      %broadcast_in_dim3A_2552 = vector.broadcast %jit3A_2550 : i32 to vector<16xi32>
      %broadcast_in_dim3A_2553 = vector.broadcast %jit3A_2551 : i32 to vector<16xi32>
      %select_n3A_2554 = arith.select %ge3A_2549, %broadcast_in_dim3A_2552, %broadcast_in_dim3A_2553 : vector<16xi1>, vector<16xi32>
      %sub3A_2555 = arith.subi %mul3A_2546, %select_n3A_2554 : vector<16xi32>
      %swap3A_2556 = arith.constant 3 : i32
      %swap3A_2557 = arith.index_cast %swap3A_2556 : i32 to index
      %swap3A_2558 = arith.constant 32 : index
      %swap3A_2559 = tpu.vector_load %arg7[%swap3A_2557, %swap3A_2558] {strides = array<i32>} : memref<10x128xi32, #tpu.memory_space<vmem>>, vector<16xi32>,
      tpu.vector_store %arg7[%swap3A_2557, %swap3A_2558], %sub3A_2555 {strides = array<i32>} : memref<10x128xi32, #tpu.memory_space<vmem>>, vector<16xi32>,
      %add3A_2560 = vector.broadcast %add3A_2502 : i32 to vector<16xi32>
      %add3A_2561 = arith.addi %mul3A_31, %add3A_2560 : vector<16xi32>
      %gather3A_2562 = tpu.vector_load_idx %arg6[%add3A_2561] : memref<25600xi32, #tpu.memory_space<vmem>>[vector<16xi32>], vector<16xi32>,
      %mul3A_2563 = arith.constant 2 : i32
      %mul3A_2564 = vector.broadcast %mul3A_2563 : i32 to vector<16xi32>
      %mul3A_2565 = arith.muli %gather3A_2562, %mul3A_2564 : vector<16xi32>
      %ge3A_2566 = arith.constant 50000 : i32
      %ge3A_2567 = vector.broadcast %ge3A_2566 : i32 to vector<16xi32>
      %ge3A_2568 = arith.cmpi sge, %gather3A_2562, %ge3A_2567 : vector<16xi32>
      %jit3A_2569 = arith.constant 99999 : i32
      %jit3A_2570 = arith.constant 0 : i32
      %broadcast_in_dim3A_2571 = vector.broadcast %jit3A_2569 : i32 to vector<16xi32>
      %broadcast_in_dim3A_2572 = vector.broadcast %jit3A_2570 : i32 to vector<16xi32>
      %select_n3A_2573 = arith.select %ge3A_2568, %broadcast_in_dim3A_2571, %broadcast_in_dim3A_2572 : vector<16xi1>, vector<16xi32>
      %sub3A_2574 = arith.subi %mul3A_2565, %select_n3A_2573 : vector<16xi32>
      %swap3A_2575 = arith.constant 3 : i32
      %swap3A_2576 = arith.index_cast %swap3A_2575 : i32 to index
      %swap3A_2577 = arith.constant 48 : index
      %swap3A_2578 = tpu.vector_load %arg7[%swap3A_2576, %swap3A_2577] {strides = array<i32>} : memref<10x128xi32, #tpu.memory_space<vmem>>, vector<16xi32>,
      tpu.vector_store %arg7[%swap3A_2576, %swap3A_2577], %sub3A_2574 {strides = array<i32>} : memref<10x128xi32, #tpu.memory_space<vmem>>, vector<16xi32>,
      %add3A_2579 = vector.broadcast %add3A_2502 : i32 to vector<16xi32>
      %add3A_2580 = arith.addi %mul3A_38, %add3A_2579 : vector<16xi32>
      %gather3A_2581 = tpu.vector_load_idx %arg6[%add3A_2580] : memref<25600xi32, #tpu.memory_space<vmem>>[vector<16xi32>], vector<16xi32>,
      %mul3A_2582 = arith.constant 2 : i32
      %mul3A_2583 = vector.broadcast %mul3A_2582 : i32 to vector<16xi32>
      %mul3A_2584 = arith.muli %gather3A_2581, %mul3A_2583 : vector<16xi32>
      %ge3A_2585 = arith.constant 50000 : i32
      %ge3A_2586 = vector.broadcast %ge3A_2585 : i32 to vector<16xi32>
      %ge3A_2587 = arith.cmpi sge, %gather3A_2581, %ge3A_2586 : vector<16xi32>
      %jit3A_2588 = arith.constant 99999 : i32
      %jit3A_2589 = arith.constant 0 : i32
      %broadcast_in_dim3A_2590 = vector.broadcast %jit3A_2588 : i32 to vector<16xi32>
      %broadcast_in_dim3A_2591 = vector.broadcast %jit3A_2589 : i32 to vector<16xi32>
      %select_n3A_2592 = arith.select %ge3A_2587, %broadcast_in_dim3A_2590, %broadcast_in_dim3A_2591 : vector<16xi1>, vector<16xi32>
      %sub3A_2593 = arith.subi %mul3A_2584, %select_n3A_2592 : vector<16xi32>
      %swap3A_2594 = arith.constant 3 : i32
      %swap3A_2595 = arith.index_cast %swap3A_2594 : i32 to index
      %swap3A_2596 = arith.constant 64 : index
      %swap3A_2597 = tpu.vector_load %arg7[%swap3A_2595, %swap3A_2596] {strides = array<i32>} : memref<10x128xi32, #tpu.memory_space<vmem>>, vector<16xi32>,
      tpu.vector_store %arg7[%swap3A_2595, %swap3A_2596], %sub3A_2593 {strides = array<i32>} : memref<10x128xi32, #tpu.memory_space<vmem>>, vector<16xi32>,
      %add3A_2598 = vector.broadcast %add3A_2502 : i32 to vector<16xi32>
      %add3A_2599 = arith.addi %mul3A_45, %add3A_2598 : vector<16xi32>
      %gather3A_2600 = tpu.vector_load_idx %arg6[%add3A_2599] : memref<25600xi32, #tpu.memory_space<vmem>>[vector<16xi32>], vector<16xi32>,
      %mul3A_2601 = arith.constant 2 : i32
      %mul3A_2602 = vector.broadcast %mul3A_2601 : i32 to vector<16xi32>
      %mul3A_2603 = arith.muli %gather3A_2600, %mul3A_2602 : vector<16xi32>
      %ge3A_2604 = arith.constant 50000 : i32
      %ge3A_2605 = vector.broadcast %ge3A_2604 : i32 to vector<16xi32>
      %ge3A_2606 = arith.cmpi sge, %gather3A_2600, %ge3A_2605 : vector<16xi32>
      %jit3A_2607 = arith.constant 99999 : i32
      %jit3A_2608 = arith.constant 0 : i32
      %broadcast_in_dim3A_2609 = vector.broadcast %jit3A_2607 : i32 to vector<16xi32>
      %broadcast_in_dim3A_2610 = vector.broadcast %jit3A_2608 : i32 to vector<16xi32>
      %select_n3A_2611 = arith.select %ge3A_2606, %broadcast_in_dim3A_2609, %broadcast_in_dim3A_2610 : vector<16xi1>, vector<16xi32>
      %sub3A_2612 = arith.subi %mul3A_2603, %select_n3A_2611 : vector<16xi32>
      %swap3A_2613 = arith.constant 3 : i32
      %swap3A_2614 = arith.index_cast %swap3A_2613 : i32 to index
      %swap3A_2615 = arith.constant 80 : index
      %swap3A_2616 = tpu.vector_load %arg7[%swap3A_2614, %swap3A_2615] {strides = array<i32>} : memref<10x128xi32, #tpu.memory_space<vmem>>, vector<16xi32>,
      tpu.vector_store %arg7[%swap3A_2614, %swap3A_2615], %sub3A_2612 {strides = array<i32>} : memref<10x128xi32, #tpu.memory_space<vmem>>, vector<16xi32>,
      %add3A_2617 = vector.broadcast %add3A_2502 : i32 to vector<16xi32>
      %add3A_2618 = arith.addi %mul3A_52, %add3A_2617 : vector<16xi32>
      %gather3A_2619 = tpu.vector_load_idx %arg6[%add3A_2618] : memref<25600xi32, #tpu.memory_space<vmem>>[vector<16xi32>], vector<16xi32>,
      %mul3A_2620 = arith.constant 2 : i32
      %mul3A_2621 = vector.broadcast %mul3A_2620 : i32 to vector<16xi32>
      %mul3A_2622 = arith.muli %gather3A_2619, %mul3A_2621 : vector<16xi32>
      %ge3A_2623 = arith.constant 50000 : i32
      %ge3A_2624 = vector.broadcast %ge3A_2623 : i32 to vector<16xi32>
      %ge3A_2625 = arith.cmpi sge, %gather3A_2619, %ge3A_2624 : vector<16xi32>
      %jit3A_2626 = arith.constant 99999 : i32
      %jit3A_2627 = arith.constant 0 : i32
      %broadcast_in_dim3A_2628 = vector.broadcast %jit3A_2626 : i32 to vector<16xi32>
      %broadcast_in_dim3A_2629 = vector.broadcast %jit3A_2627 : i32 to vector<16xi32>
      %select_n3A_2630 = arith.select %ge3A_2625, %broadcast_in_dim3A_2628, %broadcast_in_dim3A_2629 : vector<16xi1>, vector<16xi32>
      %sub3A_2631 = arith.subi %mul3A_2622, %select_n3A_2630 : vector<16xi32>
      %swap3A_2632 = arith.constant 3 : i32
      %swap3A_2633 = arith.index_cast %swap3A_2632 : i32 to index
      %swap3A_2634 = arith.constant 96 : index
      %swap3A_2635 = tpu.vector_load %arg7[%swap3A_2633, %swap3A_2634] {strides = array<i32>} : memref<10x128xi32, #tpu.memory_space<vmem>>, vector<16xi32>,
      tpu.vector_store %arg7[%swap3A_2633, %swap3A_2634], %sub3A_2631 {strides = array<i32>} : memref<10x128xi32, #tpu.memory_space<vmem>>, vector<16xi32>,
      %add3A_2636 = vector.broadcast %add3A_2502 : i32 to vector<16xi32>
      %add3A_2637 = arith.addi %mul3A_59, %add3A_2636 : vector<16xi32>
      %gather3A_2638 = tpu.vector_load_idx %arg6[%add3A_2637] : memref<25600xi32, #tpu.memory_space<vmem>>[vector<16xi32>], vector<16xi32>,
      %mul3A_2639 = arith.constant 2 : i32
      %mul3A_2640 = vector.broadcast %mul3A_2639 : i32 to vector<16xi32>
      %mul3A_2641 = arith.muli %gather3A_2638, %mul3A_2640 : vector<16xi32>
      %ge3A_2642 = arith.constant 50000 : i32
      %ge3A_2643 = vector.broadcast %ge3A_2642 : i32 to vector<16xi32>
      %ge3A_2644 = arith.cmpi sge, %gather3A_2638, %ge3A_2643 : vector<16xi32>
      %jit3A_2645 = arith.constant 99999 : i32
      %jit3A_2646 = arith.constant 0 : i32
      %broadcast_in_dim3A_2647 = vector.broadcast %jit3A_2645 : i32 to vector<16xi32>
      %broadcast_in_dim3A_2648 = vector.broadcast %jit3A_2646 : i32 to vector<16xi32>
      %select_n3A_2649 = arith.select %ge3A_2644, %broadcast_in_dim3A_2647, %broadcast_in_dim3A_2648 : vector<16xi1>, vector<16xi32>
      %sub3A_2650 = arith.subi %mul3A_2641, %select_n3A_2649 : vector<16xi32>
      %swap3A_2651 = arith.constant 3 : i32
      %swap3A_2652 = arith.index_cast %swap3A_2651 : i32 to index
      %swap3A_2653 = arith.constant 112 : index
      %swap3A_2654 = tpu.vector_load %arg7[%swap3A_2652, %swap3A_2653] {strides = array<i32>} : memref<10x128xi32, #tpu.memory_space<vmem>>, vector<16xi32>,
      tpu.vector_store %arg7[%swap3A_2652, %swap3A_2653], %sub3A_2650 {strides = array<i32>} : memref<10x128xi32, #tpu.memory_space<vmem>>, vector<16xi32>,
      %dma_start3A_2655 = arith.constant 3 : i32
      %dma_start3A_2656 = arith.constant 3 : i32
      %dma_start3A_2657 = arith.constant 0 : i32
      %dma_start3A_2658 = arith.constant 0 : i32
      %dma_start3A_2659 = tpu.memref_slice %arg8[%dma_start3A_2656, %dma_start3A_2657, %dma_start3A_2658] : memref<10x128x64xf32, #tpu.memory_space<vmem>> -> memref<1x128x64xf32, #tpu.memory_space<vmem>>
      %dma_start3A_2660 = tpu.memref_squeeze %dma_start3A_2659 : memref<1x128x64xf32, #tpu.memory_space<vmem>> -> memref<128x64xf32, #tpu.memory_space<vmem>>
      %dma_start3A_2661 = arith.constant 0 : i32
      %dma_start3A_2662 = tpu.memref_slice %arg7[%dma_start3A_2655, %dma_start3A_2661] : memref<10x128xi32, #tpu.memory_space<vmem>> -> memref<1x128xi32, #tpu.memory_space<vmem>>
      %dma_start3A_2663 = tpu.memref_squeeze %dma_start3A_2662 : memref<1x128xi32, #tpu.memory_space<vmem>> -> memref<128xi32, #tpu.memory_space<vmem>>
      %dma_start3A_2664 = arith.constant 0 : i32
      %dma_start3A_2665 = arith.constant 0 : i32
      %dma_start3A_2666 = tpu.memref_slice %arg3[%dma_start3A_2664, %dma_start3A_2665] : memref<100000x64xf32, #tpu.memory_space<hbm>> -> memref<100000x64xf32, #tpu.memory_space<hbm>>
      tpu.enqueue_indirect_dma source(%dma_start3A_2666 : memref<100000x64xf32, #tpu.memory_space<hbm>>) target(%dma_start3A_2660 : memref<128x64xf32, #tpu.memory_space<vmem>>) offsets(%dma_start3A_2663 : memref<128xi32, #tpu.memory_space<vmem>>) semaphore(%arg13 : memref<!tpu.dma_semaphore, #tpu.memory_space<semaphore_mem>>) {add = true}
      %dma_wait3A_2667 = arith.constant 4 : i32
      %dma_wait3A_2668 = arith.constant 0 : i32
      %dma_wait3A_2669 = arith.constant 0 : i32
      %dma_wait3A_2670 = tpu.memref_slice %arg8[%dma_wait3A_2667, %dma_wait3A_2668, %dma_wait3A_2669] : memref<10x128x64xf32, #tpu.memory_space<vmem>> -> memref<1x128x64xf32, #tpu.memory_space<vmem>>
      %dma_wait3A_2671 = tpu.memref_squeeze %dma_wait3A_2670 : memref<1x128x64xf32, #tpu.memory_space<vmem>> -> memref<128x64xf32, #tpu.memory_space<vmem>>
      %dma_wait3A_2672 = arith.constant 0 : i32
      %dma_wait3A_2673 = arith.constant 0 : i32
      %dma_wait3A_2674 = tpu.memref_slice %arg3[%dma_wait3A_2672, %dma_wait3A_2673] : memref<100000x64xf32, #tpu.memory_space<hbm>> -> memref<128x64xf32, #tpu.memory_space<hbm>>
      %dma_wait3A_2675 = arith.constant 0 : i32
      %dma_wait3A_2676 = arith.constant 0 : i32
      %dma_wait3A_2677 = tpu.memref_slice %arg8[%dma_wait3A_2667, %dma_wait3A_2675, %dma_wait3A_2676] : memref<10x128x64xf32, #tpu.memory_space<vmem>> -> memref<1x128x64xf32, #tpu.memory_space<vmem>>
      %dma_wait3A_2678 = tpu.memref_squeeze %dma_wait3A_2677 : memref<1x128x64xf32, #tpu.memory_space<vmem>> -> memref<128x64xf32, #tpu.memory_space<vmem>>
      %dma_wait3A_2679 = arith.constant 0 : i32
      %dma_wait3A_2680 = arith.constant 0 : i32
      %dma_wait3A_2681 = tpu.memref_slice %arg3[%dma_wait3A_2679, %dma_wait3A_2680] : memref<100000x64xf32, #tpu.memory_space<hbm>> -> memref<128x64xf32, #tpu.memory_space<hbm>>
      tpu.wait_dma2 semaphore(%arg14 : memref<!tpu.dma_semaphore, #tpu.memory_space<semaphore_mem>>) src(%dma_wait3A_2681 : memref<128x64xf32, #tpu.memory_space<hbm>>) dst(%dma_wait3A_2678 : memref<128x64xf32, #tpu.memory_space<vmem>>)
      %mul3A_2682 = arith.constant 10 : i32
      %mul3A_2683 = arith.muli %scan3A_1934, %mul3A_2682 : i32
      %add3A_2684 = arith.constant 4 : i32
      %add3A_2685 = arith.addi %mul3A_2683, %add3A_2684 : i32
      %add3A_2686 = vector.broadcast %add3A_2685 : i32 to vector<16xi32>
      %add3A_2687 = arith.addi %mul3A_10, %add3A_2686 : vector<16xi32>
      %gather3A_2688 = tpu.vector_load_idx %arg6[%add3A_2687] : memref<25600xi32, #tpu.memory_space<vmem>>[vector<16xi32>], vector<16xi32>,
      %mul3A_2689 = arith.constant 2 : i32
      %mul3A_2690 = vector.broadcast %mul3A_2689 : i32 to vector<16xi32>
      %mul3A_2691 = arith.muli %gather3A_2688, %mul3A_2690 : vector<16xi32>
      %ge3A_2692 = arith.constant 50000 : i32
      %ge3A_2693 = vector.broadcast %ge3A_2692 : i32 to vector<16xi32>
      %ge3A_2694 = arith.cmpi sge, %gather3A_2688, %ge3A_2693 : vector<16xi32>
      %jit3A_2695 = arith.constant 99999 : i32
      %jit3A_2696 = arith.constant 0 : i32
      %broadcast_in_dim3A_2697 = vector.broadcast %jit3A_2695 : i32 to vector<16xi32>
      %broadcast_in_dim3A_2698 = vector.broadcast %jit3A_2696 : i32 to vector<16xi32>
      %select_n3A_2699 = arith.select %ge3A_2694, %broadcast_in_dim3A_2697, %broadcast_in_dim3A_2698 : vector<16xi1>, vector<16xi32>
      %sub3A_2700 = arith.subi %mul3A_2691, %select_n3A_2699 : vector<16xi32>
      %swap3A_2701 = arith.constant 4 : i32
      %swap3A_2702 = arith.index_cast %swap3A_2701 : i32 to index
      %swap3A_2703 = arith.constant 0 : index
      %swap3A_2704 = tpu.vector_load %arg7[%swap3A_2702, %swap3A_2703] {strides = array<i32>} : memref<10x128xi32, #tpu.memory_space<vmem>>, vector<16xi32>,
      tpu.vector_store %arg7[%swap3A_2702, %swap3A_2703], %sub3A_2700 {strides = array<i32>} : memref<10x128xi32, #tpu.memory_space<vmem>>, vector<16xi32>,
      %add3A_2705 = vector.broadcast %add3A_2685 : i32 to vector<16xi32>
      %add3A_2706 = arith.addi %mul3A_17, %add3A_2705 : vector<16xi32>
      %gather3A_2707 = tpu.vector_load_idx %arg6[%add3A_2706] : memref<25600xi32, #tpu.memory_space<vmem>>[vector<16xi32>], vector<16xi32>,
      %mul3A_2708 = arith.constant 2 : i32
      %mul3A_2709 = vector.broadcast %mul3A_2708 : i32 to vector<16xi32>
      %mul3A_2710 = arith.muli %gather3A_2707, %mul3A_2709 : vector<16xi32>
      %ge3A_2711 = arith.constant 50000 : i32
      %ge3A_2712 = vector.broadcast %ge3A_2711 : i32 to vector<16xi32>
      %ge3A_2713 = arith.cmpi sge, %gather3A_2707, %ge3A_2712 : vector<16xi32>
      %jit3A_2714 = arith.constant 99999 : i32
      %jit3A_2715 = arith.constant 0 : i32
      %broadcast_in_dim3A_2716 = vector.broadcast %jit3A_2714 : i32 to vector<16xi32>
      %broadcast_in_dim3A_2717 = vector.broadcast %jit3A_2715 : i32 to vector<16xi32>
      %select_n3A_2718 = arith.select %ge3A_2713, %broadcast_in_dim3A_2716, %broadcast_in_dim3A_2717 : vector<16xi1>, vector<16xi32>
      %sub3A_2719 = arith.subi %mul3A_2710, %select_n3A_2718 : vector<16xi32>
      %swap3A_2720 = arith.constant 4 : i32
      %swap3A_2721 = arith.index_cast %swap3A_2720 : i32 to index
      %swap3A_2722 = arith.constant 16 : index
      %swap3A_2723 = tpu.vector_load %arg7[%swap3A_2721, %swap3A_2722] {strides = array<i32>} : memref<10x128xi32, #tpu.memory_space<vmem>>, vector<16xi32>,
      tpu.vector_store %arg7[%swap3A_2721, %swap3A_2722], %sub3A_2719 {strides = array<i32>} : memref<10x128xi32, #tpu.memory_space<vmem>>, vector<16xi32>,
      %add3A_2724 = vector.broadcast %add3A_2685 : i32 to vector<16xi32>
      %add3A_2725 = arith.addi %mul3A_24, %add3A_2724 : vector<16xi32>
      %gather3A_2726 = tpu.vector_load_idx %arg6[%add3A_2725] : memref<25600xi32, #tpu.memory_space<vmem>>[vector<16xi32>], vector<16xi32>,
      %mul3A_2727 = arith.constant 2 : i32
      %mul3A_2728 = vector.broadcast %mul3A_2727 : i32 to vector<16xi32>
      %mul3A_2729 = arith.muli %gather3A_2726, %mul3A_2728 : vector<16xi32>
      %ge3A_2730 = arith.constant 50000 : i32
      %ge3A_2731 = vector.broadcast %ge3A_2730 : i32 to vector<16xi32>
      %ge3A_2732 = arith.cmpi sge, %gather3A_2726, %ge3A_2731 : vector<16xi32>
      %jit3A_2733 = arith.constant 99999 : i32
      %jit3A_2734 = arith.constant 0 : i32
      %broadcast_in_dim3A_2735 = vector.broadcast %jit3A_2733 : i32 to vector<16xi32>
      %broadcast_in_dim3A_2736 = vector.broadcast %jit3A_2734 : i32 to vector<16xi32>
      %select_n3A_2737 = arith.select %ge3A_2732, %broadcast_in_dim3A_2735, %broadcast_in_dim3A_2736 : vector<16xi1>, vector<16xi32>
      %sub3A_2738 = arith.subi %mul3A_2729, %select_n3A_2737 : vector<16xi32>
      %swap3A_2739 = arith.constant 4 : i32
      %swap3A_2740 = arith.index_cast %swap3A_2739 : i32 to index
      %swap3A_2741 = arith.constant 32 : index
      %swap3A_2742 = tpu.vector_load %arg7[%swap3A_2740, %swap3A_2741] {strides = array<i32>} : memref<10x128xi32, #tpu.memory_space<vmem>>, vector<16xi32>,
      tpu.vector_store %arg7[%swap3A_2740, %swap3A_2741], %sub3A_2738 {strides = array<i32>} : memref<10x128xi32, #tpu.memory_space<vmem>>, vector<16xi32>,
      %add3A_2743 = vector.broadcast %add3A_2685 : i32 to vector<16xi32>
      %add3A_2744 = arith.addi %mul3A_31, %add3A_2743 : vector<16xi32>
      %gather3A_2745 = tpu.vector_load_idx %arg6[%add3A_2744] : memref<25600xi32, #tpu.memory_space<vmem>>[vector<16xi32>], vector<16xi32>,
      %mul3A_2746 = arith.constant 2 : i32
      %mul3A_2747 = vector.broadcast %mul3A_2746 : i32 to vector<16xi32>
      %mul3A_2748 = arith.muli %gather3A_2745, %mul3A_2747 : vector<16xi32>
      %ge3A_2749 = arith.constant 50000 : i32
      %ge3A_2750 = vector.broadcast %ge3A_2749 : i32 to vector<16xi32>
      %ge3A_2751 = arith.cmpi sge, %gather3A_2745, %ge3A_2750 : vector<16xi32>
      %jit3A_2752 = arith.constant 99999 : i32
      %jit3A_2753 = arith.constant 0 : i32
      %broadcast_in_dim3A_2754 = vector.broadcast %jit3A_2752 : i32 to vector<16xi32>
      %broadcast_in_dim3A_2755 = vector.broadcast %jit3A_2753 : i32 to vector<16xi32>
      %select_n3A_2756 = arith.select %ge3A_2751, %broadcast_in_dim3A_2754, %broadcast_in_dim3A_2755 : vector<16xi1>, vector<16xi32>
      %sub3A_2757 = arith.subi %mul3A_2748, %select_n3A_2756 : vector<16xi32>
      %swap3A_2758 = arith.constant 4 : i32
      %swap3A_2759 = arith.index_cast %swap3A_2758 : i32 to index
      %swap3A_2760 = arith.constant 48 : index
      %swap3A_2761 = tpu.vector_load %arg7[%swap3A_2759, %swap3A_2760] {strides = array<i32>} : memref<10x128xi32, #tpu.memory_space<vmem>>, vector<16xi32>,
      tpu.vector_store %arg7[%swap3A_2759, %swap3A_2760], %sub3A_2757 {strides = array<i32>} : memref<10x128xi32, #tpu.memory_space<vmem>>, vector<16xi32>,
      %add3A_2762 = vector.broadcast %add3A_2685 : i32 to vector<16xi32>
      %add3A_2763 = arith.addi %mul3A_38, %add3A_2762 : vector<16xi32>
      %gather3A_2764 = tpu.vector_load_idx %arg6[%add3A_2763] : memref<25600xi32, #tpu.memory_space<vmem>>[vector<16xi32>], vector<16xi32>,
      %mul3A_2765 = arith.constant 2 : i32
      %mul3A_2766 = vector.broadcast %mul3A_2765 : i32 to vector<16xi32>
      %mul3A_2767 = arith.muli %gather3A_2764, %mul3A_2766 : vector<16xi32>
      %ge3A_2768 = arith.constant 50000 : i32
      %ge3A_2769 = vector.broadcast %ge3A_2768 : i32 to vector<16xi32>
      %ge3A_2770 = arith.cmpi sge, %gather3A_2764, %ge3A_2769 : vector<16xi32>
      %jit3A_2771 = arith.constant 99999 : i32
      %jit3A_2772 = arith.constant 0 : i32
      %broadcast_in_dim3A_2773 = vector.broadcast %jit3A_2771 : i32 to vector<16xi32>
      %broadcast_in_dim3A_2774 = vector.broadcast %jit3A_2772 : i32 to vector<16xi32>
      %select_n3A_2775 = arith.select %ge3A_2770, %broadcast_in_dim3A_2773, %broadcast_in_dim3A_2774 : vector<16xi1>, vector<16xi32>
      %sub3A_2776 = arith.subi %mul3A_2767, %select_n3A_2775 : vector<16xi32>
      %swap3A_2777 = arith.constant 4 : i32
      %swap3A_2778 = arith.index_cast %swap3A_2777 : i32 to index
      %swap3A_2779 = arith.constant 64 : index
      %swap3A_2780 = tpu.vector_load %arg7[%swap3A_2778, %swap3A_2779] {strides = array<i32>} : memref<10x128xi32, #tpu.memory_space<vmem>>, vector<16xi32>,
      tpu.vector_store %arg7[%swap3A_2778, %swap3A_2779], %sub3A_2776 {strides = array<i32>} : memref<10x128xi32, #tpu.memory_space<vmem>>, vector<16xi32>,
      %add3A_2781 = vector.broadcast %add3A_2685 : i32 to vector<16xi32>
      %add3A_2782 = arith.addi %mul3A_45, %add3A_2781 : vector<16xi32>
      %gather3A_2783 = tpu.vector_load_idx %arg6[%add3A_2782] : memref<25600xi32, #tpu.memory_space<vmem>>[vector<16xi32>], vector<16xi32>,
      %mul3A_2784 = arith.constant 2 : i32
      %mul3A_2785 = vector.broadcast %mul3A_2784 : i32 to vector<16xi32>
      %mul3A_2786 = arith.muli %gather3A_2783, %mul3A_2785 : vector<16xi32>
      %ge3A_2787 = arith.constant 50000 : i32
      %ge3A_2788 = vector.broadcast %ge3A_2787 : i32 to vector<16xi32>
      %ge3A_2789 = arith.cmpi sge, %gather3A_2783, %ge3A_2788 : vector<16xi32>
      %jit3A_2790 = arith.constant 99999 : i32
      %jit3A_2791 = arith.constant 0 : i32
      %broadcast_in_dim3A_2792 = vector.broadcast %jit3A_2790 : i32 to vector<16xi32>
      %broadcast_in_dim3A_2793 = vector.broadcast %jit3A_2791 : i32 to vector<16xi32>
      %select_n3A_2794 = arith.select %ge3A_2789, %broadcast_in_dim3A_2792, %broadcast_in_dim3A_2793 : vector<16xi1>, vector<16xi32>
      %sub3A_2795 = arith.subi %mul3A_2786, %select_n3A_2794 : vector<16xi32>
      %swap3A_2796 = arith.constant 4 : i32
      %swap3A_2797 = arith.index_cast %swap3A_2796 : i32 to index
      %swap3A_2798 = arith.constant 80 : index
      %swap3A_2799 = tpu.vector_load %arg7[%swap3A_2797, %swap3A_2798] {strides = array<i32>} : memref<10x128xi32, #tpu.memory_space<vmem>>, vector<16xi32>,
      tpu.vector_store %arg7[%swap3A_2797, %swap3A_2798], %sub3A_2795 {strides = array<i32>} : memref<10x128xi32, #tpu.memory_space<vmem>>, vector<16xi32>,
      %add3A_2800 = vector.broadcast %add3A_2685 : i32 to vector<16xi32>
      %add3A_2801 = arith.addi %mul3A_52, %add3A_2800 : vector<16xi32>
      %gather3A_2802 = tpu.vector_load_idx %arg6[%add3A_2801] : memref<25600xi32, #tpu.memory_space<vmem>>[vector<16xi32>], vector<16xi32>,
      %mul3A_2803 = arith.constant 2 : i32
      %mul3A_2804 = vector.broadcast %mul3A_2803 : i32 to vector<16xi32>
      %mul3A_2805 = arith.muli %gather3A_2802, %mul3A_2804 : vector<16xi32>
      %ge3A_2806 = arith.constant 50000 : i32
      %ge3A_2807 = vector.broadcast %ge3A_2806 : i32 to vector<16xi32>
      %ge3A_2808 = arith.cmpi sge, %gather3A_2802, %ge3A_2807 : vector<16xi32>
      %jit3A_2809 = arith.constant 99999 : i32
      %jit3A_2810 = arith.constant 0 : i32
      %broadcast_in_dim3A_2811 = vector.broadcast %jit3A_2809 : i32 to vector<16xi32>
      %broadcast_in_dim3A_2812 = vector.broadcast %jit3A_2810 : i32 to vector<16xi32>
      %select_n3A_2813 = arith.select %ge3A_2808, %broadcast_in_dim3A_2811, %broadcast_in_dim3A_2812 : vector<16xi1>, vector<16xi32>
      %sub3A_2814 = arith.subi %mul3A_2805, %select_n3A_2813 : vector<16xi32>
      %swap3A_2815 = arith.constant 4 : i32
      %swap3A_2816 = arith.index_cast %swap3A_2815 : i32 to index
      %swap3A_2817 = arith.constant 96 : index
      %swap3A_2818 = tpu.vector_load %arg7[%swap3A_2816, %swap3A_2817] {strides = array<i32>} : memref<10x128xi32, #tpu.memory_space<vmem>>, vector<16xi32>,
      tpu.vector_store %arg7[%swap3A_2816, %swap3A_2817], %sub3A_2814 {strides = array<i32>} : memref<10x128xi32, #tpu.memory_space<vmem>>, vector<16xi32>,
      %add3A_2819 = vector.broadcast %add3A_2685 : i32 to vector<16xi32>
      %add3A_2820 = arith.addi %mul3A_59, %add3A_2819 : vector<16xi32>
      %gather3A_2821 = tpu.vector_load_idx %arg6[%add3A_2820] : memref<25600xi32, #tpu.memory_space<vmem>>[vector<16xi32>], vector<16xi32>,
      %mul3A_2822 = arith.constant 2 : i32
      %mul3A_2823 = vector.broadcast %mul3A_2822 : i32 to vector<16xi32>
      %mul3A_2824 = arith.muli %gather3A_2821, %mul3A_2823 : vector<16xi32>
      %ge3A_2825 = arith.constant 50000 : i32
      %ge3A_2826 = vector.broadcast %ge3A_2825 : i32 to vector<16xi32>
      %ge3A_2827 = arith.cmpi sge, %gather3A_2821, %ge3A_2826 : vector<16xi32>
      %jit3A_2828 = arith.constant 99999 : i32
      %jit3A_2829 = arith.constant 0 : i32
      %broadcast_in_dim3A_2830 = vector.broadcast %jit3A_2828 : i32 to vector<16xi32>
      %broadcast_in_dim3A_2831 = vector.broadcast %jit3A_2829 : i32 to vector<16xi32>
      %select_n3A_2832 = arith.select %ge3A_2827, %broadcast_in_dim3A_2830, %broadcast_in_dim3A_2831 : vector<16xi1>, vector<16xi32>
      %sub3A_2833 = arith.subi %mul3A_2824, %select_n3A_2832 : vector<16xi32>
      %swap3A_2834 = arith.constant 4 : i32
      %swap3A_2835 = arith.index_cast %swap3A_2834 : i32 to index
      %swap3A_2836 = arith.constant 112 : index
      %swap3A_2837 = tpu.vector_load %arg7[%swap3A_2835, %swap3A_2836] {strides = array<i32>} : memref<10x128xi32, #tpu.memory_space<vmem>>, vector<16xi32>,
      tpu.vector_store %arg7[%swap3A_2835, %swap3A_2836], %sub3A_2833 {strides = array<i32>} : memref<10x128xi32, #tpu.memory_space<vmem>>, vector<16xi32>,
      %dma_start3A_2838 = arith.constant 4 : i32
      %dma_start3A_2839 = arith.constant 4 : i32
      %dma_start3A_2840 = arith.constant 0 : i32
      %dma_start3A_2841 = arith.constant 0 : i32
      %dma_start3A_2842 = tpu.memref_slice %arg8[%dma_start3A_2839, %dma_start3A_2840, %dma_start3A_2841] : memref<10x128x64xf32, #tpu.memory_space<vmem>> -> memref<1x128x64xf32, #tpu.memory_space<vmem>>
      %dma_start3A_2843 = tpu.memref_squeeze %dma_start3A_2842 : memref<1x128x64xf32, #tpu.memory_space<vmem>> -> memref<128x64xf32, #tpu.memory_space<vmem>>
      %dma_start3A_2844 = arith.constant 0 : i32
      %dma_start3A_2845 = tpu.memref_slice %arg7[%dma_start3A_2838, %dma_start3A_2844] : memref<10x128xi32, #tpu.memory_space<vmem>> -> memref<1x128xi32, #tpu.memory_space<vmem>>
      %dma_start3A_2846 = tpu.memref_squeeze %dma_start3A_2845 : memref<1x128xi32, #tpu.memory_space<vmem>> -> memref<128xi32, #tpu.memory_space<vmem>>
      %dma_start3A_2847 = arith.constant 0 : i32
      %dma_start3A_2848 = arith.constant 0 : i32
      %dma_start3A_2849 = tpu.memref_slice %arg3[%dma_start3A_2847, %dma_start3A_2848] : memref<100000x64xf32, #tpu.memory_space<hbm>> -> memref<100000x64xf32, #tpu.memory_space<hbm>>
      tpu.enqueue_indirect_dma source(%dma_start3A_2849 : memref<100000x64xf32, #tpu.memory_space<hbm>>) target(%dma_start3A_2843 : memref<128x64xf32, #tpu.memory_space<vmem>>) offsets(%dma_start3A_2846 : memref<128xi32, #tpu.memory_space<vmem>>) semaphore(%arg14 : memref<!tpu.dma_semaphore, #tpu.memory_space<semaphore_mem>>) {add = true}
      %dma_wait3A_2850 = arith.constant 5 : i32
      %dma_wait3A_2851 = arith.constant 0 : i32
      %dma_wait3A_2852 = arith.constant 0 : i32
      %dma_wait3A_2853 = tpu.memref_slice %arg8[%dma_wait3A_2850, %dma_wait3A_2851, %dma_wait3A_2852] : memref<10x128x64xf32, #tpu.memory_space<vmem>> -> memref<1x128x64xf32, #tpu.memory_space<vmem>>
      %dma_wait3A_2854 = tpu.memref_squeeze %dma_wait3A_2853 : memref<1x128x64xf32, #tpu.memory_space<vmem>> -> memref<128x64xf32, #tpu.memory_space<vmem>>
      %dma_wait3A_2855 = arith.constant 0 : i32
      %dma_wait3A_2856 = arith.constant 0 : i32
      %dma_wait3A_2857 = tpu.memref_slice %arg3[%dma_wait3A_2855, %dma_wait3A_2856] : memref<100000x64xf32, #tpu.memory_space<hbm>> -> memref<128x64xf32, #tpu.memory_space<hbm>>
      %dma_wait3A_2858 = arith.constant 0 : i32
      %dma_wait3A_2859 = arith.constant 0 : i32
      %dma_wait3A_2860 = tpu.memref_slice %arg8[%dma_wait3A_2850, %dma_wait3A_2858, %dma_wait3A_2859] : memref<10x128x64xf32, #tpu.memory_space<vmem>> -> memref<1x128x64xf32, #tpu.memory_space<vmem>>
      %dma_wait3A_2861 = tpu.memref_squeeze %dma_wait3A_2860 : memref<1x128x64xf32, #tpu.memory_space<vmem>> -> memref<128x64xf32, #tpu.memory_space<vmem>>
      %dma_wait3A_2862 = arith.constant 0 : i32
      %dma_wait3A_2863 = arith.constant 0 : i32
      %dma_wait3A_2864 = tpu.memref_slice %arg3[%dma_wait3A_2862, %dma_wait3A_2863] : memref<100000x64xf32, #tpu.memory_space<hbm>> -> memref<128x64xf32, #tpu.memory_space<hbm>>
      tpu.wait_dma2 semaphore(%arg15 : memref<!tpu.dma_semaphore, #tpu.memory_space<semaphore_mem>>) src(%dma_wait3A_2864 : memref<128x64xf32, #tpu.memory_space<hbm>>) dst(%dma_wait3A_2861 : memref<128x64xf32, #tpu.memory_space<vmem>>)
      %mul3A_2865 = arith.constant 10 : i32
      %mul3A_2866 = arith.muli %scan3A_1934, %mul3A_2865 : i32
      %add3A_2867 = arith.constant 5 : i32
      %add3A_2868 = arith.addi %mul3A_2866, %add3A_2867 : i32
      %add3A_2869 = vector.broadcast %add3A_2868 : i32 to vector<16xi32>
      %add3A_2870 = arith.addi %mul3A_10, %add3A_2869 : vector<16xi32>
      %gather3A_2871 = tpu.vector_load_idx %arg6[%add3A_2870] : memref<25600xi32, #tpu.memory_space<vmem>>[vector<16xi32>], vector<16xi32>,
      %mul3A_2872 = arith.constant 2 : i32
      %mul3A_2873 = vector.broadcast %mul3A_2872 : i32 to vector<16xi32>
      %mul3A_2874 = arith.muli %gather3A_2871, %mul3A_2873 : vector<16xi32>
      %ge3A_2875 = arith.constant 50000 : i32
      %ge3A_2876 = vector.broadcast %ge3A_2875 : i32 to vector<16xi32>
      %ge3A_2877 = arith.cmpi sge, %gather3A_2871, %ge3A_2876 : vector<16xi32>
      %jit3A_2878 = arith.constant 99999 : i32
      %jit3A_2879 = arith.constant 0 : i32
      %broadcast_in_dim3A_2880 = vector.broadcast %jit3A_2878 : i32 to vector<16xi32>
      %broadcast_in_dim3A_2881 = vector.broadcast %jit3A_2879 : i32 to vector<16xi32>
      %select_n3A_2882 = arith.select %ge3A_2877, %broadcast_in_dim3A_2880, %broadcast_in_dim3A_2881 : vector<16xi1>, vector<16xi32>
      %sub3A_2883 = arith.subi %mul3A_2874, %select_n3A_2882 : vector<16xi32>
      %swap3A_2884 = arith.constant 5 : i32
      %swap3A_2885 = arith.index_cast %swap3A_2884 : i32 to index
      %swap3A_2886 = arith.constant 0 : index
      %swap3A_2887 = tpu.vector_load %arg7[%swap3A_2885, %swap3A_2886] {strides = array<i32>} : memref<10x128xi32, #tpu.memory_space<vmem>>, vector<16xi32>,
      tpu.vector_store %arg7[%swap3A_2885, %swap3A_2886], %sub3A_2883 {strides = array<i32>} : memref<10x128xi32, #tpu.memory_space<vmem>>, vector<16xi32>,
      %add3A_2888 = vector.broadcast %add3A_2868 : i32 to vector<16xi32>
      %add3A_2889 = arith.addi %mul3A_17, %add3A_2888 : vector<16xi32>
      %gather3A_2890 = tpu.vector_load_idx %arg6[%add3A_2889] : memref<25600xi32, #tpu.memory_space<vmem>>[vector<16xi32>], vector<16xi32>,
      %mul3A_2891 = arith.constant 2 : i32
      %mul3A_2892 = vector.broadcast %mul3A_2891 : i32 to vector<16xi32>
      %mul3A_2893 = arith.muli %gather3A_2890, %mul3A_2892 : vector<16xi32>
      %ge3A_2894 = arith.constant 50000 : i32
      %ge3A_2895 = vector.broadcast %ge3A_2894 : i32 to vector<16xi32>
      %ge3A_2896 = arith.cmpi sge, %gather3A_2890, %ge3A_2895 : vector<16xi32>
      %jit3A_2897 = arith.constant 99999 : i32
      %jit3A_2898 = arith.constant 0 : i32
      %broadcast_in_dim3A_2899 = vector.broadcast %jit3A_2897 : i32 to vector<16xi32>
      %broadcast_in_dim3A_2900 = vector.broadcast %jit3A_2898 : i32 to vector<16xi32>
      %select_n3A_2901 = arith.select %ge3A_2896, %broadcast_in_dim3A_2899, %broadcast_in_dim3A_2900 : vector<16xi1>, vector<16xi32>
      %sub3A_2902 = arith.subi %mul3A_2893, %select_n3A_2901 : vector<16xi32>
      %swap3A_2903 = arith.constant 5 : i32
      %swap3A_2904 = arith.index_cast %swap3A_2903 : i32 to index
      %swap3A_2905 = arith.constant 16 : index
      %swap3A_2906 = tpu.vector_load %arg7[%swap3A_2904, %swap3A_2905] {strides = array<i32>} : memref<10x128xi32, #tpu.memory_space<vmem>>, vector<16xi32>,
      tpu.vector_store %arg7[%swap3A_2904, %swap3A_2905], %sub3A_2902 {strides = array<i32>} : memref<10x128xi32, #tpu.memory_space<vmem>>, vector<16xi32>,
      %add3A_2907 = vector.broadcast %add3A_2868 : i32 to vector<16xi32>
      %add3A_2908 = arith.addi %mul3A_24, %add3A_2907 : vector<16xi32>
      %gather3A_2909 = tpu.vector_load_idx %arg6[%add3A_2908] : memref<25600xi32, #tpu.memory_space<vmem>>[vector<16xi32>], vector<16xi32>,
      %mul3A_2910 = arith.constant 2 : i32
      %mul3A_2911 = vector.broadcast %mul3A_2910 : i32 to vector<16xi32>
      %mul3A_2912 = arith.muli %gather3A_2909, %mul3A_2911 : vector<16xi32>
      %ge3A_2913 = arith.constant 50000 : i32
      %ge3A_2914 = vector.broadcast %ge3A_2913 : i32 to vector<16xi32>
      %ge3A_2915 = arith.cmpi sge, %gather3A_2909, %ge3A_2914 : vector<16xi32>
      %jit3A_2916 = arith.constant 99999 : i32
      %jit3A_2917 = arith.constant 0 : i32
      %broadcast_in_dim3A_2918 = vector.broadcast %jit3A_2916 : i32 to vector<16xi32>
      %broadcast_in_dim3A_2919 = vector.broadcast %jit3A_2917 : i32 to vector<16xi32>
      %select_n3A_2920 = arith.select %ge3A_2915, %broadcast_in_dim3A_2918, %broadcast_in_dim3A_2919 : vector<16xi1>, vector<16xi32>
      %sub3A_2921 = arith.subi %mul3A_2912, %select_n3A_2920 : vector<16xi32>
      %swap3A_2922 = arith.constant 5 : i32
      %swap3A_2923 = arith.index_cast %swap3A_2922 : i32 to index
      %swap3A_2924 = arith.constant 32 : index
      %swap3A_2925 = tpu.vector_load %arg7[%swap3A_2923, %swap3A_2924] {strides = array<i32>} : memref<10x128xi32, #tpu.memory_space<vmem>>, vector<16xi32>,
      tpu.vector_store %arg7[%swap3A_2923, %swap3A_2924], %sub3A_2921 {strides = array<i32>} : memref<10x128xi32, #tpu.memory_space<vmem>>, vector<16xi32>,
      %add3A_2926 = vector.broadcast %add3A_2868 : i32 to vector<16xi32>
      %add3A_2927 = arith.addi %mul3A_31, %add3A_2926 : vector<16xi32>
      %gather3A_2928 = tpu.vector_load_idx %arg6[%add3A_2927] : memref<25600xi32, #tpu.memory_space<vmem>>[vector<16xi32>], vector<16xi32>,
      %mul3A_2929 = arith.constant 2 : i32
      %mul3A_2930 = vector.broadcast %mul3A_2929 : i32 to vector<16xi32>
      %mul3A_2931 = arith.muli %gather3A_2928, %mul3A_2930 : vector<16xi32>
      %ge3A_2932 = arith.constant 50000 : i32
      %ge3A_2933 = vector.broadcast %ge3A_2932 : i32 to vector<16xi32>
      %ge3A_2934 = arith.cmpi sge, %gather3A_2928, %ge3A_2933 : vector<16xi32>
      %jit3A_2935 = arith.constant 99999 : i32
      %jit3A_2936 = arith.constant 0 : i32
      %broadcast_in_dim3A_2937 = vector.broadcast %jit3A_2935 : i32 to vector<16xi32>
      %broadcast_in_dim3A_2938 = vector.broadcast %jit3A_2936 : i32 to vector<16xi32>
      %select_n3A_2939 = arith.select %ge3A_2934, %broadcast_in_dim3A_2937, %broadcast_in_dim3A_2938 : vector<16xi1>, vector<16xi32>
      %sub3A_2940 = arith.subi %mul3A_2931, %select_n3A_2939 : vector<16xi32>
      %swap3A_2941 = arith.constant 5 : i32
      %swap3A_2942 = arith.index_cast %swap3A_2941 : i32 to index
      %swap3A_2943 = arith.constant 48 : index
      %swap3A_2944 = tpu.vector_load %arg7[%swap3A_2942, %swap3A_2943] {strides = array<i32>} : memref<10x128xi32, #tpu.memory_space<vmem>>, vector<16xi32>,
      tpu.vector_store %arg7[%swap3A_2942, %swap3A_2943], %sub3A_2940 {strides = array<i32>} : memref<10x128xi32, #tpu.memory_space<vmem>>, vector<16xi32>,
      %add3A_2945 = vector.broadcast %add3A_2868 : i32 to vector<16xi32>
      %add3A_2946 = arith.addi %mul3A_38, %add3A_2945 : vector<16xi32>
      %gather3A_2947 = tpu.vector_load_idx %arg6[%add3A_2946] : memref<25600xi32, #tpu.memory_space<vmem>>[vector<16xi32>], vector<16xi32>,
      %mul3A_2948 = arith.constant 2 : i32
      %mul3A_2949 = vector.broadcast %mul3A_2948 : i32 to vector<16xi32>
      %mul3A_2950 = arith.muli %gather3A_2947, %mul3A_2949 : vector<16xi32>
      %ge3A_2951 = arith.constant 50000 : i32
      %ge3A_2952 = vector.broadcast %ge3A_2951 : i32 to vector<16xi32>
      %ge3A_2953 = arith.cmpi sge, %gather3A_2947, %ge3A_2952 : vector<16xi32>
      %jit3A_2954 = arith.constant 99999 : i32
      %jit3A_2955 = arith.constant 0 : i32
      %broadcast_in_dim3A_2956 = vector.broadcast %jit3A_2954 : i32 to vector<16xi32>
      %broadcast_in_dim3A_2957 = vector.broadcast %jit3A_2955 : i32 to vector<16xi32>
      %select_n3A_2958 = arith.select %ge3A_2953, %broadcast_in_dim3A_2956, %broadcast_in_dim3A_2957 : vector<16xi1>, vector<16xi32>
      %sub3A_2959 = arith.subi %mul3A_2950, %select_n3A_2958 : vector<16xi32>
      %swap3A_2960 = arith.constant 5 : i32
      %swap3A_2961 = arith.index_cast %swap3A_2960 : i32 to index
      %swap3A_2962 = arith.constant 64 : index
      %swap3A_2963 = tpu.vector_load %arg7[%swap3A_2961, %swap3A_2962] {strides = array<i32>} : memref<10x128xi32, #tpu.memory_space<vmem>>, vector<16xi32>,
      tpu.vector_store %arg7[%swap3A_2961, %swap3A_2962], %sub3A_2959 {strides = array<i32>} : memref<10x128xi32, #tpu.memory_space<vmem>>, vector<16xi32>,
      %add3A_2964 = vector.broadcast %add3A_2868 : i32 to vector<16xi32>
      %add3A_2965 = arith.addi %mul3A_45, %add3A_2964 : vector<16xi32>
      %gather3A_2966 = tpu.vector_load_idx %arg6[%add3A_2965] : memref<25600xi32, #tpu.memory_space<vmem>>[vector<16xi32>], vector<16xi32>,
      %mul3A_2967 = arith.constant 2 : i32
      %mul3A_2968 = vector.broadcast %mul3A_2967 : i32 to vector<16xi32>
      %mul3A_2969 = arith.muli %gather3A_2966, %mul3A_2968 : vector<16xi32>
      %ge3A_2970 = arith.constant 50000 : i32
      %ge3A_2971 = vector.broadcast %ge3A_2970 : i32 to vector<16xi32>
      %ge3A_2972 = arith.cmpi sge, %gather3A_2966, %ge3A_2971 : vector<16xi32>
      %jit3A_2973 = arith.constant 99999 : i32
      %jit3A_2974 = arith.constant 0 : i32
      %broadcast_in_dim3A_2975 = vector.broadcast %jit3A_2973 : i32 to vector<16xi32>
      %broadcast_in_dim3A_2976 = vector.broadcast %jit3A_2974 : i32 to vector<16xi32>
      %select_n3A_2977 = arith.select %ge3A_2972, %broadcast_in_dim3A_2975, %broadcast_in_dim3A_2976 : vector<16xi1>, vector<16xi32>
      %sub3A_2978 = arith.subi %mul3A_2969, %select_n3A_2977 : vector<16xi32>
      %swap3A_2979 = arith.constant 5 : i32
      %swap3A_2980 = arith.index_cast %swap3A_2979 : i32 to index
      %swap3A_2981 = arith.constant 80 : index
      %swap3A_2982 = tpu.vector_load %arg7[%swap3A_2980, %swap3A_2981] {strides = array<i32>} : memref<10x128xi32, #tpu.memory_space<vmem>>, vector<16xi32>,
      tpu.vector_store %arg7[%swap3A_2980, %swap3A_2981], %sub3A_2978 {strides = array<i32>} : memref<10x128xi32, #tpu.memory_space<vmem>>, vector<16xi32>,
      %add3A_2983 = vector.broadcast %add3A_2868 : i32 to vector<16xi32>
      %add3A_2984 = arith.addi %mul3A_52, %add3A_2983 : vector<16xi32>
      %gather3A_2985 = tpu.vector_load_idx %arg6[%add3A_2984] : memref<25600xi32, #tpu.memory_space<vmem>>[vector<16xi32>], vector<16xi32>,
      %mul3A_2986 = arith.constant 2 : i32
      %mul3A_2987 = vector.broadcast %mul3A_2986 : i32 to vector<16xi32>
      %mul3A_2988 = arith.muli %gather3A_2985, %mul3A_2987 : vector<16xi32>
      %ge3A_2989 = arith.constant 50000 : i32
      %ge3A_2990 = vector.broadcast %ge3A_2989 : i32 to vector<16xi32>
      %ge3A_2991 = arith.cmpi sge, %gather3A_2985, %ge3A_2990 : vector<16xi32>
      %jit3A_2992 = arith.constant 99999 : i32
      %jit3A_2993 = arith.constant 0 : i32
      %broadcast_in_dim3A_2994 = vector.broadcast %jit3A_2992 : i32 to vector<16xi32>
      %broadcast_in_dim3A_2995 = vector.broadcast %jit3A_2993 : i32 to vector<16xi32>
      %select_n3A_2996 = arith.select %ge3A_2991, %broadcast_in_dim3A_2994, %broadcast_in_dim3A_2995 : vector<16xi1>, vector<16xi32>
      %sub3A_2997 = arith.subi %mul3A_2988, %select_n3A_2996 : vector<16xi32>
      %swap3A_2998 = arith.constant 5 : i32
      %swap3A_2999 = arith.index_cast %swap3A_2998 : i32 to index
      %swap3A_3000 = arith.constant 96 : index
      %swap3A_3001 = tpu.vector_load %arg7[%swap3A_2999, %swap3A_3000] {strides = array<i32>} : memref<10x128xi32, #tpu.memory_space<vmem>>, vector<16xi32>,
      tpu.vector_store %arg7[%swap3A_2999, %swap3A_3000], %sub3A_2997 {strides = array<i32>} : memref<10x128xi32, #tpu.memory_space<vmem>>, vector<16xi32>,
      %add3A_3002 = vector.broadcast %add3A_2868 : i32 to vector<16xi32>
      %add3A_3003 = arith.addi %mul3A_59, %add3A_3002 : vector<16xi32>
      %gather3A_3004 = tpu.vector_load_idx %arg6[%add3A_3003] : memref<25600xi32, #tpu.memory_space<vmem>>[vector<16xi32>], vector<16xi32>,
      %mul3A_3005 = arith.constant 2 : i32
      %mul3A_3006 = vector.broadcast %mul3A_3005 : i32 to vector<16xi32>
      %mul3A_3007 = arith.muli %gather3A_3004, %mul3A_3006 : vector<16xi32>
      %ge3A_3008 = arith.constant 50000 : i32
      %ge3A_3009 = vector.broadcast %ge3A_3008 : i32 to vector<16xi32>
      %ge3A_3010 = arith.cmpi sge, %gather3A_3004, %ge3A_3009 : vector<16xi32>
      %jit3A_3011 = arith.constant 99999 : i32
      %jit3A_3012 = arith.constant 0 : i32
      %broadcast_in_dim3A_3013 = vector.broadcast %jit3A_3011 : i32 to vector<16xi32>
      %broadcast_in_dim3A_3014 = vector.broadcast %jit3A_3012 : i32 to vector<16xi32>
      %select_n3A_3015 = arith.select %ge3A_3010, %broadcast_in_dim3A_3013, %broadcast_in_dim3A_3014 : vector<16xi1>, vector<16xi32>
      %sub3A_3016 = arith.subi %mul3A_3007, %select_n3A_3015 : vector<16xi32>
      %swap3A_3017 = arith.constant 5 : i32
      %swap3A_3018 = arith.index_cast %swap3A_3017 : i32 to index
      %swap3A_3019 = arith.constant 112 : index
      %swap3A_3020 = tpu.vector_load %arg7[%swap3A_3018, %swap3A_3019] {strides = array<i32>} : memref<10x128xi32, #tpu.memory_space<vmem>>, vector<16xi32>,
      tpu.vector_store %arg7[%swap3A_3018, %swap3A_3019], %sub3A_3016 {strides = array<i32>} : memref<10x128xi32, #tpu.memory_space<vmem>>, vector<16xi32>,
      %dma_start3A_3021 = arith.constant 5 : i32
      %dma_start3A_3022 = arith.constant 5 : i32
      %dma_start3A_3023 = arith.constant 0 : i32
      %dma_start3A_3024 = arith.constant 0 : i32
      %dma_start3A_3025 = tpu.memref_slice %arg8[%dma_start3A_3022, %dma_start3A_3023, %dma_start3A_3024] : memref<10x128x64xf32, #tpu.memory_space<vmem>> -> memref<1x128x64xf32, #tpu.memory_space<vmem>>
      %dma_start3A_3026 = tpu.memref_squeeze %dma_start3A_3025 : memref<1x128x64xf32, #tpu.memory_space<vmem>> -> memref<128x64xf32, #tpu.memory_space<vmem>>
      %dma_start3A_3027 = arith.constant 0 : i32
      %dma_start3A_3028 = tpu.memref_slice %arg7[%dma_start3A_3021, %dma_start3A_3027] : memref<10x128xi32, #tpu.memory_space<vmem>> -> memref<1x128xi32, #tpu.memory_space<vmem>>
      %dma_start3A_3029 = tpu.memref_squeeze %dma_start3A_3028 : memref<1x128xi32, #tpu.memory_space<vmem>> -> memref<128xi32, #tpu.memory_space<vmem>>
      %dma_start3A_3030 = arith.constant 0 : i32
      %dma_start3A_3031 = arith.constant 0 : i32
      %dma_start3A_3032 = tpu.memref_slice %arg3[%dma_start3A_3030, %dma_start3A_3031] : memref<100000x64xf32, #tpu.memory_space<hbm>> -> memref<100000x64xf32, #tpu.memory_space<hbm>>
      tpu.enqueue_indirect_dma source(%dma_start3A_3032 : memref<100000x64xf32, #tpu.memory_space<hbm>>) target(%dma_start3A_3026 : memref<128x64xf32, #tpu.memory_space<vmem>>) offsets(%dma_start3A_3029 : memref<128xi32, #tpu.memory_space<vmem>>) semaphore(%arg15 : memref<!tpu.dma_semaphore, #tpu.memory_space<semaphore_mem>>) {add = true}
      %dma_wait3A_3033 = arith.constant 6 : i32
      %dma_wait3A_3034 = arith.constant 0 : i32
      %dma_wait3A_3035 = arith.constant 0 : i32
      %dma_wait3A_3036 = tpu.memref_slice %arg8[%dma_wait3A_3033, %dma_wait3A_3034, %dma_wait3A_3035] : memref<10x128x64xf32, #tpu.memory_space<vmem>> -> memref<1x128x64xf32, #tpu.memory_space<vmem>>
      %dma_wait3A_3037 = tpu.memref_squeeze %dma_wait3A_3036 : memref<1x128x64xf32, #tpu.memory_space<vmem>> -> memref<128x64xf32, #tpu.memory_space<vmem>>
      %dma_wait3A_3038 = arith.constant 0 : i32
      %dma_wait3A_3039 = arith.constant 0 : i32
      %dma_wait3A_3040 = tpu.memref_slice %arg3[%dma_wait3A_3038, %dma_wait3A_3039] : memref<100000x64xf32, #tpu.memory_space<hbm>> -> memref<128x64xf32, #tpu.memory_space<hbm>>
      %dma_wait3A_3041 = arith.constant 0 : i32
      %dma_wait3A_3042 = arith.constant 0 : i32
      %dma_wait3A_3043 = tpu.memref_slice %arg8[%dma_wait3A_3033, %dma_wait3A_3041, %dma_wait3A_3042] : memref<10x128x64xf32, #tpu.memory_space<vmem>> -> memref<1x128x64xf32, #tpu.memory_space<vmem>>
      %dma_wait3A_3044 = tpu.memref_squeeze %dma_wait3A_3043 : memref<1x128x64xf32, #tpu.memory_space<vmem>> -> memref<128x64xf32, #tpu.memory_space<vmem>>
      %dma_wait3A_3045 = arith.constant 0 : i32
      %dma_wait3A_3046 = arith.constant 0 : i32
      %dma_wait3A_3047 = tpu.memref_slice %arg3[%dma_wait3A_3045, %dma_wait3A_3046] : memref<100000x64xf32, #tpu.memory_space<hbm>> -> memref<128x64xf32, #tpu.memory_space<hbm>>
      tpu.wait_dma2 semaphore(%arg16 : memref<!tpu.dma_semaphore, #tpu.memory_space<semaphore_mem>>) src(%dma_wait3A_3047 : memref<128x64xf32, #tpu.memory_space<hbm>>) dst(%dma_wait3A_3044 : memref<128x64xf32, #tpu.memory_space<vmem>>)
      %mul3A_3048 = arith.constant 10 : i32
      %mul3A_3049 = arith.muli %scan3A_1934, %mul3A_3048 : i32
      %add3A_3050 = arith.constant 6 : i32
      %add3A_3051 = arith.addi %mul3A_3049, %add3A_3050 : i32
      %add3A_3052 = vector.broadcast %add3A_3051 : i32 to vector<16xi32>
      %add3A_3053 = arith.addi %mul3A_10, %add3A_3052 : vector<16xi32>
      %gather3A_3054 = tpu.vector_load_idx %arg6[%add3A_3053] : memref<25600xi32, #tpu.memory_space<vmem>>[vector<16xi32>], vector<16xi32>,
      %mul3A_3055 = arith.constant 2 : i32
      %mul3A_3056 = vector.broadcast %mul3A_3055 : i32 to vector<16xi32>
      %mul3A_3057 = arith.muli %gather3A_3054, %mul3A_3056 : vector<16xi32>
      %ge3A_3058 = arith.constant 50000 : i32
      %ge3A_3059 = vector.broadcast %ge3A_3058 : i32 to vector<16xi32>
      %ge3A_3060 = arith.cmpi sge, %gather3A_3054, %ge3A_3059 : vector<16xi32>
      %jit3A_3061 = arith.constant 99999 : i32
      %jit3A_3062 = arith.constant 0 : i32
      %broadcast_in_dim3A_3063 = vector.broadcast %jit3A_3061 : i32 to vector<16xi32>
      %broadcast_in_dim3A_3064 = vector.broadcast %jit3A_3062 : i32 to vector<16xi32>
      %select_n3A_3065 = arith.select %ge3A_3060, %broadcast_in_dim3A_3063, %broadcast_in_dim3A_3064 : vector<16xi1>, vector<16xi32>
      %sub3A_3066 = arith.subi %mul3A_3057, %select_n3A_3065 : vector<16xi32>
      %swap3A_3067 = arith.constant 6 : i32
      %swap3A_3068 = arith.index_cast %swap3A_3067 : i32 to index
      %swap3A_3069 = arith.constant 0 : index
      %swap3A_3070 = tpu.vector_load %arg7[%swap3A_3068, %swap3A_3069] {strides = array<i32>} : memref<10x128xi32, #tpu.memory_space<vmem>>, vector<16xi32>,
      tpu.vector_store %arg7[%swap3A_3068, %swap3A_3069], %sub3A_3066 {strides = array<i32>} : memref<10x128xi32, #tpu.memory_space<vmem>>, vector<16xi32>,
      %add3A_3071 = vector.broadcast %add3A_3051 : i32 to vector<16xi32>
      %add3A_3072 = arith.addi %mul3A_17, %add3A_3071 : vector<16xi32>
      %gather3A_3073 = tpu.vector_load_idx %arg6[%add3A_3072] : memref<25600xi32, #tpu.memory_space<vmem>>[vector<16xi32>], vector<16xi32>,
      %mul3A_3074 = arith.constant 2 : i32
      %mul3A_3075 = vector.broadcast %mul3A_3074 : i32 to vector<16xi32>
      %mul3A_3076 = arith.muli %gather3A_3073, %mul3A_3075 : vector<16xi32>
      %ge3A_3077 = arith.constant 50000 : i32
      %ge3A_3078 = vector.broadcast %ge3A_3077 : i32 to vector<16xi32>
      %ge3A_3079 = arith.cmpi sge, %gather3A_3073, %ge3A_3078 : vector<16xi32>
      %jit3A_3080 = arith.constant 99999 : i32
      %jit3A_3081 = arith.constant 0 : i32
      %broadcast_in_dim3A_3082 = vector.broadcast %jit3A_3080 : i32 to vector<16xi32>
      %broadcast_in_dim3A_3083 = vector.broadcast %jit3A_3081 : i32 to vector<16xi32>
      %select_n3A_3084 = arith.select %ge3A_3079, %broadcast_in_dim3A_3082, %broadcast_in_dim3A_3083 : vector<16xi1>, vector<16xi32>
      %sub3A_3085 = arith.subi %mul3A_3076, %select_n3A_3084 : vector<16xi32>
      %swap3A_3086 = arith.constant 6 : i32
      %swap3A_3087 = arith.index_cast %swap3A_3086 : i32 to index
      %swap3A_3088 = arith.constant 16 : index
      %swap3A_3089 = tpu.vector_load %arg7[%swap3A_3087, %swap3A_3088] {strides = array<i32>} : memref<10x128xi32, #tpu.memory_space<vmem>>, vector<16xi32>,
      tpu.vector_store %arg7[%swap3A_3087, %swap3A_3088], %sub3A_3085 {strides = array<i32>} : memref<10x128xi32, #tpu.memory_space<vmem>>, vector<16xi32>,
      %add3A_3090 = vector.broadcast %add3A_3051 : i32 to vector<16xi32>
      %add3A_3091 = arith.addi %mul3A_24, %add3A_3090 : vector<16xi32>
      %gather3A_3092 = tpu.vector_load_idx %arg6[%add3A_3091] : memref<25600xi32, #tpu.memory_space<vmem>>[vector<16xi32>], vector<16xi32>,
      %mul3A_3093 = arith.constant 2 : i32
      %mul3A_3094 = vector.broadcast %mul3A_3093 : i32 to vector<16xi32>
      %mul3A_3095 = arith.muli %gather3A_3092, %mul3A_3094 : vector<16xi32>
      %ge3A_3096 = arith.constant 50000 : i32
      %ge3A_3097 = vector.broadcast %ge3A_3096 : i32 to vector<16xi32>
      %ge3A_3098 = arith.cmpi sge, %gather3A_3092, %ge3A_3097 : vector<16xi32>
      %jit3A_3099 = arith.constant 99999 : i32
      %jit3A_3100 = arith.constant 0 : i32
      %broadcast_in_dim3A_3101 = vector.broadcast %jit3A_3099 : i32 to vector<16xi32>
      %broadcast_in_dim3A_3102 = vector.broadcast %jit3A_3100 : i32 to vector<16xi32>
      %select_n3A_3103 = arith.select %ge3A_3098, %broadcast_in_dim3A_3101, %broadcast_in_dim3A_3102 : vector<16xi1>, vector<16xi32>
      %sub3A_3104 = arith.subi %mul3A_3095, %select_n3A_3103 : vector<16xi32>
      %swap3A_3105 = arith.constant 6 : i32
      %swap3A_3106 = arith.index_cast %swap3A_3105 : i32 to index
      %swap3A_3107 = arith.constant 32 : index
      %swap3A_3108 = tpu.vector_load %arg7[%swap3A_3106, %swap3A_3107] {strides = array<i32>} : memref<10x128xi32, #tpu.memory_space<vmem>>, vector<16xi32>,
      tpu.vector_store %arg7[%swap3A_3106, %swap3A_3107], %sub3A_3104 {strides = array<i32>} : memref<10x128xi32, #tpu.memory_space<vmem>>, vector<16xi32>,
      %add3A_3109 = vector.broadcast %add3A_3051 : i32 to vector<16xi32>
      %add3A_3110 = arith.addi %mul3A_31, %add3A_3109 : vector<16xi32>
      %gather3A_3111 = tpu.vector_load_idx %arg6[%add3A_3110] : memref<25600xi32, #tpu.memory_space<vmem>>[vector<16xi32>], vector<16xi32>,
      %mul3A_3112 = arith.constant 2 : i32
      %mul3A_3113 = vector.broadcast %mul3A_3112 : i32 to vector<16xi32>
      %mul3A_3114 = arith.muli %gather3A_3111, %mul3A_3113 : vector<16xi32>
      %ge3A_3115 = arith.constant 50000 : i32
      %ge3A_3116 = vector.broadcast %ge3A_3115 : i32 to vector<16xi32>
      %ge3A_3117 = arith.cmpi sge, %gather3A_3111, %ge3A_3116 : vector<16xi32>
      %jit3A_3118 = arith.constant 99999 : i32
      %jit3A_3119 = arith.constant 0 : i32
      %broadcast_in_dim3A_3120 = vector.broadcast %jit3A_3118 : i32 to vector<16xi32>
      %broadcast_in_dim3A_3121 = vector.broadcast %jit3A_3119 : i32 to vector<16xi32>
      %select_n3A_3122 = arith.select %ge3A_3117, %broadcast_in_dim3A_3120, %broadcast_in_dim3A_3121 : vector<16xi1>, vector<16xi32>
      %sub3A_3123 = arith.subi %mul3A_3114, %select_n3A_3122 : vector<16xi32>
      %swap3A_3124 = arith.constant 6 : i32
      %swap3A_3125 = arith.index_cast %swap3A_3124 : i32 to index
      %swap3A_3126 = arith.constant 48 : index
      %swap3A_3127 = tpu.vector_load %arg7[%swap3A_3125, %swap3A_3126] {strides = array<i32>} : memref<10x128xi32, #tpu.memory_space<vmem>>, vector<16xi32>,
      tpu.vector_store %arg7[%swap3A_3125, %swap3A_3126], %sub3A_3123 {strides = array<i32>} : memref<10x128xi32, #tpu.memory_space<vmem>>, vector<16xi32>,
      %add3A_3128 = vector.broadcast %add3A_3051 : i32 to vector<16xi32>
      %add3A_3129 = arith.addi %mul3A_38, %add3A_3128 : vector<16xi32>
      %gather3A_3130 = tpu.vector_load_idx %arg6[%add3A_3129] : memref<25600xi32, #tpu.memory_space<vmem>>[vector<16xi32>], vector<16xi32>,
      %mul3A_3131 = arith.constant 2 : i32
      %mul3A_3132 = vector.broadcast %mul3A_3131 : i32 to vector<16xi32>
      %mul3A_3133 = arith.muli %gather3A_3130, %mul3A_3132 : vector<16xi32>
      %ge3A_3134 = arith.constant 50000 : i32
      %ge3A_3135 = vector.broadcast %ge3A_3134 : i32 to vector<16xi32>
      %ge3A_3136 = arith.cmpi sge, %gather3A_3130, %ge3A_3135 : vector<16xi32>
      %jit3A_3137 = arith.constant 99999 : i32
      %jit3A_3138 = arith.constant 0 : i32
      %broadcast_in_dim3A_3139 = vector.broadcast %jit3A_3137 : i32 to vector<16xi32>
      %broadcast_in_dim3A_3140 = vector.broadcast %jit3A_3138 : i32 to vector<16xi32>
      %select_n3A_3141 = arith.select %ge3A_3136, %broadcast_in_dim3A_3139, %broadcast_in_dim3A_3140 : vector<16xi1>, vector<16xi32>
      %sub3A_3142 = arith.subi %mul3A_3133, %select_n3A_3141 : vector<16xi32>
      %swap3A_3143 = arith.constant 6 : i32
      %swap3A_3144 = arith.index_cast %swap3A_3143 : i32 to index
      %swap3A_3145 = arith.constant 64 : index
      %swap3A_3146 = tpu.vector_load %arg7[%swap3A_3144, %swap3A_3145] {strides = array<i32>} : memref<10x128xi32, #tpu.memory_space<vmem>>, vector<16xi32>,
      tpu.vector_store %arg7[%swap3A_3144, %swap3A_3145], %sub3A_3142 {strides = array<i32>} : memref<10x128xi32, #tpu.memory_space<vmem>>, vector<16xi32>,
      %add3A_3147 = vector.broadcast %add3A_3051 : i32 to vector<16xi32>
      %add3A_3148 = arith.addi %mul3A_45, %add3A_3147 : vector<16xi32>
      %gather3A_3149 = tpu.vector_load_idx %arg6[%add3A_3148] : memref<25600xi32, #tpu.memory_space<vmem>>[vector<16xi32>], vector<16xi32>,
      %mul3A_3150 = arith.constant 2 : i32
      %mul3A_3151 = vector.broadcast %mul3A_3150 : i32 to vector<16xi32>
      %mul3A_3152 = arith.muli %gather3A_3149, %mul3A_3151 : vector<16xi32>
      %ge3A_3153 = arith.constant 50000 : i32
      %ge3A_3154 = vector.broadcast %ge3A_3153 : i32 to vector<16xi32>
      %ge3A_3155 = arith.cmpi sge, %gather3A_3149, %ge3A_3154 : vector<16xi32>
      %jit3A_3156 = arith.constant 99999 : i32
      %jit3A_3157 = arith.constant 0 : i32
      %broadcast_in_dim3A_3158 = vector.broadcast %jit3A_3156 : i32 to vector<16xi32>
      %broadcast_in_dim3A_3159 = vector.broadcast %jit3A_3157 : i32 to vector<16xi32>
      %select_n3A_3160 = arith.select %ge3A_3155, %broadcast_in_dim3A_3158, %broadcast_in_dim3A_3159 : vector<16xi1>, vector<16xi32>
      %sub3A_3161 = arith.subi %mul3A_3152, %select_n3A_3160 : vector<16xi32>
      %swap3A_3162 = arith.constant 6 : i32
      %swap3A_3163 = arith.index_cast %swap3A_3162 : i32 to index
      %swap3A_3164 = arith.constant 80 : index
      %swap3A_3165 = tpu.vector_load %arg7[%swap3A_3163, %swap3A_3164] {strides = array<i32>} : memref<10x128xi32, #tpu.memory_space<vmem>>, vector<16xi32>,
      tpu.vector_store %arg7[%swap3A_3163, %swap3A_3164], %sub3A_3161 {strides = array<i32>} : memref<10x128xi32, #tpu.memory_space<vmem>>, vector<16xi32>,
      %add3A_3166 = vector.broadcast %add3A_3051 : i32 to vector<16xi32>
      %add3A_3167 = arith.addi %mul3A_52, %add3A_3166 : vector<16xi32>
      %gather3A_3168 = tpu.vector_load_idx %arg6[%add3A_3167] : memref<25600xi32, #tpu.memory_space<vmem>>[vector<16xi32>], vector<16xi32>,
      %mul3A_3169 = arith.constant 2 : i32
      %mul3A_3170 = vector.broadcast %mul3A_3169 : i32 to vector<16xi32>
      %mul3A_3171 = arith.muli %gather3A_3168, %mul3A_3170 : vector<16xi32>
      %ge3A_3172 = arith.constant 50000 : i32
      %ge3A_3173 = vector.broadcast %ge3A_3172 : i32 to vector<16xi32>
      %ge3A_3174 = arith.cmpi sge, %gather3A_3168, %ge3A_3173 : vector<16xi32>
      %jit3A_3175 = arith.constant 99999 : i32
      %jit3A_3176 = arith.constant 0 : i32
      %broadcast_in_dim3A_3177 = vector.broadcast %jit3A_3175 : i32 to vector<16xi32>
      %broadcast_in_dim3A_3178 = vector.broadcast %jit3A_3176 : i32 to vector<16xi32>
      %select_n3A_3179 = arith.select %ge3A_3174, %broadcast_in_dim3A_3177, %broadcast_in_dim3A_3178 : vector<16xi1>, vector<16xi32>
      %sub3A_3180 = arith.subi %mul3A_3171, %select_n3A_3179 : vector<16xi32>
      %swap3A_3181 = arith.constant 6 : i32
      %swap3A_3182 = arith.index_cast %swap3A_3181 : i32 to index
      %swap3A_3183 = arith.constant 96 : index
      %swap3A_3184 = tpu.vector_load %arg7[%swap3A_3182, %swap3A_3183] {strides = array<i32>} : memref<10x128xi32, #tpu.memory_space<vmem>>, vector<16xi32>,
      tpu.vector_store %arg7[%swap3A_3182, %swap3A_3183], %sub3A_3180 {strides = array<i32>} : memref<10x128xi32, #tpu.memory_space<vmem>>, vector<16xi32>,
      %add3A_3185 = vector.broadcast %add3A_3051 : i32 to vector<16xi32>
      %add3A_3186 = arith.addi %mul3A_59, %add3A_3185 : vector<16xi32>
      %gather3A_3187 = tpu.vector_load_idx %arg6[%add3A_3186] : memref<25600xi32, #tpu.memory_space<vmem>>[vector<16xi32>], vector<16xi32>,
      %mul3A_3188 = arith.constant 2 : i32
      %mul3A_3189 = vector.broadcast %mul3A_3188 : i32 to vector<16xi32>
      %mul3A_3190 = arith.muli %gather3A_3187, %mul3A_3189 : vector<16xi32>
      %ge3A_3191 = arith.constant 50000 : i32
      %ge3A_3192 = vector.broadcast %ge3A_3191 : i32 to vector<16xi32>
      %ge3A_3193 = arith.cmpi sge, %gather3A_3187, %ge3A_3192 : vector<16xi32>
      %jit3A_3194 = arith.constant 99999 : i32
      %jit3A_3195 = arith.constant 0 : i32
      %broadcast_in_dim3A_3196 = vector.broadcast %jit3A_3194 : i32 to vector<16xi32>
      %broadcast_in_dim3A_3197 = vector.broadcast %jit3A_3195 : i32 to vector<16xi32>
      %select_n3A_3198 = arith.select %ge3A_3193, %broadcast_in_dim3A_3196, %broadcast_in_dim3A_3197 : vector<16xi1>, vector<16xi32>
      %sub3A_3199 = arith.subi %mul3A_3190, %select_n3A_3198 : vector<16xi32>
      %swap3A_3200 = arith.constant 6 : i32
      %swap3A_3201 = arith.index_cast %swap3A_3200 : i32 to index
      %swap3A_3202 = arith.constant 112 : index
      %swap3A_3203 = tpu.vector_load %arg7[%swap3A_3201, %swap3A_3202] {strides = array<i32>} : memref<10x128xi32, #tpu.memory_space<vmem>>, vector<16xi32>,
      tpu.vector_store %arg7[%swap3A_3201, %swap3A_3202], %sub3A_3199 {strides = array<i32>} : memref<10x128xi32, #tpu.memory_space<vmem>>, vector<16xi32>,
      %dma_start3A_3204 = arith.constant 6 : i32
      %dma_start3A_3205 = arith.constant 6 : i32
      %dma_start3A_3206 = arith.constant 0 : i32
      %dma_start3A_3207 = arith.constant 0 : i32
      %dma_start3A_3208 = tpu.memref_slice %arg8[%dma_start3A_3205, %dma_start3A_3206, %dma_start3A_3207] : memref<10x128x64xf32, #tpu.memory_space<vmem>> -> memref<1x128x64xf32, #tpu.memory_space<vmem>>
      %dma_start3A_3209 = tpu.memref_squeeze %dma_start3A_3208 : memref<1x128x64xf32, #tpu.memory_space<vmem>> -> memref<128x64xf32, #tpu.memory_space<vmem>>
      %dma_start3A_3210 = arith.constant 0 : i32
      %dma_start3A_3211 = tpu.memref_slice %arg7[%dma_start3A_3204, %dma_start3A_3210] : memref<10x128xi32, #tpu.memory_space<vmem>> -> memref<1x128xi32, #tpu.memory_space<vmem>>
      %dma_start3A_3212 = tpu.memref_squeeze %dma_start3A_3211 : memref<1x128xi32, #tpu.memory_space<vmem>> -> memref<128xi32, #tpu.memory_space<vmem>>
      %dma_start3A_3213 = arith.constant 0 : i32
      %dma_start3A_3214 = arith.constant 0 : i32
      %dma_start3A_3215 = tpu.memref_slice %arg3[%dma_start3A_3213, %dma_start3A_3214] : memref<100000x64xf32, #tpu.memory_space<hbm>> -> memref<100000x64xf32, #tpu.memory_space<hbm>>
      tpu.enqueue_indirect_dma source(%dma_start3A_3215 : memref<100000x64xf32, #tpu.memory_space<hbm>>) target(%dma_start3A_3209 : memref<128x64xf32, #tpu.memory_space<vmem>>) offsets(%dma_start3A_3212 : memref<128xi32, #tpu.memory_space<vmem>>) semaphore(%arg16 : memref<!tpu.dma_semaphore, #tpu.memory_space<semaphore_mem>>) {add = true}
      %dma_wait3A_3216 = arith.constant 7 : i32
      %dma_wait3A_3217 = arith.constant 0 : i32
      %dma_wait3A_3218 = arith.constant 0 : i32
      %dma_wait3A_3219 = tpu.memref_slice %arg8[%dma_wait3A_3216, %dma_wait3A_3217, %dma_wait3A_3218] : memref<10x128x64xf32, #tpu.memory_space<vmem>> -> memref<1x128x64xf32, #tpu.memory_space<vmem>>
      %dma_wait3A_3220 = tpu.memref_squeeze %dma_wait3A_3219 : memref<1x128x64xf32, #tpu.memory_space<vmem>> -> memref<128x64xf32, #tpu.memory_space<vmem>>
      %dma_wait3A_3221 = arith.constant 0 : i32
      %dma_wait3A_3222 = arith.constant 0 : i32
      %dma_wait3A_3223 = tpu.memref_slice %arg3[%dma_wait3A_3221, %dma_wait3A_3222] : memref<100000x64xf32, #tpu.memory_space<hbm>> -> memref<128x64xf32, #tpu.memory_space<hbm>>
      %dma_wait3A_3224 = arith.constant 0 : i32
      %dma_wait3A_3225 = arith.constant 0 : i32
      %dma_wait3A_3226 = tpu.memref_slice %arg8[%dma_wait3A_3216, %dma_wait3A_3224, %dma_wait3A_3225] : memref<10x128x64xf32, #tpu.memory_space<vmem>> -> memref<1x128x64xf32, #tpu.memory_space<vmem>>
      %dma_wait3A_3227 = tpu.memref_squeeze %dma_wait3A_3226 : memref<1x128x64xf32, #tpu.memory_space<vmem>> -> memref<128x64xf32, #tpu.memory_space<vmem>>
      %dma_wait3A_3228 = arith.constant 0 : i32
      %dma_wait3A_3229 = arith.constant 0 : i32
      %dma_wait3A_3230 = tpu.memref_slice %arg3[%dma_wait3A_3228, %dma_wait3A_3229] : memref<100000x64xf32, #tpu.memory_space<hbm>> -> memref<128x64xf32, #tpu.memory_space<hbm>>
      tpu.wait_dma2 semaphore(%arg17 : memref<!tpu.dma_semaphore, #tpu.memory_space<semaphore_mem>>) src(%dma_wait3A_3230 : memref<128x64xf32, #tpu.memory_space<hbm>>) dst(%dma_wait3A_3227 : memref<128x64xf32, #tpu.memory_space<vmem>>)
      %mul3A_3231 = arith.constant 10 : i32
      %mul3A_3232 = arith.muli %scan3A_1934, %mul3A_3231 : i32
      %add3A_3233 = arith.constant 7 : i32
      %add3A_3234 = arith.addi %mul3A_3232, %add3A_3233 : i32
      %add3A_3235 = vector.broadcast %add3A_3234 : i32 to vector<16xi32>
      %add3A_3236 = arith.addi %mul3A_10, %add3A_3235 : vector<16xi32>
      %gather3A_3237 = tpu.vector_load_idx %arg6[%add3A_3236] : memref<25600xi32, #tpu.memory_space<vmem>>[vector<16xi32>], vector<16xi32>,
      %mul3A_3238 = arith.constant 2 : i32
      %mul3A_3239 = vector.broadcast %mul3A_3238 : i32 to vector<16xi32>
      %mul3A_3240 = arith.muli %gather3A_3237, %mul3A_3239 : vector<16xi32>
      %ge3A_3241 = arith.constant 50000 : i32
      %ge3A_3242 = vector.broadcast %ge3A_3241 : i32 to vector<16xi32>
      %ge3A_3243 = arith.cmpi sge, %gather3A_3237, %ge3A_3242 : vector<16xi32>
      %jit3A_3244 = arith.constant 99999 : i32
      %jit3A_3245 = arith.constant 0 : i32
      %broadcast_in_dim3A_3246 = vector.broadcast %jit3A_3244 : i32 to vector<16xi32>
      %broadcast_in_dim3A_3247 = vector.broadcast %jit3A_3245 : i32 to vector<16xi32>
      %select_n3A_3248 = arith.select %ge3A_3243, %broadcast_in_dim3A_3246, %broadcast_in_dim3A_3247 : vector<16xi1>, vector<16xi32>
      %sub3A_3249 = arith.subi %mul3A_3240, %select_n3A_3248 : vector<16xi32>
      %swap3A_3250 = arith.constant 7 : i32
      %swap3A_3251 = arith.index_cast %swap3A_3250 : i32 to index
      %swap3A_3252 = arith.constant 0 : index
      %swap3A_3253 = tpu.vector_load %arg7[%swap3A_3251, %swap3A_3252] {strides = array<i32>} : memref<10x128xi32, #tpu.memory_space<vmem>>, vector<16xi32>,
      tpu.vector_store %arg7[%swap3A_3251, %swap3A_3252], %sub3A_3249 {strides = array<i32>} : memref<10x128xi32, #tpu.memory_space<vmem>>, vector<16xi32>,
      %add3A_3254 = vector.broadcast %add3A_3234 : i32 to vector<16xi32>
      %add3A_3255 = arith.addi %mul3A_17, %add3A_3254 : vector<16xi32>
      %gather3A_3256 = tpu.vector_load_idx %arg6[%add3A_3255] : memref<25600xi32, #tpu.memory_space<vmem>>[vector<16xi32>], vector<16xi32>,
      %mul3A_3257 = arith.constant 2 : i32
      %mul3A_3258 = vector.broadcast %mul3A_3257 : i32 to vector<16xi32>
      %mul3A_3259 = arith.muli %gather3A_3256, %mul3A_3258 : vector<16xi32>
      %ge3A_3260 = arith.constant 50000 : i32
      %ge3A_3261 = vector.broadcast %ge3A_3260 : i32 to vector<16xi32>
      %ge3A_3262 = arith.cmpi sge, %gather3A_3256, %ge3A_3261 : vector<16xi32>
      %jit3A_3263 = arith.constant 99999 : i32
      %jit3A_3264 = arith.constant 0 : i32
      %broadcast_in_dim3A_3265 = vector.broadcast %jit3A_3263 : i32 to vector<16xi32>
      %broadcast_in_dim3A_3266 = vector.broadcast %jit3A_3264 : i32 to vector<16xi32>
      %select_n3A_3267 = arith.select %ge3A_3262, %broadcast_in_dim3A_3265, %broadcast_in_dim3A_3266 : vector<16xi1>, vector<16xi32>
      %sub3A_3268 = arith.subi %mul3A_3259, %select_n3A_3267 : vector<16xi32>
      %swap3A_3269 = arith.constant 7 : i32
      %swap3A_3270 = arith.index_cast %swap3A_3269 : i32 to index
      %swap3A_3271 = arith.constant 16 : index
      %swap3A_3272 = tpu.vector_load %arg7[%swap3A_3270, %swap3A_3271] {strides = array<i32>} : memref<10x128xi32, #tpu.memory_space<vmem>>, vector<16xi32>,
      tpu.vector_store %arg7[%swap3A_3270, %swap3A_3271], %sub3A_3268 {strides = array<i32>} : memref<10x128xi32, #tpu.memory_space<vmem>>, vector<16xi32>,
      %add3A_3273 = vector.broadcast %add3A_3234 : i32 to vector<16xi32>
      %add3A_3274 = arith.addi %mul3A_24, %add3A_3273 : vector<16xi32>
      %gather3A_3275 = tpu.vector_load_idx %arg6[%add3A_3274] : memref<25600xi32, #tpu.memory_space<vmem>>[vector<16xi32>], vector<16xi32>,
      %mul3A_3276 = arith.constant 2 : i32
      %mul3A_3277 = vector.broadcast %mul3A_3276 : i32 to vector<16xi32>
      %mul3A_3278 = arith.muli %gather3A_3275, %mul3A_3277 : vector<16xi32>
      %ge3A_3279 = arith.constant 50000 : i32
      %ge3A_3280 = vector.broadcast %ge3A_3279 : i32 to vector<16xi32>
      %ge3A_3281 = arith.cmpi sge, %gather3A_3275, %ge3A_3280 : vector<16xi32>
      %jit3A_3282 = arith.constant 99999 : i32
      %jit3A_3283 = arith.constant 0 : i32
      %broadcast_in_dim3A_3284 = vector.broadcast %jit3A_3282 : i32 to vector<16xi32>
      %broadcast_in_dim3A_3285 = vector.broadcast %jit3A_3283 : i32 to vector<16xi32>
      %select_n3A_3286 = arith.select %ge3A_3281, %broadcast_in_dim3A_3284, %broadcast_in_dim3A_3285 : vector<16xi1>, vector<16xi32>
      %sub3A_3287 = arith.subi %mul3A_3278, %select_n3A_3286 : vector<16xi32>
      %swap3A_3288 = arith.constant 7 : i32
      %swap3A_3289 = arith.index_cast %swap3A_3288 : i32 to index
      %swap3A_3290 = arith.constant 32 : index
      %swap3A_3291 = tpu.vector_load %arg7[%swap3A_3289, %swap3A_3290] {strides = array<i32>} : memref<10x128xi32, #tpu.memory_space<vmem>>, vector<16xi32>,
      tpu.vector_store %arg7[%swap3A_3289, %swap3A_3290], %sub3A_3287 {strides = array<i32>} : memref<10x128xi32, #tpu.memory_space<vmem>>, vector<16xi32>,
      %add3A_3292 = vector.broadcast %add3A_3234 : i32 to vector<16xi32>
      %add3A_3293 = arith.addi %mul3A_31, %add3A_3292 : vector<16xi32>
      %gather3A_3294 = tpu.vector_load_idx %arg6[%add3A_3293] : memref<25600xi32, #tpu.memory_space<vmem>>[vector<16xi32>], vector<16xi32>,
      %mul3A_3295 = arith.constant 2 : i32
      %mul3A_3296 = vector.broadcast %mul3A_3295 : i32 to vector<16xi32>
      %mul3A_3297 = arith.muli %gather3A_3294, %mul3A_3296 : vector<16xi32>
      %ge3A_3298 = arith.constant 50000 : i32
      %ge3A_3299 = vector.broadcast %ge3A_3298 : i32 to vector<16xi32>
      %ge3A_3300 = arith.cmpi sge, %gather3A_3294, %ge3A_3299 : vector<16xi32>
      %jit3A_3301 = arith.constant 99999 : i32
      %jit3A_3302 = arith.constant 0 : i32
      %broadcast_in_dim3A_3303 = vector.broadcast %jit3A_3301 : i32 to vector<16xi32>
      %broadcast_in_dim3A_3304 = vector.broadcast %jit3A_3302 : i32 to vector<16xi32>
      %select_n3A_3305 = arith.select %ge3A_3300, %broadcast_in_dim3A_3303, %broadcast_in_dim3A_3304 : vector<16xi1>, vector<16xi32>
      %sub3A_3306 = arith.subi %mul3A_3297, %select_n3A_3305 : vector<16xi32>
      %swap3A_3307 = arith.constant 7 : i32
      %swap3A_3308 = arith.index_cast %swap3A_3307 : i32 to index
      %swap3A_3309 = arith.constant 48 : index
      %swap3A_3310 = tpu.vector_load %arg7[%swap3A_3308, %swap3A_3309] {strides = array<i32>} : memref<10x128xi32, #tpu.memory_space<vmem>>, vector<16xi32>,
      tpu.vector_store %arg7[%swap3A_3308, %swap3A_3309], %sub3A_3306 {strides = array<i32>} : memref<10x128xi32, #tpu.memory_space<vmem>>, vector<16xi32>,
      %add3A_3311 = vector.broadcast %add3A_3234 : i32 to vector<16xi32>
      %add3A_3312 = arith.addi %mul3A_38, %add3A_3311 : vector<16xi32>
      %gather3A_3313 = tpu.vector_load_idx %arg6[%add3A_3312] : memref<25600xi32, #tpu.memory_space<vmem>>[vector<16xi32>], vector<16xi32>,
      %mul3A_3314 = arith.constant 2 : i32
      %mul3A_3315 = vector.broadcast %mul3A_3314 : i32 to vector<16xi32>
      %mul3A_3316 = arith.muli %gather3A_3313, %mul3A_3315 : vector<16xi32>
      %ge3A_3317 = arith.constant 50000 : i32
      %ge3A_3318 = vector.broadcast %ge3A_3317 : i32 to vector<16xi32>
      %ge3A_3319 = arith.cmpi sge, %gather3A_3313, %ge3A_3318 : vector<16xi32>
      %jit3A_3320 = arith.constant 99999 : i32
      %jit3A_3321 = arith.constant 0 : i32
      %broadcast_in_dim3A_3322 = vector.broadcast %jit3A_3320 : i32 to vector<16xi32>
      %broadcast_in_dim3A_3323 = vector.broadcast %jit3A_3321 : i32 to vector<16xi32>
      %select_n3A_3324 = arith.select %ge3A_3319, %broadcast_in_dim3A_3322, %broadcast_in_dim3A_3323 : vector<16xi1>, vector<16xi32>
      %sub3A_3325 = arith.subi %mul3A_3316, %select_n3A_3324 : vector<16xi32>
      %swap3A_3326 = arith.constant 7 : i32
      %swap3A_3327 = arith.index_cast %swap3A_3326 : i32 to index
      %swap3A_3328 = arith.constant 64 : index
      %swap3A_3329 = tpu.vector_load %arg7[%swap3A_3327, %swap3A_3328] {strides = array<i32>} : memref<10x128xi32, #tpu.memory_space<vmem>>, vector<16xi32>,
      tpu.vector_store %arg7[%swap3A_3327, %swap3A_3328], %sub3A_3325 {strides = array<i32>} : memref<10x128xi32, #tpu.memory_space<vmem>>, vector<16xi32>,
      %add3A_3330 = vector.broadcast %add3A_3234 : i32 to vector<16xi32>
      %add3A_3331 = arith.addi %mul3A_45, %add3A_3330 : vector<16xi32>
      %gather3A_3332 = tpu.vector_load_idx %arg6[%add3A_3331] : memref<25600xi32, #tpu.memory_space<vmem>>[vector<16xi32>], vector<16xi32>,
      %mul3A_3333 = arith.constant 2 : i32
      %mul3A_3334 = vector.broadcast %mul3A_3333 : i32 to vector<16xi32>
      %mul3A_3335 = arith.muli %gather3A_3332, %mul3A_3334 : vector<16xi32>
      %ge3A_3336 = arith.constant 50000 : i32
      %ge3A_3337 = vector.broadcast %ge3A_3336 : i32 to vector<16xi32>
      %ge3A_3338 = arith.cmpi sge, %gather3A_3332, %ge3A_3337 : vector<16xi32>
      %jit3A_3339 = arith.constant 99999 : i32
      %jit3A_3340 = arith.constant 0 : i32
      %broadcast_in_dim3A_3341 = vector.broadcast %jit3A_3339 : i32 to vector<16xi32>
      %broadcast_in_dim3A_3342 = vector.broadcast %jit3A_3340 : i32 to vector<16xi32>
      %select_n3A_3343 = arith.select %ge3A_3338, %broadcast_in_dim3A_3341, %broadcast_in_dim3A_3342 : vector<16xi1>, vector<16xi32>
      %sub3A_3344 = arith.subi %mul3A_3335, %select_n3A_3343 : vector<16xi32>
      %swap3A_3345 = arith.constant 7 : i32
      %swap3A_3346 = arith.index_cast %swap3A_3345 : i32 to index
      %swap3A_3347 = arith.constant 80 : index
      %swap3A_3348 = tpu.vector_load %arg7[%swap3A_3346, %swap3A_3347] {strides = array<i32>} : memref<10x128xi32, #tpu.memory_space<vmem>>, vector<16xi32>,
      tpu.vector_store %arg7[%swap3A_3346, %swap3A_3347], %sub3A_3344 {strides = array<i32>} : memref<10x128xi32, #tpu.memory_space<vmem>>, vector<16xi32>,
      %add3A_3349 = vector.broadcast %add3A_3234 : i32 to vector<16xi32>
      %add3A_3350 = arith.addi %mul3A_52, %add3A_3349 : vector<16xi32>
      %gather3A_3351 = tpu.vector_load_idx %arg6[%add3A_3350] : memref<25600xi32, #tpu.memory_space<vmem>>[vector<16xi32>], vector<16xi32>,
      %mul3A_3352 = arith.constant 2 : i32
      %mul3A_3353 = vector.broadcast %mul3A_3352 : i32 to vector<16xi32>
      %mul3A_3354 = arith.muli %gather3A_3351, %mul3A_3353 : vector<16xi32>
      %ge3A_3355 = arith.constant 50000 : i32
      %ge3A_3356 = vector.broadcast %ge3A_3355 : i32 to vector<16xi32>
      %ge3A_3357 = arith.cmpi sge, %gather3A_3351, %ge3A_3356 : vector<16xi32>
      %jit3A_3358 = arith.constant 99999 : i32
      %jit3A_3359 = arith.constant 0 : i32
      %broadcast_in_dim3A_3360 = vector.broadcast %jit3A_3358 : i32 to vector<16xi32>
      %broadcast_in_dim3A_3361 = vector.broadcast %jit3A_3359 : i32 to vector<16xi32>
      %select_n3A_3362 = arith.select %ge3A_3357, %broadcast_in_dim3A_3360, %broadcast_in_dim3A_3361 : vector<16xi1>, vector<16xi32>
      %sub3A_3363 = arith.subi %mul3A_3354, %select_n3A_3362 : vector<16xi32>
      %swap3A_3364 = arith.constant 7 : i32
      %swap3A_3365 = arith.index_cast %swap3A_3364 : i32 to index
      %swap3A_3366 = arith.constant 96 : index
      %swap3A_3367 = tpu.vector_load %arg7[%swap3A_3365, %swap3A_3366] {strides = array<i32>} : memref<10x128xi32, #tpu.memory_space<vmem>>, vector<16xi32>,
      tpu.vector_store %arg7[%swap3A_3365, %swap3A_3366], %sub3A_3363 {strides = array<i32>} : memref<10x128xi32, #tpu.memory_space<vmem>>, vector<16xi32>,
      %add3A_3368 = vector.broadcast %add3A_3234 : i32 to vector<16xi32>
      %add3A_3369 = arith.addi %mul3A_59, %add3A_3368 : vector<16xi32>
      %gather3A_3370 = tpu.vector_load_idx %arg6[%add3A_3369] : memref<25600xi32, #tpu.memory_space<vmem>>[vector<16xi32>], vector<16xi32>,
      %mul3A_3371 = arith.constant 2 : i32
      %mul3A_3372 = vector.broadcast %mul3A_3371 : i32 to vector<16xi32>
      %mul3A_3373 = arith.muli %gather3A_3370, %mul3A_3372 : vector<16xi32>
      %ge3A_3374 = arith.constant 50000 : i32
      %ge3A_3375 = vector.broadcast %ge3A_3374 : i32 to vector<16xi32>
      %ge3A_3376 = arith.cmpi sge, %gather3A_3370, %ge3A_3375 : vector<16xi32>
      %jit3A_3377 = arith.constant 99999 : i32
      %jit3A_3378 = arith.constant 0 : i32
      %broadcast_in_dim3A_3379 = vector.broadcast %jit3A_3377 : i32 to vector<16xi32>
      %broadcast_in_dim3A_3380 = vector.broadcast %jit3A_3378 : i32 to vector<16xi32>
      %select_n3A_3381 = arith.select %ge3A_3376, %broadcast_in_dim3A_3379, %broadcast_in_dim3A_3380 : vector<16xi1>, vector<16xi32>
      %sub3A_3382 = arith.subi %mul3A_3373, %select_n3A_3381 : vector<16xi32>
      %swap3A_3383 = arith.constant 7 : i32
      %swap3A_3384 = arith.index_cast %swap3A_3383 : i32 to index
      %swap3A_3385 = arith.constant 112 : index
      %swap3A_3386 = tpu.vector_load %arg7[%swap3A_3384, %swap3A_3385] {strides = array<i32>} : memref<10x128xi32, #tpu.memory_space<vmem>>, vector<16xi32>,
      tpu.vector_store %arg7[%swap3A_3384, %swap3A_3385], %sub3A_3382 {strides = array<i32>} : memref<10x128xi32, #tpu.memory_space<vmem>>, vector<16xi32>,
      %dma_start3A_3387 = arith.constant 7 : i32
      %dma_start3A_3388 = arith.constant 7 : i32
      %dma_start3A_3389 = arith.constant 0 : i32
      %dma_start3A_3390 = arith.constant 0 : i32
      %dma_start3A_3391 = tpu.memref_slice %arg8[%dma_start3A_3388, %dma_start3A_3389, %dma_start3A_3390] : memref<10x128x64xf32, #tpu.memory_space<vmem>> -> memref<1x128x64xf32, #tpu.memory_space<vmem>>
      %dma_start3A_3392 = tpu.memref_squeeze %dma_start3A_3391 : memref<1x128x64xf32, #tpu.memory_space<vmem>> -> memref<128x64xf32, #tpu.memory_space<vmem>>
      %dma_start3A_3393 = arith.constant 0 : i32
      %dma_start3A_3394 = tpu.memref_slice %arg7[%dma_start3A_3387, %dma_start3A_3393] : memref<10x128xi32, #tpu.memory_space<vmem>> -> memref<1x128xi32, #tpu.memory_space<vmem>>
      %dma_start3A_3395 = tpu.memref_squeeze %dma_start3A_3394 : memref<1x128xi32, #tpu.memory_space<vmem>> -> memref<128xi32, #tpu.memory_space<vmem>>
      %dma_start3A_3396 = arith.constant 0 : i32
      %dma_start3A_3397 = arith.constant 0 : i32
      %dma_start3A_3398 = tpu.memref_slice %arg3[%dma_start3A_3396, %dma_start3A_3397] : memref<100000x64xf32, #tpu.memory_space<hbm>> -> memref<100000x64xf32, #tpu.memory_space<hbm>>
      tpu.enqueue_indirect_dma source(%dma_start3A_3398 : memref<100000x64xf32, #tpu.memory_space<hbm>>) target(%dma_start3A_3392 : memref<128x64xf32, #tpu.memory_space<vmem>>) offsets(%dma_start3A_3395 : memref<128xi32, #tpu.memory_space<vmem>>) semaphore(%arg17 : memref<!tpu.dma_semaphore, #tpu.memory_space<semaphore_mem>>) {add = true}
      %dma_wait3A_3399 = arith.constant 8 : i32
      %dma_wait3A_3400 = arith.constant 0 : i32
      %dma_wait3A_3401 = arith.constant 0 : i32
      %dma_wait3A_3402 = tpu.memref_slice %arg8[%dma_wait3A_3399, %dma_wait3A_3400, %dma_wait3A_3401] : memref<10x128x64xf32, #tpu.memory_space<vmem>> -> memref<1x128x64xf32, #tpu.memory_space<vmem>>
      %dma_wait3A_3403 = tpu.memref_squeeze %dma_wait3A_3402 : memref<1x128x64xf32, #tpu.memory_space<vmem>> -> memref<128x64xf32, #tpu.memory_space<vmem>>
      %dma_wait3A_3404 = arith.constant 0 : i32
      %dma_wait3A_3405 = arith.constant 0 : i32
      %dma_wait3A_3406 = tpu.memref_slice %arg3[%dma_wait3A_3404, %dma_wait3A_3405] : memref<100000x64xf32, #tpu.memory_space<hbm>> -> memref<128x64xf32, #tpu.memory_space<hbm>>
      %dma_wait3A_3407 = arith.constant 0 : i32
      %dma_wait3A_3408 = arith.constant 0 : i32
      %dma_wait3A_3409 = tpu.memref_slice %arg8[%dma_wait3A_3399, %dma_wait3A_3407, %dma_wait3A_3408] : memref<10x128x64xf32, #tpu.memory_space<vmem>> -> memref<1x128x64xf32, #tpu.memory_space<vmem>>
      %dma_wait3A_3410 = tpu.memref_squeeze %dma_wait3A_3409 : memref<1x128x64xf32, #tpu.memory_space<vmem>> -> memref<128x64xf32, #tpu.memory_space<vmem>>
      %dma_wait3A_3411 = arith.constant 0 : i32
      %dma_wait3A_3412 = arith.constant 0 : i32
      %dma_wait3A_3413 = tpu.memref_slice %arg3[%dma_wait3A_3411, %dma_wait3A_3412] : memref<100000x64xf32, #tpu.memory_space<hbm>> -> memref<128x64xf32, #tpu.memory_space<hbm>>
      tpu.wait_dma2 semaphore(%arg18 : memref<!tpu.dma_semaphore, #tpu.memory_space<semaphore_mem>>) src(%dma_wait3A_3413 : memref<128x64xf32, #tpu.memory_space<hbm>>) dst(%dma_wait3A_3410 : memref<128x64xf32, #tpu.memory_space<vmem>>)
      %mul3A_3414 = arith.constant 10 : i32
      %mul3A_3415 = arith.muli %scan3A_1934, %mul3A_3414 : i32
      %add3A_3416 = arith.constant 8 : i32
      %add3A_3417 = arith.addi %mul3A_3415, %add3A_3416 : i32
      %add3A_3418 = vector.broadcast %add3A_3417 : i32 to vector<16xi32>
      %add3A_3419 = arith.addi %mul3A_10, %add3A_3418 : vector<16xi32>
      %gather3A_3420 = tpu.vector_load_idx %arg6[%add3A_3419] : memref<25600xi32, #tpu.memory_space<vmem>>[vector<16xi32>], vector<16xi32>,
      %mul3A_3421 = arith.constant 2 : i32
      %mul3A_3422 = vector.broadcast %mul3A_3421 : i32 to vector<16xi32>
      %mul3A_3423 = arith.muli %gather3A_3420, %mul3A_3422 : vector<16xi32>
      %ge3A_3424 = arith.constant 50000 : i32
      %ge3A_3425 = vector.broadcast %ge3A_3424 : i32 to vector<16xi32>
      %ge3A_3426 = arith.cmpi sge, %gather3A_3420, %ge3A_3425 : vector<16xi32>
      %jit3A_3427 = arith.constant 99999 : i32
      %jit3A_3428 = arith.constant 0 : i32
      %broadcast_in_dim3A_3429 = vector.broadcast %jit3A_3427 : i32 to vector<16xi32>
      %broadcast_in_dim3A_3430 = vector.broadcast %jit3A_3428 : i32 to vector<16xi32>
      %select_n3A_3431 = arith.select %ge3A_3426, %broadcast_in_dim3A_3429, %broadcast_in_dim3A_3430 : vector<16xi1>, vector<16xi32>
      %sub3A_3432 = arith.subi %mul3A_3423, %select_n3A_3431 : vector<16xi32>
      %swap3A_3433 = arith.constant 8 : i32
      %swap3A_3434 = arith.index_cast %swap3A_3433 : i32 to index
      %swap3A_3435 = arith.constant 0 : index
      %swap3A_3436 = tpu.vector_load %arg7[%swap3A_3434, %swap3A_3435] {strides = array<i32>} : memref<10x128xi32, #tpu.memory_space<vmem>>, vector<16xi32>,
      tpu.vector_store %arg7[%swap3A_3434, %swap3A_3435], %sub3A_3432 {strides = array<i32>} : memref<10x128xi32, #tpu.memory_space<vmem>>, vector<16xi32>,
      %add3A_3437 = vector.broadcast %add3A_3417 : i32 to vector<16xi32>
      %add3A_3438 = arith.addi %mul3A_17, %add3A_3437 : vector<16xi32>
      %gather3A_3439 = tpu.vector_load_idx %arg6[%add3A_3438] : memref<25600xi32, #tpu.memory_space<vmem>>[vector<16xi32>], vector<16xi32>,
      %mul3A_3440 = arith.constant 2 : i32
      %mul3A_3441 = vector.broadcast %mul3A_3440 : i32 to vector<16xi32>
      %mul3A_3442 = arith.muli %gather3A_3439, %mul3A_3441 : vector<16xi32>
      %ge3A_3443 = arith.constant 50000 : i32
      %ge3A_3444 = vector.broadcast %ge3A_3443 : i32 to vector<16xi32>
      %ge3A_3445 = arith.cmpi sge, %gather3A_3439, %ge3A_3444 : vector<16xi32>
      %jit3A_3446 = arith.constant 99999 : i32
      %jit3A_3447 = arith.constant 0 : i32
      %broadcast_in_dim3A_3448 = vector.broadcast %jit3A_3446 : i32 to vector<16xi32>
      %broadcast_in_dim3A_3449 = vector.broadcast %jit3A_3447 : i32 to vector<16xi32>
      %select_n3A_3450 = arith.select %ge3A_3445, %broadcast_in_dim3A_3448, %broadcast_in_dim3A_3449 : vector<16xi1>, vector<16xi32>
      %sub3A_3451 = arith.subi %mul3A_3442, %select_n3A_3450 : vector<16xi32>
      %swap3A_3452 = arith.constant 8 : i32
      %swap3A_3453 = arith.index_cast %swap3A_3452 : i32 to index
      %swap3A_3454 = arith.constant 16 : index
      %swap3A_3455 = tpu.vector_load %arg7[%swap3A_3453, %swap3A_3454] {strides = array<i32>} : memref<10x128xi32, #tpu.memory_space<vmem>>, vector<16xi32>,
      tpu.vector_store %arg7[%swap3A_3453, %swap3A_3454], %sub3A_3451 {strides = array<i32>} : memref<10x128xi32, #tpu.memory_space<vmem>>, vector<16xi32>,
      %add3A_3456 = vector.broadcast %add3A_3417 : i32 to vector<16xi32>
      %add3A_3457 = arith.addi %mul3A_24, %add3A_3456 : vector<16xi32>
      %gather3A_3458 = tpu.vector_load_idx %arg6[%add3A_3457] : memref<25600xi32, #tpu.memory_space<vmem>>[vector<16xi32>], vector<16xi32>,
      %mul3A_3459 = arith.constant 2 : i32
      %mul3A_3460 = vector.broadcast %mul3A_3459 : i32 to vector<16xi32>
      %mul3A_3461 = arith.muli %gather3A_3458, %mul3A_3460 : vector<16xi32>
      %ge3A_3462 = arith.constant 50000 : i32
      %ge3A_3463 = vector.broadcast %ge3A_3462 : i32 to vector<16xi32>
      %ge3A_3464 = arith.cmpi sge, %gather3A_3458, %ge3A_3463 : vector<16xi32>
      %jit3A_3465 = arith.constant 99999 : i32
      %jit3A_3466 = arith.constant 0 : i32
      %broadcast_in_dim3A_3467 = vector.broadcast %jit3A_3465 : i32 to vector<16xi32>
      %broadcast_in_dim3A_3468 = vector.broadcast %jit3A_3466 : i32 to vector<16xi32>
      %select_n3A_3469 = arith.select %ge3A_3464, %broadcast_in_dim3A_3467, %broadcast_in_dim3A_3468 : vector<16xi1>, vector<16xi32>
      %sub3A_3470 = arith.subi %mul3A_3461, %select_n3A_3469 : vector<16xi32>
      %swap3A_3471 = arith.constant 8 : i32
      %swap3A_3472 = arith.index_cast %swap3A_3471 : i32 to index
      %swap3A_3473 = arith.constant 32 : index
      %swap3A_3474 = tpu.vector_load %arg7[%swap3A_3472, %swap3A_3473] {strides = array<i32>} : memref<10x128xi32, #tpu.memory_space<vmem>>, vector<16xi32>,
      tpu.vector_store %arg7[%swap3A_3472, %swap3A_3473], %sub3A_3470 {strides = array<i32>} : memref<10x128xi32, #tpu.memory_space<vmem>>, vector<16xi32>,
      %add3A_3475 = vector.broadcast %add3A_3417 : i32 to vector<16xi32>
      %add3A_3476 = arith.addi %mul3A_31, %add3A_3475 : vector<16xi32>
      %gather3A_3477 = tpu.vector_load_idx %arg6[%add3A_3476] : memref<25600xi32, #tpu.memory_space<vmem>>[vector<16xi32>], vector<16xi32>,
      %mul3A_3478 = arith.constant 2 : i32
      %mul3A_3479 = vector.broadcast %mul3A_3478 : i32 to vector<16xi32>
      %mul3A_3480 = arith.muli %gather3A_3477, %mul3A_3479 : vector<16xi32>
      %ge3A_3481 = arith.constant 50000 : i32
      %ge3A_3482 = vector.broadcast %ge3A_3481 : i32 to vector<16xi32>
      %ge3A_3483 = arith.cmpi sge, %gather3A_3477, %ge3A_3482 : vector<16xi32>
      %jit3A_3484 = arith.constant 99999 : i32
      %jit3A_3485 = arith.constant 0 : i32
      %broadcast_in_dim3A_3486 = vector.broadcast %jit3A_3484 : i32 to vector<16xi32>
      %broadcast_in_dim3A_3487 = vector.broadcast %jit3A_3485 : i32 to vector<16xi32>
      %select_n3A_3488 = arith.select %ge3A_3483, %broadcast_in_dim3A_3486, %broadcast_in_dim3A_3487 : vector<16xi1>, vector<16xi32>
      %sub3A_3489 = arith.subi %mul3A_3480, %select_n3A_3488 : vector<16xi32>
      %swap3A_3490 = arith.constant 8 : i32
      %swap3A_3491 = arith.index_cast %swap3A_3490 : i32 to index
      %swap3A_3492 = arith.constant 48 : index
      %swap3A_3493 = tpu.vector_load %arg7[%swap3A_3491, %swap3A_3492] {strides = array<i32>} : memref<10x128xi32, #tpu.memory_space<vmem>>, vector<16xi32>,
      tpu.vector_store %arg7[%swap3A_3491, %swap3A_3492], %sub3A_3489 {strides = array<i32>} : memref<10x128xi32, #tpu.memory_space<vmem>>, vector<16xi32>,
      %add3A_3494 = vector.broadcast %add3A_3417 : i32 to vector<16xi32>
      %add3A_3495 = arith.addi %mul3A_38, %add3A_3494 : vector<16xi32>
      %gather3A_3496 = tpu.vector_load_idx %arg6[%add3A_3495] : memref<25600xi32, #tpu.memory_space<vmem>>[vector<16xi32>], vector<16xi32>,
      %mul3A_3497 = arith.constant 2 : i32
      %mul3A_3498 = vector.broadcast %mul3A_3497 : i32 to vector<16xi32>
      %mul3A_3499 = arith.muli %gather3A_3496, %mul3A_3498 : vector<16xi32>
      %ge3A_3500 = arith.constant 50000 : i32
      %ge3A_3501 = vector.broadcast %ge3A_3500 : i32 to vector<16xi32>
      %ge3A_3502 = arith.cmpi sge, %gather3A_3496, %ge3A_3501 : vector<16xi32>
      %jit3A_3503 = arith.constant 99999 : i32
      %jit3A_3504 = arith.constant 0 : i32
      %broadcast_in_dim3A_3505 = vector.broadcast %jit3A_3503 : i32 to vector<16xi32>
      %broadcast_in_dim3A_3506 = vector.broadcast %jit3A_3504 : i32 to vector<16xi32>
      %select_n3A_3507 = arith.select %ge3A_3502, %broadcast_in_dim3A_3505, %broadcast_in_dim3A_3506 : vector<16xi1>, vector<16xi32>
      %sub3A_3508 = arith.subi %mul3A_3499, %select_n3A_3507 : vector<16xi32>
      %swap3A_3509 = arith.constant 8 : i32
      %swap3A_3510 = arith.index_cast %swap3A_3509 : i32 to index
      %swap3A_3511 = arith.constant 64 : index
      %swap3A_3512 = tpu.vector_load %arg7[%swap3A_3510, %swap3A_3511] {strides = array<i32>} : memref<10x128xi32, #tpu.memory_space<vmem>>, vector<16xi32>,
      tpu.vector_store %arg7[%swap3A_3510, %swap3A_3511], %sub3A_3508 {strides = array<i32>} : memref<10x128xi32, #tpu.memory_space<vmem>>, vector<16xi32>,
      %add3A_3513 = vector.broadcast %add3A_3417 : i32 to vector<16xi32>
      %add3A_3514 = arith.addi %mul3A_45, %add3A_3513 : vector<16xi32>
      %gather3A_3515 = tpu.vector_load_idx %arg6[%add3A_3514] : memref<25600xi32, #tpu.memory_space<vmem>>[vector<16xi32>], vector<16xi32>,
      %mul3A_3516 = arith.constant 2 : i32
      %mul3A_3517 = vector.broadcast %mul3A_3516 : i32 to vector<16xi32>
      %mul3A_3518 = arith.muli %gather3A_3515, %mul3A_3517 : vector<16xi32>
      %ge3A_3519 = arith.constant 50000 : i32
      %ge3A_3520 = vector.broadcast %ge3A_3519 : i32 to vector<16xi32>
      %ge3A_3521 = arith.cmpi sge, %gather3A_3515, %ge3A_3520 : vector<16xi32>
      %jit3A_3522 = arith.constant 99999 : i32
      %jit3A_3523 = arith.constant 0 : i32
      %broadcast_in_dim3A_3524 = vector.broadcast %jit3A_3522 : i32 to vector<16xi32>
      %broadcast_in_dim3A_3525 = vector.broadcast %jit3A_3523 : i32 to vector<16xi32>
      %select_n3A_3526 = arith.select %ge3A_3521, %broadcast_in_dim3A_3524, %broadcast_in_dim3A_3525 : vector<16xi1>, vector<16xi32>
      %sub3A_3527 = arith.subi %mul3A_3518, %select_n3A_3526 : vector<16xi32>
      %swap3A_3528 = arith.constant 8 : i32
      %swap3A_3529 = arith.index_cast %swap3A_3528 : i32 to index
      %swap3A_3530 = arith.constant 80 : index
      %swap3A_3531 = tpu.vector_load %arg7[%swap3A_3529, %swap3A_3530] {strides = array<i32>} : memref<10x128xi32, #tpu.memory_space<vmem>>, vector<16xi32>,
      tpu.vector_store %arg7[%swap3A_3529, %swap3A_3530], %sub3A_3527 {strides = array<i32>} : memref<10x128xi32, #tpu.memory_space<vmem>>, vector<16xi32>,
      %add3A_3532 = vector.broadcast %add3A_3417 : i32 to vector<16xi32>
      %add3A_3533 = arith.addi %mul3A_52, %add3A_3532 : vector<16xi32>
      %gather3A_3534 = tpu.vector_load_idx %arg6[%add3A_3533] : memref<25600xi32, #tpu.memory_space<vmem>>[vector<16xi32>], vector<16xi32>,
      %mul3A_3535 = arith.constant 2 : i32
      %mul3A_3536 = vector.broadcast %mul3A_3535 : i32 to vector<16xi32>
      %mul3A_3537 = arith.muli %gather3A_3534, %mul3A_3536 : vector<16xi32>
      %ge3A_3538 = arith.constant 50000 : i32
      %ge3A_3539 = vector.broadcast %ge3A_3538 : i32 to vector<16xi32>
      %ge3A_3540 = arith.cmpi sge, %gather3A_3534, %ge3A_3539 : vector<16xi32>
      %jit3A_3541 = arith.constant 99999 : i32
      %jit3A_3542 = arith.constant 0 : i32
      %broadcast_in_dim3A_3543 = vector.broadcast %jit3A_3541 : i32 to vector<16xi32>
      %broadcast_in_dim3A_3544 = vector.broadcast %jit3A_3542 : i32 to vector<16xi32>
      %select_n3A_3545 = arith.select %ge3A_3540, %broadcast_in_dim3A_3543, %broadcast_in_dim3A_3544 : vector<16xi1>, vector<16xi32>
      %sub3A_3546 = arith.subi %mul3A_3537, %select_n3A_3545 : vector<16xi32>
      %swap3A_3547 = arith.constant 8 : i32
      %swap3A_3548 = arith.index_cast %swap3A_3547 : i32 to index
      %swap3A_3549 = arith.constant 96 : index
      %swap3A_3550 = tpu.vector_load %arg7[%swap3A_3548, %swap3A_3549] {strides = array<i32>} : memref<10x128xi32, #tpu.memory_space<vmem>>, vector<16xi32>,
      tpu.vector_store %arg7[%swap3A_3548, %swap3A_3549], %sub3A_3546 {strides = array<i32>} : memref<10x128xi32, #tpu.memory_space<vmem>>, vector<16xi32>,
      %add3A_3551 = vector.broadcast %add3A_3417 : i32 to vector<16xi32>
      %add3A_3552 = arith.addi %mul3A_59, %add3A_3551 : vector<16xi32>
      %gather3A_3553 = tpu.vector_load_idx %arg6[%add3A_3552] : memref<25600xi32, #tpu.memory_space<vmem>>[vector<16xi32>], vector<16xi32>,
      %mul3A_3554 = arith.constant 2 : i32
      %mul3A_3555 = vector.broadcast %mul3A_3554 : i32 to vector<16xi32>
      %mul3A_3556 = arith.muli %gather3A_3553, %mul3A_3555 : vector<16xi32>
      %ge3A_3557 = arith.constant 50000 : i32
      %ge3A_3558 = vector.broadcast %ge3A_3557 : i32 to vector<16xi32>
      %ge3A_3559 = arith.cmpi sge, %gather3A_3553, %ge3A_3558 : vector<16xi32>
      %jit3A_3560 = arith.constant 99999 : i32
      %jit3A_3561 = arith.constant 0 : i32
      %broadcast_in_dim3A_3562 = vector.broadcast %jit3A_3560 : i32 to vector<16xi32>
      %broadcast_in_dim3A_3563 = vector.broadcast %jit3A_3561 : i32 to vector<16xi32>
      %select_n3A_3564 = arith.select %ge3A_3559, %broadcast_in_dim3A_3562, %broadcast_in_dim3A_3563 : vector<16xi1>, vector<16xi32>
      %sub3A_3565 = arith.subi %mul3A_3556, %select_n3A_3564 : vector<16xi32>
      %swap3A_3566 = arith.constant 8 : i32
      %swap3A_3567 = arith.index_cast %swap3A_3566 : i32 to index
      %swap3A_3568 = arith.constant 112 : index
      %swap3A_3569 = tpu.vector_load %arg7[%swap3A_3567, %swap3A_3568] {strides = array<i32>} : memref<10x128xi32, #tpu.memory_space<vmem>>, vector<16xi32>,
      tpu.vector_store %arg7[%swap3A_3567, %swap3A_3568], %sub3A_3565 {strides = array<i32>} : memref<10x128xi32, #tpu.memory_space<vmem>>, vector<16xi32>,
      %dma_start3A_3570 = arith.constant 8 : i32
      %dma_start3A_3571 = arith.constant 8 : i32
      %dma_start3A_3572 = arith.constant 0 : i32
      %dma_start3A_3573 = arith.constant 0 : i32
      %dma_start3A_3574 = tpu.memref_slice %arg8[%dma_start3A_3571, %dma_start3A_3572, %dma_start3A_3573] : memref<10x128x64xf32, #tpu.memory_space<vmem>> -> memref<1x128x64xf32, #tpu.memory_space<vmem>>
      %dma_start3A_3575 = tpu.memref_squeeze %dma_start3A_3574 : memref<1x128x64xf32, #tpu.memory_space<vmem>> -> memref<128x64xf32, #tpu.memory_space<vmem>>
      %dma_start3A_3576 = arith.constant 0 : i32
      %dma_start3A_3577 = tpu.memref_slice %arg7[%dma_start3A_3570, %dma_start3A_3576] : memref<10x128xi32, #tpu.memory_space<vmem>> -> memref<1x128xi32, #tpu.memory_space<vmem>>
      %dma_start3A_3578 = tpu.memref_squeeze %dma_start3A_3577 : memref<1x128xi32, #tpu.memory_space<vmem>> -> memref<128xi32, #tpu.memory_space<vmem>>
      %dma_start3A_3579 = arith.constant 0 : i32
      %dma_start3A_3580 = arith.constant 0 : i32
      %dma_start3A_3581 = tpu.memref_slice %arg3[%dma_start3A_3579, %dma_start3A_3580] : memref<100000x64xf32, #tpu.memory_space<hbm>> -> memref<100000x64xf32, #tpu.memory_space<hbm>>
      tpu.enqueue_indirect_dma source(%dma_start3A_3581 : memref<100000x64xf32, #tpu.memory_space<hbm>>) target(%dma_start3A_3575 : memref<128x64xf32, #tpu.memory_space<vmem>>) offsets(%dma_start3A_3578 : memref<128xi32, #tpu.memory_space<vmem>>) semaphore(%arg18 : memref<!tpu.dma_semaphore, #tpu.memory_space<semaphore_mem>>) {add = true}
      %dma_wait3A_3582 = arith.constant 9 : i32
      %dma_wait3A_3583 = arith.constant 0 : i32
      %dma_wait3A_3584 = arith.constant 0 : i32
      %dma_wait3A_3585 = tpu.memref_slice %arg8[%dma_wait3A_3582, %dma_wait3A_3583, %dma_wait3A_3584] : memref<10x128x64xf32, #tpu.memory_space<vmem>> -> memref<1x128x64xf32, #tpu.memory_space<vmem>>
      %dma_wait3A_3586 = tpu.memref_squeeze %dma_wait3A_3585 : memref<1x128x64xf32, #tpu.memory_space<vmem>> -> memref<128x64xf32, #tpu.memory_space<vmem>>
      %dma_wait3A_3587 = arith.constant 0 : i32
      %dma_wait3A_3588 = arith.constant 0 : i32
      %dma_wait3A_3589 = tpu.memref_slice %arg3[%dma_wait3A_3587, %dma_wait3A_3588] : memref<100000x64xf32, #tpu.memory_space<hbm>> -> memref<128x64xf32, #tpu.memory_space<hbm>>
      %dma_wait3A_3590 = arith.constant 0 : i32
      %dma_wait3A_3591 = arith.constant 0 : i32
      %dma_wait3A_3592 = tpu.memref_slice %arg8[%dma_wait3A_3582, %dma_wait3A_3590, %dma_wait3A_3591] : memref<10x128x64xf32, #tpu.memory_space<vmem>> -> memref<1x128x64xf32, #tpu.memory_space<vmem>>
      %dma_wait3A_3593 = tpu.memref_squeeze %dma_wait3A_3592 : memref<1x128x64xf32, #tpu.memory_space<vmem>> -> memref<128x64xf32, #tpu.memory_space<vmem>>
      %dma_wait3A_3594 = arith.constant 0 : i32
      %dma_wait3A_3595 = arith.constant 0 : i32
      %dma_wait3A_3596 = tpu.memref_slice %arg3[%dma_wait3A_3594, %dma_wait3A_3595] : memref<100000x64xf32, #tpu.memory_space<hbm>> -> memref<128x64xf32, #tpu.memory_space<hbm>>
      tpu.wait_dma2 semaphore(%arg19 : memref<!tpu.dma_semaphore, #tpu.memory_space<semaphore_mem>>) src(%dma_wait3A_3596 : memref<128x64xf32, #tpu.memory_space<hbm>>) dst(%dma_wait3A_3593 : memref<128x64xf32, #tpu.memory_space<vmem>>)
      %mul3A_3597 = arith.constant 10 : i32
      %mul3A_3598 = arith.muli %scan3A_1934, %mul3A_3597 : i32
      %add3A_3599 = arith.constant 9 : i32
      %add3A_3600 = arith.addi %mul3A_3598, %add3A_3599 : i32
      %add3A_3601 = vector.broadcast %add3A_3600 : i32 to vector<16xi32>
      %add3A_3602 = arith.addi %mul3A_10, %add3A_3601 : vector<16xi32>
      %gather3A_3603 = tpu.vector_load_idx %arg6[%add3A_3602] : memref<25600xi32, #tpu.memory_space<vmem>>[vector<16xi32>], vector<16xi32>,
      %mul3A_3604 = arith.constant 2 : i32
      %mul3A_3605 = vector.broadcast %mul3A_3604 : i32 to vector<16xi32>
      %mul3A_3606 = arith.muli %gather3A_3603, %mul3A_3605 : vector<16xi32>
      %ge3A_3607 = arith.constant 50000 : i32
      %ge3A_3608 = vector.broadcast %ge3A_3607 : i32 to vector<16xi32>
      %ge3A_3609 = arith.cmpi sge, %gather3A_3603, %ge3A_3608 : vector<16xi32>
      %jit3A_3610 = arith.constant 99999 : i32
      %jit3A_3611 = arith.constant 0 : i32
      %broadcast_in_dim3A_3612 = vector.broadcast %jit3A_3610 : i32 to vector<16xi32>
      %broadcast_in_dim3A_3613 = vector.broadcast %jit3A_3611 : i32 to vector<16xi32>
      %select_n3A_3614 = arith.select %ge3A_3609, %broadcast_in_dim3A_3612, %broadcast_in_dim3A_3613 : vector<16xi1>, vector<16xi32>
      %sub3A_3615 = arith.subi %mul3A_3606, %select_n3A_3614 : vector<16xi32>
      %swap3A_3616 = arith.constant 9 : i32
      %swap3A_3617 = arith.index_cast %swap3A_3616 : i32 to index
      %swap3A_3618 = arith.constant 0 : index
      %swap3A_3619 = tpu.vector_load %arg7[%swap3A_3617, %swap3A_3618] {strides = array<i32>} : memref<10x128xi32, #tpu.memory_space<vmem>>, vector<16xi32>,
      tpu.vector_store %arg7[%swap3A_3617, %swap3A_3618], %sub3A_3615 {strides = array<i32>} : memref<10x128xi32, #tpu.memory_space<vmem>>, vector<16xi32>,
      %add3A_3620 = vector.broadcast %add3A_3600 : i32 to vector<16xi32>
      %add3A_3621 = arith.addi %mul3A_17, %add3A_3620 : vector<16xi32>
      %gather3A_3622 = tpu.vector_load_idx %arg6[%add3A_3621] : memref<25600xi32, #tpu.memory_space<vmem>>[vector<16xi32>], vector<16xi32>,
      %mul3A_3623 = arith.constant 2 : i32
      %mul3A_3624 = vector.broadcast %mul3A_3623 : i32 to vector<16xi32>
      %mul3A_3625 = arith.muli %gather3A_3622, %mul3A_3624 : vector<16xi32>
      %ge3A_3626 = arith.constant 50000 : i32
      %ge3A_3627 = vector.broadcast %ge3A_3626 : i32 to vector<16xi32>
      %ge3A_3628 = arith.cmpi sge, %gather3A_3622, %ge3A_3627 : vector<16xi32>
      %jit3A_3629 = arith.constant 99999 : i32
      %jit3A_3630 = arith.constant 0 : i32
      %broadcast_in_dim3A_3631 = vector.broadcast %jit3A_3629 : i32 to vector<16xi32>
      %broadcast_in_dim3A_3632 = vector.broadcast %jit3A_3630 : i32 to vector<16xi32>
      %select_n3A_3633 = arith.select %ge3A_3628, %broadcast_in_dim3A_3631, %broadcast_in_dim3A_3632 : vector<16xi1>, vector<16xi32>
      %sub3A_3634 = arith.subi %mul3A_3625, %select_n3A_3633 : vector<16xi32>
      %swap3A_3635 = arith.constant 9 : i32
      %swap3A_3636 = arith.index_cast %swap3A_3635 : i32 to index
      %swap3A_3637 = arith.constant 16 : index
      %swap3A_3638 = tpu.vector_load %arg7[%swap3A_3636, %swap3A_3637] {strides = array<i32>} : memref<10x128xi32, #tpu.memory_space<vmem>>, vector<16xi32>,
      tpu.vector_store %arg7[%swap3A_3636, %swap3A_3637], %sub3A_3634 {strides = array<i32>} : memref<10x128xi32, #tpu.memory_space<vmem>>, vector<16xi32>,
      %add3A_3639 = vector.broadcast %add3A_3600 : i32 to vector<16xi32>
      %add3A_3640 = arith.addi %mul3A_24, %add3A_3639 : vector<16xi32>
      %gather3A_3641 = tpu.vector_load_idx %arg6[%add3A_3640] : memref<25600xi32, #tpu.memory_space<vmem>>[vector<16xi32>], vector<16xi32>,
      %mul3A_3642 = arith.constant 2 : i32
      %mul3A_3643 = vector.broadcast %mul3A_3642 : i32 to vector<16xi32>
      %mul3A_3644 = arith.muli %gather3A_3641, %mul3A_3643 : vector<16xi32>
      %ge3A_3645 = arith.constant 50000 : i32
      %ge3A_3646 = vector.broadcast %ge3A_3645 : i32 to vector<16xi32>
      %ge3A_3647 = arith.cmpi sge, %gather3A_3641, %ge3A_3646 : vector<16xi32>
      %jit3A_3648 = arith.constant 99999 : i32
      %jit3A_3649 = arith.constant 0 : i32
      %broadcast_in_dim3A_3650 = vector.broadcast %jit3A_3648 : i32 to vector<16xi32>
      %broadcast_in_dim3A_3651 = vector.broadcast %jit3A_3649 : i32 to vector<16xi32>
      %select_n3A_3652 = arith.select %ge3A_3647, %broadcast_in_dim3A_3650, %broadcast_in_dim3A_3651 : vector<16xi1>, vector<16xi32>
      %sub3A_3653 = arith.subi %mul3A_3644, %select_n3A_3652 : vector<16xi32>
      %swap3A_3654 = arith.constant 9 : i32
      %swap3A_3655 = arith.index_cast %swap3A_3654 : i32 to index
      %swap3A_3656 = arith.constant 32 : index
      %swap3A_3657 = tpu.vector_load %arg7[%swap3A_3655, %swap3A_3656] {strides = array<i32>} : memref<10x128xi32, #tpu.memory_space<vmem>>, vector<16xi32>,
      tpu.vector_store %arg7[%swap3A_3655, %swap3A_3656], %sub3A_3653 {strides = array<i32>} : memref<10x128xi32, #tpu.memory_space<vmem>>, vector<16xi32>,
      %add3A_3658 = vector.broadcast %add3A_3600 : i32 to vector<16xi32>
      %add3A_3659 = arith.addi %mul3A_31, %add3A_3658 : vector<16xi32>
      %gather3A_3660 = tpu.vector_load_idx %arg6[%add3A_3659] : memref<25600xi32, #tpu.memory_space<vmem>>[vector<16xi32>], vector<16xi32>,
      %mul3A_3661 = arith.constant 2 : i32
      %mul3A_3662 = vector.broadcast %mul3A_3661 : i32 to vector<16xi32>
      %mul3A_3663 = arith.muli %gather3A_3660, %mul3A_3662 : vector<16xi32>
      %ge3A_3664 = arith.constant 50000 : i32
      %ge3A_3665 = vector.broadcast %ge3A_3664 : i32 to vector<16xi32>
      %ge3A_3666 = arith.cmpi sge, %gather3A_3660, %ge3A_3665 : vector<16xi32>
      %jit3A_3667 = arith.constant 99999 : i32
      %jit3A_3668 = arith.constant 0 : i32
      %broadcast_in_dim3A_3669 = vector.broadcast %jit3A_3667 : i32 to vector<16xi32>
      %broadcast_in_dim3A_3670 = vector.broadcast %jit3A_3668 : i32 to vector<16xi32>
      %select_n3A_3671 = arith.select %ge3A_3666, %broadcast_in_dim3A_3669, %broadcast_in_dim3A_3670 : vector<16xi1>, vector<16xi32>
      %sub3A_3672 = arith.subi %mul3A_3663, %select_n3A_3671 : vector<16xi32>
      %swap3A_3673 = arith.constant 9 : i32
      %swap3A_3674 = arith.index_cast %swap3A_3673 : i32 to index
      %swap3A_3675 = arith.constant 48 : index
      %swap3A_3676 = tpu.vector_load %arg7[%swap3A_3674, %swap3A_3675] {strides = array<i32>} : memref<10x128xi32, #tpu.memory_space<vmem>>, vector<16xi32>,
      tpu.vector_store %arg7[%swap3A_3674, %swap3A_3675], %sub3A_3672 {strides = array<i32>} : memref<10x128xi32, #tpu.memory_space<vmem>>, vector<16xi32>,
      %add3A_3677 = vector.broadcast %add3A_3600 : i32 to vector<16xi32>
      %add3A_3678 = arith.addi %mul3A_38, %add3A_3677 : vector<16xi32>
      %gather3A_3679 = tpu.vector_load_idx %arg6[%add3A_3678] : memref<25600xi32, #tpu.memory_space<vmem>>[vector<16xi32>], vector<16xi32>,
      %mul3A_3680 = arith.constant 2 : i32
      %mul3A_3681 = vector.broadcast %mul3A_3680 : i32 to vector<16xi32>
      %mul3A_3682 = arith.muli %gather3A_3679, %mul3A_3681 : vector<16xi32>
      %ge3A_3683 = arith.constant 50000 : i32
      %ge3A_3684 = vector.broadcast %ge3A_3683 : i32 to vector<16xi32>
      %ge3A_3685 = arith.cmpi sge, %gather3A_3679, %ge3A_3684 : vector<16xi32>
      %jit3A_3686 = arith.constant 99999 : i32
      %jit3A_3687 = arith.constant 0 : i32
      %broadcast_in_dim3A_3688 = vector.broadcast %jit3A_3686 : i32 to vector<16xi32>
      %broadcast_in_dim3A_3689 = vector.broadcast %jit3A_3687 : i32 to vector<16xi32>
      %select_n3A_3690 = arith.select %ge3A_3685, %broadcast_in_dim3A_3688, %broadcast_in_dim3A_3689 : vector<16xi1>, vector<16xi32>
      %sub3A_3691 = arith.subi %mul3A_3682, %select_n3A_3690 : vector<16xi32>
      %swap3A_3692 = arith.constant 9 : i32
      %swap3A_3693 = arith.index_cast %swap3A_3692 : i32 to index
      %swap3A_3694 = arith.constant 64 : index
      %swap3A_3695 = tpu.vector_load %arg7[%swap3A_3693, %swap3A_3694] {strides = array<i32>} : memref<10x128xi32, #tpu.memory_space<vmem>>, vector<16xi32>,
      tpu.vector_store %arg7[%swap3A_3693, %swap3A_3694], %sub3A_3691 {strides = array<i32>} : memref<10x128xi32, #tpu.memory_space<vmem>>, vector<16xi32>,
      %add3A_3696 = vector.broadcast %add3A_3600 : i32 to vector<16xi32>
      %add3A_3697 = arith.addi %mul3A_45, %add3A_3696 : vector<16xi32>
      %gather3A_3698 = tpu.vector_load_idx %arg6[%add3A_3697] : memref<25600xi32, #tpu.memory_space<vmem>>[vector<16xi32>], vector<16xi32>,
      %mul3A_3699 = arith.constant 2 : i32
      %mul3A_3700 = vector.broadcast %mul3A_3699 : i32 to vector<16xi32>
      %mul3A_3701 = arith.muli %gather3A_3698, %mul3A_3700 : vector<16xi32>
      %ge3A_3702 = arith.constant 50000 : i32
      %ge3A_3703 = vector.broadcast %ge3A_3702 : i32 to vector<16xi32>
      %ge3A_3704 = arith.cmpi sge, %gather3A_3698, %ge3A_3703 : vector<16xi32>
      %jit3A_3705 = arith.constant 99999 : i32
      %jit3A_3706 = arith.constant 0 : i32
      %broadcast_in_dim3A_3707 = vector.broadcast %jit3A_3705 : i32 to vector<16xi32>
      %broadcast_in_dim3A_3708 = vector.broadcast %jit3A_3706 : i32 to vector<16xi32>
      %select_n3A_3709 = arith.select %ge3A_3704, %broadcast_in_dim3A_3707, %broadcast_in_dim3A_3708 : vector<16xi1>, vector<16xi32>
      %sub3A_3710 = arith.subi %mul3A_3701, %select_n3A_3709 : vector<16xi32>
      %swap3A_3711 = arith.constant 9 : i32
      %swap3A_3712 = arith.index_cast %swap3A_3711 : i32 to index
      %swap3A_3713 = arith.constant 80 : index
      %swap3A_3714 = tpu.vector_load %arg7[%swap3A_3712, %swap3A_3713] {strides = array<i32>} : memref<10x128xi32, #tpu.memory_space<vmem>>, vector<16xi32>,
      tpu.vector_store %arg7[%swap3A_3712, %swap3A_3713], %sub3A_3710 {strides = array<i32>} : memref<10x128xi32, #tpu.memory_space<vmem>>, vector<16xi32>,
      %add3A_3715 = vector.broadcast %add3A_3600 : i32 to vector<16xi32>
      %add3A_3716 = arith.addi %mul3A_52, %add3A_3715 : vector<16xi32>
      %gather3A_3717 = tpu.vector_load_idx %arg6[%add3A_3716] : memref<25600xi32, #tpu.memory_space<vmem>>[vector<16xi32>], vector<16xi32>,
      %mul3A_3718 = arith.constant 2 : i32
      %mul3A_3719 = vector.broadcast %mul3A_3718 : i32 to vector<16xi32>
      %mul3A_3720 = arith.muli %gather3A_3717, %mul3A_3719 : vector<16xi32>
      %ge3A_3721 = arith.constant 50000 : i32
      %ge3A_3722 = vector.broadcast %ge3A_3721 : i32 to vector<16xi32>
      %ge3A_3723 = arith.cmpi sge, %gather3A_3717, %ge3A_3722 : vector<16xi32>
      %jit3A_3724 = arith.constant 99999 : i32
      %jit3A_3725 = arith.constant 0 : i32
      %broadcast_in_dim3A_3726 = vector.broadcast %jit3A_3724 : i32 to vector<16xi32>
      %broadcast_in_dim3A_3727 = vector.broadcast %jit3A_3725 : i32 to vector<16xi32>
      %select_n3A_3728 = arith.select %ge3A_3723, %broadcast_in_dim3A_3726, %broadcast_in_dim3A_3727 : vector<16xi1>, vector<16xi32>
      %sub3A_3729 = arith.subi %mul3A_3720, %select_n3A_3728 : vector<16xi32>
      %swap3A_3730 = arith.constant 9 : i32
      %swap3A_3731 = arith.index_cast %swap3A_3730 : i32 to index
      %swap3A_3732 = arith.constant 96 : index
      %swap3A_3733 = tpu.vector_load %arg7[%swap3A_3731, %swap3A_3732] {strides = array<i32>} : memref<10x128xi32, #tpu.memory_space<vmem>>, vector<16xi32>,
      tpu.vector_store %arg7[%swap3A_3731, %swap3A_3732], %sub3A_3729 {strides = array<i32>} : memref<10x128xi32, #tpu.memory_space<vmem>>, vector<16xi32>,
      %add3A_3734 = vector.broadcast %add3A_3600 : i32 to vector<16xi32>
      %add3A_3735 = arith.addi %mul3A_59, %add3A_3734 : vector<16xi32>
      %gather3A_3736 = tpu.vector_load_idx %arg6[%add3A_3735] : memref<25600xi32, #tpu.memory_space<vmem>>[vector<16xi32>], vector<16xi32>,
      %mul3A_3737 = arith.constant 2 : i32
      %mul3A_3738 = vector.broadcast %mul3A_3737 : i32 to vector<16xi32>
      %mul3A_3739 = arith.muli %gather3A_3736, %mul3A_3738 : vector<16xi32>
      %ge3A_3740 = arith.constant 50000 : i32
      %ge3A_3741 = vector.broadcast %ge3A_3740 : i32 to vector<16xi32>
      %ge3A_3742 = arith.cmpi sge, %gather3A_3736, %ge3A_3741 : vector<16xi32>
      %jit3A_3743 = arith.constant 99999 : i32
      %jit3A_3744 = arith.constant 0 : i32
      %broadcast_in_dim3A_3745 = vector.broadcast %jit3A_3743 : i32 to vector<16xi32>
      %broadcast_in_dim3A_3746 = vector.broadcast %jit3A_3744 : i32 to vector<16xi32>
      %select_n3A_3747 = arith.select %ge3A_3742, %broadcast_in_dim3A_3745, %broadcast_in_dim3A_3746 : vector<16xi1>, vector<16xi32>
      %sub3A_3748 = arith.subi %mul3A_3739, %select_n3A_3747 : vector<16xi32>
      %swap3A_3749 = arith.constant 9 : i32
      %swap3A_3750 = arith.index_cast %swap3A_3749 : i32 to index
      %swap3A_3751 = arith.constant 112 : index
      %swap3A_3752 = tpu.vector_load %arg7[%swap3A_3750, %swap3A_3751] {strides = array<i32>} : memref<10x128xi32, #tpu.memory_space<vmem>>, vector<16xi32>,
      tpu.vector_store %arg7[%swap3A_3750, %swap3A_3751], %sub3A_3748 {strides = array<i32>} : memref<10x128xi32, #tpu.memory_space<vmem>>, vector<16xi32>,
      %dma_start3A_3753 = arith.constant 9 : i32
      %dma_start3A_3754 = arith.constant 9 : i32
      %dma_start3A_3755 = arith.constant 0 : i32
      %dma_start3A_3756 = arith.constant 0 : i32
      %dma_start3A_3757 = tpu.memref_slice %arg8[%dma_start3A_3754, %dma_start3A_3755, %dma_start3A_3756] : memref<10x128x64xf32, #tpu.memory_space<vmem>> -> memref<1x128x64xf32, #tpu.memory_space<vmem>>
      %dma_start3A_3758 = tpu.memref_squeeze %dma_start3A_3757 : memref<1x128x64xf32, #tpu.memory_space<vmem>> -> memref<128x64xf32, #tpu.memory_space<vmem>>
      %dma_start3A_3759 = arith.constant 0 : i32
      %dma_start3A_3760 = tpu.memref_slice %arg7[%dma_start3A_3753, %dma_start3A_3759] : memref<10x128xi32, #tpu.memory_space<vmem>> -> memref<1x128xi32, #tpu.memory_space<vmem>>
      %dma_start3A_3761 = tpu.memref_squeeze %dma_start3A_3760 : memref<1x128xi32, #tpu.memory_space<vmem>> -> memref<128xi32, #tpu.memory_space<vmem>>
      %dma_start3A_3762 = arith.constant 0 : i32
      %dma_start3A_3763 = arith.constant 0 : i32
      %dma_start3A_3764 = tpu.memref_slice %arg3[%dma_start3A_3762, %dma_start3A_3763] : memref<100000x64xf32, #tpu.memory_space<hbm>> -> memref<100000x64xf32, #tpu.memory_space<hbm>>
      tpu.enqueue_indirect_dma source(%dma_start3A_3764 : memref<100000x64xf32, #tpu.memory_space<hbm>>) target(%dma_start3A_3758 : memref<128x64xf32, #tpu.memory_space<vmem>>) offsets(%dma_start3A_3761 : memref<128xi32, #tpu.memory_space<vmem>>) semaphore(%arg19 : memref<!tpu.dma_semaphore, #tpu.memory_space<semaphore_mem>>) {add = true}
    }
    %scan3A_1776 = arith.constant 19 : i32
    %dma_wait3A = arith.constant 0 : i32
    %dma_wait3A_1777 = arith.constant 0 : i32
    %dma_wait3A_1778 = arith.constant 0 : i32
    %dma_wait3A_1779 = tpu.memref_slice %arg8[%dma_wait3A, %dma_wait3A_1777, %dma_wait3A_1778] : memref<10x128x64xf32, #tpu.memory_space<vmem>> -> memref<1x128x64xf32, #tpu.memory_space<vmem>>
    %dma_wait3A_1780 = tpu.memref_squeeze %dma_wait3A_1779 : memref<1x128x64xf32, #tpu.memory_space<vmem>> -> memref<128x64xf32, #tpu.memory_space<vmem>>
    %dma_wait3A_1781 = arith.constant 0 : i32
    %dma_wait3A_1782 = arith.constant 0 : i32
    %dma_wait3A_1783 = tpu.memref_slice %arg3[%dma_wait3A_1781, %dma_wait3A_1782] : memref<100000x64xf32, #tpu.memory_space<hbm>> -> memref<128x64xf32, #tpu.memory_space<hbm>>
    %dma_wait3A_1784 = arith.constant 0 : i32
    %dma_wait3A_1785 = arith.constant 0 : i32
    %dma_wait3A_1786 = tpu.memref_slice %arg8[%dma_wait3A, %dma_wait3A_1784, %dma_wait3A_1785] : memref<10x128x64xf32, #tpu.memory_space<vmem>> -> memref<1x128x64xf32, #tpu.memory_space<vmem>>
    %dma_wait3A_1787 = tpu.memref_squeeze %dma_wait3A_1786 : memref<1x128x64xf32, #tpu.memory_space<vmem>> -> memref<128x64xf32, #tpu.memory_space<vmem>>
    %dma_wait3A_1788 = arith.constant 0 : i32
    %dma_wait3A_1789 = arith.constant 0 : i32
    %dma_wait3A_1790 = tpu.memref_slice %arg3[%dma_wait3A_1788, %dma_wait3A_1789] : memref<100000x64xf32, #tpu.memory_space<hbm>> -> memref<128x64xf32, #tpu.memory_space<hbm>>
    tpu.wait_dma2 semaphore(%arg10 : memref<!tpu.dma_semaphore, #tpu.memory_space<semaphore_mem>>) src(%dma_wait3A_1790 : memref<128x64xf32, #tpu.memory_space<hbm>>) dst(%dma_wait3A_1787 : memref<128x64xf32, #tpu.memory_space<vmem>>)
    %dma_wait3A_1791 = arith.constant 1 : i32
    %dma_wait3A_1792 = arith.constant 0 : i32
    %dma_wait3A_1793 = arith.constant 0 : i32
    %dma_wait3A_1794 = tpu.memref_slice %arg8[%dma_wait3A_1791, %dma_wait3A_1792, %dma_wait3A_1793] : memref<10x128x64xf32, #tpu.memory_space<vmem>> -> memref<1x128x64xf32, #tpu.memory_space<vmem>>
    %dma_wait3A_1795 = tpu.memref_squeeze %dma_wait3A_1794 : memref<1x128x64xf32, #tpu.memory_space<vmem>> -> memref<128x64xf32, #tpu.memory_space<vmem>>
    %dma_wait3A_1796 = arith.constant 0 : i32
    %dma_wait3A_1797 = arith.constant 0 : i32
    %dma_wait3A_1798 = tpu.memref_slice %arg3[%dma_wait3A_1796, %dma_wait3A_1797] : memref<100000x64xf32, #tpu.memory_space<hbm>> -> memref<128x64xf32, #tpu.memory_space<hbm>>
    %dma_wait3A_1799 = arith.constant 0 : i32
    %dma_wait3A_1800 = arith.constant 0 : i32
    %dma_wait3A_1801 = tpu.memref_slice %arg8[%dma_wait3A_1791, %dma_wait3A_1799, %dma_wait3A_1800] : memref<10x128x64xf32, #tpu.memory_space<vmem>> -> memref<1x128x64xf32, #tpu.memory_space<vmem>>
    %dma_wait3A_1802 = tpu.memref_squeeze %dma_wait3A_1801 : memref<1x128x64xf32, #tpu.memory_space<vmem>> -> memref<128x64xf32, #tpu.memory_space<vmem>>
    %dma_wait3A_1803 = arith.constant 0 : i32
    %dma_wait3A_1804 = arith.constant 0 : i32
    %dma_wait3A_1805 = tpu.memref_slice %arg3[%dma_wait3A_1803, %dma_wait3A_1804] : memref<100000x64xf32, #tpu.memory_space<hbm>> -> memref<128x64xf32, #tpu.memory_space<hbm>>
    tpu.wait_dma2 semaphore(%arg11 : memref<!tpu.dma_semaphore, #tpu.memory_space<semaphore_mem>>) src(%dma_wait3A_1805 : memref<128x64xf32, #tpu.memory_space<hbm>>) dst(%dma_wait3A_1802 : memref<128x64xf32, #tpu.memory_space<vmem>>)
    %dma_wait3A_1806 = arith.constant 2 : i32
    %dma_wait3A_1807 = arith.constant 0 : i32
    %dma_wait3A_1808 = arith.constant 0 : i32
    %dma_wait3A_1809 = tpu.memref_slice %arg8[%dma_wait3A_1806, %dma_wait3A_1807, %dma_wait3A_1808] : memref<10x128x64xf32, #tpu.memory_space<vmem>> -> memref<1x128x64xf32, #tpu.memory_space<vmem>>
    %dma_wait3A_1810 = tpu.memref_squeeze %dma_wait3A_1809 : memref<1x128x64xf32, #tpu.memory_space<vmem>> -> memref<128x64xf32, #tpu.memory_space<vmem>>
    %dma_wait3A_1811 = arith.constant 0 : i32
    %dma_wait3A_1812 = arith.constant 0 : i32
    %dma_wait3A_1813 = tpu.memref_slice %arg3[%dma_wait3A_1811, %dma_wait3A_1812] : memref<100000x64xf32, #tpu.memory_space<hbm>> -> memref<128x64xf32, #tpu.memory_space<hbm>>
    %dma_wait3A_1814 = arith.constant 0 : i32
    %dma_wait3A_1815 = arith.constant 0 : i32
    %dma_wait3A_1816 = tpu.memref_slice %arg8[%dma_wait3A_1806, %dma_wait3A_1814, %dma_wait3A_1815] : memref<10x128x64xf32, #tpu.memory_space<vmem>> -> memref<1x128x64xf32, #tpu.memory_space<vmem>>
    %dma_wait3A_1817 = tpu.memref_squeeze %dma_wait3A_1816 : memref<1x128x64xf32, #tpu.memory_space<vmem>> -> memref<128x64xf32, #tpu.memory_space<vmem>>
    %dma_wait3A_1818 = arith.constant 0 : i32
    %dma_wait3A_1819 = arith.constant 0 : i32
    %dma_wait3A_1820 = tpu.memref_slice %arg3[%dma_wait3A_1818, %dma_wait3A_1819] : memref<100000x64xf32, #tpu.memory_space<hbm>> -> memref<128x64xf32, #tpu.memory_space<hbm>>
    tpu.wait_dma2 semaphore(%arg12 : memref<!tpu.dma_semaphore, #tpu.memory_space<semaphore_mem>>) src(%dma_wait3A_1820 : memref<128x64xf32, #tpu.memory_space<hbm>>) dst(%dma_wait3A_1817 : memref<128x64xf32, #tpu.memory_space<vmem>>)
    %dma_wait3A_1821 = arith.constant 3 : i32
    %dma_wait3A_1822 = arith.constant 0 : i32
    %dma_wait3A_1823 = arith.constant 0 : i32
    %dma_wait3A_1824 = tpu.memref_slice %arg8[%dma_wait3A_1821, %dma_wait3A_1822, %dma_wait3A_1823] : memref<10x128x64xf32, #tpu.memory_space<vmem>> -> memref<1x128x64xf32, #tpu.memory_space<vmem>>
    %dma_wait3A_1825 = tpu.memref_squeeze %dma_wait3A_1824 : memref<1x128x64xf32, #tpu.memory_space<vmem>> -> memref<128x64xf32, #tpu.memory_space<vmem>>
    %dma_wait3A_1826 = arith.constant 0 : i32
    %dma_wait3A_1827 = arith.constant 0 : i32
    %dma_wait3A_1828 = tpu.memref_slice %arg3[%dma_wait3A_1826, %dma_wait3A_1827] : memref<100000x64xf32, #tpu.memory_space<hbm>> -> memref<128x64xf32, #tpu.memory_space<hbm>>
    %dma_wait3A_1829 = arith.constant 0 : i32
    %dma_wait3A_1830 = arith.constant 0 : i32
    %dma_wait3A_1831 = tpu.memref_slice %arg8[%dma_wait3A_1821, %dma_wait3A_1829, %dma_wait3A_1830] : memref<10x128x64xf32, #tpu.memory_space<vmem>> -> memref<1x128x64xf32, #tpu.memory_space<vmem>>
    %dma_wait3A_1832 = tpu.memref_squeeze %dma_wait3A_1831 : memref<1x128x64xf32, #tpu.memory_space<vmem>> -> memref<128x64xf32, #tpu.memory_space<vmem>>
    %dma_wait3A_1833 = arith.constant 0 : i32
    %dma_wait3A_1834 = arith.constant 0 : i32
    %dma_wait3A_1835 = tpu.memref_slice %arg3[%dma_wait3A_1833, %dma_wait3A_1834] : memref<100000x64xf32, #tpu.memory_space<hbm>> -> memref<128x64xf32, #tpu.memory_space<hbm>>
    tpu.wait_dma2 semaphore(%arg13 : memref<!tpu.dma_semaphore, #tpu.memory_space<semaphore_mem>>) src(%dma_wait3A_1835 : memref<128x64xf32, #tpu.memory_space<hbm>>) dst(%dma_wait3A_1832 : memref<128x64xf32, #tpu.memory_space<vmem>>)
    %dma_wait3A_1836 = arith.constant 4 : i32
    %dma_wait3A_1837 = arith.constant 0 : i32
    %dma_wait3A_1838 = arith.constant 0 : i32
    %dma_wait3A_1839 = tpu.memref_slice %arg8[%dma_wait3A_1836, %dma_wait3A_1837, %dma_wait3A_1838] : memref<10x128x64xf32, #tpu.memory_space<vmem>> -> memref<1x128x64xf32, #tpu.memory_space<vmem>>
    %dma_wait3A_1840 = tpu.memref_squeeze %dma_wait3A_1839 : memref<1x128x64xf32, #tpu.memory_space<vmem>> -> memref<128x64xf32, #tpu.memory_space<vmem>>
    %dma_wait3A_1841 = arith.constant 0 : i32
    %dma_wait3A_1842 = arith.constant 0 : i32
    %dma_wait3A_1843 = tpu.memref_slice %arg3[%dma_wait3A_1841, %dma_wait3A_1842] : memref<100000x64xf32, #tpu.memory_space<hbm>> -> memref<128x64xf32, #tpu.memory_space<hbm>>
    %dma_wait3A_1844 = arith.constant 0 : i32
    %dma_wait3A_1845 = arith.constant 0 : i32
    %dma_wait3A_1846 = tpu.memref_slice %arg8[%dma_wait3A_1836, %dma_wait3A_1844, %dma_wait3A_1845] : memref<10x128x64xf32, #tpu.memory_space<vmem>> -> memref<1x128x64xf32, #tpu.memory_space<vmem>>
    %dma_wait3A_1847 = tpu.memref_squeeze %dma_wait3A_1846 : memref<1x128x64xf32, #tpu.memory_space<vmem>> -> memref<128x64xf32, #tpu.memory_space<vmem>>
    %dma_wait3A_1848 = arith.constant 0 : i32
    %dma_wait3A_1849 = arith.constant 0 : i32
    %dma_wait3A_1850 = tpu.memref_slice %arg3[%dma_wait3A_1848, %dma_wait3A_1849] : memref<100000x64xf32, #tpu.memory_space<hbm>> -> memref<128x64xf32, #tpu.memory_space<hbm>>
    tpu.wait_dma2 semaphore(%arg14 : memref<!tpu.dma_semaphore, #tpu.memory_space<semaphore_mem>>) src(%dma_wait3A_1850 : memref<128x64xf32, #tpu.memory_space<hbm>>) dst(%dma_wait3A_1847 : memref<128x64xf32, #tpu.memory_space<vmem>>)
    %dma_wait3A_1851 = arith.constant 5 : i32
    %dma_wait3A_1852 = arith.constant 0 : i32
    %dma_wait3A_1853 = arith.constant 0 : i32
    %dma_wait3A_1854 = tpu.memref_slice %arg8[%dma_wait3A_1851, %dma_wait3A_1852, %dma_wait3A_1853] : memref<10x128x64xf32, #tpu.memory_space<vmem>> -> memref<1x128x64xf32, #tpu.memory_space<vmem>>
    %dma_wait3A_1855 = tpu.memref_squeeze %dma_wait3A_1854 : memref<1x128x64xf32, #tpu.memory_space<vmem>> -> memref<128x64xf32, #tpu.memory_space<vmem>>
    %dma_wait3A_1856 = arith.constant 0 : i32
    %dma_wait3A_1857 = arith.constant 0 : i32
    %dma_wait3A_1858 = tpu.memref_slice %arg3[%dma_wait3A_1856, %dma_wait3A_1857] : memref<100000x64xf32, #tpu.memory_space<hbm>> -> memref<128x64xf32, #tpu.memory_space<hbm>>
    %dma_wait3A_1859 = arith.constant 0 : i32
    %dma_wait3A_1860 = arith.constant 0 : i32
    %dma_wait3A_1861 = tpu.memref_slice %arg8[%dma_wait3A_1851, %dma_wait3A_1859, %dma_wait3A_1860] : memref<10x128x64xf32, #tpu.memory_space<vmem>> -> memref<1x128x64xf32, #tpu.memory_space<vmem>>
    %dma_wait3A_1862 = tpu.memref_squeeze %dma_wait3A_1861 : memref<1x128x64xf32, #tpu.memory_space<vmem>> -> memref<128x64xf32, #tpu.memory_space<vmem>>
    %dma_wait3A_1863 = arith.constant 0 : i32
    %dma_wait3A_1864 = arith.constant 0 : i32
    %dma_wait3A_1865 = tpu.memref_slice %arg3[%dma_wait3A_1863, %dma_wait3A_1864] : memref<100000x64xf32, #tpu.memory_space<hbm>> -> memref<128x64xf32, #tpu.memory_space<hbm>>
    tpu.wait_dma2 semaphore(%arg15 : memref<!tpu.dma_semaphore, #tpu.memory_space<semaphore_mem>>) src(%dma_wait3A_1865 : memref<128x64xf32, #tpu.memory_space<hbm>>) dst(%dma_wait3A_1862 : memref<128x64xf32, #tpu.memory_space<vmem>>)
    %dma_wait3A_1866 = arith.constant 6 : i32
    %dma_wait3A_1867 = arith.constant 0 : i32
    %dma_wait3A_1868 = arith.constant 0 : i32
    %dma_wait3A_1869 = tpu.memref_slice %arg8[%dma_wait3A_1866, %dma_wait3A_1867, %dma_wait3A_1868] : memref<10x128x64xf32, #tpu.memory_space<vmem>> -> memref<1x128x64xf32, #tpu.memory_space<vmem>>
    %dma_wait3A_1870 = tpu.memref_squeeze %dma_wait3A_1869 : memref<1x128x64xf32, #tpu.memory_space<vmem>> -> memref<128x64xf32, #tpu.memory_space<vmem>>
    %dma_wait3A_1871 = arith.constant 0 : i32
    %dma_wait3A_1872 = arith.constant 0 : i32
    %dma_wait3A_1873 = tpu.memref_slice %arg3[%dma_wait3A_1871, %dma_wait3A_1872] : memref<100000x64xf32, #tpu.memory_space<hbm>> -> memref<128x64xf32, #tpu.memory_space<hbm>>
    %dma_wait3A_1874 = arith.constant 0 : i32
    %dma_wait3A_1875 = arith.constant 0 : i32
    %dma_wait3A_1876 = tpu.memref_slice %arg8[%dma_wait3A_1866, %dma_wait3A_1874, %dma_wait3A_1875] : memref<10x128x64xf32, #tpu.memory_space<vmem>> -> memref<1x128x64xf32, #tpu.memory_space<vmem>>
    %dma_wait3A_1877 = tpu.memref_squeeze %dma_wait3A_1876 : memref<1x128x64xf32, #tpu.memory_space<vmem>> -> memref<128x64xf32, #tpu.memory_space<vmem>>
    %dma_wait3A_1878 = arith.constant 0 : i32
    %dma_wait3A_1879 = arith.constant 0 : i32
    %dma_wait3A_1880 = tpu.memref_slice %arg3[%dma_wait3A_1878, %dma_wait3A_1879] : memref<100000x64xf32, #tpu.memory_space<hbm>> -> memref<128x64xf32, #tpu.memory_space<hbm>>
    tpu.wait_dma2 semaphore(%arg16 : memref<!tpu.dma_semaphore, #tpu.memory_space<semaphore_mem>>) src(%dma_wait3A_1880 : memref<128x64xf32, #tpu.memory_space<hbm>>) dst(%dma_wait3A_1877 : memref<128x64xf32, #tpu.memory_space<vmem>>)
    %dma_wait3A_1881 = arith.constant 7 : i32
    %dma_wait3A_1882 = arith.constant 0 : i32
    %dma_wait3A_1883 = arith.constant 0 : i32
    %dma_wait3A_1884 = tpu.memref_slice %arg8[%dma_wait3A_1881, %dma_wait3A_1882, %dma_wait3A_1883] : memref<10x128x64xf32, #tpu.memory_space<vmem>> -> memref<1x128x64xf32, #tpu.memory_space<vmem>>
    %dma_wait3A_1885 = tpu.memref_squeeze %dma_wait3A_1884 : memref<1x128x64xf32, #tpu.memory_space<vmem>> -> memref<128x64xf32, #tpu.memory_space<vmem>>
    %dma_wait3A_1886 = arith.constant 0 : i32
    %dma_wait3A_1887 = arith.constant 0 : i32
    %dma_wait3A_1888 = tpu.memref_slice %arg3[%dma_wait3A_1886, %dma_wait3A_1887] : memref<100000x64xf32, #tpu.memory_space<hbm>> -> memref<128x64xf32, #tpu.memory_space<hbm>>
    %dma_wait3A_1889 = arith.constant 0 : i32
    %dma_wait3A_1890 = arith.constant 0 : i32
    %dma_wait3A_1891 = tpu.memref_slice %arg8[%dma_wait3A_1881, %dma_wait3A_1889, %dma_wait3A_1890] : memref<10x128x64xf32, #tpu.memory_space<vmem>> -> memref<1x128x64xf32, #tpu.memory_space<vmem>>
    %dma_wait3A_1892 = tpu.memref_squeeze %dma_wait3A_1891 : memref<1x128x64xf32, #tpu.memory_space<vmem>> -> memref<128x64xf32, #tpu.memory_space<vmem>>
    %dma_wait3A_1893 = arith.constant 0 : i32
    %dma_wait3A_1894 = arith.constant 0 : i32
    %dma_wait3A_1895 = tpu.memref_slice %arg3[%dma_wait3A_1893, %dma_wait3A_1894] : memref<100000x64xf32, #tpu.memory_space<hbm>> -> memref<128x64xf32, #tpu.memory_space<hbm>>
    tpu.wait_dma2 semaphore(%arg17 : memref<!tpu.dma_semaphore, #tpu.memory_space<semaphore_mem>>) src(%dma_wait3A_1895 : memref<128x64xf32, #tpu.memory_space<hbm>>) dst(%dma_wait3A_1892 : memref<128x64xf32, #tpu.memory_space<vmem>>)
    %dma_wait3A_1896 = arith.constant 8 : i32
    %dma_wait3A_1897 = arith.constant 0 : i32
    %dma_wait3A_1898 = arith.constant 0 : i32
    %dma_wait3A_1899 = tpu.memref_slice %arg8[%dma_wait3A_1896, %dma_wait3A_1897, %dma_wait3A_1898] : memref<10x128x64xf32, #tpu.memory_space<vmem>> -> memref<1x128x64xf32, #tpu.memory_space<vmem>>
    %dma_wait3A_1900 = tpu.memref_squeeze %dma_wait3A_1899 : memref<1x128x64xf32, #tpu.memory_space<vmem>> -> memref<128x64xf32, #tpu.memory_space<vmem>>
    %dma_wait3A_1901 = arith.constant 0 : i32
    %dma_wait3A_1902 = arith.constant 0 : i32
    %dma_wait3A_1903 = tpu.memref_slice %arg3[%dma_wait3A_1901, %dma_wait3A_1902] : memref<100000x64xf32, #tpu.memory_space<hbm>> -> memref<128x64xf32, #tpu.memory_space<hbm>>
    %dma_wait3A_1904 = arith.constant 0 : i32
    %dma_wait3A_1905 = arith.constant 0 : i32
    %dma_wait3A_1906 = tpu.memref_slice %arg8[%dma_wait3A_1896, %dma_wait3A_1904, %dma_wait3A_1905] : memref<10x128x64xf32, #tpu.memory_space<vmem>> -> memref<1x128x64xf32, #tpu.memory_space<vmem>>
    %dma_wait3A_1907 = tpu.memref_squeeze %dma_wait3A_1906 : memref<1x128x64xf32, #tpu.memory_space<vmem>> -> memref<128x64xf32, #tpu.memory_space<vmem>>
    %dma_wait3A_1908 = arith.constant 0 : i32
    %dma_wait3A_1909 = arith.constant 0 : i32
    %dma_wait3A_1910 = tpu.memref_slice %arg3[%dma_wait3A_1908, %dma_wait3A_1909] : memref<100000x64xf32, #tpu.memory_space<hbm>> -> memref<128x64xf32, #tpu.memory_space<hbm>>
    tpu.wait_dma2 semaphore(%arg18 : memref<!tpu.dma_semaphore, #tpu.memory_space<semaphore_mem>>) src(%dma_wait3A_1910 : memref<128x64xf32, #tpu.memory_space<hbm>>) dst(%dma_wait3A_1907 : memref<128x64xf32, #tpu.memory_space<vmem>>)
    %dma_wait3A_1911 = arith.constant 9 : i32
    %dma_wait3A_1912 = arith.constant 0 : i32
    %dma_wait3A_1913 = arith.constant 0 : i32
    %dma_wait3A_1914 = tpu.memref_slice %arg8[%dma_wait3A_1911, %dma_wait3A_1912, %dma_wait3A_1913] : memref<10x128x64xf32, #tpu.memory_space<vmem>> -> memref<1x128x64xf32, #tpu.memory_space<vmem>>
    %dma_wait3A_1915 = tpu.memref_squeeze %dma_wait3A_1914 : memref<1x128x64xf32, #tpu.memory_space<vmem>> -> memref<128x64xf32, #tpu.memory_space<vmem>>
    %dma_wait3A_1916 = arith.constant 0 : i32
    %dma_wait3A_1917 = arith.constant 0 : i32
    %dma_wait3A_1918 = tpu.memref_slice %arg3[%dma_wait3A_1916, %dma_wait3A_1917] : memref<100000x64xf32, #tpu.memory_space<hbm>> -> memref<128x64xf32, #tpu.memory_space<hbm>>
    %dma_wait3A_1919 = arith.constant 0 : i32
    %dma_wait3A_1920 = arith.constant 0 : i32
    %dma_wait3A_1921 = tpu.memref_slice %arg8[%dma_wait3A_1911, %dma_wait3A_1919, %dma_wait3A_1920] : memref<10x128x64xf32, #tpu.memory_space<vmem>> -> memref<1x128x64xf32, #tpu.memory_space<vmem>>
    %dma_wait3A_1922 = tpu.memref_squeeze %dma_wait3A_1921 : memref<1x128x64xf32, #tpu.memory_space<vmem>> -> memref<128x64xf32, #tpu.memory_space<vmem>>
    %dma_wait3A_1923 = arith.constant 0 : i32
    %dma_wait3A_1924 = arith.constant 0 : i32
    %dma_wait3A_1925 = tpu.memref_slice %arg3[%dma_wait3A_1923, %dma_wait3A_1924] : memref<100000x64xf32, #tpu.memory_space<hbm>> -> memref<128x64xf32, #tpu.memory_space<hbm>>
    tpu.wait_dma2 semaphore(%arg19 : memref<!tpu.dma_semaphore, #tpu.memory_space<semaphore_mem>>) src(%dma_wait3A_1925 : memref<128x64xf32, #tpu.memory_space<hbm>>) dst(%dma_wait3A_1922 : memref<128x64xf32, #tpu.memory_space<vmem>>)
    %scan3A_1926 = arith.constant 0 : i32
    %scan3A_1927 = arith.constant 0 : i32
    %scan3A_1928 = arith.constant 128 : i32
    %scan3A_1929 = arith.addi %scan3A_1927, %scan3A_1928 : i32
    %scan3A_1930 = arith.constant 1 : i32
    scf.for %scan3A_1934 = %scan3A_1927 to %scan3A_1929 step %scan3A_1930  : i32 {
      %get3A = arith.constant 0 : index
      %get3A_1935 = tpu.vector_load %arg9[%get3A] {strides = array<i32>} : memref<64xf32, #tpu.memory_space<vmem>>, vector<16xf32>,
      %mul3A_1936 = arith.constant 2.000000e+02 : f32
      %mul3A_1937 = vector.broadcast %mul3A_1936 : f32 to vector<16xf32>
      %mul3A_1938 = arith.mulf %get3A_1935, %mul3A_1937 : vector<16xf32>
      %get3A_1939 = arith.constant 0 : i32
      %get3A_1940 = arith.index_cast %get3A_1939 : i32 to index
      %get3A_1941 = arith.index_cast %scan3A_1934 : i32 to index
      %get3A_1942 = arith.constant 0 : index
      %get3A_1943 = tpu.vector_load %arg8[%get3A_1940, %get3A_1941, %get3A_1942] {strides = array<i32>} : memref<10x128x64xf32, #tpu.memory_space<vmem>>, vector<16xf32>,
      %add3A_1944 = arith.addf %mul3A_1938, %get3A_1943 : vector<16xf32>
      %get3A_1945 = arith.constant 1 : i32
      %get3A_1946 = arith.index_cast %get3A_1945 : i32 to index
      %get3A_1947 = arith.index_cast %scan3A_1934 : i32 to index
      %get3A_1948 = arith.constant 0 : index
      %get3A_1949 = tpu.vector_load %arg8[%get3A_1946, %get3A_1947, %get3A_1948] {strides = array<i32>} : memref<10x128x64xf32, #tpu.memory_space<vmem>>, vector<16xf32>,
      %add3A_1950 = arith.addf %add3A_1944, %get3A_1949 : vector<16xf32>
      %get3A_1951 = arith.constant 2 : i32
      %get3A_1952 = arith.index_cast %get3A_1951 : i32 to index
      %get3A_1953 = arith.index_cast %scan3A_1934 : i32 to index
      %get3A_1954 = arith.constant 0 : index
      %get3A_1955 = tpu.vector_load %arg8[%get3A_1952, %get3A_1953, %get3A_1954] {strides = array<i32>} : memref<10x128x64xf32, #tpu.memory_space<vmem>>, vector<16xf32>,
      %add3A_1956 = arith.addf %add3A_1950, %get3A_1955 : vector<16xf32>
      %get3A_1957 = arith.constant 3 : i32
      %get3A_1958 = arith.index_cast %get3A_1957 : i32 to index
      %get3A_1959 = arith.index_cast %scan3A_1934 : i32 to index
      %get3A_1960 = arith.constant 0 : index
      %get3A_1961 = tpu.vector_load %arg8[%get3A_1958, %get3A_1959, %get3A_1960] {strides = array<i32>} : memref<10x128x64xf32, #tpu.memory_space<vmem>>, vector<16xf32>,
      %add3A_1962 = arith.addf %add3A_1956, %get3A_1961 : vector<16xf32>
      %get3A_1963 = arith.constant 4 : i32
      %get3A_1964 = arith.index_cast %get3A_1963 : i32 to index
      %get3A_1965 = arith.index_cast %scan3A_1934 : i32 to index
      %get3A_1966 = arith.constant 0 : index
      %get3A_1967 = tpu.vector_load %arg8[%get3A_1964, %get3A_1965, %get3A_1966] {strides = array<i32>} : memref<10x128x64xf32, #tpu.memory_space<vmem>>, vector<16xf32>,
      %add3A_1968 = arith.addf %add3A_1962, %get3A_1967 : vector<16xf32>
      %get3A_1969 = arith.constant 5 : i32
      %get3A_1970 = arith.index_cast %get3A_1969 : i32 to index
      %get3A_1971 = arith.index_cast %scan3A_1934 : i32 to index
      %get3A_1972 = arith.constant 0 : index
      %get3A_1973 = tpu.vector_load %arg8[%get3A_1970, %get3A_1971, %get3A_1972] {strides = array<i32>} : memref<10x128x64xf32, #tpu.memory_space<vmem>>, vector<16xf32>,
      %add3A_1974 = arith.addf %add3A_1968, %get3A_1973 : vector<16xf32>
      %get3A_1975 = arith.constant 6 : i32
      %get3A_1976 = arith.index_cast %get3A_1975 : i32 to index
      %get3A_1977 = arith.index_cast %scan3A_1934 : i32 to index
      %get3A_1978 = arith.constant 0 : index
      %get3A_1979 = tpu.vector_load %arg8[%get3A_1976, %get3A_1977, %get3A_1978] {strides = array<i32>} : memref<10x128x64xf32, #tpu.memory_space<vmem>>, vector<16xf32>,
      %add3A_1980 = arith.addf %add3A_1974, %get3A_1979 : vector<16xf32>
      %get3A_1981 = arith.constant 7 : i32
      %get3A_1982 = arith.index_cast %get3A_1981 : i32 to index
      %get3A_1983 = arith.index_cast %scan3A_1934 : i32 to index
      %get3A_1984 = arith.constant 0 : index
      %get3A_1985 = tpu.vector_load %arg8[%get3A_1982, %get3A_1983, %get3A_1984] {strides = array<i32>} : memref<10x128x64xf32, #tpu.memory_space<vmem>>, vector<16xf32>,
      %add3A_1986 = arith.addf %add3A_1980, %get3A_1985 : vector<16xf32>
      %get3A_1987 = arith.constant 8 : i32
      %get3A_1988 = arith.index_cast %get3A_1987 : i32 to index
      %get3A_1989 = arith.index_cast %scan3A_1934 : i32 to index
      %get3A_1990 = arith.constant 0 : index
      %get3A_1991 = tpu.vector_load %arg8[%get3A_1988, %get3A_1989, %get3A_1990] {strides = array<i32>} : memref<10x128x64xf32, #tpu.memory_space<vmem>>, vector<16xf32>,
      %add3A_1992 = arith.addf %add3A_1986, %get3A_1991 : vector<16xf32>
      %get3A_1993 = arith.constant 9 : i32
      %get3A_1994 = arith.index_cast %get3A_1993 : i32 to index
      %get3A_1995 = arith.index_cast %scan3A_1934 : i32 to index
      %get3A_1996 = arith.constant 0 : index
      %get3A_1997 = tpu.vector_load %arg8[%get3A_1994, %get3A_1995, %get3A_1996] {strides = array<i32>} : memref<10x128x64xf32, #tpu.memory_space<vmem>>, vector<16xf32>,
      %add3A_1998 = arith.addf %add3A_1992, %get3A_1997 : vector<16xf32>
      %swap3A_1999 = arith.constant 0 : i32
      %swap3A_2000 = arith.index_cast %swap3A_1999 : i32 to index
      %swap3A_2001 = arith.index_cast %scan3A_1934 : i32 to index
      %swap3A_2002 = arith.constant 0 : index
      %swap3A_2003 = tpu.vector_load %arg8[%swap3A_2000, %swap3A_2001, %swap3A_2002] {strides = array<i32>} : memref<10x128x64xf32, #tpu.memory_space<vmem>>, vector<16xf32>,
      tpu.vector_store %arg8[%swap3A_2000, %swap3A_2001, %swap3A_2002], %add3A_1998 {strides = array<i32>} : memref<10x128x64xf32, #tpu.memory_space<vmem>>, vector<16xf32>,
      %get3A_2004 = arith.constant 16 : index
      %get3A_2005 = tpu.vector_load %arg9[%get3A_2004] {strides = array<i32>} : memref<64xf32, #tpu.memory_space<vmem>>, vector<16xf32>,
      %mul3A_2006 = arith.constant 2.000000e+02 : f32
      %mul3A_2007 = vector.broadcast %mul3A_2006 : f32 to vector<16xf32>
      %mul3A_2008 = arith.mulf %get3A_2005, %mul3A_2007 : vector<16xf32>
      %get3A_2009 = arith.constant 0 : i32
      %get3A_2010 = arith.index_cast %get3A_2009 : i32 to index
      %get3A_2011 = arith.index_cast %scan3A_1934 : i32 to index
      %get3A_2012 = arith.constant 16 : index
      %get3A_2013 = tpu.vector_load %arg8[%get3A_2010, %get3A_2011, %get3A_2012] {strides = array<i32>} : memref<10x128x64xf32, #tpu.memory_space<vmem>>, vector<16xf32>,
      %add3A_2014 = arith.addf %mul3A_2008, %get3A_2013 : vector<16xf32>
      %get3A_2015 = arith.constant 1 : i32
      %get3A_2016 = arith.index_cast %get3A_2015 : i32 to index
      %get3A_2017 = arith.index_cast %scan3A_1934 : i32 to index
      %get3A_2018 = arith.constant 16 : index
      %get3A_2019 = tpu.vector_load %arg8[%get3A_2016, %get3A_2017, %get3A_2018] {strides = array<i32>} : memref<10x128x64xf32, #tpu.memory_space<vmem>>, vector<16xf32>,
      %add3A_2020 = arith.addf %add3A_2014, %get3A_2019 : vector<16xf32>
      %get3A_2021 = arith.constant 2 : i32
      %get3A_2022 = arith.index_cast %get3A_2021 : i32 to index
      %get3A_2023 = arith.index_cast %scan3A_1934 : i32 to index
      %get3A_2024 = arith.constant 16 : index
      %get3A_2025 = tpu.vector_load %arg8[%get3A_2022, %get3A_2023, %get3A_2024] {strides = array<i32>} : memref<10x128x64xf32, #tpu.memory_space<vmem>>, vector<16xf32>,
      %add3A_2026 = arith.addf %add3A_2020, %get3A_2025 : vector<16xf32>
      %get3A_2027 = arith.constant 3 : i32
      %get3A_2028 = arith.index_cast %get3A_2027 : i32 to index
      %get3A_2029 = arith.index_cast %scan3A_1934 : i32 to index
      %get3A_2030 = arith.constant 16 : index
      %get3A_2031 = tpu.vector_load %arg8[%get3A_2028, %get3A_2029, %get3A_2030] {strides = array<i32>} : memref<10x128x64xf32, #tpu.memory_space<vmem>>, vector<16xf32>,
      %add3A_2032 = arith.addf %add3A_2026, %get3A_2031 : vector<16xf32>
      %get3A_2033 = arith.constant 4 : i32
      %get3A_2034 = arith.index_cast %get3A_2033 : i32 to index
      %get3A_2035 = arith.index_cast %scan3A_1934 : i32 to index
      %get3A_2036 = arith.constant 16 : index
      %get3A_2037 = tpu.vector_load %arg8[%get3A_2034, %get3A_2035, %get3A_2036] {strides = array<i32>} : memref<10x128x64xf32, #tpu.memory_space<vmem>>, vector<16xf32>,
      %add3A_2038 = arith.addf %add3A_2032, %get3A_2037 : vector<16xf32>
      %get3A_2039 = arith.constant 5 : i32
      %get3A_2040 = arith.index_cast %get3A_2039 : i32 to index
      %get3A_2041 = arith.index_cast %scan3A_1934 : i32 to index
      %get3A_2042 = arith.constant 16 : index
      %get3A_2043 = tpu.vector_load %arg8[%get3A_2040, %get3A_2041, %get3A_2042] {strides = array<i32>} : memref<10x128x64xf32, #tpu.memory_space<vmem>>, vector<16xf32>,
      %add3A_2044 = arith.addf %add3A_2038, %get3A_2043 : vector<16xf32>
      %get3A_2045 = arith.constant 6 : i32
      %get3A_2046 = arith.index_cast %get3A_2045 : i32 to index
      %get3A_2047 = arith.index_cast %scan3A_1934 : i32 to index
      %get3A_2048 = arith.constant 16 : index
      %get3A_2049 = tpu.vector_load %arg8[%get3A_2046, %get3A_2047, %get3A_2048] {strides = array<i32>} : memref<10x128x64xf32, #tpu.memory_space<vmem>>, vector<16xf32>,
      %add3A_2050 = arith.addf %add3A_2044, %get3A_2049 : vector<16xf32>
      %get3A_2051 = arith.constant 7 : i32
      %get3A_2052 = arith.index_cast %get3A_2051 : i32 to index
      %get3A_2053 = arith.index_cast %scan3A_1934 : i32 to index
      %get3A_2054 = arith.constant 16 : index
      %get3A_2055 = tpu.vector_load %arg8[%get3A_2052, %get3A_2053, %get3A_2054] {strides = array<i32>} : memref<10x128x64xf32, #tpu.memory_space<vmem>>, vector<16xf32>,
      %add3A_2056 = arith.addf %add3A_2050, %get3A_2055 : vector<16xf32>
      %get3A_2057 = arith.constant 8 : i32
      %get3A_2058 = arith.index_cast %get3A_2057 : i32 to index
      %get3A_2059 = arith.index_cast %scan3A_1934 : i32 to index
      %get3A_2060 = arith.constant 16 : index
      %get3A_2061 = tpu.vector_load %arg8[%get3A_2058, %get3A_2059, %get3A_2060] {strides = array<i32>} : memref<10x128x64xf32, #tpu.memory_space<vmem>>, vector<16xf32>,
      %add3A_2062 = arith.addf %add3A_2056, %get3A_2061 : vector<16xf32>
      %get3A_2063 = arith.constant 9 : i32
      %get3A_2064 = arith.index_cast %get3A_2063 : i32 to index
      %get3A_2065 = arith.index_cast %scan3A_1934 : i32 to index
      %get3A_2066 = arith.constant 16 : index
      %get3A_2067 = tpu.vector_load %arg8[%get3A_2064, %get3A_2065, %get3A_2066] {strides = array<i32>} : memref<10x128x64xf32, #tpu.memory_space<vmem>>, vector<16xf32>,
      %add3A_2068 = arith.addf %add3A_2062, %get3A_2067 : vector<16xf32>
      %swap3A_2069 = arith.constant 0 : i32
      %swap3A_2070 = arith.index_cast %swap3A_2069 : i32 to index
      %swap3A_2071 = arith.index_cast %scan3A_1934 : i32 to index
      %swap3A_2072 = arith.constant 16 : index
      %swap3A_2073 = tpu.vector_load %arg8[%swap3A_2070, %swap3A_2071, %swap3A_2072] {strides = array<i32>} : memref<10x128x64xf32, #tpu.memory_space<vmem>>, vector<16xf32>,
      tpu.vector_store %arg8[%swap3A_2070, %swap3A_2071, %swap3A_2072], %add3A_2068 {strides = array<i32>} : memref<10x128x64xf32, #tpu.memory_space<vmem>>, vector<16xf32>,
      %get3A_2074 = arith.constant 32 : index
      %get3A_2075 = tpu.vector_load %arg9[%get3A_2074] {strides = array<i32>} : memref<64xf32, #tpu.memory_space<vmem>>, vector<16xf32>,
      %mul3A_2076 = arith.constant 2.000000e+02 : f32
      %mul3A_2077 = vector.broadcast %mul3A_2076 : f32 to vector<16xf32>
      %mul3A_2078 = arith.mulf %get3A_2075, %mul3A_2077 : vector<16xf32>
      %get3A_2079 = arith.constant 0 : i32
      %get3A_2080 = arith.index_cast %get3A_2079 : i32 to index
      %get3A_2081 = arith.index_cast %scan3A_1934 : i32 to index
      %get3A_2082 = arith.constant 32 : index
      %get3A_2083 = tpu.vector_load %arg8[%get3A_2080, %get3A_2081, %get3A_2082] {strides = array<i32>} : memref<10x128x64xf32, #tpu.memory_space<vmem>>, vector<16xf32>,
      %add3A_2084 = arith.addf %mul3A_2078, %get3A_2083 : vector<16xf32>
      %get3A_2085 = arith.constant 1 : i32
      %get3A_2086 = arith.index_cast %get3A_2085 : i32 to index
      %get3A_2087 = arith.index_cast %scan3A_1934 : i32 to index
      %get3A_2088 = arith.constant 32 : index
      %get3A_2089 = tpu.vector_load %arg8[%get3A_2086, %get3A_2087, %get3A_2088] {strides = array<i32>} : memref<10x128x64xf32, #tpu.memory_space<vmem>>, vector<16xf32>,
      %add3A_2090 = arith.addf %add3A_2084, %get3A_2089 : vector<16xf32>
      %get3A_2091 = arith.constant 2 : i32
      %get3A_2092 = arith.index_cast %get3A_2091 : i32 to index
      %get3A_2093 = arith.index_cast %scan3A_1934 : i32 to index
      %get3A_2094 = arith.constant 32 : index
      %get3A_2095 = tpu.vector_load %arg8[%get3A_2092, %get3A_2093, %get3A_2094] {strides = array<i32>} : memref<10x128x64xf32, #tpu.memory_space<vmem>>, vector<16xf32>,
      %add3A_2096 = arith.addf %add3A_2090, %get3A_2095 : vector<16xf32>
      %get3A_2097 = arith.constant 3 : i32
      %get3A_2098 = arith.index_cast %get3A_2097 : i32 to index
      %get3A_2099 = arith.index_cast %scan3A_1934 : i32 to index
      %get3A_2100 = arith.constant 32 : index
      %get3A_2101 = tpu.vector_load %arg8[%get3A_2098, %get3A_2099, %get3A_2100] {strides = array<i32>} : memref<10x128x64xf32, #tpu.memory_space<vmem>>, vector<16xf32>,
      %add3A_2102 = arith.addf %add3A_2096, %get3A_2101 : vector<16xf32>
      %get3A_2103 = arith.constant 4 : i32
      %get3A_2104 = arith.index_cast %get3A_2103 : i32 to index
      %get3A_2105 = arith.index_cast %scan3A_1934 : i32 to index
      %get3A_2106 = arith.constant 32 : index
      %get3A_2107 = tpu.vector_load %arg8[%get3A_2104, %get3A_2105, %get3A_2106] {strides = array<i32>} : memref<10x128x64xf32, #tpu.memory_space<vmem>>, vector<16xf32>,
      %add3A_2108 = arith.addf %add3A_2102, %get3A_2107 : vector<16xf32>
      %get3A_2109 = arith.constant 5 : i32
      %get3A_2110 = arith.index_cast %get3A_2109 : i32 to index
      %get3A_2111 = arith.index_cast %scan3A_1934 : i32 to index
      %get3A_2112 = arith.constant 32 : index
      %get3A_2113 = tpu.vector_load %arg8[%get3A_2110, %get3A_2111, %get3A_2112] {strides = array<i32>} : memref<10x128x64xf32, #tpu.memory_space<vmem>>, vector<16xf32>,
      %add3A_2114 = arith.addf %add3A_2108, %get3A_2113 : vector<16xf32>
      %get3A_2115 = arith.constant 6 : i32
      %get3A_2116 = arith.index_cast %get3A_2115 : i32 to index
      %get3A_2117 = arith.index_cast %scan3A_1934 : i32 to index
      %get3A_2118 = arith.constant 32 : index
      %get3A_2119 = tpu.vector_load %arg8[%get3A_2116, %get3A_2117, %get3A_2118] {strides = array<i32>} : memref<10x128x64xf32, #tpu.memory_space<vmem>>, vector<16xf32>,
      %add3A_2120 = arith.addf %add3A_2114, %get3A_2119 : vector<16xf32>
      %get3A_2121 = arith.constant 7 : i32
      %get3A_2122 = arith.index_cast %get3A_2121 : i32 to index
      %get3A_2123 = arith.index_cast %scan3A_1934 : i32 to index
      %get3A_2124 = arith.constant 32 : index
      %get3A_2125 = tpu.vector_load %arg8[%get3A_2122, %get3A_2123, %get3A_2124] {strides = array<i32>} : memref<10x128x64xf32, #tpu.memory_space<vmem>>, vector<16xf32>,
      %add3A_2126 = arith.addf %add3A_2120, %get3A_2125 : vector<16xf32>
      %get3A_2127 = arith.constant 8 : i32
      %get3A_2128 = arith.index_cast %get3A_2127 : i32 to index
      %get3A_2129 = arith.index_cast %scan3A_1934 : i32 to index
      %get3A_2130 = arith.constant 32 : index
      %get3A_2131 = tpu.vector_load %arg8[%get3A_2128, %get3A_2129, %get3A_2130] {strides = array<i32>} : memref<10x128x64xf32, #tpu.memory_space<vmem>>, vector<16xf32>,
      %add3A_2132 = arith.addf %add3A_2126, %get3A_2131 : vector<16xf32>
      %get3A_2133 = arith.constant 9 : i32
      %get3A_2134 = arith.index_cast %get3A_2133 : i32 to index
      %get3A_2135 = arith.index_cast %scan3A_1934 : i32 to index
      %get3A_2136 = arith.constant 32 : index
      %get3A_2137 = tpu.vector_load %arg8[%get3A_2134, %get3A_2135, %get3A_2136] {strides = array<i32>} : memref<10x128x64xf32, #tpu.memory_space<vmem>>, vector<16xf32>,
      %add3A_2138 = arith.addf %add3A_2132, %get3A_2137 : vector<16xf32>
      %swap3A_2139 = arith.constant 0 : i32
      %swap3A_2140 = arith.index_cast %swap3A_2139 : i32 to index
      %swap3A_2141 = arith.index_cast %scan3A_1934 : i32 to index
      %swap3A_2142 = arith.constant 32 : index
      %swap3A_2143 = tpu.vector_load %arg8[%swap3A_2140, %swap3A_2141, %swap3A_2142] {strides = array<i32>} : memref<10x128x64xf32, #tpu.memory_space<vmem>>, vector<16xf32>,
      tpu.vector_store %arg8[%swap3A_2140, %swap3A_2141, %swap3A_2142], %add3A_2138 {strides = array<i32>} : memref<10x128x64xf32, #tpu.memory_space<vmem>>, vector<16xf32>,
      %get3A_2144 = arith.constant 48 : index
      %get3A_2145 = tpu.vector_load %arg9[%get3A_2144] {strides = array<i32>} : memref<64xf32, #tpu.memory_space<vmem>>, vector<16xf32>,
      %mul3A_2146 = arith.constant 2.000000e+02 : f32
      %mul3A_2147 = vector.broadcast %mul3A_2146 : f32 to vector<16xf32>
      %mul3A_2148 = arith.mulf %get3A_2145, %mul3A_2147 : vector<16xf32>
      %get3A_2149 = arith.constant 0 : i32
      %get3A_2150 = arith.index_cast %get3A_2149 : i32 to index
      %get3A_2151 = arith.index_cast %scan3A_1934 : i32 to index
      %get3A_2152 = arith.constant 48 : index
      %get3A_2153 = tpu.vector_load %arg8[%get3A_2150, %get3A_2151, %get3A_2152] {strides = array<i32>} : memref<10x128x64xf32, #tpu.memory_space<vmem>>, vector<16xf32>,
      %add3A_2154 = arith.addf %mul3A_2148, %get3A_2153 : vector<16xf32>
      %get3A_2155 = arith.constant 1 : i32
      %get3A_2156 = arith.index_cast %get3A_2155 : i32 to index
      %get3A_2157 = arith.index_cast %scan3A_1934 : i32 to index
      %get3A_2158 = arith.constant 48 : index
      %get3A_2159 = tpu.vector_load %arg8[%get3A_2156, %get3A_2157, %get3A_2158] {strides = array<i32>} : memref<10x128x64xf32, #tpu.memory_space<vmem>>, vector<16xf32>,
      %add3A_2160 = arith.addf %add3A_2154, %get3A_2159 : vector<16xf32>
      %get3A_2161 = arith.constant 2 : i32
      %get3A_2162 = arith.index_cast %get3A_2161 : i32 to index
      %get3A_2163 = arith.index_cast %scan3A_1934 : i32 to index
      %get3A_2164 = arith.constant 48 : index
      %get3A_2165 = tpu.vector_load %arg8[%get3A_2162, %get3A_2163, %get3A_2164] {strides = array<i32>} : memref<10x128x64xf32, #tpu.memory_space<vmem>>, vector<16xf32>,
      %add3A_2166 = arith.addf %add3A_2160, %get3A_2165 : vector<16xf32>
      %get3A_2167 = arith.constant 3 : i32
      %get3A_2168 = arith.index_cast %get3A_2167 : i32 to index
      %get3A_2169 = arith.index_cast %scan3A_1934 : i32 to index
      %get3A_2170 = arith.constant 48 : index
      %get3A_2171 = tpu.vector_load %arg8[%get3A_2168, %get3A_2169, %get3A_2170] {strides = array<i32>} : memref<10x128x64xf32, #tpu.memory_space<vmem>>, vector<16xf32>,
      %add3A_2172 = arith.addf %add3A_2166, %get3A_2171 : vector<16xf32>
      %get3A_2173 = arith.constant 4 : i32
      %get3A_2174 = arith.index_cast %get3A_2173 : i32 to index
      %get3A_2175 = arith.index_cast %scan3A_1934 : i32 to index
      %get3A_2176 = arith.constant 48 : index
      %get3A_2177 = tpu.vector_load %arg8[%get3A_2174, %get3A_2175, %get3A_2176] {strides = array<i32>} : memref<10x128x64xf32, #tpu.memory_space<vmem>>, vector<16xf32>,
      %add3A_2178 = arith.addf %add3A_2172, %get3A_2177 : vector<16xf32>
      %get3A_2179 = arith.constant 5 : i32
      %get3A_2180 = arith.index_cast %get3A_2179 : i32 to index
      %get3A_2181 = arith.index_cast %scan3A_1934 : i32 to index
      %get3A_2182 = arith.constant 48 : index
      %get3A_2183 = tpu.vector_load %arg8[%get3A_2180, %get3A_2181, %get3A_2182] {strides = array<i32>} : memref<10x128x64xf32, #tpu.memory_space<vmem>>, vector<16xf32>,
      %add3A_2184 = arith.addf %add3A_2178, %get3A_2183 : vector<16xf32>
      %get3A_2185 = arith.constant 6 : i32
      %get3A_2186 = arith.index_cast %get3A_2185 : i32 to index
      %get3A_2187 = arith.index_cast %scan3A_1934 : i32 to index
      %get3A_2188 = arith.constant 48 : index
      %get3A_2189 = tpu.vector_load %arg8[%get3A_2186, %get3A_2187, %get3A_2188] {strides = array<i32>} : memref<10x128x64xf32, #tpu.memory_space<vmem>>, vector<16xf32>,
      %add3A_2190 = arith.addf %add3A_2184, %get3A_2189 : vector<16xf32>
      %get3A_2191 = arith.constant 7 : i32
      %get3A_2192 = arith.index_cast %get3A_2191 : i32 to index
      %get3A_2193 = arith.index_cast %scan3A_1934 : i32 to index
      %get3A_2194 = arith.constant 48 : index
      %get3A_2195 = tpu.vector_load %arg8[%get3A_2192, %get3A_2193, %get3A_2194] {strides = array<i32>} : memref<10x128x64xf32, #tpu.memory_space<vmem>>, vector<16xf32>,
      %add3A_2196 = arith.addf %add3A_2190, %get3A_2195 : vector<16xf32>
      %get3A_2197 = arith.constant 8 : i32
      %get3A_2198 = arith.index_cast %get3A_2197 : i32 to index
      %get3A_2199 = arith.index_cast %scan3A_1934 : i32 to index
      %get3A_2200 = arith.constant 48 : index
      %get3A_2201 = tpu.vector_load %arg8[%get3A_2198, %get3A_2199, %get3A_2200] {strides = array<i32>} : memref<10x128x64xf32, #tpu.memory_space<vmem>>, vector<16xf32>,
      %add3A_2202 = arith.addf %add3A_2196, %get3A_2201 : vector<16xf32>
      %get3A_2203 = arith.constant 9 : i32
      %get3A_2204 = arith.index_cast %get3A_2203 : i32 to index
      %get3A_2205 = arith.index_cast %scan3A_1934 : i32 to index
      %get3A_2206 = arith.constant 48 : index
      %get3A_2207 = tpu.vector_load %arg8[%get3A_2204, %get3A_2205, %get3A_2206] {strides = array<i32>} : memref<10x128x64xf32, #tpu.memory_space<vmem>>, vector<16xf32>,
      %add3A_2208 = arith.addf %add3A_2202, %get3A_2207 : vector<16xf32>
      %swap3A_2209 = arith.constant 0 : i32
      %swap3A_2210 = arith.index_cast %swap3A_2209 : i32 to index
      %swap3A_2211 = arith.index_cast %scan3A_1934 : i32 to index
      %swap3A_2212 = arith.constant 48 : index
      %swap3A_2213 = tpu.vector_load %arg8[%swap3A_2210, %swap3A_2211, %swap3A_2212] {strides = array<i32>} : memref<10x128x64xf32, #tpu.memory_space<vmem>>, vector<16xf32>,
      tpu.vector_store %arg8[%swap3A_2210, %swap3A_2211, %swap3A_2212], %add3A_2208 {strides = array<i32>} : memref<10x128x64xf32, #tpu.memory_space<vmem>>, vector<16xf32>,
    }
    %scan3A_1931 = arith.constant 128 : i32
    %mul3A_1932 = arith.constant 128 : i32
    %mul3A_1933 = arith.muli %add3A, %mul3A_1932 : i32
    %run_scoped3A = arith.constant 0 : i32
    "tpu.region"() ({
      %run_scoped3A_1934 = tpu.sem_alloc : memref<!tpu.dma_semaphore, #tpu.memory_space<semaphore_mem>>
      %dma_start3A_1935 = arith.constant 0 : i32
      %dma_start3A_1936 = arith.constant 0 : i32
      %dma_start3A_1937 = tpu.memref_slice %arg8[%run_scoped3A, %dma_start3A_1935, %dma_start3A_1936] : memref<10x128x64xf32, #tpu.memory_space<vmem>> -> memref<1x128x64xf32, #tpu.memory_space<vmem>>
      %dma_start3A_1938 = tpu.memref_squeeze %dma_start3A_1937 : memref<1x128x64xf32, #tpu.memory_space<vmem>> -> memref<128x64xf32, #tpu.memory_space<vmem>>
      %dma_start3A_1939 = arith.constant 0 : i32
      %dma_start3A_1940 = tpu.memref_slice %arg5[%mul3A_1933, %dma_start3A_1939] : memref<4096x64xf32, #tpu.memory_space<hbm>> -> memref<128x64xf32, #tpu.memory_space<hbm>>
      %dma_start3A_1941 = arith.constant 0 : i32
      %dma_start3A_1942 = tpu.memref_slice %arg5[%mul3A_1933, %dma_start3A_1941] : memref<4096x64xf32, #tpu.memory_space<hbm>> -> memref<128x64xf32, #tpu.memory_space<hbm>>
      %dma_start3A_1943 = arith.constant 0 : i32
      %dma_start3A_1944 = arith.constant 0 : i32
      %dma_start3A_1945 = tpu.memref_slice %arg8[%run_scoped3A, %dma_start3A_1943, %dma_start3A_1944] : memref<10x128x64xf32, #tpu.memory_space<vmem>> -> memref<1x128x64xf32, #tpu.memory_space<vmem>>
      %dma_start3A_1946 = tpu.memref_squeeze %dma_start3A_1945 : memref<1x128x64xf32, #tpu.memory_space<vmem>> -> memref<128x64xf32, #tpu.memory_space<vmem>>
      tpu.enqueue_dma source(%dma_start3A_1946 : memref<128x64xf32, #tpu.memory_space<vmem>>) target(%dma_start3A_1942 : memref<128x64xf32, #tpu.memory_space<hbm>>) target_semaphore(%run_scoped3A_1934 : memref<!tpu.dma_semaphore, #tpu.memory_space<semaphore_mem>>)
      %dma_wait3A_1947 = arith.constant 0 : i32
      %dma_wait3A_1948 = arith.constant 0 : i32
      %dma_wait3A_1949 = tpu.memref_slice %arg8[%run_scoped3A, %dma_wait3A_1947, %dma_wait3A_1948] : memref<10x128x64xf32, #tpu.memory_space<vmem>> -> memref<1x128x64xf32, #tpu.memory_space<vmem>>
      %dma_wait3A_1950 = tpu.memref_squeeze %dma_wait3A_1949 : memref<1x128x64xf32, #tpu.memory_space<vmem>> -> memref<128x64xf32, #tpu.memory_space<vmem>>
      %dma_wait3A_1951 = arith.constant 0 : i32
      %dma_wait3A_1952 = tpu.memref_slice %arg5[%mul3A_1933, %dma_wait3A_1951] : memref<4096x64xf32, #tpu.memory_space<hbm>> -> memref<128x64xf32, #tpu.memory_space<hbm>>
      %dma_wait3A_1953 = arith.constant 0 : i32
      %dma_wait3A_1954 = tpu.memref_slice %arg5[%mul3A_1933, %dma_wait3A_1953] : memref<4096x64xf32, #tpu.memory_space<hbm>> -> memref<128x64xf32, #tpu.memory_space<hbm>>
      %dma_wait3A_1955 = arith.constant 0 : i32
      %dma_wait3A_1956 = arith.constant 0 : i32
      %dma_wait3A_1957 = tpu.memref_slice %arg8[%run_scoped3A, %dma_wait3A_1955, %dma_wait3A_1956] : memref<10x128x64xf32, #tpu.memory_space<vmem>> -> memref<1x128x64xf32, #tpu.memory_space<vmem>>
      %dma_wait3A_1958 = tpu.memref_squeeze %dma_wait3A_1957 : memref<1x128x64xf32, #tpu.memory_space<vmem>> -> memref<128x64xf32, #tpu.memory_space<vmem>>
      tpu.wait_dma2 semaphore(%run_scoped3A_1934 : memref<!tpu.dma_semaphore, #tpu.memory_space<semaphore_mem>>) src(%dma_wait3A_1958 : memref<128x64xf32, #tpu.memory_space<vmem>>) dst(%dma_wait3A_1954 : memref<128x64xf32, #tpu.memory_space<hbm>>)
      tpu.yield
    }) : () -> ()
    return
  }
}

module attributes {stable_mosaic.version = 14 : i64} {
  func.func @_proj_body(%arg0: i32, %arg1: memref<10000x128xf32, #tpu.memory_space<vmem>>, %arg2: memref<10000x128xf32, #tpu.memory_space<vmem>>, %arg3: memref<256x128xf32, #tpu.memory_space<vmem>>, %arg4: memref<10000x128xf32, #tpu.memory_space<vmem>>) attributes {dimension_semantics = [#tpu.dimension_semantics<arbitrary>], iteration_bounds = array<i64: 5>, scalar_prefetch = 0 : i64, scratch_operands = 0 : i64, tpu.core_type = #tpu.core_type<tc>, window_params = [{transform_indices = @transform_0, window_bounds = array<i64: 10000, 128>}, {transform_indices = @transform_1, window_bounds = array<i64: 10000, 128>}, {pipeline_mode = #tpu.pipeline_mode<synchronous>, transform_indices = @transform_2, window_bounds = array<i64: 256, 128>}, {transform_indices = @transform_3, window_bounds = array<i64: 10000, 128>}]} {
    %get3A = arith.constant 0 : index
    %get3A_0 = arith.constant 0 : index
    %get3A_1 = vector.load %arg1[%get3A, %get3A_0] : memref<10000x128xf32, #tpu.memory_space<vmem>>, vector<10000x128xf32>
    %get3A_2 = arith.constant 0 : index
    %get3A_3 = arith.constant 0 : index
    %get3A_4 = vector.load %arg2[%get3A_2, %get3A_3] : memref<10000x128xf32, #tpu.memory_space<vmem>>, vector<10000x128xf32>
    %concatenate3A = tpu.concatenate %get3A_1, %get3A_4 in 1 : vector<10000x128xf32>, vector<10000x128xf32> -> vector<10000x256xf32>
    %convert_element_type3A = arith.truncf %concatenate3A : vector<10000x256xf32> to vector<10000x256xbf16>
    %get3A_5 = arith.constant 0 : index
    %get3A_6 = arith.constant 0 : index
    %get3A_7 = vector.load %arg3[%get3A_5, %get3A_6] : memref<256x128xf32, #tpu.memory_space<vmem>>, vector<256x128xf32>
    %convert_element_type3A_8 = arith.truncf %get3A_7 : vector<256x128xf32> to vector<256x128xbf16>
    %dot_general3A = arith.constant dense<0.000000e+00> : vector<10000x128xf32>
    %dot_general3A_9 = tpu.matmul %convert_element_type3A, %convert_element_type3A_8, %dot_general3A {dimension_numbers = #tpu.dot_dimension_numbers<[1], [0], [0], [1], [0, 0, 1, 1], [], []>, transpose_lhs_hint = false} : vector<10000x256xbf16>, vector<256x128xbf16>, vector<10000x128xf32> -> vector<10000x128xf32>
    %swap3A = arith.constant 0 : index
    %swap3A_10 = arith.constant 0 : index
    %swap3A_11 = vector.load %arg4[%swap3A, %swap3A_10] : memref<10000x128xf32, #tpu.memory_space<vmem>>, vector<10000x128xf32>
    tpu.vector_store %arg4[%swap3A, %swap3A_10], %dot_general3A_9 {strides = array<i32>} : memref<10000x128xf32, #tpu.memory_space<vmem>>, vector<10000x128xf32>,
    return
  }
  func.func @transform_0(%arg0: i32) -> (i32, i32) {
    %c0_i32 = arith.constant 0 : i32
    %c0_i32_0 = arith.constant 0 : i32
    return %arg0, %c0_i32 : i32, i32
  }
  func.func @transform_1(%arg0: i32) -> (i32, i32) {
    %add3A = arith.constant 5 : i32
    %add3A_0 = arith.addi %arg0, %add3A : i32
    %c0_i32 = arith.constant 0 : i32
    %c0_i32_1 = arith.constant 0 : i32
    return %add3A_0, %c0_i32 : i32, i32
  }
  func.func @transform_2(%arg0: i32) -> (i32, i32) {
    %c0_i32 = arith.constant 0 : i32
    %c0_i32_0 = arith.constant 0 : i32
    %c0_i32_1 = arith.constant 0 : i32
    return %c0_i32, %c0_i32_0 : i32, i32
  }
  func.func @transform_3(%arg0: i32) -> (i32, i32) {
    %c0_i32 = arith.constant 0 : i32
    %c0_i32_0 = arith.constant 0 : i32
    return %arg0, %c0_i32 : i32, i32
  }
}

</mosaic_0001>

<sc_bundles>
// kernel: kernel.4.cloned.1.call-start
scs
__scs_entry_jumppad:
0x0: {  	(pc) =	sbr.rel $0x88, $3  }
0x1: {  	(tag) =	ssettag $0x0;
	lr =	simm.s32 $0x1  }
0x2: {  	[smem:$0x3F9D] =	sst lr;
	_ =	strace $0xD0000000  }
0x3: {  	_ = 	snop  }
0x4: {  	_ = 	snop  }
0x5: {  	_ = 	snop  }
0x6: {  	_ = 	snop  }
0x7: {  	_ = 	snop  }
__scs_overlays_trampoline_lowered:
0x8: {  	[smem:$0x3FAC] =	sst s0  }
0x9: {  	[smem:$0x3FAD] =	sst s1  }
0xa: {  	[smem:$0x3FAE] =	sst s2  }
0xb: {  	[smem:$0x3FAF] =	sst s3  }
0xc: {  	[smem:$0x3FB0] =	sst s4  }
0xd: {  	[smem:$0x3FB1] =	sst s5  }
0xe: {  	[smem:$0x3FB2] =	sst s6  }
0xf: {  	[smem:$0x3FB3] =	sst s7  }
0x10: {  	[smem:$0x3FB4] =	sst s8  }
0x11: {  	[smem:$0x3FB5] =	sst s9;
	s0 =	simm.s32 @!p0 $0x0  }
0x12: {  	s1 =	sld [smem:$0x3F9B];
	s0 =	simm.s32 @p0 $0x1  }
0x13: {  	[smem:$0x3FB6] =	sst s0;
	s0 =	simm.s32 @!p1 $0x0  }
0x14: {  	s2 =	sld [smem:$0x3F9A];
	s0 =	simm.s32 @p1 $0x1  }
0x15: {  	[smem:$0x3FB7] =	sst s0;
	s0 =	simm.s32 @!p2 $0x0  }
0x16: {  	s3 =	sld [smem:$0x3FDB];
	s0 =	simm.s32 @p2 $0x1  }
0x17: {  	s4 =	simm.s32 $0x1BF5;
	[smem:$0x3FB9] =	sst s0  }
0x18: {  	s0 =	sld [smem:$0x3F9C];
	_ =	swait.ge [sflag:s4], $0x0  }
0x19: {  	s7 =	sld [smem:$0x3F9D]  }
0x1a: {  	s8 =	sadd.s32 $0xFFFFE003, lr  }
0x1b: {  	s9 =	sadd.s32 $0xFFFFFEF7, lr;
	s5 =	simm.s32 $0xFFFFFFFF;
	p2 =	slt.u32 s8, $0xFFFFF086  }
0x1c: {  	p1 =	slt.u32 s9, $0xF7A;
	s5 =	simm.s32 @!p2 $0x0  }
0x1d: {  	s5 =	simm.s32 @p1 $0x1;
	p0 =	seq.s32 s7, s2  }
0x1e: {  	s7 =	smul.u32 @!p0 $0xF7A, s2;
	p2 =	seq.s32 @!p0 s5, $0x0  }
0x1f: {  	s9 =	smul.u32 $0xF7A, s1;
	s8 =	simm.s32 @!p0 $0x1BF5;
	p2 =	por !p2, p0  }
0x20: {  	[sflag:s8] =	ssyncset.s32 @!p0 $0xFFFFF086;
	s6 =	sadd.s32 @!p0 s3, s7;
	s7 =	simm.s32 @!p0 $0x108  }
0x21: {  	s3 =	sadd.s32 s3, s9;
	s6 =	sadd.s32 @!p0 $0x88, s6;
	s7 =	simm.s32 @p2 $0x1082  }
0x22: {  	[simem:s7], [sflag:s8] =	dma.local @!p0 [hbm:s6], $0xF7A  }
0x23: {  	s9 =	sor.u32 $0xD0000000, s2;
	s6 =	simm.s32 $0x108;
	_ =	swait.ge @!p0 [sflag:s8], $0x0  }
0x24: {  	s3 =	sadd.s32 $0x88, s3;
	s6 =	simm.s32 @!p1 $0x1082;
	[sflag:s4] =	ssyncset.s32 $0xFFFFF086  }
0x25: {  	[simem:s6], [sflag:s4] =	dma.local [hbm:s3], $0xF7A  }
0x26: {  	[smem:$0x3F9D] =	sst s1;
	(tag) =	ssettag s2;
	_ =	strace s9  }
0x27: {  	s1 =	sld [smem:$0x3FAD]  }
0x28: {  	s2 =	sld [smem:$0x3FAE]  }
0x29: {  	s4 =	sld [smem:$0x3FB0]  }
0x2a: {  	p0 =	seq.s32 s5, $0x0;
	s5 =	sld [smem:$0x3FB1]  }
0x2b: {  	s6 =	sld [smem:$0x3FB2]  }
0x2c: {  	s7 =	sld [smem:$0x3FB3]  }
0x2d: {  	s3 =	simm.s32 $0x108;
	s8 =	sld [smem:$0x3FB4]  }
0x2e: {  	s3 =	simm.s32 @!p0 $0x1082;
	s9 =	sld [smem:$0x3FB5]  }
0x2f: {  	lr =	sadd.s32 s0, s3;
	s0 =	sld [smem:$0x3FAC]  }
0x30: {  	s3 =	sld [smem:$0x3FAF]  }
0x31: {  	[smem:$0x3FB8] =	sst s10  }
0x32: {  	s10 =	sld [smem:$0x3FB6];
	_ =	sdelay $0x3  }
0x33: {  	p0 =	seq.s32 s10, $0x1;
	s10 =	sld [smem:$0x3FB8];
	_ =	sdelay $0x3  }
0x34: {  	[smem:$0x3FB8] =	sst s10  }
0x35: {  	s10 =	sld [smem:$0x3FB7];
	_ =	sdelay $0x3  }
0x36: {  	p1 =	seq.s32 s10, $0x1;
	s10 =	sld [smem:$0x3FB8];
	_ =	sdelay $0x3  }
0x37: {  	[smem:$0x3FB8] =	sst s10  }
0x38: {  	s10 =	sld [smem:$0x3FB9]  }
0x39: {  	_ = 	snop;
	(pc) =	sbr.ind lr, $3  }
0x3a: {  	_ = 	snop  }
0x3b: {  	_ = 	snop  }
0x3c: {  	p2 =	seq.s32 s10, $0x1;
	s10 =	sld [smem:$0x3FB8]  }
0x3d: {  	_ =	shalt  }
0x3e: {  	_ =	shalt  }
0x3f: {  	_ =	shalt  }
0x40: {  	_ =	shalt  }
0x41: {  	_ =	shalt  }
0x42: {  	_ =	shalt  }
0x43: {  	_ =	shalt  }
0x44: {  	_ =	shalt  }
0x45: {  	_ =	shalt  }
0x46: {  	_ =	shalt  }
0x47: {  	_ =	shalt  }
0x48: {  	_ =	shalt  }
0x49: {  	_ =	shalt  }
0x4a: {  	_ =	shalt  }
0x4b: {  	_ =	shalt  }
0x4c: {  	_ =	shalt  }
0x4d: {  	_ =	shalt  }
0x4e: {  	_ =	shalt  }
0x4f: {  	_ =	shalt  }
0x50: {  	_ =	shalt  }
0x51: {  	_ =	shalt  }
0x52: {  	_ =	shalt  }
0x53: {  	_ =	shalt  }
0x54: {  	_ =	shalt  }
0x55: {  	_ =	shalt  }
0x56: {  	_ =	shalt  }
0x57: {  	_ =	shalt  }
0x58: {  	_ =	shalt  }
0x59: {  	_ =	shalt  }
0x5a: {  	_ =	shalt  }
0x5b: {  	_ =	shalt  }
0x5c: {  	_ =	shalt  }
0x5d: {  	_ =	shalt  }
0x5e: {  	_ =	shalt  }
0x5f: {  	_ =	shalt  }
0x60: {  	_ =	shalt  }
0x61: {  	_ =	shalt  }
0x62: {  	_ =	shalt  }
0x63: {  	_ =	shalt  }
0x64: {  	_ =	shalt  }
0x65: {  	_ =	shalt  }
0x66: {  	_ =	shalt  }
0x67: {  	_ =	shalt  }
0x68: {  	_ =	shalt  }
0x69: {  	_ =	shalt  }
0x6a: {  	_ =	shalt  }
0x6b: {  	_ =	shalt  }
0x6c: {  	_ =	shalt  }
0x6d: {  	_ =	shalt  }
0x6e: {  	_ =	shalt  }
0x6f: {  	_ =	shalt  }
0x70: {  	_ =	shalt  }
0x71: {  	_ =	shalt  }
0x72: {  	_ =	shalt  }
0x73: {  	_ =	shalt  }
0x74: {  	_ =	shalt  }
0x75: {  	_ =	shalt  }
0x76: {  	_ =	shalt  }
0x77: {  	_ =	shalt  }
0x78: {  	_ =	shalt  }
0x79: {  	_ =	shalt  }
0x7a: {  	_ =	shalt  }
0x7b: {  	_ =	shalt  }
0x7c: {  	_ =	shalt  }
0x7d: {  	_ =	shalt  }
0x7e: {  	_ =	shalt  }
0x7f: {  	_ =	shalt  }
0x80: {  	_ =	shalt  }
0x81: {  	_ =	shalt  }
0x82: {  	_ =	shalt  }
0x83: {  	_ =	shalt  }
0x84: {  	_ =	shalt  }
0x85: {  	_ =	shalt  }
0x86: {  	_ =	shalt  }
0x87: {  	_ =	shalt  }
.Lfunc_end0:
.L_simem_size_0:
called_computation_lowered:
.L_overlay_start_0:
0x88: {  	s2 =	sld [smem:$0x3FD9]  }
0x89: {  	s3 =	sld [smem:$0x3FFE];
	_ =	sdelay $0x1  }
0x8a: {  	s1 =	srdreg.scid  }
0x8b: {  	s0 =	sand.u32 $0x1, s1  }
0x8c: {  	s17 =	sshll.u32 s0, $0xA;
	s2 =	sadd.s32 s3, s2  }
0x8d: {  	s2 =	sadd.s32 s2, s17  }
0x8e: {  	[smem:$0x3FC4] =	sst s2  }
0x8f: {  	_ = 	snop  }
0x90: {  	s2 =	sld [smem:$0x3FC6]  }
0x91: {  	s18 =	sld [smem:$0x3FD0];
	(tm) =	ssettm $0x1  }
0x92: {  	s4 =	sld [smem:$0x3FFB];
	_ =	sdelay $0x3  }
0x93: {  	_ =	strace s4  }
0x94: {  	s4 =	sld [smem:$0x3FFC];
	_ =	sdelay $0x3  }
0x95: {  	_ =	strace s4  }
0x96: {  	s4 =	sld [smem:$0x3FFD];
	_ =	sdelay $0x3  }
0x97: {  	_ =	strace s4  }
0x98: {  	_ =	strace $0x8FFFFFFF  }
0x99: {  	s19 =	sld [smem:$0x3FDB];
	_ =	sdelay $0x1  }
0x9a: {  	s5 =	simm.s32 $_scs_section_size  }
0x9b: {  	s6 =	simm.s32 $_size__tile_overlayer_lowered;
	s7 =	simm.s32 $_tile_overlayer_lowered  }
0x9c: {  	s22 =	simm.s32 $0x1BFF;
	s21 =	sshll.u32 s7, $0x1;
	s4 =	sadd.s32 s5, s19  }
0x9d: {  	s8 =	simm.s32 $0x0;
	s20 =	sshll.u32 s6, $0x1;
	s6 =	sadd.s32 s21, s4  }
0x9e: {  	[timem:s8], [sflag:s22] =	dma.local [hbm:s6], s20  }
0x9f: {  	_ =	swait.ge [sflag:s22], s20  }
0xa0: {  	s5 =	ssub.s32 $0x0, s20;
	[sflag:s22] =	ssyncset.done $0x0  }
0xa1: {  	[sflag:s22] =	ssyncadd.s32 s5;
	_ =	sdelay $0x1  }
0xa2: {  	s23 =	simm.s32 $0x1B8B  }
0xa3: {  	_ =	swait.ge [sflag:s23], $0x1  }
0xa4: {  	[sflag:s23] =	ssyncset.done $0x0  }
0xa5: {  	s25 =	simm.s32 $0x1B8E;
	s24 =	sld [smem:$0x3FFE];
	[sflag:s23] =	ssyncadd.s32 $0xFFFFFFFF  }
0xa6: {  	s26 =	simm.s32 $execute0_lowered;
	[smem:$0x3FD2] =	sst s25  }
0xa7: {  	s6 =	sshll.u32 s26, $0x1;
	_ =	strace $0x80000046;
	[dreg:$0x1] =	wrdreg $0xFFFFFFFF  }
0xa8: {  	s28 =	simm.s32 $_size_execute0_lowered;
	s4 =	sadd.s32 s4, s6;
	[dreg:$0x0] =	wrdreg $0x0  }
0xa9: {  	s6 =	sshll.u32 s28, $0x1;
	[dreg:$0x2] =	wrdreg s4  }
0xaa: {  	[dreg:$0x3] =	wrdreg s6  }
0xab: {  	[dreg:$0x4] =	wrdreg $0xC0  }
0xac: {  	_ =	task [dreg:s8], $0x5FFFF  }
0xad: {  	[dreg:$0x1] =	wrdreg $0xFFFFFFFF  }
0xae: {  	[dreg:$0x0] =	wrdreg $0x60  }
0xaf: {  	[dreg:$0x2] =	wrdreg s24  }
0xb0: {  	[dreg:$0x3] =	wrdreg s2  }
0xb1: {  	[dreg:$0x4] =	wrdreg s18  }
0xb2: {  	[dreg:$0x5] =	wrdreg $0x9  }
0xb3: {  	_ =	task.clear_ibuf [dreg:s8], $0x6FFFF;
	_ =	strace $0x90000046  }
0xb4: {  	s29 =	simm.s32 $0x9;
	_ =	strace $0x80000048  }
0xb5: {  	_ =	swait.ge [sflag:s29], $0x1  }
0xb6: {  	[sflag:s29] =	ssyncadd.s32 $0xFFFFFFFF  }
0xb7: {  	_ =	strace $0x90000048  }
0xb8: {  	_ =	sfence  }
0xb9: {  	s30 =	sld [smem:$0x0];
	_ =	sdelay $0x2  }
0xba: {  	s31 =	sshll.u32 s1, $0xD;
	s1 =	sshrl.u32 s1, $0x2  }
0xbb: {  	s3 =	sand.u32 $0x4000, s31;
	s1 =	sadd.s32 s1, s30  }
0xbc: {  	s0 =	sor.u32 s3, s0;
	s1 =	sshll.u32 s1, $0x11  }
0xbd: {  	s0 =	sor.u32 s1, s0  }
0xbe: {  	s0 =	sadd.s32 $0x8F2B, s0  }
0xbf: {  	[sflag:s0] =	ssyncadd.remote.s32 $0x1  }
0xc0: {  	_ =	sfence.sel $0xFFFF  }
0xc1: {  	[dreg:$0x0] =	wrdreg $0xFFFFFFFF;
	(pc) =	sbr.abs _section_cstart, $3  }
0xc2: {  	[dreg:$0x1] =	wrdreg $0xFFFFFFFF  }
0xc3: {  	_ =	task.clear_ibuf [dreg:s8], $0x2FFFF;
	_ =	strace $0x9FFFFFFF  }
0xc4: {  	(tm) =	ssettm $0x7FFFFFFF  }
0xc5: {  	_ =	shalt  }
tec
execute0_lowered:
.L_overlay_start_1:
0x0: {  	(tag) =	ssettag $0x1  }
0x1: {  	v0 =	vlaneseq.u32  }
0x2: {  	v0 =	vmul.u32 $0xC8, v0;
	_ =	sdelay $0x1  }
0x3: {  	v1 =	vimm.s32 $0x0;
	v2 =	vadd.s32 $0xC80, v0;
	v3 =	vadd.s32 $0x1900, v0  }
0x4: {  	v4 =	vadd.s32 $0x2580, v0;
	v5 =	vadd.s32 $0x3200, v0;
	v6 =	vadd.s32 $0x3E80, v0  }
0x5: {  	v7 =	vadd.s32 $0x4B00, v0;
	v8 =	vadd.s32 $0x5780, v0;
	v9 =	vor.u32 $0x1, v0  }
0x6: {  	v13 =	vadd.s32 $0x3201, v0;
	v14 =	vadd.s32 $0x3E81, v0;
	v15 =	vadd.s32 $0x4B01, v0  }
0x7: {  	s0 =	rddreg [dreg:$0x0];
	s1 =	srdreg.scid;
	v16 =	vadd.s32 $0x5781, v0;
	v17 =	vor.u32 $0x2, v0;
	v18 =	vadd.s32 $0xC82, v0  }
0x8: {  	s3 =	stileid.u32;
	s2 =	rddreg [dreg:$0x2];
	v19 =	vadd.s32 $0x1902, v0;
	v20 =	vadd.s32 $0x2582, v0;
	v21 =	vadd.s32 $0x3202, v0  }
0x9: {  	s15 =	simm.s32 $0xB;
	s10 =	simm.s32 $0x80;
	s12 =	simm.s32 $0x6900;
	v22 =	vadd.s32 $0x3E82, v0;
	v23 =	vadd.s32 $0x4B02, v0;
	v24 =	vadd.s32 $0x5782, v0  }
0xa: {  	s9 =	simm.s32 $0x4;
	s7 =	simm.s32 $0x7;
	s8 =	simm.s32 $0x8;
	v25 =	vor.u32 $0x3, v0;
	v26 =	vadd.s32 $0xC83, v0;
	v27 =	vadd.s32 $0x1903, v0  }
0xb: {  	s11 =	simm.s32 $0x9;
	s13 =	simm.s32 $0xA;
	s16 =	simm.s32 $0x0;
	v28 =	vadd.s32 $0x2583, v0;
	v29 =	vadd.s32 $0x3203, v0;
	v30 =	vadd.s32 $0x3E83, v0  }
0xc: {  	s22 =	simm.s32 $0xC900;
	s23 =	simm.s32 $0x6600;
	s28 =	simm.s32 $0x6700;
	v31 =	vadd.s32 $0x4B03, v0;
	v32 =	vadd.s32 $0x5783, v0;
	v33 =	vor.u32 $0x4, v0  }
0xd: {  	s29 =	simm.s32 $0x12900;
	s30 =	simm.s32 $0x6780;
	s31 =	simm.s32 $0x14900;
	v34 =	vadd.s32 $0xC84, v0;
	v35 =	vadd.s32 $0x1904, v0;
	v36 =	vadd.s32 $0x2584, v0  }
0xe: {  	s17 =	simm.s32 $0x16900;
	s1 =	sand.u32 $0x1, s1;
	s4 =	sshll.u32 s3, $0x1;
	v37 =	vadd.s32 $0x3204, v0;
	v38 =	vadd.s32 $0x3E84, v0;
	v39 =	vadd.s32 $0x4B04, v0  }
0xf: {  	s18 =	simm.s32 $0x6880;
	s19 =	simm.s32 $0x18900;
	s5 =	sor.u32 s1, s4;
	v40 =	vadd.s32 $0x5784, v0;
	v41 =	vor.u32 $0x5, v0;
	v42 =	vadd.s32 $0xC85, v0  }
0x10: {  	s3 =	simm.s32 $0x0;
	s1 =	ssub.s32 $0x2, s1;
	s4 =	smul.u32 $0xC80, s5;
	v43 =	vadd.s32 $0x1905, v0;
	v44 =	vadd.s32 $0x2585, v0;
	[tilespmem:$0x1FFC0] =	vst v9;
	v9 =	vadd.s32 $0xC81, v0  }
0x11: {  	[smem:$0x7FF] =	sst s3;
	s24 =	sshrl.u32 s1, $0x1;
	s26 =	sshll.u32 s5, $0xA;
	v45 =	vadd.s32 $0x3205, v0;
	v46 =	vadd.s32 $0x3E85, v0;
	[tilespmem:$0x1FFD0] =	vst v9;
	v9 =	vadd.s32 $0x1901, v0  }
0x12: {  	v47 =	vadd.s32 $0x4B05, v0;
	v48 =	vadd.s32 $0x5785, v0;
	s5 =	simm.s32 $0x5;
	s6 =	sadd.s32 s4, s0;
	s4 =	sadd.s32 $0x19400, s0;
	[tilespmem:$0x1FFE0] =	vst v9;
	v9 =	vadd.s32 $0x2581, v0  }
0x13: {  	v49 =	vor.u32 $0x6, v0;
	v50 =	vadd.s32 $0xC86, v0;
	v51 =	vadd.s32 $0x1906, v0;
	s0 =	ssub.s32 s1, s24;
	s1 =	sadd.s32 s2, s26;
	s25 =	sadd.s32 $0x400, s6;
	[tilespmem:$0x1FFF0] =	vst v9  }
0x14: {  	v52 =	vadd.s32 $0x2586, v0;
	v53 =	vadd.s32 $0x3206, v0;
	v54 =	vadd.s32 $0x3E86, v0;
	s2 =	simm.s32 $0x1;
	_ =	strace $0x80000047;
	[dreg:$0x4] =	wrdreg s25  }
0x15: {  	v55 =	vadd.s32 $0x4B06, v0;
	v56 =	vadd.s32 $0x5786, v0;
	v57 =	vor.u32 $0x7, v0;
	s24 =	simm.s32 $0xE900;
	s0 =	smax.u32 s0, $0x1;
	[dreg:$0x5] =	wrdreg s1  }
0x16: {  	v58 =	vadd.s32 $0xC87, v0;
	v59 =	vadd.s32 $0x1907, v0;
	v60 =	vadd.s32 $0x2587, v0;
	s26 =	simm.s32 $0x10900;
	s6 =	simm.s32 $0x6;
	[dreg:$0x6] =	wrdreg s0  }
0x17: {  	v61 =	vadd.s32 $0x3207, v0;
	v62 =	vadd.s32 $0x3E87, v0;
	v63 =	vadd.s32 $0x4B07, v0;
	s1 =	simm.s32 $0x2;
	s0 =	simm.s32 $0x3;
	s25 =	simm.s32 $0x6680  }
.LBB2_1:
0x18: {  	[dreg:$0x7] =	wrdreg s16  }
0x19: {  	s14 =	rddreg [dreg:$0x4]  }
0x1a: {  	[tilespmem:s3], [sflag:$0xB] =	stream.linear.gather [hbm4b:s14+s3], $0x6400, $0x38;
	[tilespmem:$0x1A940] =	vst v63  }
0x1b: {  	_ =	swait.ge [sflag:s15], $0x6400  }
0x1c: {  	[sflag:s15] =	ssyncset.done $0x0  }
0x1d: {  	[sflag:s15] =	ssyncadd.s32 $0xFFFF9C00  }
0x1e: {  	s20 =	simm.s32 $0x1A900;
	s16 =	rddreg [dreg:$0x1]  }
0x1f: {  	[tilespmem:s20], [sflag:$0xB] =	stream.linear.gather [hbm4b:s16+s3], $0x40, $0x38;
	[tilespmem:$0x1A940] =	vst v63  }
0x20: {  	_ =	swait.ge [sflag:s15], $0x40  }
0x21: {  	[sflag:s15] =	ssyncset.done $0x0  }
0x22: {  	[sflag:s15] =	ssyncadd.s32 $0xFFFFFFC0  }
0x23: {  	v9 =	vld.idx.msk [tilespmem:v0+s3+$0x0], $0xffff;
	_ =	sdelay $0x4  }
0x24: {  	vm0 =	vgt.s32 v9, $0xC34F  }
0x25: {  	v9 =	vshll.u32 v9, $0x1;
	v10 =	vsel vm0, $0xFFFE7961, v1  }
0x26: {  	v9 =	vadd.s32 v9, v10  }
0x27: {  	[tilespmem:$0x6400] =	vst v9  }
0x28: {  	v9 =	vld.idx.msk [tilespmem:v2+s3+$0x0], $0xffff;
	_ =	sdelay $0x4  }
0x29: {  	vm9 =	vgt.s32 v9, $0xC34F  }
0x2a: {  	v9 =	vshll.u32 v9, $0x1;
	v10 =	vsel vm9, $0xFFFE7961, v1  }
0x2b: {  	v9 =	vadd.s32 v9, v10  }
0x2c: {  	[tilespmem:$0x6410] =	vst v9  }
0x2d: {  	v9 =	vld.idx.msk [tilespmem:v3+s3+$0x0], $0xffff;
	_ =	sdelay $0x4  }
0x2e: {  	vm10 =	vgt.s32 v9, $0xC34F  }
0x2f: {  	v9 =	vshll.u32 v9, $0x1;
	v10 =	vsel vm10, $0xFFFE7961, v1  }
0x30: {  	v9 =	vadd.s32 v9, v10  }
0x31: {  	[tilespmem:$0x6420] =	vst v9  }
0x32: {  	v9 =	vld.idx.msk [tilespmem:v4+s3+$0x0], $0xffff;
	_ =	sdelay $0x4  }
0x33: {  	vm11 =	vgt.s32 v9, $0xC34F  }
0x34: {  	v9 =	vshll.u32 v9, $0x1;
	v10 =	vsel vm11, $0xFFFE7961, v1  }
0x35: {  	v9 =	vadd.s32 v9, v10  }
0x36: {  	[tilespmem:$0x6430] =	vst v9  }
0x37: {  	v9 =	vld.idx.msk [tilespmem:v5+s3+$0x0], $0xffff;
	_ =	sdelay $0x4  }
0x38: {  	vm12 =	vgt.s32 v9, $0xC34F  }
0x39: {  	v9 =	vshll.u32 v9, $0x1;
	v10 =	vsel vm12, $0xFFFE7961, v1  }
0x3a: {  	v9 =	vadd.s32 v9, v10  }
0x3b: {  	[tilespmem:$0x6440] =	vst v9  }
0x3c: {  	v9 =	vld.idx.msk [tilespmem:v6+s3+$0x0], $0xffff;
	_ =	sdelay $0x4  }
0x3d: {  	vm13 =	vgt.s32 v9, $0xC34F  }
0x3e: {  	v9 =	vshll.u32 v9, $0x1;
	v10 =	vsel vm13, $0xFFFE7961, v1  }
0x3f: {  	v9 =	vadd.s32 v9, v10  }
0x40: {  	[tilespmem:$0x6450] =	vst v9  }
0x41: {  	v9 =	vld.idx.msk [tilespmem:v7+s3+$0x0], $0xffff;
	_ =	sdelay $0x4  }
0x42: {  	vm14 =	vgt.s32 v9, $0xC34F  }
0x43: {  	v9 =	vshll.u32 v9, $0x1;
	v10 =	vsel vm14, $0xFFFE7961, v1  }
0x44: {  	v9 =	vadd.s32 v9, v10  }
0x45: {  	[tilespmem:$0x6460] =	vst v9  }
0x46: {  	v9 =	vld.idx.msk [tilespmem:v8+s3+$0x0], $0xffff;
	_ =	sdelay $0x4  }
0x47: {  	vm15 =	vgt.s32 v9, $0xC34F  }
0x48: {  	v9 =	vshll.u32 v9, $0x1;
	v10 =	vsel vm15, $0xFFFE7961, v1  }
0x49: {  	v9 =	vadd.s32 v9, v10  }
0x4a: {  	[tilespmem:$0x6470] =	vst v9;
	v9 =	vld [tilespmem:$0x1FFC0];
	_ =	sdelay $0x5  }
0x4b: {  	s21 =	simm.s32 $0x6400  }
0x4c: {  	[tilespmem:s12], [sflag:$0x1] =	stream.indirect.gather [hbm4b:s4+s10], $0x40, s21, s10, $0xb8;
	[tilespmem:$0x1A940] =	vst v63  }
0x4d: {  	v9 =	vld.idx.msk [tilespmem:v9+s3+$0x0], $0xffff;
	_ =	sdelay $0x4  }
0x4e: {  	vm4 =	vgt.s32 v9, $0xC34F  }
0x4f: {  	v9 =	vshll.u32 v9, $0x1;
	v10 =	vsel vm4, $0xFFFE7961, v1  }
0x50: {  	v9 =	vadd.s32 v9, v10  }
0x51: {  	[tilespmem:$0x6480] =	vst v9;
	v9 =	vld [tilespmem:$0x1FFD0];
	_ =	sdelay $0x7  }
0x52: {  	v9 =	vld.idx.msk [tilespmem:v9+s3+$0x0], $0xffff;
	_ =	sdelay $0x4  }
0x53: {  	vm5 =	vgt.s32 v9, $0xC34F  }
0x54: {  	v9 =	vshll.u32 v9, $0x1;
	v10 =	vsel vm5, $0xFFFE7961, v1  }
0x55: {  	v9 =	vadd.s32 v9, v10  }
0x56: {  	[tilespmem:$0x6490] =	vst v9;
	v9 =	vld [tilespmem:$0x1FFE0];
	_ =	sdelay $0x7  }
0x57: {  	v9 =	vld.idx.msk [tilespmem:v9+s3+$0x0], $0xffff;
	_ =	sdelay $0x4  }
0x58: {  	vm6 =	vgt.s32 v9, $0xC34F  }
0x59: {  	v9 =	vshll.u32 v9, $0x1;
	v10 =	vsel vm6, $0xFFFE7961, v1  }
0x5a: {  	v9 =	vadd.s32 v9, v10  }
0x5b: {  	[tilespmem:$0x64A0] =	vst v9;
	v9 =	vld [tilespmem:$0x1FFF0];
	_ =	sdelay $0x7  }
0x5c: {  	v9 =	vld.idx.msk [tilespmem:v9+s3+$0x0], $0xffff;
	_ =	sdelay $0x4  }
0x5d: {  	vm7 =	vgt.s32 v9, $0xC34F  }
0x5e: {  	v9 =	vshll.u32 v9, $0x1;
	v10 =	vsel vm7, $0xFFFE7961, v1  }
0x5f: {  	v9 =	vadd.s32 v9, v10  }
0x60: {  	[tilespmem:$0x64B0] =	vst v9  }
0x61: {  	v9 =	vld.idx.msk [tilespmem:v13+s3+$0x0], $0xffff;
	_ =	sdelay $0x4  }
0x62: {  	vm8 =	vgt.s32 v9, $0xC34F  }
0x63: {  	v9 =	vshll.u32 v9, $0x1;
	v10 =	vsel vm8, $0xFFFE7961, v1  }
0x64: {  	v9 =	vadd.s32 v9, v10  }
0x65: {  	[tilespmem:$0x64C0] =	vst v9  }
0x66: {  	v9 =	vld.idx.msk [tilespmem:v14+s3+$0x0], $0xffff;
	_ =	sdelay $0x4  }
0x67: {  	vm9 =	vgt.s32 v9, $0xC34F  }
0x68: {  	v9 =	vshll.u32 v9, $0x1;
	v10 =	vsel vm9, $0xFFFE7961, v1  }
0x69: {  	v9 =	vadd.s32 v9, v10  }
0x6a: {  	[tilespmem:$0x64D0] =	vst v9  }
0x6b: {  	v9 =	vld.idx.msk [tilespmem:v15+s3+$0x0], $0xffff;
	_ =	sdelay $0x4  }
0x6c: {  	vm10 =	vgt.s32 v9, $0xC34F  }
0x6d: {  	v9 =	vshll.u32 v9, $0x1;
	v10 =	vsel vm10, $0xFFFE7961, v1  }
0x6e: {  	v9 =	vadd.s32 v9, v10  }
0x6f: {  	[tilespmem:$0x64E0] =	vst v9  }
0x70: {  	v9 =	vld.idx.msk [tilespmem:v16+s3+$0x0], $0xffff;
	_ =	sdelay $0x4  }
0x71: {  	vm11 =	vgt.s32 v9, $0xC34F  }
0x72: {  	v9 =	vshll.u32 v9, $0x1;
	v10 =	vsel vm11, $0xFFFE7961, v1  }
0x73: {  	v9 =	vadd.s32 v9, v10  }
0x74: {  	s14 =	simm.s32 $0x6480;
	s15 =	simm.s32 $0x8900;
	[tilespmem:$0x64F0] =	vst v9  }
0x75: {  	[tilespmem:s15], [sflag:$0x2] =	stream.indirect.gather [hbm4b:s4+s10], $0x40, s14, s10, $0xb8;
	[tilespmem:$0x1A940] =	vst v63  }
0x76: {  	v9 =	vld.idx.msk [tilespmem:v17+s3+$0x0], $0xffff;
	_ =	sdelay $0x4  }
0x77: {  	vm12 =	vgt.s32 v9, $0xC34F  }
0x78: {  	v9 =	vshll.u32 v9, $0x1;
	v10 =	vsel vm12, $0xFFFE7961, v1  }
0x79: {  	v9 =	vadd.s32 v9, v10  }
0x7a: {  	[tilespmem:$0x6500] =	vst v9  }
0x7b: {  	v9 =	vld.idx.msk [tilespmem:v18+s3+$0x0], $0xffff;
	_ =	sdelay $0x4  }
0x7c: {  	vm13 =	vgt.s32 v9, $0xC34F  }
0x7d: {  	v9 =	vshll.u32 v9, $0x1;
	v10 =	vsel vm13, $0xFFFE7961, v1  }
0x7e: {  	v9 =	vadd.s32 v9, v10  }
0x7f: {  	[tilespmem:$0x6510] =	vst v9  }
0x80: {  	v9 =	vld.idx.msk [tilespmem:v19+s3+$0x0], $0xffff;
	_ =	sdelay $0x4  }
0x81: {  	vm14 =	vgt.s32 v9, $0xC34F  }
0x82: {  	v9 =	vshll.u32 v9, $0x1;
	v10 =	vsel vm14, $0xFFFE7961, v1  }
0x83: {  	v9 =	vadd.s32 v9, v10  }
0x84: {  	[tilespmem:$0x6520] =	vst v9  }
0x85: {  	v9 =	vld.idx.msk [tilespmem:v20+s3+$0x0], $0xffff;
	_ =	sdelay $0x4  }
0x86: {  	vm15 =	vgt.s32 v9, $0xC34F  }
0x87: {  	v9 =	vshll.u32 v9, $0x1;
	v10 =	vsel vm15, $0xFFFE7961, v1  }
0x88: {  	v9 =	vadd.s32 v9, v10  }
0x89: {  	[tilespmem:$0x6530] =	vst v9  }
0x8a: {  	v9 =	vld.idx.msk [tilespmem:v21+s3+$0x0], $0xffff;
	_ =	sdelay $0x4  }
0x8b: {  	vm4 =	vgt.s32 v9, $0xC34F  }
0x8c: {  	v9 =	vshll.u32 v9, $0x1;
	v10 =	vsel vm4, $0xFFFE7961, v1  }
0x8d: {  	v9 =	vadd.s32 v9, v10  }
0x8e: {  	[tilespmem:$0x6540] =	vst v9  }
0x8f: {  	v9 =	vld.idx.msk [tilespmem:v22+s3+$0x0], $0xffff;
	_ =	sdelay $0x4  }
0x90: {  	vm5 =	vgt.s32 v9, $0xC34F  }
0x91: {  	v9 =	vshll.u32 v9, $0x1;
	v10 =	vsel vm5, $0xFFFE7961, v1  }
0x92: {  	v9 =	vadd.s32 v9, v10  }
0x93: {  	[tilespmem:$0x6550] =	vst v9  }
0x94: {  	v9 =	vld.idx.msk [tilespmem:v23+s3+$0x0], $0xffff;
	_ =	sdelay $0x4  }
0x95: {  	vm6 =	vgt.s32 v9, $0xC34F  }
0x96: {  	v9 =	vshll.u32 v9, $0x1;
	v10 =	vsel vm6, $0xFFFE7961, v1  }
0x97: {  	v9 =	vadd.s32 v9, v10  }
0x98: {  	[tilespmem:$0x6560] =	vst v9  }
0x99: {  	v9 =	vld.idx.msk [tilespmem:v24+s3+$0x0], $0xffff;
	_ =	sdelay $0x4  }
0x9a: {  	vm7 =	vgt.s32 v9, $0xC34F  }
0x9b: {  	v9 =	vshll.u32 v9, $0x1;
	v10 =	vsel vm7, $0xFFFE7961, v1  }
0x9c: {  	v9 =	vadd.s32 v9, v10  }
0x9d: {  	s16 =	simm.s32 $0x6500;
	s20 =	simm.s32 $0xA900;
	[tilespmem:$0x6570] =	vst v9  }
0x9e: {  	[tilespmem:s20], [sflag:$0x3] =	stream.indirect.gather [hbm4b:s4+s10], $0x40, s16, s10, $0xb8;
	[tilespmem:$0x1A940] =	vst v63  }
0x9f: {  	v9 =	vld.idx.msk [tilespmem:v25+s3+$0x0], $0xffff;
	_ =	sdelay $0x4  }
0xa0: {  	vm8 =	vgt.s32 v9, $0xC34F  }
0xa1: {  	v9 =	vshll.u32 v9, $0x1;
	v10 =	vsel vm8, $0xFFFE7961, v1  }
0xa2: {  	v9 =	vadd.s32 v9, v10  }
0xa3: {  	[tilespmem:$0x6580] =	vst v9  }
0xa4: {  	v9 =	vld.idx.msk [tilespmem:v26+s3+$0x0], $0xffff;
	_ =	sdelay $0x4  }
0xa5: {  	vm9 =	vgt.s32 v9, $0xC34F  }
0xa6: {  	v9 =	vshll.u32 v9, $0x1;
	v10 =	vsel vm9, $0xFFFE7961, v1  }
0xa7: {  	v9 =	vadd.s32 v9, v10  }
0xa8: {  	[tilespmem:$0x6590] =	vst v9  }
0xa9: {  	v9 =	vld.idx.msk [tilespmem:v27+s3+$0x0], $0xffff;
	_ =	sdelay $0x4  }
0xaa: {  	vm10 =	vgt.s32 v9, $0xC34F  }
0xab: {  	v9 =	vshll.u32 v9, $0x1;
	v10 =	vsel vm10, $0xFFFE7961, v1  }
0xac: {  	v9 =	vadd.s32 v9, v10  }
0xad: {  	[tilespmem:$0x65A0] =	vst v9  }
0xae: {  	v9 =	vld.idx.msk [tilespmem:v28+s3+$0x0], $0xffff;
	_ =	sdelay $0x4  }
0xaf: {  	vm11 =	vgt.s32 v9, $0xC34F  }
0xb0: {  	v9 =	vshll.u32 v9, $0x1;
	v10 =	vsel vm11, $0xFFFE7961, v1  }
0xb1: {  	v9 =	vadd.s32 v9, v10  }
0xb2: {  	[tilespmem:$0x65B0] =	vst v9  }
0xb3: {  	v9 =	vld.idx.msk [tilespmem:v29+s3+$0x0], $0xffff;
	_ =	sdelay $0x4  }
0xb4: {  	vm12 =	vgt.s32 v9, $0xC34F  }
0xb5: {  	v9 =	vshll.u32 v9, $0x1;
	v10 =	vsel vm12, $0xFFFE7961, v1  }
0xb6: {  	v9 =	vadd.s32 v9, v10  }
0xb7: {  	[tilespmem:$0x65C0] =	vst v9  }
0xb8: {  	v9 =	vld.idx.msk [tilespmem:v30+s3+$0x0], $0xffff;
	_ =	sdelay $0x4  }
0xb9: {  	vm13 =	vgt.s32 v9, $0xC34F  }
0xba: {  	v9 =	vshll.u32 v9, $0x1;
	v10 =	vsel vm13, $0xFFFE7961, v1  }
0xbb: {  	v9 =	vadd.s32 v9, v10  }
0xbc: {  	[tilespmem:$0x65D0] =	vst v9  }
0xbd: {  	v9 =	vld.idx.msk [tilespmem:v31+s3+$0x0], $0xffff;
	_ =	sdelay $0x4  }
0xbe: {  	vm14 =	vgt.s32 v9, $0xC34F  }
0xbf: {  	v9 =	vshll.u32 v9, $0x1;
	v10 =	vsel vm14, $0xFFFE7961, v1  }
0xc0: {  	v9 =	vadd.s32 v9, v10  }
0xc1: {  	[tilespmem:$0x65E0] =	vst v9  }
0xc2: {  	v9 =	vld.idx.msk [tilespmem:v32+s3+$0x0], $0xffff;
	_ =	sdelay $0x4  }
0xc3: {  	vm15 =	vgt.s32 v9, $0xC34F  }
0xc4: {  	v9 =	vshll.u32 v9, $0x1;
	v10 =	vsel vm15, $0xFFFE7961, v1  }
0xc5: {  	v9 =	vadd.s32 v9, v10  }
0xc6: {  	s21 =	simm.s32 $0x6580;
	[tilespmem:$0x65F0] =	vst v9  }
0xc7: {  	[tilespmem:s22], [sflag:$0x4] =	stream.indirect.gather [hbm4b:s4+s10], $0x40, s21, s10, $0xb8;
	[tilespmem:$0x1A940] =	vst v63  }
0xc8: {  	v9 =	vld.idx.msk [tilespmem:v33+s3+$0x0], $0xffff;
	_ =	sdelay $0x4  }
0xc9: {  	vm4 =	vgt.s32 v9, $0xC34F  }
0xca: {  	v9 =	vshll.u32 v9, $0x1;
	v10 =	vsel vm4, $0xFFFE7961, v1  }
0xcb: {  	v9 =	vadd.s32 v9, v10  }
0xcc: {  	[tilespmem:$0x6600] =	vst v9  }
0xcd: {  	v9 =	vld.idx.msk [tilespmem:v34+s3+$0x0], $0xffff;
	_ =	sdelay $0x4  }
0xce: {  	vm5 =	vgt.s32 v9, $0xC34F  }
0xcf: {  	v9 =	vshll.u32 v9, $0x1;
	v10 =	vsel vm5, $0xFFFE7961, v1  }
0xd0: {  	v9 =	vadd.s32 v9, v10  }
0xd1: {  	[tilespmem:$0x6610] =	vst v9  }
0xd2: {  	v9 =	vld.idx.msk [tilespmem:v35+s3+$0x0], $0xffff;
	_ =	sdelay $0x4  }
0xd3: {  	vm6 =	vgt.s32 v9, $0xC34F  }
0xd4: {  	v9 =	vshll.u32 v9, $0x1;
	v10 =	vsel vm6, $0xFFFE7961, v1  }
0xd5: {  	v9 =	vadd.s32 v9, v10  }
0xd6: {  	[tilespmem:$0x6620] =	vst v9  }
0xd7: {  	v9 =	vld.idx.msk [tilespmem:v36+s3+$0x0], $0xffff;
	_ =	sdelay $0x4  }
0xd8: {  	vm7 =	vgt.s32 v9, $0xC34F  }
0xd9: {  	v9 =	vshll.u32 v9, $0x1;
	v10 =	vsel vm7, $0xFFFE7961, v1  }
0xda: {  	v9 =	vadd.s32 v9, v10  }
0xdb: {  	[tilespmem:$0x6630] =	vst v9  }
0xdc: {  	v9 =	vld.idx.msk [tilespmem:v37+s3+$0x0], $0xffff;
	_ =	sdelay $0x4  }
0xdd: {  	vm8 =	vgt.s32 v9, $0xC34F  }
0xde: {  	v9 =	vshll.u32 v9, $0x1;
	v10 =	vsel vm8, $0xFFFE7961, v1  }
0xdf: {  	v9 =	vadd.s32 v9, v10  }
0xe0: {  	[tilespmem:$0x6640] =	vst v9  }
0xe1: {  	v9 =	vld.idx.msk [tilespmem:v38+s3+$0x0], $0xffff;
	_ =	sdelay $0x4  }
0xe2: {  	vm9 =	vgt.s32 v9, $0xC34F  }
0xe3: {  	v9 =	vshll.u32 v9, $0x1;
	v10 =	vsel vm9, $0xFFFE7961, v1  }
0xe4: {  	v9 =	vadd.s32 v9, v10  }
0xe5: {  	[tilespmem:$0x6650] =	vst v9  }
0xe6: {  	v9 =	vld.idx.msk [tilespmem:v39+s3+$0x0], $0xffff;
	_ =	sdelay $0x4  }
0xe7: {  	vm10 =	vgt.s32 v9, $0xC34F  }
0xe8: {  	v9 =	vshll.u32 v9, $0x1;
	v10 =	vsel vm10, $0xFFFE7961, v1  }
0xe9: {  	v9 =	vadd.s32 v9, v10  }
0xea: {  	[tilespmem:$0x6660] =	vst v9  }
0xeb: {  	v9 =	vld.idx.msk [tilespmem:v40+s3+$0x0], $0xffff;
	_ =	sdelay $0x4  }
0xec: {  	vm11 =	vgt.s32 v9, $0xC34F  }
0xed: {  	v9 =	vshll.u32 v9, $0x1;
	v10 =	vsel vm11, $0xFFFE7961, v1  }
0xee: {  	v9 =	vadd.s32 v9, v10  }
0xef: {  	[tilespmem:$0x6670] =	vst v9  }
0xf0: {  	[tilespmem:s24], [sflag:$0x5] =	stream.indirect.gather [hbm4b:s4+s10], $0x40, s23, s10, $0xb8;
	[tilespmem:$0x1A940] =	vst v63  }
0xf1: {  	v9 =	vld.idx.msk [tilespmem:v41+s3+$0x0], $0xffff;
	_ =	sdelay $0x4  }
0xf2: {  	vm12 =	vgt.s32 v9, $0xC34F  }
0xf3: {  	v9 =	vshll.u32 v9, $0x1;
	v10 =	vsel vm12, $0xFFFE7961, v1  }
0xf4: {  	v9 =	vadd.s32 v9, v10  }
0xf5: {  	[tilespmem:$0x6680] =	vst v9  }
0xf6: {  	v9 =	vld.idx.msk [tilespmem:v42+s3+$0x0], $0xffff;
	_ =	sdelay $0x4  }
0xf7: {  	vm13 =	vgt.s32 v9, $0xC34F  }
0xf8: {  	v9 =	vshll.u32 v9, $0x1;
	v10 =	vsel vm13, $0xFFFE7961, v1  }
0xf9: {  	v9 =	vadd.s32 v9, v10  }
0xfa: {  	[tilespmem:$0x6690] =	vst v9  }
0xfb: {  	v9 =	vld.idx.msk [tilespmem:v43+s3+$0x0], $0xffff;
	_ =	sdelay $0x4  }
0xfc: {  	vm14 =	vgt.s32 v9, $0xC34F  }
0xfd: {  	v9 =	vshll.u32 v9, $0x1;
	v10 =	vsel vm14, $0xFFFE7961, v1  }
0xfe: {  	v9 =	vadd.s32 v9, v10  }
0xff: {  	[tilespmem:$0x66A0] =	vst v9  }
0x100: {  	v9 =	vld.idx.msk [tilespmem:v44+s3+$0x0], $0xffff;
	_ =	sdelay $0x4  }
0x101: {  	vm15 =	vgt.s32 v9, $0xC34F  }
0x102: {  	v9 =	vshll.u32 v9, $0x1;
	v10 =	vsel vm15, $0xFFFE7961, v1  }
0x103: {  	v9 =	vadd.s32 v9, v10  }
0x104: {  	[tilespmem:$0x66B0] =	vst v9  }
0x105: {  	v9 =	vld.idx.msk [tilespmem:v45+s3+$0x0], $0xffff;
	_ =	sdelay $0x4  }
0x106: {  	vm4 =	vgt.s32 v9, $0xC34F  }
0x107: {  	v9 =	vshll.u32 v9, $0x1;
	v10 =	vsel vm4, $0xFFFE7961, v1  }
0x108: {  	v9 =	vadd.s32 v9, v10  }
0x109: {  	[tilespmem:$0x66C0] =	vst v9  }
0x10a: {  	v9 =	vld.idx.msk [tilespmem:v46+s3+$0x0], $0xffff;
	_ =	sdelay $0x4  }
0x10b: {  	vm5 =	vgt.s32 v9, $0xC34F  }
0x10c: {  	v9 =	vshll.u32 v9, $0x1;
	v10 =	vsel vm5, $0xFFFE7961, v1  }
0x10d: {  	v9 =	vadd.s32 v9, v10  }
0x10e: {  	[tilespmem:$0x66D0] =	vst v9  }
0x10f: {  	v9 =	vld.idx.msk [tilespmem:v47+s3+$0x0], $0xffff;
	_ =	sdelay $0x4  }
0x110: {  	vm6 =	vgt.s32 v9, $0xC34F  }
0x111: {  	v9 =	vshll.u32 v9, $0x1;
	v10 =	vsel vm6, $0xFFFE7961, v1  }
0x112: {  	v9 =	vadd.s32 v9, v10  }
0x113: {  	[tilespmem:$0x66E0] =	vst v9  }
0x114: {  	v9 =	vld.idx.msk [tilespmem:v48+s3+$0x0], $0xffff;
	_ =	sdelay $0x4  }
0x115: {  	vm7 =	vgt.s32 v9, $0xC34F  }
0x116: {  	v9 =	vshll.u32 v9, $0x1;
	v10 =	vsel vm7, $0xFFFE7961, v1  }
0x117: {  	v9 =	vadd.s32 v9, v10  }
0x118: {  	[tilespmem:$0x66F0] =	vst v9  }
0x119: {  	[tilespmem:s26], [sflag:$0x6] =	stream.indirect.gather [hbm4b:s4+s10], $0x40, s25, s10, $0xb8;
	[tilespmem:$0x1A940] =	vst v63  }
0x11a: {  	v9 =	vld.idx.msk [tilespmem:v49+s3+$0x0], $0xffff;
	_ =	sdelay $0x4  }
0x11b: {  	vm8 =	vgt.s32 v9, $0xC34F  }
0x11c: {  	v9 =	vshll.u32 v9, $0x1;
	v10 =	vsel vm8, $0xFFFE7961, v1  }
0x11d: {  	v9 =	vadd.s32 v9, v10  }
0x11e: {  	[tilespmem:$0x6700] =	vst v9  }
0x11f: {  	v9 =	vld.idx.msk [tilespmem:v50+s3+$0x0], $0xffff;
	_ =	sdelay $0x4  }
0x120: {  	vm9 =	vgt.s32 v9, $0xC34F  }
0x121: {  	v9 =	vshll.u32 v9, $0x1;
	v10 =	vsel vm9, $0xFFFE7961, v1  }
0x122: {  	v9 =	vadd.s32 v9, v10  }
0x123: {  	[tilespmem:$0x6710] =	vst v9  }
0x124: {  	v9 =	vld.idx.msk [tilespmem:v51+s3+$0x0], $0xffff;
	_ =	sdelay $0x4  }
0x125: {  	vm10 =	vgt.s32 v9, $0xC34F  }
0x126: {  	v9 =	vshll.u32 v9, $0x1;
	v10 =	vsel vm10, $0xFFFE7961, v1  }
0x127: {  	v9 =	vadd.s32 v9, v10  }
0x128: {  	[tilespmem:$0x6720] =	vst v9  }
0x129: {  	v9 =	vld.idx.msk [tilespmem:v52+s3+$0x0], $0xffff;
	_ =	sdelay $0x4  }
0x12a: {  	vm11 =	vgt.s32 v9, $0xC34F  }
0x12b: {  	v9 =	vshll.u32 v9, $0x1;
	v10 =	vsel vm11, $0xFFFE7961, v1  }
0x12c: {  	v9 =	vadd.s32 v9, v10  }
0x12d: {  	[tilespmem:$0x6730] =	vst v9  }
0x12e: {  	v9 =	vld.idx.msk [tilespmem:v53+s3+$0x0], $0xffff;
	_ =	sdelay $0x4  }
0x12f: {  	vm12 =	vgt.s32 v9, $0xC34F  }
0x130: {  	v9 =	vshll.u32 v9, $0x1;
	v10 =	vsel vm12, $0xFFFE7961, v1  }
0x131: {  	v9 =	vadd.s32 v9, v10  }
0x132: {  	[tilespmem:$0x6740] =	vst v9  }
0x133: {  	v9 =	vld.idx.msk [tilespmem:v54+s3+$0x0], $0xffff;
	_ =	sdelay $0x4  }
0x134: {  	vm13 =	vgt.s32 v9, $0xC34F  }
0x135: {  	v9 =	vshll.u32 v9, $0x1;
	v10 =	vsel vm13, $0xFFFE7961, v1  }
0x136: {  	v9 =	vadd.s32 v9, v10  }
0x137: {  	[tilespmem:$0x6750] =	vst v9  }
0x138: {  	v9 =	vld.idx.msk [tilespmem:v55+s3+$0x0], $0xffff;
	_ =	sdelay $0x4  }
0x139: {  	vm14 =	vgt.s32 v9, $0xC34F  }
0x13a: {  	v9 =	vshll.u32 v9, $0x1;
	v10 =	vsel vm14, $0xFFFE7961, v1  }
0x13b: {  	v9 =	vadd.s32 v9, v10  }
0x13c: {  	[tilespmem:$0x6760] =	vst v9  }
0x13d: {  	v9 =	vld.idx.msk [tilespmem:v56+s3+$0x0], $0xffff;
	_ =	sdelay $0x4  }
0x13e: {  	vm15 =	vgt.s32 v9, $0xC34F  }
0x13f: {  	v9 =	vshll.u32 v9, $0x1;
	v10 =	vsel vm15, $0xFFFE7961, v1  }
0x140: {  	v9 =	vadd.s32 v9, v10  }
0x141: {  	[tilespmem:$0x6770] =	vst v9  }
0x142: {  	[tilespmem:s29], [sflag:$0x7] =	stream.indirect.gather [hbm4b:s4+s10], $0x40, s28, s10, $0xb8;
	[tilespmem:$0x1A940] =	vst v63  }
0x143: {  	v9 =	vld.idx.msk [tilespmem:v57+s3+$0x0], $0xffff;
	_ =	sdelay $0x4  }
0x144: {  	vm4 =	vgt.s32 v9, $0xC34F  }
0x145: {  	v9 =	vshll.u32 v9, $0x1;
	v10 =	vsel vm4, $0xFFFE7961, v1  }
0x146: {  	v9 =	vadd.s32 v9, v10  }
0x147: {  	[tilespmem:$0x6780] =	vst v9  }
0x148: {  	v9 =	vld.idx.msk [tilespmem:v58+s3+$0x0], $0xffff;
	_ =	sdelay $0x4  }
0x149: {  	vm5 =	vgt.s32 v9, $0xC34F  }
0x14a: {  	v9 =	vshll.u32 v9, $0x1;
	v10 =	vsel vm5, $0xFFFE7961, v1  }
0x14b: {  	v9 =	vadd.s32 v9, v10  }
0x14c: {  	[tilespmem:$0x6790] =	vst v9  }
0x14d: {  	v9 =	vld.idx.msk [tilespmem:v59+s3+$0x0], $0xffff;
	_ =	sdelay $0x4  }
0x14e: {  	vm6 =	vgt.s32 v9, $0xC34F  }
0x14f: {  	v9 =	vshll.u32 v9, $0x1;
	v10 =	vsel vm6, $0xFFFE7961, v1  }
0x150: {  	v9 =	vadd.s32 v9, v10  }
0x151: {  	[tilespmem:$0x67A0] =	vst v9  }
0x152: {  	v9 =	vld.idx.msk [tilespmem:v60+s3+$0x0], $0xffff;
	_ =	sdelay $0x4  }
0x153: {  	vm7 =	vgt.s32 v9, $0xC34F  }
0x154: {  	v9 =	vshll.u32 v9, $0x1;
	v10 =	vsel vm7, $0xFFFE7961, v1  }
0x155: {  	v9 =	vadd.s32 v9, v10  }
0x156: {  	[tilespmem:$0x67B0] =	vst v9  }
0x157: {  	v9 =	vld.idx.msk [tilespmem:v61+s3+$0x0], $0xffff;
	_ =	sdelay $0x4  }
0x158: {  	vm8 =	vgt.s32 v9, $0xC34F  }
0x159: {  	v9 =	vshll.u32 v9, $0x1;
	v10 =	vsel vm8, $0xFFFE7961, v1  }
0x15a: {  	v9 =	vadd.s32 v9, v10  }
0x15b: {  	[tilespmem:$0x67C0] =	vst v9  }
0x15c: {  	v9 =	vld.idx.msk [tilespmem:v62+s3+$0x0], $0xffff;
	_ =	sdelay $0x4  }
0x15d: {  	vm9 =	vgt.s32 v9, $0xC34F  }
0x15e: {  	v9 =	vshll.u32 v9, $0x1;
	v10 =	vsel vm9, $0xFFFE7961, v1  }
0x15f: {  	v9 =	vadd.s32 v9, v10  }
0x160: {  	[tilespmem:$0x67D0] =	vst v9  }
0x161: {  	v9 =	vld.idx.msk [tilespmem:v63+s3+$0x0], $0xffff;
	_ =	sdelay $0x3  }
0x162: {  	v10 =	vadd.s32 $0x5787, v0  }
0x163: {  	vm10 =	vgt.s32 v9, $0xC34F  }
0x164: {  	v9 =	vshll.u32 v9, $0x1;
	v11 =	vsel vm10, $0xFFFE7961, v1  }
0x165: {  	v9 =	vadd.s32 v9, v11  }
0x166: {  	[tilespmem:$0x67E0] =	vst v9  }
0x167: {  	v9 =	vld.idx.msk [tilespmem:v10+s3+$0x0], $0xffff;
	_ =	sdelay $0x4  }
0x168: {  	v10 =	vadd.s32 $0x8, v0;
	vm11 =	vgt.s32 v9, $0xC34F  }
0x169: {  	v9 =	vshll.u32 v9, $0x1;
	v11 =	vsel vm11, $0xFFFE7961, v1  }
0x16a: {  	v9 =	vadd.s32 v9, v11  }
0x16b: {  	[tilespmem:$0x67F0] =	vst v9  }
0x16c: {  	[tilespmem:s31], [sflag:$0x8] =	stream.indirect.gather [hbm4b:s4+s10], $0x40, s30, s10, $0xb8;
	[tilespmem:$0x1A940] =	vst v63  }
0x16d: {  	v9 =	vld.idx.msk [tilespmem:v10+s3+$0x0], $0xffff;
	_ =	sdelay $0x3  }
0x16e: {  	v10 =	vadd.s32 $0xC88, v0  }
0x16f: {  	vm12 =	vgt.s32 v9, $0xC34F  }
0x170: {  	v9 =	vshll.u32 v9, $0x1;
	v11 =	vsel vm12, $0xFFFE7961, v1  }
0x171: {  	v9 =	vadd.s32 v9, v11  }
0x172: {  	[tilespmem:$0x6800] =	vst v9  }
0x173: {  	v9 =	vld.idx.msk [tilespmem:v10+s3+$0x0], $0xffff;
	_ =	sdelay $0x3  }
0x174: {  	v10 =	vadd.s32 $0x1908, v0  }
0x175: {  	vm13 =	vgt.s32 v9, $0xC34F  }
0x176: {  	v9 =	vshll.u32 v9, $0x1;
	v11 =	vsel vm13, $0xFFFE7961, v1  }
0x177: {  	v9 =	vadd.s32 v9, v11  }
0x178: {  	[tilespmem:$0x6810] =	vst v9  }
0x179: {  	v9 =	vld.idx.msk [tilespmem:v10+s3+$0x0], $0xffff;
	_ =	sdelay $0x3  }
0x17a: {  	v10 =	vadd.s32 $0x2588, v0  }
0x17b: {  	vm14 =	vgt.s32 v9, $0xC34F  }
0x17c: {  	v9 =	vshll.u32 v9, $0x1;
	v11 =	vsel vm14, $0xFFFE7961, v1  }
0x17d: {  	v9 =	vadd.s32 v9, v11  }
0x17e: {  	[tilespmem:$0x6820] =	vst v9  }
0x17f: {  	v9 =	vld.idx.msk [tilespmem:v10+s3+$0x0], $0xffff;
	_ =	sdelay $0x3  }
0x180: {  	v10 =	vadd.s32 $0x3208, v0  }
0x181: {  	vm15 =	vgt.s32 v9, $0xC34F  }
0x182: {  	v9 =	vshll.u32 v9, $0x1;
	v11 =	vsel vm15, $0xFFFE7961, v1  }
0x183: {  	v9 =	vadd.s32 v9, v11  }
0x184: {  	[tilespmem:$0x6830] =	vst v9  }
0x185: {  	v9 =	vld.idx.msk [tilespmem:v10+s3+$0x0], $0xffff;
	_ =	sdelay $0x3  }
0x186: {  	v10 =	vadd.s32 $0x3E88, v0  }
0x187: {  	vm4 =	vgt.s32 v9, $0xC34F  }
0x188: {  	v9 =	vshll.u32 v9, $0x1;
	v11 =	vsel vm4, $0xFFFE7961, v1  }
0x189: {  	v9 =	vadd.s32 v9, v11  }
0x18a: {  	[tilespmem:$0x6840] =	vst v9  }
0x18b: {  	v9 =	vld.idx.msk [tilespmem:v10+s3+$0x0], $0xffff;
	_ =	sdelay $0x3  }
0x18c: {  	v10 =	vadd.s32 $0x4B08, v0  }
0x18d: {  	vm5 =	vgt.s32 v9, $0xC34F  }
0x18e: {  	v9 =	vshll.u32 v9, $0x1;
	v11 =	vsel vm5, $0xFFFE7961, v1  }
0x18f: {  	v9 =	vadd.s32 v9, v11  }
0x190: {  	[tilespmem:$0x6850] =	vst v9  }
0x191: {  	v9 =	vld.idx.msk [tilespmem:v10+s3+$0x0], $0xffff;
	_ =	sdelay $0x3  }
0x192: {  	v10 =	vadd.s32 $0x5788, v0  }
0x193: {  	vm6 =	vgt.s32 v9, $0xC34F  }
0x194: {  	v9 =	vshll.u32 v9, $0x1;
	v11 =	vsel vm6, $0xFFFE7961, v1  }
0x195: {  	v9 =	vadd.s32 v9, v11  }
0x196: {  	[tilespmem:$0x6860] =	vst v9  }
0x197: {  	v9 =	vld.idx.msk [tilespmem:v10+s3+$0x0], $0xffff;
	_ =	sdelay $0x4  }
0x198: {  	v10 =	vadd.s32 $0x9, v0;
	vm7 =	vgt.s32 v9, $0xC34F  }
0x199: {  	v9 =	vshll.u32 v9, $0x1;
	v11 =	vsel vm7, $0xFFFE7961, v1  }
0x19a: {  	v9 =	vadd.s32 v9, v11  }
0x19b: {  	s12 =	simm.s32 $0x6800;
	[tilespmem:$0x6870] =	vst v9  }
0x19c: {  	[tilespmem:s17], [sflag:$0x9] =	stream.indirect.gather [hbm4b:s4+s10], $0x40, s12, s10, $0xb8;
	[tilespmem:$0x1A940] =	vst v63  }
0x19d: {  	v9 =	vld.idx.msk [tilespmem:v10+s3+$0x0], $0xffff;
	_ =	sdelay $0x3  }
0x19e: {  	v10 =	vadd.s32 $0xC89, v0  }
0x19f: {  	vm8 =	vgt.s32 v9, $0xC34F  }
0x1a0: {  	v9 =	vshll.u32 v9, $0x1;
	v11 =	vsel vm8, $0xFFFE7961, v1  }
0x1a1: {  	v9 =	vadd.s32 v9, v11  }
0x1a2: {  	[tilespmem:$0x6880] =	vst v9  }
0x1a3: {  	v9 =	vld.idx.msk [tilespmem:v10+s3+$0x0], $0xffff;
	_ =	sdelay $0x3  }
0x1a4: {  	v10 =	vadd.s32 $0x1909, v0  }
0x1a5: {  	vm9 =	vgt.s32 v9, $0xC34F  }
0x1a6: {  	v9 =	vshll.u32 v9, $0x1;
	v11 =	vsel vm9, $0xFFFE7961, v1  }
0x1a7: {  	v9 =	vadd.s32 v9, v11  }
0x1a8: {  	[tilespmem:$0x6890] =	vst v9  }
0x1a9: {  	v9 =	vld.idx.msk [tilespmem:v10+s3+$0x0], $0xffff;
	_ =	sdelay $0x3  }
0x1aa: {  	v10 =	vadd.s32 $0x2589, v0  }
0x1ab: {  	vm10 =	vgt.s32 v9, $0xC34F  }
0x1ac: {  	v9 =	vshll.u32 v9, $0x1;
	v11 =	vsel vm10, $0xFFFE7961, v1  }
0x1ad: {  	v9 =	vadd.s32 v9, v11  }
0x1ae: {  	[tilespmem:$0x68A0] =	vst v9  }
0x1af: {  	v9 =	vld.idx.msk [tilespmem:v10+s3+$0x0], $0xffff;
	_ =	sdelay $0x3  }
0x1b0: {  	v10 =	vadd.s32 $0x3209, v0  }
0x1b1: {  	vm11 =	vgt.s32 v9, $0xC34F  }
0x1b2: {  	v9 =	vshll.u32 v9, $0x1;
	v11 =	vsel vm11, $0xFFFE7961, v1  }
0x1b3: {  	v9 =	vadd.s32 v9, v11  }
0x1b4: {  	[tilespmem:$0x68B0] =	vst v9  }
0x1b5: {  	v9 =	vld.idx.msk [tilespmem:v10+s3+$0x0], $0xffff;
	_ =	sdelay $0x3  }
0x1b6: {  	v10 =	vadd.s32 $0x3E89, v0  }
0x1b7: {  	vm12 =	vgt.s32 v9, $0xC34F  }
0x1b8: {  	v9 =	vshll.u32 v9, $0x1;
	v11 =	vsel vm12, $0xFFFE7961, v1  }
0x1b9: {  	v9 =	vadd.s32 v9, v11  }
0x1ba: {  	[tilespmem:$0x68C0] =	vst v9  }
0x1bb: {  	v9 =	vld.idx.msk [tilespmem:v10+s3+$0x0], $0xffff;
	_ =	sdelay $0x3  }
0x1bc: {  	v10 =	vadd.s32 $0x4B09, v0  }
0x1bd: {  	vm13 =	vgt.s32 v9, $0xC34F  }
0x1be: {  	v9 =	vshll.u32 v9, $0x1;
	v11 =	vsel vm13, $0xFFFE7961, v1  }
0x1bf: {  	v9 =	vadd.s32 v9, v11  }
0x1c0: {  	[tilespmem:$0x68D0] =	vst v9  }
0x1c1: {  	v9 =	vld.idx.msk [tilespmem:v10+s3+$0x0], $0xffff;
	_ =	sdelay $0x3  }
0x1c2: {  	v10 =	vadd.s32 $0x5789, v0  }
0x1c3: {  	vm14 =	vgt.s32 v9, $0xC34F  }
0x1c4: {  	v9 =	vshll.u32 v9, $0x1;
	v11 =	vsel vm14, $0xFFFE7961, v1  }
0x1c5: {  	v9 =	vadd.s32 v9, v11  }
0x1c6: {  	[tilespmem:$0x68E0] =	vst v9  }
0x1c7: {  	v9 =	vld.idx.msk [tilespmem:v10+s3+$0x0], $0xffff;
	_ =	sdelay $0x4  }
0x1c8: {  	vm15 =	vgt.s32 v9, $0xC34F  }
0x1c9: {  	v9 =	vshll.u32 v9, $0x1;
	v10 =	vsel vm15, $0xFFFE7961, v1  }
0x1ca: {  	v9 =	vadd.s32 v9, v10  }
0x1cb: {  	s14 =	simm.s32 $0x13;
	s16 =	simm.s32 $0x6900;
	[tilespmem:$0x68F0] =	vst v9  }
0x1cc: {  	[tilespmem:s19], [sflag:$0xA] =	stream.indirect.gather [hbm4b:s4+s10], $0x40, s18, s10, $0xb8;
	[tilespmem:$0x1A940] =	vst v63  }
.LBB2_2:
0x1cd: {  	s15 =	sadd.s32 $0xFFFFFFF7, s14  }
0x1ce: {  	v9 =	vmov s15;
	v10 =	vadd.s32 s15, v0  }
0x1cf: {  	v10 =	vand.u32 $0x1FF8, v10;
	v9 =	vand.u32 $0x6, v9  }
0x1d0: {  	v10 =	vor.u32 v9, v10;
	_ =	sdelay $0x1  }
0x1d1: {  	_ =	swait.ge [sflag:s2], $0x2000  }
0x1d2: {  	[sflag:s2] =	ssyncset.done $0x0  }
0x1d3: {  	[sflag:s2] =	ssyncadd.s32 $0xFFFFE000  }
0x1d4: {  	v10 =	vld.idx.msk [tilespmem:v10+s3+$0x0], $0xffff;
	_ =	sdelay $0x1  }
0x1d5: {  	v11 =	vadd.s32 s15, v2  }
0x1d6: {  	v11 =	vand.u32 $0x3FF8, v11  }
0x1d7: {  	v11 =	vor.u32 v9, v11  }
0x1d8: {  	vm0 =	vgt.s32 v10, $0xC34F  }
0x1d9: {  	v10 =	vshll.u32 v10, $0x1;
	v12 =	vsel vm0, $0xFFFE7961, v1  }
0x1da: {  	v10 =	vadd.s32 v10, v12  }
0x1db: {  	[tilespmem:$0x6400] =	vst v10  }
0x1dc: {  	v10 =	vld.idx.msk [tilespmem:v11+s3+$0x0], $0xffff;
	_ =	sdelay $0x1  }
0x1dd: {  	v11 =	vadd.s32 s15, v3  }
0x1de: {  	v11 =	vand.u32 $0x7FF8, v11  }
0x1df: {  	v11 =	vor.u32 v9, v11  }
0x1e0: {  	vm9 =	vgt.s32 v10, $0xC34F  }
0x1e1: {  	v10 =	vshll.u32 v10, $0x1;
	v12 =	vsel vm9, $0xFFFE7961, v1  }
0x1e2: {  	v10 =	vadd.s32 v10, v12  }
0x1e3: {  	[tilespmem:$0x6410] =	vst v10  }
0x1e4: {  	v10 =	vld.idx.msk [tilespmem:v11+s3+$0x0], $0xffff;
	_ =	sdelay $0x1  }
0x1e5: {  	v11 =	vadd.s32 s15, v4  }
0x1e6: {  	v11 =	vand.u32 $0x7FF8, v11  }
0x1e7: {  	v11 =	vor.u32 v9, v11  }
0x1e8: {  	vm10 =	vgt.s32 v10, $0xC34F  }
0x1e9: {  	v10 =	vshll.u32 v10, $0x1;
	v12 =	vsel vm10, $0xFFFE7961, v1  }
0x1ea: {  	v10 =	vadd.s32 v10, v12  }
0x1eb: {  	[tilespmem:$0x6420] =	vst v10  }
0x1ec: {  	v10 =	vld.idx.msk [tilespmem:v11+s3+$0x0], $0xffff;
	_ =	sdelay $0x1  }
0x1ed: {  	v11 =	vadd.s32 s15, v5  }
0x1ee: {  	v11 =	vand.u32 $0x7FF8, v11  }
0x1ef: {  	v11 =	vor.u32 v9, v11  }
0x1f0: {  	vm11 =	vgt.s32 v10, $0xC34F  }
0x1f1: {  	v10 =	vshll.u32 v10, $0x1;
	v12 =	vsel vm11, $0xFFFE7961, v1  }
0x1f2: {  	v10 =	vadd.s32 v10, v12  }
0x1f3: {  	[tilespmem:$0x6430] =	vst v10  }
0x1f4: {  	v10 =	vld.idx.msk [tilespmem:v11+s3+$0x0], $0xffff;
	_ =	sdelay $0x1  }
0x1f5: {  	v11 =	vadd.s32 s15, v6  }
0x1f6: {  	v11 =	vand.u32 $0xFFF8, v11  }
0x1f7: {  	v11 =	vor.u32 v9, v11  }
0x1f8: {  	vm12 =	vgt.s32 v10, $0xC34F  }
0x1f9: {  	v10 =	vshll.u32 v10, $0x1;
	v12 =	vsel vm12, $0xFFFE7961, v1  }
0x1fa: {  	v10 =	vadd.s32 v10, v12  }
0x1fb: {  	[tilespmem:$0x6440] =	vst v10  }
0x1fc: {  	v10 =	vld.idx.msk [tilespmem:v11+s3+$0x0], $0xffff;
	_ =	sdelay $0x1  }
0x1fd: {  	v11 =	vadd.s32 s15, v7  }
0x1fe: {  	v11 =	vand.u32 $0x7FF8, v11  }
0x1ff: {  	v11 =	vor.u32 v9, v11  }
0x200: {  	vm13 =	vgt.s32 v10, $0xC34F  }
0x201: {  	v10 =	vshll.u32 v10, $0x1;
	v12 =	vsel vm13, $0xFFFE7961, v1  }
0x202: {  	v10 =	vadd.s32 v10, v12  }
0x203: {  	[tilespmem:$0x6450] =	vst v10  }
0x204: {  	v10 =	vld.idx.msk [tilespmem:v11+s3+$0x0], $0xffff;
	_ =	sdelay $0x1  }
0x205: {  	v11 =	vadd.s32 s15, v8  }
0x206: {  	v11 =	vand.u32 $0xFFF8, v11  }
0x207: {  	v9 =	vor.u32 v9, v11  }
0x208: {  	vm14 =	vgt.s32 v10, $0xC34F  }
0x209: {  	v10 =	vshll.u32 v10, $0x1;
	v11 =	vsel vm14, $0xFFFE7961, v1  }
0x20a: {  	v10 =	vadd.s32 v10, v11  }
0x20b: {  	[tilespmem:$0x6460] =	vst v10  }
0x20c: {  	v9 =	vld.idx.msk [tilespmem:v9+s3+$0x0], $0xffff;
	_ =	sdelay $0x4  }
0x20d: {  	vm15 =	vgt.s32 v9, $0xC34F  }
0x20e: {  	v9 =	vshll.u32 v9, $0x1;
	v10 =	vsel vm15, $0xFFFE7961, v1  }
0x20f: {  	s21 =	sadd.s32 $0xFFFFFFF8, s14;
	v9 =	vadd.s32 v9, v10  }
0x210: {  	s20 =	simm.s32 $0x6400;
	[tilespmem:$0x6470] =	vst v9;
	v9 =	vadd.s32 s21, v0  }
0x211: {  	[tilespmem:s16], [sflag:$0x1] =	stream.indirect.gather.add.f32 [hbm:s4], $0x40, s20, s10, $0xb8;
	[tilespmem:$0x1A940] =	vst v63  }
0x212: {  	_ =	swait.ge [sflag:s1], $0x2000  }
0x213: {  	[sflag:s1] =	ssyncset.done $0x0  }
0x214: {  	[sflag:s1] =	ssyncadd.s32 $0xFFFFE000  }
0x215: {  	v9 =	vld.idx.msk [tilespmem:v9+s3+$0x0], $0xffff;
	_ =	sdelay $0x3  }
0x216: {  	v10 =	vadd.s32 s21, v2  }
0x217: {  	vm4 =	vgt.s32 v9, $0xC34F  }
0x218: {  	v9 =	vshll.u32 v9, $0x1;
	v11 =	vsel vm4, $0xFFFE7961, v1  }
0x219: {  	v9 =	vadd.s32 v9, v11  }
0x21a: {  	[tilespmem:$0x6480] =	vst v9  }
0x21b: {  	v9 =	vld.idx.msk [tilespmem:v10+s3+$0x0], $0xffff;
	_ =	sdelay $0x3  }
0x21c: {  	v10 =	vadd.s32 s21, v3  }
0x21d: {  	vm5 =	vgt.s32 v9, $0xC34F  }
0x21e: {  	v9 =	vshll.u32 v9, $0x1;
	v11 =	vsel vm5, $0xFFFE7961, v1  }
0x21f: {  	v9 =	vadd.s32 v9, v11  }
0x220: {  	[tilespmem:$0x6490] =	vst v9  }
0x221: {  	v9 =	vld.idx.msk [tilespmem:v10+s3+$0x0], $0xffff;
	_ =	sdelay $0x3  }
0x222: {  	v10 =	vadd.s32 s21, v4  }
0x223: {  	vm6 =	vgt.s32 v9, $0xC34F  }
0x224: {  	v9 =	vshll.u32 v9, $0x1;
	v11 =	vsel vm6, $0xFFFE7961, v1  }
0x225: {  	v9 =	vadd.s32 v9, v11  }
0x226: {  	[tilespmem:$0x64A0] =	vst v9  }
0x227: {  	v9 =	vld.idx.msk [tilespmem:v10+s3+$0x0], $0xffff;
	_ =	sdelay $0x3  }
0x228: {  	v10 =	vadd.s32 s21, v5  }
0x229: {  	vm7 =	vgt.s32 v9, $0xC34F  }
0x22a: {  	v9 =	vshll.u32 v9, $0x1;
	v11 =	vsel vm7, $0xFFFE7961, v1  }
0x22b: {  	v9 =	vadd.s32 v9, v11  }
0x22c: {  	[tilespmem:$0x64B0] =	vst v9  }
0x22d: {  	v9 =	vld.idx.msk [tilespmem:v10+s3+$0x0], $0xffff;
	_ =	sdelay $0x3  }
0x22e: {  	v10 =	vadd.s32 s21, v6  }
0x22f: {  	vm8 =	vgt.s32 v9, $0xC34F  }
0x230: {  	v9 =	vshll.u32 v9, $0x1;
	v11 =	vsel vm8, $0xFFFE7961, v1  }
0x231: {  	v9 =	vadd.s32 v9, v11  }
0x232: {  	[tilespmem:$0x64C0] =	vst v9  }
0x233: {  	v9 =	vld.idx.msk [tilespmem:v10+s3+$0x0], $0xffff;
	_ =	sdelay $0x3  }
0x234: {  	v10 =	vadd.s32 s21, v7  }
0x235: {  	vm9 =	vgt.s32 v9, $0xC34F  }
0x236: {  	v9 =	vshll.u32 v9, $0x1;
	v11 =	vsel vm9, $0xFFFE7961, v1  }
0x237: {  	v9 =	vadd.s32 v9, v11  }
0x238: {  	[tilespmem:$0x64D0] =	vst v9  }
0x239: {  	v9 =	vld.idx.msk [tilespmem:v10+s3+$0x0], $0xffff;
	_ =	sdelay $0x3  }
0x23a: {  	v10 =	vadd.s32 s21, v8  }
0x23b: {  	vm10 =	vgt.s32 v9, $0xC34F  }
0x23c: {  	v9 =	vshll.u32 v9, $0x1;
	v11 =	vsel vm10, $0xFFFE7961, v1  }
0x23d: {  	v9 =	vadd.s32 v9, v11  }
0x23e: {  	[tilespmem:$0x64E0] =	vst v9  }
0x23f: {  	v9 =	vld.idx.msk [tilespmem:v10+s3+$0x0], $0xffff;
	_ =	sdelay $0x3  }
0x240: {  	s15 =	sadd.s32 $0xFFFFFFF9, s14  }
0x241: {  	v12 =	vadd.s32 s15, v0;
	vm11 =	vgt.s32 v9, $0xC34F  }
0x242: {  	v11 =	vmov s15;
	v10 =	vshll.u32 v9, $0x1;
	v9 =	vsel vm11, $0xFFFE7961, v1  }
0x243: {  	v11 =	vand.u32 $0x6, v11;
	v9 =	vadd.s32 v10, v9;
	v10 =	vand.u32 $0x1FF8, v12  }
0x244: {  	s20 =	simm.s32 $0x6480;
	s21 =	simm.s32 $0x8900;
	[tilespmem:$0x64F0] =	vst v9;
	v9 =	vor.u32 v11, v10  }
0x245: {  	[tilespmem:s21], [sflag:$0x2] =	stream.indirect.gather.add.f32 [hbm:s4], $0x40, s20, s10, $0xb8;
	[tilespmem:$0x1A940] =	vst v63  }
0x246: {  	_ =	swait.ge [sflag:s0], $0x2000  }
0x247: {  	[sflag:s0] =	ssyncset.done $0x0  }
0x248: {  	[sflag:s0] =	ssyncadd.s32 $0xFFFFE000  }
0x249: {  	v9 =	vld.idx.msk [tilespmem:v9+s3+$0x0], $0xffff;
	_ =	sdelay $0x1  }
0x24a: {  	v10 =	vadd.s32 s15, v2  }
0x24b: {  	v10 =	vand.u32 $0x3FF8, v10  }
0x24c: {  	v10 =	vor.u32 v11, v10  }
0x24d: {  	vm12 =	vgt.s32 v9, $0xC34F  }
0x24e: {  	v9 =	vshll.u32 v9, $0x1;
	v12 =	vsel vm12, $0xFFFE7961, v1  }
0x24f: {  	v9 =	vadd.s32 v9, v12  }
0x250: {  	[tilespmem:$0x6500] =	vst v9  }
0x251: {  	v9 =	vld.idx.msk [tilespmem:v10+s3+$0x0], $0xffff;
	_ =	sdelay $0x1  }
0x252: {  	v10 =	vadd.s32 s15, v3  }
0x253: {  	v10 =	vand.u32 $0x7FF8, v10  }
0x254: {  	v10 =	vor.u32 v11, v10  }
0x255: {  	vm13 =	vgt.s32 v9, $0xC34F  }
0x256: {  	v9 =	vshll.u32 v9, $0x1;
	v12 =	vsel vm13, $0xFFFE7961, v1  }
0x257: {  	v9 =	vadd.s32 v9, v12  }
0x258: {  	[tilespmem:$0x6510] =	vst v9  }
0x259: {  	v9 =	vld.idx.msk [tilespmem:v10+s3+$0x0], $0xffff;
	_ =	sdelay $0x1  }
0x25a: {  	v10 =	vadd.s32 s15, v4  }
0x25b: {  	v10 =	vand.u32 $0x7FF8, v10  }
0x25c: {  	v10 =	vor.u32 v11, v10  }
0x25d: {  	vm14 =	vgt.s32 v9, $0xC34F  }
0x25e: {  	v9 =	vshll.u32 v9, $0x1;
	v12 =	vsel vm14, $0xFFFE7961, v1  }
0x25f: {  	v9 =	vadd.s32 v9, v12  }
0x260: {  	[tilespmem:$0x6520] =	vst v9  }
0x261: {  	v9 =	vld.idx.msk [tilespmem:v10+s3+$0x0], $0xffff;
	_ =	sdelay $0x1  }
0x262: {  	v10 =	vadd.s32 s15, v5  }
0x263: {  	v10 =	vand.u32 $0x7FF8, v10  }
0x264: {  	v10 =	vor.u32 v11, v10  }
0x265: {  	vm15 =	vgt.s32 v9, $0xC34F  }
0x266: {  	v9 =	vshll.u32 v9, $0x1;
	v12 =	vsel vm15, $0xFFFE7961, v1  }
0x267: {  	v9 =	vadd.s32 v9, v12  }
0x268: {  	[tilespmem:$0x6530] =	vst v9  }
0x269: {  	v9 =	vld.idx.msk [tilespmem:v10+s3+$0x0], $0xffff;
	_ =	sdelay $0x1  }
0x26a: {  	v10 =	vadd.s32 s15, v6  }
0x26b: {  	v10 =	vand.u32 $0xFFF8, v10  }
0x26c: {  	v10 =	vor.u32 v11, v10  }
0x26d: {  	vm4 =	vgt.s32 v9, $0xC34F  }
0x26e: {  	v9 =	vshll.u32 v9, $0x1;
	v12 =	vsel vm4, $0xFFFE7961, v1  }
0x26f: {  	v9 =	vadd.s32 v9, v12  }
0x270: {  	[tilespmem:$0x6540] =	vst v9  }
0x271: {  	v9 =	vld.idx.msk [tilespmem:v10+s3+$0x0], $0xffff;
	_ =	sdelay $0x1  }
0x272: {  	v10 =	vadd.s32 s15, v7  }
0x273: {  	v10 =	vand.u32 $0x7FF8, v10  }
0x274: {  	v10 =	vor.u32 v11, v10  }
0x275: {  	vm5 =	vgt.s32 v9, $0xC34F  }
0x276: {  	v9 =	vshll.u32 v9, $0x1;
	v12 =	vsel vm5, $0xFFFE7961, v1  }
0x277: {  	v9 =	vadd.s32 v9, v12  }
0x278: {  	[tilespmem:$0x6550] =	vst v9  }
0x279: {  	v9 =	vld.idx.msk [tilespmem:v10+s3+$0x0], $0xffff;
	_ =	sdelay $0x1  }
0x27a: {  	v10 =	vadd.s32 s15, v8  }
0x27b: {  	v10 =	vand.u32 $0xFFF8, v10  }
0x27c: {  	v10 =	vor.u32 v11, v10  }
0x27d: {  	vm6 =	vgt.s32 v9, $0xC34F  }
0x27e: {  	v9 =	vshll.u32 v9, $0x1;
	v11 =	vsel vm6, $0xFFFE7961, v1  }
0x27f: {  	v9 =	vadd.s32 v9, v11  }
0x280: {  	[tilespmem:$0x6560] =	vst v9  }
0x281: {  	v9 =	vld.idx.msk [tilespmem:v10+s3+$0x0], $0xffff;
	_ =	sdelay $0x4  }
0x282: {  	vm7 =	vgt.s32 v9, $0xC34F  }
0x283: {  	v9 =	vshll.u32 v9, $0x1;
	v10 =	vsel vm7, $0xFFFE7961, v1  }
0x284: {  	s15 =	sadd.s32 $0xFFFFFFFA, s14;
	v9 =	vadd.s32 v9, v10  }
0x285: {  	s20 =	simm.s32 $0x6500;
	s21 =	simm.s32 $0xA900;
	[tilespmem:$0x6570] =	vst v9;
	v9 =	vadd.s32 s15, v0  }
0x286: {  	[tilespmem:s21], [sflag:$0x3] =	stream.indirect.gather.add.f32 [hbm:s4], $0x40, s20, s10, $0xb8;
	[tilespmem:$0x1A940] =	vst v63  }
0x287: {  	_ =	swait.ge [sflag:s9], $0x2000  }
0x288: {  	[sflag:s9] =	ssyncset.done $0x0  }
0x289: {  	[sflag:s9] =	ssyncadd.s32 $0xFFFFE000  }
0x28a: {  	v9 =	vld.idx.msk [tilespmem:v9+s3+$0x0], $0xffff;
	_ =	sdelay $0x3  }
0x28b: {  	v10 =	vadd.s32 s15, v2  }
0x28c: {  	vm8 =	vgt.s32 v9, $0xC34F  }
0x28d: {  	v9 =	vshll.u32 v9, $0x1;
	v11 =	vsel vm8, $0xFFFE7961, v1  }
0x28e: {  	v9 =	vadd.s32 v9, v11  }
0x28f: {  	[tilespmem:$0x6580] =	vst v9  }
0x290: {  	v9 =	vld.idx.msk [tilespmem:v10+s3+$0x0], $0xffff;
	_ =	sdelay $0x3  }
0x291: {  	v10 =	vadd.s32 s15, v3  }
0x292: {  	vm9 =	vgt.s32 v9, $0xC34F  }
0x293: {  	v9 =	vshll.u32 v9, $0x1;
	v11 =	vsel vm9, $0xFFFE7961, v1  }
0x294: {  	v9 =	vadd.s32 v9, v11  }
0x295: {  	[tilespmem:$0x6590] =	vst v9  }
0x296: {  	v9 =	vld.idx.msk [tilespmem:v10+s3+$0x0], $0xffff;
	_ =	sdelay $0x3  }
0x297: {  	v10 =	vadd.s32 s15, v4  }
0x298: {  	vm10 =	vgt.s32 v9, $0xC34F  }
0x299: {  	v9 =	vshll.u32 v9, $0x1;
	v11 =	vsel vm10, $0xFFFE7961, v1  }
0x29a: {  	v9 =	vadd.s32 v9, v11  }
0x29b: {  	[tilespmem:$0x65A0] =	vst v9  }
0x29c: {  	v9 =	vld.idx.msk [tilespmem:v10+s3+$0x0], $0xffff;
	_ =	sdelay $0x3  }
0x29d: {  	v10 =	vadd.s32 s15, v5  }
0x29e: {  	vm11 =	vgt.s32 v9, $0xC34F  }
0x29f: {  	v9 =	vshll.u32 v9, $0x1;
	v11 =	vsel vm11, $0xFFFE7961, v1  }
0x2a0: {  	v9 =	vadd.s32 v9, v11  }
0x2a1: {  	[tilespmem:$0x65B0] =	vst v9  }
0x2a2: {  	v9 =	vld.idx.msk [tilespmem:v10+s3+$0x0], $0xffff;
	_ =	sdelay $0x3  }
0x2a3: {  	v10 =	vadd.s32 s15, v6  }
0x2a4: {  	vm12 =	vgt.s32 v9, $0xC34F  }
0x2a5: {  	v9 =	vshll.u32 v9, $0x1;
	v11 =	vsel vm12, $0xFFFE7961, v1  }
0x2a6: {  	v9 =	vadd.s32 v9, v11  }
0x2a7: {  	[tilespmem:$0x65C0] =	vst v9  }
0x2a8: {  	v9 =	vld.idx.msk [tilespmem:v10+s3+$0x0], $0xffff;
	_ =	sdelay $0x3  }
0x2a9: {  	v10 =	vadd.s32 s15, v7  }
0x2aa: {  	vm13 =	vgt.s32 v9, $0xC34F  }
0x2ab: {  	v9 =	vshll.u32 v9, $0x1;
	v11 =	vsel vm13, $0xFFFE7961, v1  }
0x2ac: {  	v9 =	vadd.s32 v9, v11  }
0x2ad: {  	[tilespmem:$0x65D0] =	vst v9  }
0x2ae: {  	v9 =	vld.idx.msk [tilespmem:v10+s3+$0x0], $0xffff;
	_ =	sdelay $0x3  }
0x2af: {  	v10 =	vadd.s32 s15, v8  }
0x2b0: {  	vm14 =	vgt.s32 v9, $0xC34F  }
0x2b1: {  	v9 =	vshll.u32 v9, $0x1;
	v11 =	vsel vm14, $0xFFFE7961, v1  }
0x2b2: {  	v9 =	vadd.s32 v9, v11  }
0x2b3: {  	[tilespmem:$0x65E0] =	vst v9  }
0x2b4: {  	v9 =	vld.idx.msk [tilespmem:v10+s3+$0x0], $0xffff;
	_ =	sdelay $0x3  }
0x2b5: {  	s15 =	sadd.s32 $0xFFFFFFFB, s14  }
0x2b6: {  	v12 =	vadd.s32 s15, v0;
	vm15 =	vgt.s32 v9, $0xC34F  }
0x2b7: {  	v11 =	vmov s15;
	v10 =	vshll.u32 v9, $0x1;
	v9 =	vsel vm15, $0xFFFE7961, v1  }
0x2b8: {  	v11 =	vand.u32 $0x6, v11;
	v9 =	vadd.s32 v10, v9;
	v10 =	vand.u32 $0x1FF8, v12  }
0x2b9: {  	s21 =	simm.s32 $0x6580;
	[tilespmem:$0x65F0] =	vst v9;
	v9 =	vor.u32 v11, v10  }
0x2ba: {  	[tilespmem:s22], [sflag:$0x4] =	stream.indirect.gather.add.f32 [hbm:s4], $0x40, s21, s10, $0xb8;
	[tilespmem:$0x1A940] =	vst v63  }
0x2bb: {  	_ =	swait.ge [sflag:s5], $0x2000  }
0x2bc: {  	[sflag:s5] =	ssyncset.done $0x0  }
0x2bd: {  	[sflag:s5] =	ssyncadd.s32 $0xFFFFE000  }
0x2be: {  	v9 =	vld.idx.msk [tilespmem:v9+s3+$0x0], $0xffff;
	_ =	sdelay $0x1  }
0x2bf: {  	v10 =	vadd.s32 s15, v2  }
0x2c0: {  	v10 =	vand.u32 $0x3FF8, v10  }
0x2c1: {  	v10 =	vor.u32 v11, v10  }
0x2c2: {  	vm4 =	vgt.s32 v9, $0xC34F  }
0x2c3: {  	v9 =	vshll.u32 v9, $0x1;
	v12 =	vsel vm4, $0xFFFE7961, v1  }
0x2c4: {  	v9 =	vadd.s32 v9, v12  }
0x2c5: {  	[tilespmem:$0x6600] =	vst v9  }
0x2c6: {  	v9 =	vld.idx.msk [tilespmem:v10+s3+$0x0], $0xffff;
	_ =	sdelay $0x1  }
0x2c7: {  	v10 =	vadd.s32 s15, v3  }
0x2c8: {  	v10 =	vand.u32 $0x7FF8, v10  }
0x2c9: {  	v10 =	vor.u32 v11, v10  }
0x2ca: {  	vm5 =	vgt.s32 v9, $0xC34F  }
0x2cb: {  	v9 =	vshll.u32 v9, $0x1;
	v12 =	vsel vm5, $0xFFFE7961, v1  }
0x2cc: {  	v9 =	vadd.s32 v9, v12  }
0x2cd: {  	[tilespmem:$0x6610] =	vst v9  }
0x2ce: {  	v9 =	vld.idx.msk [tilespmem:v10+s3+$0x0], $0xffff;
	_ =	sdelay $0x1  }
0x2cf: {  	v10 =	vadd.s32 s15, v4  }
0x2d0: {  	v10 =	vand.u32 $0x7FF8, v10  }
0x2d1: {  	v10 =	vor.u32 v11, v10  }
0x2d2: {  	vm6 =	vgt.s32 v9, $0xC34F  }
0x2d3: {  	v9 =	vshll.u32 v9, $0x1;
	v12 =	vsel vm6, $0xFFFE7961, v1  }
0x2d4: {  	v9 =	vadd.s32 v9, v12  }
0x2d5: {  	[tilespmem:$0x6620] =	vst v9  }
0x2d6: {  	v9 =	vld.idx.msk [tilespmem:v10+s3+$0x0], $0xffff;
	_ =	sdelay $0x1  }
0x2d7: {  	v10 =	vadd.s32 s15, v5  }
0x2d8: {  	v10 =	vand.u32 $0x7FF8, v10  }
0x2d9: {  	v10 =	vor.u32 v11, v10  }
0x2da: {  	vm7 =	vgt.s32 v9, $0xC34F  }
0x2db: {  	v9 =	vshll.u32 v9, $0x1;
	v12 =	vsel vm7, $0xFFFE7961, v1  }
0x2dc: {  	v9 =	vadd.s32 v9, v12  }
0x2dd: {  	[tilespmem:$0x6630] =	vst v9  }
0x2de: {  	v9 =	vld.idx.msk [tilespmem:v10+s3+$0x0], $0xffff;
	_ =	sdelay $0x1  }
0x2df: {  	v10 =	vadd.s32 s15, v6  }
0x2e0: {  	v10 =	vand.u32 $0xFFF8, v10  }
0x2e1: {  	v10 =	vor.u32 v11, v10  }
0x2e2: {  	vm8 =	vgt.s32 v9, $0xC34F  }
0x2e3: {  	v9 =	vshll.u32 v9, $0x1;
	v12 =	vsel vm8, $0xFFFE7961, v1  }
0x2e4: {  	v9 =	vadd.s32 v9, v12  }
0x2e5: {  	[tilespmem:$0x6640] =	vst v9  }
0x2e6: {  	v9 =	vld.idx.msk [tilespmem:v10+s3+$0x0], $0xffff;
	_ =	sdelay $0x1  }
0x2e7: {  	v10 =	vadd.s32 s15, v7  }
0x2e8: {  	v10 =	vand.u32 $0x7FF8, v10  }
0x2e9: {  	v10 =	vor.u32 v11, v10  }
0x2ea: {  	vm9 =	vgt.s32 v9, $0xC34F  }
0x2eb: {  	v9 =	vshll.u32 v9, $0x1;
	v12 =	vsel vm9, $0xFFFE7961, v1  }
0x2ec: {  	v9 =	vadd.s32 v9, v12  }
0x2ed: {  	[tilespmem:$0x6650] =	vst v9  }
0x2ee: {  	v9 =	vld.idx.msk [tilespmem:v10+s3+$0x0], $0xffff;
	_ =	sdelay $0x1  }
0x2ef: {  	v10 =	vadd.s32 s15, v8  }
0x2f0: {  	v10 =	vand.u32 $0xFFF8, v10  }
0x2f1: {  	v10 =	vor.u32 v11, v10  }
0x2f2: {  	vm10 =	vgt.s32 v9, $0xC34F  }
0x2f3: {  	v9 =	vshll.u32 v9, $0x1;
	v11 =	vsel vm10, $0xFFFE7961, v1  }
0x2f4: {  	v9 =	vadd.s32 v9, v11  }
0x2f5: {  	[tilespmem:$0x6660] =	vst v9  }
0x2f6: {  	v9 =	vld.idx.msk [tilespmem:v10+s3+$0x0], $0xffff;
	_ =	sdelay $0x4  }
0x2f7: {  	vm11 =	vgt.s32 v9, $0xC34F  }
0x2f8: {  	v9 =	vshll.u32 v9, $0x1;
	v10 =	vsel vm11, $0xFFFE7961, v1  }
0x2f9: {  	s20 =	sadd.s32 $0xFFFFFFFC, s14;
	v9 =	vadd.s32 v9, v10  }
0x2fa: {  	[tilespmem:$0x6670] =	vst v9;
	v9 =	vadd.s32 s20, v0  }
0x2fb: {  	[tilespmem:s24], [sflag:$0x5] =	stream.indirect.gather.add.f32 [hbm:s4], $0x40, s23, s10, $0xb8;
	[tilespmem:$0x1A940] =	vst v63  }
0x2fc: {  	_ =	swait.ge [sflag:s6], $0x2000  }
0x2fd: {  	[sflag:s6] =	ssyncset.done $0x0  }
0x2fe: {  	[sflag:s6] =	ssyncadd.s32 $0xFFFFE000  }
0x2ff: {  	v9 =	vld.idx.msk [tilespmem:v9+s3+$0x0], $0xffff;
	_ =	sdelay $0x3  }
0x300: {  	v10 =	vadd.s32 s20, v2  }
0x301: {  	vm12 =	vgt.s32 v9, $0xC34F  }
0x302: {  	v9 =	vshll.u32 v9, $0x1;
	v11 =	vsel vm12, $0xFFFE7961, v1  }
0x303: {  	v9 =	vadd.s32 v9, v11  }
0x304: {  	[tilespmem:$0x6680] =	vst v9  }
0x305: {  	v9 =	vld.idx.msk [tilespmem:v10+s3+$0x0], $0xffff;
	_ =	sdelay $0x3  }
0x306: {  	v10 =	vadd.s32 s20, v3  }
0x307: {  	vm13 =	vgt.s32 v9, $0xC34F  }
0x308: {  	v9 =	vshll.u32 v9, $0x1;
	v11 =	vsel vm13, $0xFFFE7961, v1  }
0x309: {  	v9 =	vadd.s32 v9, v11  }
0x30a: {  	[tilespmem:$0x6690] =	vst v9  }
0x30b: {  	v9 =	vld.idx.msk [tilespmem:v10+s3+$0x0], $0xffff;
	_ =	sdelay $0x3  }
0x30c: {  	v10 =	vadd.s32 s20, v4  }
0x30d: {  	vm14 =	vgt.s32 v9, $0xC34F  }
0x30e: {  	v9 =	vshll.u32 v9, $0x1;
	v11 =	vsel vm14, $0xFFFE7961, v1  }
0x30f: {  	v9 =	vadd.s32 v9, v11  }
0x310: {  	[tilespmem:$0x66A0] =	vst v9  }
0x311: {  	v9 =	vld.idx.msk [tilespmem:v10+s3+$0x0], $0xffff;
	_ =	sdelay $0x3  }
0x312: {  	v10 =	vadd.s32 s20, v5  }
0x313: {  	vm15 =	vgt.s32 v9, $0xC34F  }
0x314: {  	v9 =	vshll.u32 v9, $0x1;
	v11 =	vsel vm15, $0xFFFE7961, v1  }
0x315: {  	v9 =	vadd.s32 v9, v11  }
0x316: {  	[tilespmem:$0x66B0] =	vst v9  }
0x317: {  	v9 =	vld.idx.msk [tilespmem:v10+s3+$0x0], $0xffff;
	_ =	sdelay $0x3  }
0x318: {  	v10 =	vadd.s32 s20, v6  }
0x319: {  	vm4 =	vgt.s32 v9, $0xC34F  }
0x31a: {  	v9 =	vshll.u32 v9, $0x1;
	v11 =	vsel vm4, $0xFFFE7961, v1  }
0x31b: {  	v9 =	vadd.s32 v9, v11  }
0x31c: {  	[tilespmem:$0x66C0] =	vst v9  }
0x31d: {  	v9 =	vld.idx.msk [tilespmem:v10+s3+$0x0], $0xffff;
	_ =	sdelay $0x3  }
0x31e: {  	v10 =	vadd.s32 s20, v7  }
0x31f: {  	vm5 =	vgt.s32 v9, $0xC34F  }
0x320: {  	v9 =	vshll.u32 v9, $0x1;
	v11 =	vsel vm5, $0xFFFE7961, v1  }
0x321: {  	v9 =	vadd.s32 v9, v11  }
0x322: {  	[tilespmem:$0x66D0] =	vst v9  }
0x323: {  	v9 =	vld.idx.msk [tilespmem:v10+s3+$0x0], $0xffff;
	_ =	sdelay $0x3  }
0x324: {  	v10 =	vadd.s32 s20, v8  }
0x325: {  	vm6 =	vgt.s32 v9, $0xC34F  }
0x326: {  	v9 =	vshll.u32 v9, $0x1;
	v11 =	vsel vm6, $0xFFFE7961, v1  }
0x327: {  	v9 =	vadd.s32 v9, v11  }
0x328: {  	[tilespmem:$0x66E0] =	vst v9  }
0x329: {  	v9 =	vld.idx.msk [tilespmem:v10+s3+$0x0], $0xffff;
	_ =	sdelay $0x3  }
0x32a: {  	s21 =	sadd.s32 $0xFFFFFFFD, s14  }
0x32b: {  	v12 =	vadd.s32 s21, v0;
	vm7 =	vgt.s32 v9, $0xC34F  }
0x32c: {  	v11 =	vmov s21;
	v10 =	vshll.u32 v9, $0x1;
	v9 =	vsel vm7, $0xFFFE7961, v1  }
0x32d: {  	v11 =	vand.u32 $0x6, v11;
	v9 =	vadd.s32 v10, v9;
	v10 =	vand.u32 $0x1FF8, v12  }
0x32e: {  	[tilespmem:$0x66F0] =	vst v9;
	v9 =	vor.u32 v11, v10  }
0x32f: {  	[tilespmem:s26], [sflag:$0x6] =	stream.indirect.gather.add.f32 [hbm:s4], $0x40, s25, s10, $0xb8;
	[tilespmem:$0x1A940] =	vst v63  }
0x330: {  	_ =	swait.ge [sflag:s7], $0x2000  }
0x331: {  	[sflag:s7] =	ssyncset.done $0x0  }
0x332: {  	[sflag:s7] =	ssyncadd.s32 $0xFFFFE000  }
0x333: {  	v9 =	vld.idx.msk [tilespmem:v9+s3+$0x0], $0xffff;
	_ =	sdelay $0x1  }
0x334: {  	v10 =	vadd.s32 s21, v2  }
0x335: {  	v10 =	vand.u32 $0x3FF8, v10  }
0x336: {  	v10 =	vor.u32 v11, v10  }
0x337: {  	vm8 =	vgt.s32 v9, $0xC34F  }
0x338: {  	v9 =	vshll.u32 v9, $0x1;
	v12 =	vsel vm8, $0xFFFE7961, v1  }
0x339: {  	v9 =	vadd.s32 v9, v12  }
0x33a: {  	[tilespmem:$0x6700] =	vst v9  }
0x33b: {  	v9 =	vld.idx.msk [tilespmem:v10+s3+$0x0], $0xffff;
	_ =	sdelay $0x1  }
0x33c: {  	v10 =	vadd.s32 s21, v3  }
0x33d: {  	v10 =	vand.u32 $0x7FF8, v10  }
0x33e: {  	v10 =	vor.u32 v11, v10  }
0x33f: {  	vm9 =	vgt.s32 v9, $0xC34F  }
0x340: {  	v9 =	vshll.u32 v9, $0x1;
	v12 =	vsel vm9, $0xFFFE7961, v1  }
0x341: {  	v9 =	vadd.s32 v9, v12  }
0x342: {  	[tilespmem:$0x6710] =	vst v9  }
0x343: {  	v9 =	vld.idx.msk [tilespmem:v10+s3+$0x0], $0xffff;
	_ =	sdelay $0x1  }
0x344: {  	v10 =	vadd.s32 s21, v4  }
0x345: {  	v10 =	vand.u32 $0x7FF8, v10  }
0x346: {  	v10 =	vor.u32 v11, v10  }
0x347: {  	vm10 =	vgt.s32 v9, $0xC34F  }
0x348: {  	v9 =	vshll.u32 v9, $0x1;
	v12 =	vsel vm10, $0xFFFE7961, v1  }
0x349: {  	v9 =	vadd.s32 v9, v12  }
0x34a: {  	[tilespmem:$0x6720] =	vst v9  }
0x34b: {  	v9 =	vld.idx.msk [tilespmem:v10+s3+$0x0], $0xffff;
	_ =	sdelay $0x1  }
0x34c: {  	v10 =	vadd.s32 s21, v5  }
0x34d: {  	v10 =	vand.u32 $0x7FF8, v10  }
0x34e: {  	v10 =	vor.u32 v11, v10  }
0x34f: {  	vm11 =	vgt.s32 v9, $0xC34F  }
0x350: {  	v9 =	vshll.u32 v9, $0x1;
	v12 =	vsel vm11, $0xFFFE7961, v1  }
0x351: {  	v9 =	vadd.s32 v9, v12  }
0x352: {  	[tilespmem:$0x6730] =	vst v9  }
0x353: {  	v9 =	vld.idx.msk [tilespmem:v10+s3+$0x0], $0xffff;
	_ =	sdelay $0x1  }
0x354: {  	v10 =	vadd.s32 s21, v6  }
0x355: {  	v10 =	vand.u32 $0xFFF8, v10  }
0x356: {  	v10 =	vor.u32 v11, v10  }
0x357: {  	vm12 =	vgt.s32 v9, $0xC34F  }
0x358: {  	v9 =	vshll.u32 v9, $0x1;
	v12 =	vsel vm12, $0xFFFE7961, v1  }
0x359: {  	v9 =	vadd.s32 v9, v12  }
0x35a: {  	[tilespmem:$0x6740] =	vst v9  }
0x35b: {  	v9 =	vld.idx.msk [tilespmem:v10+s3+$0x0], $0xffff;
	_ =	sdelay $0x1  }
0x35c: {  	v10 =	vadd.s32 s21, v7  }
0x35d: {  	v10 =	vand.u32 $0x7FF8, v10  }
0x35e: {  	v10 =	vor.u32 v11, v10  }
0x35f: {  	vm13 =	vgt.s32 v9, $0xC34F  }
0x360: {  	v9 =	vshll.u32 v9, $0x1;
	v12 =	vsel vm13, $0xFFFE7961, v1  }
0x361: {  	v9 =	vadd.s32 v9, v12  }
0x362: {  	[tilespmem:$0x6750] =	vst v9  }
0x363: {  	v9 =	vld.idx.msk [tilespmem:v10+s3+$0x0], $0xffff;
	_ =	sdelay $0x1  }
0x364: {  	v10 =	vadd.s32 s21, v8  }
0x365: {  	v10 =	vand.u32 $0xFFF8, v10  }
0x366: {  	v10 =	vor.u32 v11, v10  }
0x367: {  	vm14 =	vgt.s32 v9, $0xC34F  }
0x368: {  	v9 =	vshll.u32 v9, $0x1;
	v11 =	vsel vm14, $0xFFFE7961, v1  }
0x369: {  	v9 =	vadd.s32 v9, v11  }
0x36a: {  	[tilespmem:$0x6760] =	vst v9  }
0x36b: {  	v9 =	vld.idx.msk [tilespmem:v10+s3+$0x0], $0xffff;
	_ =	sdelay $0x4  }
0x36c: {  	vm15 =	vgt.s32 v9, $0xC34F  }
0x36d: {  	v9 =	vshll.u32 v9, $0x1;
	v10 =	vsel vm15, $0xFFFE7961, v1  }
0x36e: {  	s20 =	sadd.s32 $0xFFFFFFFE, s14;
	v9 =	vadd.s32 v9, v10  }
0x36f: {  	[tilespmem:$0x6770] =	vst v9;
	v9 =	vadd.s32 s20, v0  }
0x370: {  	[tilespmem:s29], [sflag:$0x7] =	stream.indirect.gather.add.f32 [hbm:s4], $0x40, s28, s10, $0xb8;
	[tilespmem:$0x1A940] =	vst v63  }
0x371: {  	_ =	swait.ge [sflag:s8], $0x2000  }
0x372: {  	[sflag:s8] =	ssyncset.done $0x0  }
0x373: {  	[sflag:s8] =	ssyncadd.s32 $0xFFFFE000  }
0x374: {  	v9 =	vld.idx.msk [tilespmem:v9+s3+$0x0], $0xffff;
	_ =	sdelay $0x3  }
0x375: {  	v10 =	vadd.s32 s20, v2  }
0x376: {  	vm4 =	vgt.s32 v9, $0xC34F  }
0x377: {  	v9 =	vshll.u32 v9, $0x1;
	v11 =	vsel vm4, $0xFFFE7961, v1  }
0x378: {  	v9 =	vadd.s32 v9, v11  }
0x379: {  	[tilespmem:$0x6780] =	vst v9  }
0x37a: {  	v9 =	vld.idx.msk [tilespmem:v10+s3+$0x0], $0xffff;
	_ =	sdelay $0x3  }
0x37b: {  	v10 =	vadd.s32 s20, v3  }
0x37c: {  	vm5 =	vgt.s32 v9, $0xC34F  }
0x37d: {  	v9 =	vshll.u32 v9, $0x1;
	v11 =	vsel vm5, $0xFFFE7961, v1  }
0x37e: {  	v9 =	vadd.s32 v9, v11  }
0x37f: {  	[tilespmem:$0x6790] =	vst v9  }
0x380: {  	v9 =	vld.idx.msk [tilespmem:v10+s3+$0x0], $0xffff;
	_ =	sdelay $0x3  }
0x381: {  	v10 =	vadd.s32 s20, v4  }
0x382: {  	vm6 =	vgt.s32 v9, $0xC34F  }
0x383: {  	v9 =	vshll.u32 v9, $0x1;
	v11 =	vsel vm6, $0xFFFE7961, v1  }
0x384: {  	v9 =	vadd.s32 v9, v11  }
0x385: {  	[tilespmem:$0x67A0] =	vst v9  }
0x386: {  	v9 =	vld.idx.msk [tilespmem:v10+s3+$0x0], $0xffff;
	_ =	sdelay $0x3  }
0x387: {  	v10 =	vadd.s32 s20, v5  }
0x388: {  	vm7 =	vgt.s32 v9, $0xC34F  }
0x389: {  	v9 =	vshll.u32 v9, $0x1;
	v11 =	vsel vm7, $0xFFFE7961, v1  }
0x38a: {  	v9 =	vadd.s32 v9, v11  }
0x38b: {  	[tilespmem:$0x67B0] =	vst v9  }
0x38c: {  	v9 =	vld.idx.msk [tilespmem:v10+s3+$0x0], $0xffff;
	_ =	sdelay $0x3  }
0x38d: {  	v10 =	vadd.s32 s20, v6  }
0x38e: {  	vm8 =	vgt.s32 v9, $0xC34F  }
0x38f: {  	v9 =	vshll.u32 v9, $0x1;
	v11 =	vsel vm8, $0xFFFE7961, v1  }
0x390: {  	v9 =	vadd.s32 v9, v11  }
0x391: {  	[tilespmem:$0x67C0] =	vst v9  }
0x392: {  	v9 =	vld.idx.msk [tilespmem:v10+s3+$0x0], $0xffff;
	_ =	sdelay $0x3  }
0x393: {  	v10 =	vadd.s32 s20, v7  }
0x394: {  	vm9 =	vgt.s32 v9, $0xC34F  }
0x395: {  	v9 =	vshll.u32 v9, $0x1;
	v11 =	vsel vm9, $0xFFFE7961, v1  }
0x396: {  	v9 =	vadd.s32 v9, v11  }
0x397: {  	[tilespmem:$0x67D0] =	vst v9  }
0x398: {  	v9 =	vld.idx.msk [tilespmem:v10+s3+$0x0], $0xffff;
	_ =	sdelay $0x3  }
0x399: {  	v10 =	vadd.s32 s20, v8  }
0x39a: {  	vm10 =	vgt.s32 v9, $0xC34F  }
0x39b: {  	v9 =	vshll.u32 v9, $0x1;
	v11 =	vsel vm10, $0xFFFE7961, v1  }
0x39c: {  	v9 =	vadd.s32 v9, v11  }
0x39d: {  	[tilespmem:$0x67E0] =	vst v9  }
0x39e: {  	v9 =	vld.idx.msk [tilespmem:v10+s3+$0x0], $0xffff;
	_ =	sdelay $0x3  }
0x39f: {  	s21 =	sadd.s32 $0xFFFFFFFF, s14  }
0x3a0: {  	v12 =	vadd.s32 s21, v0;
	vm11 =	vgt.s32 v9, $0xC34F  }
0x3a1: {  	v11 =	vmov s21;
	v10 =	vshll.u32 v9, $0x1;
	v9 =	vsel vm11, $0xFFFE7961, v1  }
0x3a2: {  	v11 =	vand.u32 $0x6, v11;
	v9 =	vadd.s32 v10, v9;
	v10 =	vand.u32 $0x1FF8, v12  }
0x3a3: {  	[tilespmem:$0x67F0] =	vst v9;
	v9 =	vor.u32 v11, v10  }
0x3a4: {  	[tilespmem:s31], [sflag:$0x8] =	stream.indirect.gather.add.f32 [hbm:s4], $0x40, s30, s10, $0xb8;
	[tilespmem:$0x1A940] =	vst v63  }
0x3a5: {  	_ =	swait.ge [sflag:s11], $0x2000  }
0x3a6: {  	[sflag:s11] =	ssyncset.done $0x0  }
0x3a7: {  	[sflag:s11] =	ssyncadd.s32 $0xFFFFE000  }
0x3a8: {  	v9 =	vld.idx.msk [tilespmem:v9+s3+$0x0], $0xffff;
	_ =	sdelay $0x1  }
0x3a9: {  	v10 =	vadd.s32 s21, v2  }
0x3aa: {  	v10 =	vand.u32 $0x3FF8, v10  }
0x3ab: {  	v10 =	vor.u32 v11, v10  }
0x3ac: {  	vm12 =	vgt.s32 v9, $0xC34F  }
0x3ad: {  	v9 =	vshll.u32 v9, $0x1;
	v12 =	vsel vm12, $0xFFFE7961, v1  }
0x3ae: {  	v9 =	vadd.s32 v9, v12  }
0x3af: {  	[tilespmem:$0x6800] =	vst v9  }
0x3b0: {  	v9 =	vld.idx.msk [tilespmem:v10+s3+$0x0], $0xffff;
	_ =	sdelay $0x1  }
0x3b1: {  	v10 =	vadd.s32 s21, v3  }
0x3b2: {  	v10 =	vand.u32 $0x7FF8, v10  }
0x3b3: {  	v10 =	vor.u32 v11, v10  }
0x3b4: {  	vm13 =	vgt.s32 v9, $0xC34F  }
0x3b5: {  	v9 =	vshll.u32 v9, $0x1;
	v12 =	vsel vm13, $0xFFFE7961, v1  }
0x3b6: {  	v9 =	vadd.s32 v9, v12  }
0x3b7: {  	[tilespmem:$0x6810] =	vst v9  }
0x3b8: {  	v9 =	vld.idx.msk [tilespmem:v10+s3+$0x0], $0xffff;
	_ =	sdelay $0x1  }
0x3b9: {  	v10 =	vadd.s32 s21, v4  }
0x3ba: {  	v10 =	vand.u32 $0x7FF8, v10  }
0x3bb: {  	v10 =	vor.u32 v11, v10  }
0x3bc: {  	vm14 =	vgt.s32 v9, $0xC34F  }
0x3bd: {  	v9 =	vshll.u32 v9, $0x1;
	v12 =	vsel vm14, $0xFFFE7961, v1  }
0x3be: {  	v9 =	vadd.s32 v9, v12  }
0x3bf: {  	[tilespmem:$0x6820] =	vst v9  }
0x3c0: {  	v9 =	vld.idx.msk [tilespmem:v10+s3+$0x0], $0xffff;
	_ =	sdelay $0x1  }
0x3c1: {  	v10 =	vadd.s32 s21, v5  }
0x3c2: {  	v10 =	vand.u32 $0x7FF8, v10  }
0x3c3: {  	v10 =	vor.u32 v11, v10  }
0x3c4: {  	vm15 =	vgt.s32 v9, $0xC34F  }
0x3c5: {  	v9 =	vshll.u32 v9, $0x1;
	v12 =	vsel vm15, $0xFFFE7961, v1  }
0x3c6: {  	v9 =	vadd.s32 v9, v12  }
0x3c7: {  	[tilespmem:$0x6830] =	vst v9  }
0x3c8: {  	v9 =	vld.idx.msk [tilespmem:v10+s3+$0x0], $0xffff;
	_ =	sdelay $0x1  }
0x3c9: {  	v10 =	vadd.s32 s21, v6  }
0x3ca: {  	v10 =	vand.u32 $0xFFF8, v10  }
0x3cb: {  	v10 =	vor.u32 v11, v10  }
0x3cc: {  	vm4 =	vgt.s32 v9, $0xC34F  }
0x3cd: {  	v9 =	vshll.u32 v9, $0x1;
	v12 =	vsel vm4, $0xFFFE7961, v1  }
0x3ce: {  	v9 =	vadd.s32 v9, v12  }
0x3cf: {  	[tilespmem:$0x6840] =	vst v9  }
0x3d0: {  	v9 =	vld.idx.msk [tilespmem:v10+s3+$0x0], $0xffff;
	_ =	sdelay $0x1  }
0x3d1: {  	v10 =	vadd.s32 s21, v7  }
0x3d2: {  	v10 =	vand.u32 $0x7FF8, v10  }
0x3d3: {  	v10 =	vor.u32 v11, v10  }
0x3d4: {  	vm5 =	vgt.s32 v9, $0xC34F  }
0x3d5: {  	v9 =	vshll.u32 v9, $0x1;
	v12 =	vsel vm5, $0xFFFE7961, v1  }
0x3d6: {  	v9 =	vadd.s32 v9, v12  }
0x3d7: {  	[tilespmem:$0x6850] =	vst v9  }
0x3d8: {  	v9 =	vld.idx.msk [tilespmem:v10+s3+$0x0], $0xffff;
	_ =	sdelay $0x1  }
0x3d9: {  	v10 =	vadd.s32 s21, v8  }
0x3da: {  	v10 =	vand.u32 $0xFFF8, v10  }
0x3db: {  	v10 =	vor.u32 v11, v10  }
0x3dc: {  	vm6 =	vgt.s32 v9, $0xC34F  }
0x3dd: {  	v9 =	vshll.u32 v9, $0x1;
	v11 =	vsel vm6, $0xFFFE7961, v1  }
0x3de: {  	v9 =	vadd.s32 v9, v11  }
0x3df: {  	[tilespmem:$0x6860] =	vst v9  }
0x3e0: {  	v9 =	vld.idx.msk [tilespmem:v10+s3+$0x0], $0xffff;
	_ =	sdelay $0x4  }
0x3e1: {  	vm7 =	vgt.s32 v9, $0xC34F  }
0x3e2: {  	v9 =	vshll.u32 v9, $0x1;
	v10 =	vsel vm7, $0xFFFE7961, v1  }
0x3e3: {  	v9 =	vadd.s32 v9, v10  }
0x3e4: {  	[tilespmem:$0x6870] =	vst v9;
	v9 =	vadd.s32 s14, v0  }
0x3e5: {  	[tilespmem:s17], [sflag:$0x9] =	stream.indirect.gather.add.f32 [hbm:s4], $0x40, s12, s10, $0xb8;
	[tilespmem:$0x1A940] =	vst v63  }
0x3e6: {  	_ =	swait.ge [sflag:s13], $0x2000  }
0x3e7: {  	[sflag:s13] =	ssyncset.done $0x0  }
0x3e8: {  	[sflag:s13] =	ssyncadd.s32 $0xFFFFE000  }
0x3e9: {  	v9 =	vld.idx.msk [tilespmem:v9+s3+$0x0], $0xffff;
	_ =	sdelay $0x3  }
0x3ea: {  	v10 =	vadd.s32 s14, v2  }
0x3eb: {  	vm8 =	vgt.s32 v9, $0xC34F  }
0x3ec: {  	v9 =	vshll.u32 v9, $0x1;
	v11 =	vsel vm8, $0xFFFE7961, v1  }
0x3ed: {  	v9 =	vadd.s32 v9, v11  }
0x3ee: {  	[tilespmem:$0x6880] =	vst v9  }
0x3ef: {  	v9 =	vld.idx.msk [tilespmem:v10+s3+$0x0], $0xffff;
	_ =	sdelay $0x3  }
0x3f0: {  	v10 =	vadd.s32 s14, v3  }
0x3f1: {  	vm9 =	vgt.s32 v9, $0xC34F  }
0x3f2: {  	v9 =	vshll.u32 v9, $0x1;
	v11 =	vsel vm9, $0xFFFE7961, v1  }
0x3f3: {  	v9 =	vadd.s32 v9, v11  }
0x3f4: {  	[tilespmem:$0x6890] =	vst v9  }
0x3f5: {  	v9 =	vld.idx.msk [tilespmem:v10+s3+$0x0], $0xffff;
	_ =	sdelay $0x3  }
0x3f6: {  	v10 =	vadd.s32 s14, v4  }
0x3f7: {  	vm10 =	vgt.s32 v9, $0xC34F  }
0x3f8: {  	v9 =	vshll.u32 v9, $0x1;
	v11 =	vsel vm10, $0xFFFE7961, v1  }
0x3f9: {  	v9 =	vadd.s32 v9, v11  }
0x3fa: {  	[tilespmem:$0x68A0] =	vst v9  }
0x3fb: {  	v9 =	vld.idx.msk [tilespmem:v10+s3+$0x0], $0xffff;
	_ =	sdelay $0x3  }
0x3fc: {  	v10 =	vadd.s32 s14, v5  }
0x3fd: {  	vm11 =	vgt.s32 v9, $0xC34F  }
0x3fe: {  	v9 =	vshll.u32 v9, $0x1;
	v11 =	vsel vm11, $0xFFFE7961, v1  }
0x3ff: {  	v9 =	vadd.s32 v9, v11  }
0x400: {  	[tilespmem:$0x68B0] =	vst v9  }
0x401: {  	v9 =	vld.idx.msk [tilespmem:v10+s3+$0x0], $0xffff;
	_ =	sdelay $0x3  }
0x402: {  	v10 =	vadd.s32 s14, v6  }
0x403: {  	vm12 =	vgt.s32 v9, $0xC34F  }
0x404: {  	v9 =	vshll.u32 v9, $0x1;
	v11 =	vsel vm12, $0xFFFE7961, v1  }
0x405: {  	v9 =	vadd.s32 v9, v11  }
0x406: {  	[tilespmem:$0x68C0] =	vst v9  }
0x407: {  	v9 =	vld.idx.msk [tilespmem:v10+s3+$0x0], $0xffff;
	_ =	sdelay $0x3  }
0x408: {  	v10 =	vadd.s32 s14, v7  }
0x409: {  	vm13 =	vgt.s32 v9, $0xC34F  }
0x40a: {  	v9 =	vshll.u32 v9, $0x1;
	v11 =	vsel vm13, $0xFFFE7961, v1  }
0x40b: {  	v9 =	vadd.s32 v9, v11  }
0x40c: {  	[tilespmem:$0x68D0] =	vst v9  }
0x40d: {  	v9 =	vld.idx.msk [tilespmem:v10+s3+$0x0], $0xffff;
	_ =	sdelay $0x3  }
0x40e: {  	v10 =	vadd.s32 s14, v8  }
0x40f: {  	vm14 =	vgt.s32 v9, $0xC34F  }
0x410: {  	v9 =	vshll.u32 v9, $0x1;
	v11 =	vsel vm14, $0xFFFE7961, v1  }
0x411: {  	v9 =	vadd.s32 v9, v11  }
0x412: {  	[tilespmem:$0x68E0] =	vst v9  }
0x413: {  	v9 =	vld.idx.msk [tilespmem:v10+s3+$0x0], $0xffff;
	_ =	sdelay $0x3  }
0x414: {  	p0 =	sne.s32 s14, $0xC7  }
.Ltmp0:
0x415: {  	vm15 =	vgt.s32 v9, $0xC34F;
	(pc) =	sbr.rel @p0 .LBB2_2-.Ltmp0, $4  }
0x416: {  	v9 =	vshll.u32 v9, $0x1;
	v10 =	vsel vm15, $0xFFFE7961, v1  }
0x417: {  	v9 =	vadd.s32 v9, v10  }
0x418: {  	s14 =	sadd.s32 $0xA, s14;
	[tilespmem:$0x68F0] =	vst v9  }
0x419: {  	[tilespmem:s19], [sflag:$0xA] =	stream.indirect.gather.add.f32 [hbm:s4], $0x40, s18, s10, $0xb8;
	[tilespmem:$0x1A940] =	vst v63  }
0x41a: {  	_ =	swait.ge [sflag:s2], $0x2000  }
0x41b: {  	[sflag:s2] =	ssyncset.done $0x0  }
0x41c: {  	[sflag:s2] =	ssyncadd.s32 $0xFFFFE000  }
0x41d: {  	_ =	swait.ge [sflag:s1], $0x2000  }
0x41e: {  	[sflag:s1] =	ssyncset.done $0x0  }
0x41f: {  	[sflag:s1] =	ssyncadd.s32 $0xFFFFE000  }
0x420: {  	_ =	swait.ge [sflag:s0], $0x2000  }
0x421: {  	[sflag:s0] =	ssyncset.done $0x0  }
0x422: {  	[sflag:s0] =	ssyncadd.s32 $0xFFFFE000  }
0x423: {  	_ =	swait.ge [sflag:s9], $0x2000  }
0x424: {  	[sflag:s9] =	ssyncset.done $0x0  }
0x425: {  	[sflag:s9] =	ssyncadd.s32 $0xFFFFE000  }
0x426: {  	_ =	swait.ge [sflag:s5], $0x2000  }
0x427: {  	[sflag:s5] =	ssyncset.done $0x0  }
0x428: {  	[sflag:s5] =	ssyncadd.s32 $0xFFFFE000  }
0x429: {  	_ =	swait.ge [sflag:s6], $0x2000  }
0x42a: {  	[sflag:s6] =	ssyncset.done $0x0  }
0x42b: {  	[sflag:s6] =	ssyncadd.s32 $0xFFFFE000  }
0x42c: {  	_ =	swait.ge [sflag:s7], $0x2000  }
0x42d: {  	[sflag:s7] =	ssyncset.done $0x0  }
0x42e: {  	[sflag:s7] =	ssyncadd.s32 $0xFFFFE000  }
0x42f: {  	_ =	swait.ge [sflag:s8], $0x2000  }
0x430: {  	[sflag:s8] =	ssyncset.done $0x0  }
0x431: {  	[sflag:s8] =	ssyncadd.s32 $0xFFFFE000  }
0x432: {  	_ =	swait.ge [sflag:s11], $0x2000  }
0x433: {  	[sflag:s11] =	ssyncset.done $0x0  }
0x434: {  	[sflag:s11] =	ssyncadd.s32 $0xFFFFE000  }
0x435: {  	_ =	swait.ge [sflag:s13], $0x2000  }
0x436: {  	[sflag:s13] =	ssyncset.done $0x0  }
0x437: {  	[sflag:s13] =	ssyncadd.s32 $0xFFFFE000  }
0x438: {  	s14 =	simm.s32 $0x0;
	s15 =	simm.s32 $0x100;
	v9 =	vld [tilespmem:$0x1A900]  }
.LBB2_4:
0x439: {  	p0 =	sne.s32 s15, $0x7F00;
	s16 =	sshra.s32 s14, $0x2;
	s14 =	smov.u32 s15  }
0x43a: {  	v10 =	vld [tilespmem:s16+$0x6900];
	_ =	sdelay $0x1  }
0x43b: {  	v11 =	vld [tilespmem:s16+$0x8900]  }
0x43c: {  	v9 =	vmul.f32 $2.000000000e+02, v9  }
0x43d: {  	v12 =	vld [tilespmem:s16+$0xA900]  }
0x43e: {  	v9 =	vadd.f32 v10, v9  }
0x43f: {  	v10 =	vld [tilespmem:s16+$0xC900]  }
0x440: {  	v9 =	vadd.f32 v11, v9  }
0x441: {  	v11 =	vld [tilespmem:s16+$0xE900]  }
0x442: {  	v9 =	vadd.f32 v12, v9  }
0x443: {  	v12 =	vld [tilespmem:s16+$0x10900]  }
0x444: {  	v9 =	vadd.f32 v10, v9  }
0x445: {  	v10 =	vld [tilespmem:s16+$0x12900]  }
0x446: {  	v9 =	vadd.f32 v11, v9  }
0x447: {  	v11 =	vld [tilespmem:s16+$0x14900]  }
0x448: {  	v9 =	vadd.f32 v12, v9  }
0x449: {  	v12 =	vld [tilespmem:s16+$0x16900]  }
0x44a: {  	v9 =	vadd.f32 v10, v9  }
0x44b: {  	v10 =	vld [tilespmem:s16+$0x18900]  }
0x44c: {  	v9 =	vadd.f32 v11, v9;
	_ =	sdelay $0x1  }
0x44d: {  	v9 =	vadd.f32 v12, v9;
	_ =	sdelay $0x1  }
0x44e: {  	v9 =	vadd.f32 v10, v9;
	_ =	sdelay $0x1  }
0x44f: {  	[tilespmem:s16+$0x6900] =	vst v9  }
0x450: {  	v9 =	vld [tilespmem:$0x1A910];
	_ =	sdelay $0x1  }
0x451: {  	v10 =	vld [tilespmem:s16+$0x6910];
	_ =	sdelay $0x1  }
0x452: {  	v11 =	vld [tilespmem:s16+$0x8910]  }
0x453: {  	v9 =	vmul.f32 $2.000000000e+02, v9  }
0x454: {  	v12 =	vld [tilespmem:s16+$0xA910]  }
0x455: {  	v9 =	vadd.f32 v10, v9  }
0x456: {  	v10 =	vld [tilespmem:s16+$0xC910]  }
0x457: {  	v9 =	vadd.f32 v11, v9  }
0x458: {  	v11 =	vld [tilespmem:s16+$0xE910]  }
0x459: {  	v9 =	vadd.f32 v12, v9  }
0x45a: {  	v12 =	vld [tilespmem:s16+$0x10910]  }
0x45b: {  	v9 =	vadd.f32 v10, v9  }
0x45c: {  	v10 =	vld [tilespmem:s16+$0x12910]  }
0x45d: {  	v9 =	vadd.f32 v11, v9  }
0x45e: {  	v11 =	vld [tilespmem:s16+$0x14910]  }
0x45f: {  	v9 =	vadd.f32 v12, v9  }
0x460: {  	v12 =	vld [tilespmem:s16+$0x16910]  }
0x461: {  	v9 =	vadd.f32 v10, v9  }
0x462: {  	v10 =	vld [tilespmem:s16+$0x18910]  }
0x463: {  	v9 =	vadd.f32 v11, v9;
	_ =	sdelay $0x1  }
0x464: {  	v9 =	vadd.f32 v12, v9;
	_ =	sdelay $0x1  }
0x465: {  	v9 =	vadd.f32 v10, v9;
	_ =	sdelay $0x1  }
0x466: {  	[tilespmem:s16+$0x6910] =	vst v9  }
0x467: {  	v9 =	vld [tilespmem:$0x1A920];
	_ =	sdelay $0x1  }
0x468: {  	v10 =	vld [tilespmem:s16+$0x6920];
	_ =	sdelay $0x1  }
0x469: {  	v11 =	vld [tilespmem:s16+$0x8920]  }
0x46a: {  	v9 =	vmul.f32 $2.000000000e+02, v9  }
0x46b: {  	v12 =	vld [tilespmem:s16+$0xA920]  }
0x46c: {  	v9 =	vadd.f32 v10, v9  }
0x46d: {  	v10 =	vld [tilespmem:s16+$0xC920]  }
0x46e: {  	v9 =	vadd.f32 v11, v9  }
0x46f: {  	v11 =	vld [tilespmem:s16+$0xE920]  }
0x470: {  	v9 =	vadd.f32 v12, v9  }
0x471: {  	v12 =	vld [tilespmem:s16+$0x10920]  }
0x472: {  	v9 =	vadd.f32 v10, v9  }
0x473: {  	v10 =	vld [tilespmem:s16+$0x12920]  }
0x474: {  	v9 =	vadd.f32 v11, v9  }
0x475: {  	v11 =	vld [tilespmem:s16+$0x14920]  }
0x476: {  	v9 =	vadd.f32 v12, v9  }
0x477: {  	v12 =	vld [tilespmem:s16+$0x16920]  }
0x478: {  	v9 =	vadd.f32 v10, v9  }
0x479: {  	v10 =	vld [tilespmem:s16+$0x18920]  }
0x47a: {  	v9 =	vadd.f32 v11, v9;
	_ =	sdelay $0x1  }
0x47b: {  	v9 =	vadd.f32 v12, v9;
	_ =	sdelay $0x1  }
0x47c: {  	v9 =	vadd.f32 v10, v9;
	_ =	sdelay $0x1  }
0x47d: {  	[tilespmem:s16+$0x6920] =	vst v9  }
0x47e: {  	v9 =	vld [tilespmem:$0x1A930];
	_ =	sdelay $0x1  }
0x47f: {  	v10 =	vld [tilespmem:s16+$0x6930];
	_ =	sdelay $0x1  }
0x480: {  	v11 =	vld [tilespmem:s16+$0x8930]  }
0x481: {  	v9 =	vmul.f32 $2.000000000e+02, v9  }
0x482: {  	v12 =	vld [tilespmem:s16+$0xA930]  }
0x483: {  	v9 =	vadd.f32 v10, v9  }
0x484: {  	v10 =	vld [tilespmem:s16+$0xC930]  }
0x485: {  	v9 =	vadd.f32 v11, v9  }
0x486: {  	v11 =	vld [tilespmem:s16+$0xE930]  }
0x487: {  	v9 =	vadd.f32 v12, v9  }
0x488: {  	v12 =	vld [tilespmem:s16+$0x10930]  }
0x489: {  	v9 =	vadd.f32 v10, v9  }
0x48a: {  	v10 =	vld [tilespmem:s16+$0x12930]  }
0x48b: {  	v9 =	vadd.f32 v11, v9  }
0x48c: {  	v11 =	vld [tilespmem:s16+$0x14930]  }
0x48d: {  	v9 =	vadd.f32 v12, v9  }
0x48e: {  	v12 =	vld [tilespmem:s16+$0x16930]  }
0x48f: {  	v9 =	vadd.f32 v10, v9  }
0x490: {  	v10 =	vld [tilespmem:s16+$0x18930]  }
0x491: {  	v9 =	vadd.f32 v11, v9;
	_ =	sdelay $0x1  }
0x492: {  	v9 =	vadd.f32 v12, v9  }
.Ltmp1:
0x493: {  	(pc) =	sbr.rel @p0 .LBB2_4-.Ltmp1, $3  }
0x494: {  	v9 =	vadd.f32 v10, v9;
	_ =	sdelay $0x1  }
0x495: {  	[tilespmem:s16+$0x6930] =	vst v9  }
0x496: {  	s15 =	sadd.s32 $0x100, s15;
	v9 =	vld [tilespmem:$0x1A900]  }
0x497: {  	s14 =	sshra.s32 s14, $0x2  }
0x498: {  	v10 =	vld [tilespmem:s14+$0x6900];
	_ =	sdelay $0x1  }
0x499: {  	v11 =	vld [tilespmem:s14+$0x8900]  }
0x49a: {  	v9 =	vmul.f32 $2.000000000e+02, v9  }
0x49b: {  	v12 =	vld [tilespmem:s14+$0xA900]  }
0x49c: {  	v9 =	vadd.f32 v10, v9  }
0x49d: {  	v10 =	vld [tilespmem:s14+$0xC900]  }
0x49e: {  	v9 =	vadd.f32 v11, v9  }
0x49f: {  	v11 =	vld [tilespmem:s14+$0xE900]  }
0x4a0: {  	v9 =	vadd.f32 v12, v9  }
0x4a1: {  	v12 =	vld [tilespmem:s14+$0x10900]  }
0x4a2: {  	v9 =	vadd.f32 v10, v9  }
0x4a3: {  	v10 =	vld [tilespmem:s14+$0x12900]  }
0x4a4: {  	v9 =	vadd.f32 v11, v9  }
0x4a5: {  	v11 =	vld [tilespmem:s14+$0x14900]  }
0x4a6: {  	v9 =	vadd.f32 v12, v9  }
0x4a7: {  	v12 =	vld [tilespmem:s14+$0x16900]  }
0x4a8: {  	v9 =	vadd.f32 v10, v9  }
0x4a9: {  	v10 =	vld [tilespmem:s14+$0x18900]  }
0x4aa: {  	v9 =	vadd.f32 v11, v9;
	_ =	sdelay $0x1  }
0x4ab: {  	v9 =	vadd.f32 v12, v9;
	_ =	sdelay $0x1  }
0x4ac: {  	v9 =	vadd.f32 v10, v9;
	_ =	sdelay $0x1  }
0x4ad: {  	[tilespmem:s14+$0x6900] =	vst v9  }
0x4ae: {  	v9 =	vld [tilespmem:$0x1A910];
	_ =	sdelay $0x1  }
0x4af: {  	v10 =	vld [tilespmem:s14+$0x6910];
	_ =	sdelay $0x1  }
0x4b0: {  	v11 =	vld [tilespmem:s14+$0x8910]  }
0x4b1: {  	v9 =	vmul.f32 $2.000000000e+02, v9  }
0x4b2: {  	v12 =	vld [tilespmem:s14+$0xA910]  }
0x4b3: {  	v9 =	vadd.f32 v10, v9  }
0x4b4: {  	v10 =	vld [tilespmem:s14+$0xC910]  }
0x4b5: {  	v9 =	vadd.f32 v11, v9  }
0x4b6: {  	v11 =	vld [tilespmem:s14+$0xE910]  }
0x4b7: {  	v9 =	vadd.f32 v12, v9  }
0x4b8: {  	v12 =	vld [tilespmem:s14+$0x10910]  }
0x4b9: {  	v9 =	vadd.f32 v10, v9  }
0x4ba: {  	v10 =	vld [tilespmem:s14+$0x12910]  }
0x4bb: {  	v9 =	vadd.f32 v11, v9  }
0x4bc: {  	v11 =	vld [tilespmem:s14+$0x14910]  }
0x4bd: {  	v9 =	vadd.f32 v12, v9  }
0x4be: {  	v12 =	vld [tilespmem:s14+$0x16910]  }
0x4bf: {  	v9 =	vadd.f32 v10, v9  }
0x4c0: {  	v10 =	vld [tilespmem:s14+$0x18910]  }
0x4c1: {  	v9 =	vadd.f32 v11, v9;
	_ =	sdelay $0x1  }
0x4c2: {  	v9 =	vadd.f32 v12, v9;
	_ =	sdelay $0x1  }
0x4c3: {  	v9 =	vadd.f32 v10, v9;
	_ =	sdelay $0x1  }
0x4c4: {  	[tilespmem:s14+$0x6910] =	vst v9  }
0x4c5: {  	v9 =	vld [tilespmem:$0x1A920];
	_ =	sdelay $0x1  }
0x4c6: {  	v10 =	vld [tilespmem:s14+$0x6920];
	_ =	sdelay $0x1  }
0x4c7: {  	v11 =	vld [tilespmem:s14+$0x8920]  }
0x4c8: {  	v9 =	vmul.f32 $2.000000000e+02, v9  }
0x4c9: {  	v12 =	vld [tilespmem:s14+$0xA920]  }
0x4ca: {  	v9 =	vadd.f32 v10, v9  }
0x4cb: {  	v10 =	vld [tilespmem:s14+$0xC920]  }
0x4cc: {  	v9 =	vadd.f32 v11, v9  }
0x4cd: {  	v11 =	vld [tilespmem:s14+$0xE920]  }
0x4ce: {  	v9 =	vadd.f32 v12, v9  }
0x4cf: {  	v12 =	vld [tilespmem:s14+$0x10920]  }
0x4d0: {  	v9 =	vadd.f32 v10, v9  }
0x4d1: {  	v10 =	vld [tilespmem:s14+$0x12920]  }
0x4d2: {  	v9 =	vadd.f32 v11, v9  }
0x4d3: {  	v11 =	vld [tilespmem:s14+$0x14920]  }
0x4d4: {  	v9 =	vadd.f32 v12, v9  }
0x4d5: {  	v12 =	vld [tilespmem:s14+$0x16920]  }
0x4d6: {  	v9 =	vadd.f32 v10, v9  }
0x4d7: {  	v10 =	vld [tilespmem:s14+$0x18920]  }
0x4d8: {  	v9 =	vadd.f32 v11, v9;
	_ =	sdelay $0x1  }
0x4d9: {  	v9 =	vadd.f32 v12, v9;
	_ =	sdelay $0x1  }
0x4da: {  	v9 =	vadd.f32 v10, v9;
	_ =	sdelay $0x1  }
0x4db: {  	[tilespmem:s14+$0x6920] =	vst v9  }
0x4dc: {  	v9 =	vld [tilespmem:$0x1A930];
	_ =	sdelay $0x1  }
0x4dd: {  	v10 =	vld [tilespmem:s14+$0x6930];
	_ =	sdelay $0x1  }
0x4de: {  	v11 =	vld [tilespmem:s14+$0x8930]  }
0x4df: {  	v9 =	vmul.f32 $2.000000000e+02, v9  }
0x4e0: {  	v12 =	vld [tilespmem:s14+$0xA930]  }
0x4e1: {  	v9 =	vadd.f32 v10, v9  }
0x4e2: {  	v10 =	vld [tilespmem:s14+$0xC930]  }
0x4e3: {  	v9 =	vadd.f32 v11, v9  }
0x4e4: {  	v11 =	vld [tilespmem:s14+$0xE930]  }
0x4e5: {  	v9 =	vadd.f32 v12, v9  }
0x4e6: {  	v12 =	vld [tilespmem:s14+$0x10930]  }
0x4e7: {  	v9 =	vadd.f32 v10, v9  }
0x4e8: {  	v10 =	vld [tilespmem:s14+$0x12930]  }
0x4e9: {  	v9 =	vadd.f32 v11, v9  }
0x4ea: {  	v11 =	vld [tilespmem:s14+$0x14930]  }
0x4eb: {  	v9 =	vadd.f32 v12, v9  }
0x4ec: {  	v12 =	vld [tilespmem:s14+$0x16930]  }
0x4ed: {  	v9 =	vadd.f32 v10, v9  }
0x4ee: {  	v10 =	vld [tilespmem:s14+$0x18930]  }
0x4ef: {  	v9 =	vadd.f32 v11, v9;
	_ =	sdelay $0x1  }
0x4f0: {  	v9 =	vadd.f32 v12, v9;
	_ =	sdelay $0x1  }
0x4f1: {  	v9 =	vadd.f32 v10, v9;
	_ =	sdelay $0x1  }
0x4f2: {  	s20 =	rddreg [dreg:$0x5];
	s12 =	simm.s32 $0x6900;
	s15 =	simm.s32 $0xB;
	[tilespmem:s14+$0x6930] =	vst v9  }
0x4f3: {  	[hbm4b:s20+s3] =	stream.linear.scatter [tilespmem:s12], [sflag:$0xB], $0x2000, $0x38;
	[tilespmem:$0x1A940] =	vst v63  }
0x4f4: {  	_ =	swait.ge [sflag:s15], $0x2000  }
0x4f5: {  	s16 =	rddreg [dreg:$0x7]  }
0x4f6: {  	s21 =	rddreg [dreg:$0x6];
	s16 =	sadd.s32 $0x1, s16  }
0x4f7: {  	p0 =	sne.s32 s16, s21  }
.Ltmp2:
0x4f8: {  	_ = 	snop;
	(pc) =	sbr.rel @p0 .LBB2_1-.Ltmp2, $3  }
0x4f9: {  	_ =	sdelay $0x1  }
0x4fa: {  	[sflag:s15] =	ssyncset.done $0x0  }
0x4fb: {  	[sflag:s15] =	ssyncadd.s32 $0xFFFFE000  }
0x4fc: {  	_ =	sfence.sel $0x180000  }
0x4fd: {  	[bflag:$0x0] =	sbarrier.arrive $0xFFFF  }
0x4fe: {  	_ =	strace $0x90000047  }
0x4ff: {  	s0 =	stileid.u32;
	[bflag:$0x2] =	sbarrier.arrive $0xFFFF  }
0x500: {  	p0 =	sne.s32 s0, $0x0;
	s0 =	rddreg [dreg:$0x3]  }
0x501: {  	s0 =	sadd.s32 @!p0 $0x100000, s0  }
0x502: {  	[sflag:s0] =	ssyncadd.tile.s32 @!p0 $0x1;
	_ =	shalt  }
.Lfunc_end2:
_tile_overlayer_lowered:
.L_overlay_start_2:
0x503: {  	(tag) =	ssettag $0x2  }
0x504: {  	s0 =	rddreg [dreg:$0x0];
	s2 =	stileid.u32  }
0x505: {  	s1 =	rddreg [dreg:$0x1];
	p0 =	sne.s32 s2, $0x0  }
0x506: {  	s3 =	rddreg [dreg:$0x2];
	[bflag:$0x3] =	sbarrier.arrive $0xFFFF;
	s2 =	simm.s32 @!p0 $0x1C0B  }
0x507: {  	[timem:s3], [sflag:s2] =	dma.local @!p0 [hbm:s0], s1  }
0x508: {  	s0 =	simm.s32 @!p0 $0xB  }
0x509: {  	_ =	swait.ge @!p0 [sflag:s0], s1  }
0x50a: {  	s1 =	ssub.s32 @!p0 $0x0, s1;
	[sflag:s0] =	ssyncset.done @!p0 $0x0  }
0x50b: {  	[sflag:s0] =	ssyncadd.s32 @!p0 s1  }
0x50c: {  	[bflag:$0x3] =	sbarrier.arrive $0xFFFF  }
0x50d: {  	_ =	shalt  }

</sc_bundles>
